<compile_context>
chip_gen: v7x
topology: tpu7x:2x2x1
jax: 0.10.2.dev20260603
libtpu: 0.0.44.dev20260713+nightly
codegen_flags: <defaults>
</compile_context>

<pallas_src>
import functools

import jax
import jax.numpy as jnp
from jax import lax
from jax.experimental import pallas as pl
from jax.experimental.pallas import tpu as pltpu
from jax.experimental.pallas import tpu_sc as plsc

N_EXPERTS = 4
NCHUNK = 1
BLK = 2048
NW = 32
G = 128


def _sc_scatter_sort(aev_flat, dest3, n_pad, chunk_base, nc):
    D = aev_flat.shape[1]
    per_w = nc // NW
    n_g = per_w // G
    mesh = plsc.VectorSubcoreMesh(core_axis_name="c", subcore_axis_name="s")

    @functools.partial(
        pl.kernel,
        out_type=jax.ShapeDtypeStruct((n_pad, D), jnp.float32),
        mesh=mesh,
        scratch_types=[
            pltpu.VMEM((n_g, G), jnp.int32),
            pltpu.VMEM((G, D), jnp.float32),
            pltpu.VMEM((G, D), jnp.float32),
            pltpu.SemaphoreType.DMA,
            pltpu.SemaphoreType.DMA,
        ],
    )
    def scatter_kernel(aev_hbm, dest_hbm, out_hbm, idx_v, buf0, buf1,
                       sem_in, sem_out):
        wid = lax.axis_index("s") * 2 + lax.axis_index("c")
        base = chunk_base + wid * per_w
        pltpu.sync_copy(dest_hbm.at[wid], idx_v)
        bufs = (buf0, buf1)
        ins = [pltpu.async_copy(aev_hbm.at[pl.ds(base, G)], buf0, sem_in),
               pltpu.async_copy(aev_hbm.at[pl.ds(base + G, G)], buf1, sem_in)]
        outs = []
        for g in range(n_g):
            ins[g].wait()
            outs.append(pltpu.async_copy(
                bufs[g % 2], out_hbm.at[idx_v.at[g]], sem_out))
            if g + 2 < n_g:
                outs[g].wait()
                ins.append(pltpu.async_copy(
                    aev_hbm.at[pl.ds(base + (g + 2) * G, G)],
                    bufs[g % 2], sem_in))
        outs[n_g - 2].wait()
        outs[n_g - 1].wait()

    return scatter_kernel(aev_flat, dest3)


def _sc_segment_sum(y_flat, dest3t, n_mol, atoms_per_mol, n_atoms):
    N = n_atoms
    per_w = N // NW
    n_g = per_w // G
    mol_per_w = per_w // atoms_per_mol
    n_grp = mol_per_w // 16
    mesh = plsc.VectorSubcoreMesh(core_axis_name="c", subcore_axis_name="s")

    @functools.partial(
        pl.kernel,
        out_type=jax.ShapeDtypeStruct((n_mol,), jnp.float32),
        mesh=mesh,
        scratch_types=[
            pltpu.VMEM((n_g, G), jnp.int32),
            pltpu.VMEM((n_g, G), jnp.float32),
            pltpu.VMEM((mol_per_w,), jnp.float32),
            pltpu.SemaphoreType.DMA,
        ],
    )
    def segsum_kernel(y_hbm, dest_hbm, out_hbm, idx_v, ybuf, out_v, sem):
        wid = lax.axis_index("s") * 2 + lax.axis_index("c")
        pltpu.sync_copy(dest_hbm.at[wid], idx_v)
        cps = [pltpu.async_copy(y_hbm.at[idx_v.at[g]], ybuf.at[g], sem)
               for g in range(n_g)]
        for cp in cps:
            cp.wait()
        for m in range(n_grp):
            acc = jnp.zeros((16,), jnp.float32)
            for t in range(atoms_per_mol):
                off = m * 16 * atoms_per_mol + t * 16
                acc = acc + ybuf[off // G, pl.ds(off % G, 16)]
            out_v[pl.ds(m * 16, 16)] = acc
        pltpu.sync_copy(out_v, out_hbm.at[pl.ds(wid * mol_per_w, mol_per_w)])

    return segsum_kernel(y_flat, dest3t)


def _celu(x):
    p = jnp.exp2(x * 14.426950408889634)
    return jnp.where(x > 0, x, p * 0.1 - 0.1)


def _tc_moe(sorted_aev, offsets8, wts, bss):
    N, D = sorted_aev.shape
    nb = N // BLK

    def body(off_ref, x_ref, w1, b1, w2, b2, w3, b3, w4, b4, out_ref):
        j0 = pl.program_id(0) * BLK
        e = ((j0 >= off_ref[1]).astype(jnp.int32)
             + (j0 >= off_ref[2]).astype(jnp.int32)
             + (j0 >= off_ref[3]).astype(jnp.int32))
        x = x_ref[...].astype(jnp.bfloat16)
        h = lax.dot_general(x, w1[e], (((1,), (0,)), ((), ())),
                            preferred_element_type=jnp.float32)
        h = _celu(h + b1[e]).astype(jnp.bfloat16)
        h = lax.dot_general(h, w2[e], (((1,), (0,)), ((), ())),
                            preferred_element_type=jnp.float32)
        h = _celu(h + b2[e]).astype(jnp.bfloat16)
        h = lax.dot_general(h, w3[e], (((1,), (0,)), ((), ())),
                            preferred_element_type=jnp.float32)
        h = _celu(h + b3[e]).astype(jnp.bfloat16)
        y = lax.dot_general(h, w4[e], (((1,), (0,)), ((), ())),
                            preferred_element_type=jnp.float32)
        out_ref[...] = y + b4[e]

    out = pl.pallas_call(
        body,
        grid=(nb,),
        in_specs=[
            pl.BlockSpec(memory_space=pltpu.SMEM),
            pl.BlockSpec((BLK, D), lambda i: (i, 0)),
            pl.BlockSpec(wts[0].shape, lambda i: (0, 0, 0)),
            pl.BlockSpec(bss[0].shape, lambda i: (0, 0, 0)),
            pl.BlockSpec(wts[1].shape, lambda i: (0, 0, 0)),
            pl.BlockSpec(bss[1].shape, lambda i: (0, 0, 0)),
            pl.BlockSpec(wts[2].shape, lambda i: (0, 0, 0)),
            pl.BlockSpec(bss[2].shape, lambda i: (0, 0, 0)),
            pl.BlockSpec(wts[3].shape, lambda i: (0, 0, 0)),
            pl.BlockSpec(bss[3].shape, lambda i: (0, 0, 0)),
        ],
        out_specs=pl.BlockSpec((BLK, 1), lambda i: (i, 0)),
        out_shape=jax.ShapeDtypeStruct((N, 1), jnp.float32),
        compiler_params=pltpu.CompilerParams(
            dimension_semantics=("arbitrary",)),
    )(offsets8, sorted_aev,
      wts[0], bss[0], wts[1], bss[1], wts[2], bss[2], wts[3], bss[3])
    return out


def kernel(species, aev, params):
    n_mol, A = species.shape
    D = aev.shape[-1]
    N = n_mol * A

    sf2 = species.reshape(NCHUNK, -1).astype(jnp.int32)
    nc = sf2.shape[1]
    aev_flat = aev.reshape(N, D)

    one_hot = (sf2[..., None] == jnp.arange(N_EXPERTS, dtype=jnp.int32)
               ).astype(jnp.int32)
    csum = jnp.cumsum(one_hot, axis=1)
    counts = csum[:, -1]
    counts_pad = ((counts + BLK - 1) // BLK) * BLK
    offsets = jnp.concatenate(
        [jnp.zeros((NCHUNK, 1), jnp.int32),
         jnp.cumsum(counts_pad, axis=1)], axis=1).astype(jnp.int32)
    rank = jnp.sum(one_hot * csum, axis=2) - 1
    off_sel = jnp.sum(one_hot * offsets[:, None, :N_EXPERTS], axis=2)
    dest = off_sel + rank
    n_pad = nc + N_EXPERTS * BLK

    wts = [jnp.stack([p[l][0].T for p in params]).astype(jnp.bfloat16)
           for l in range(4)]
    bss = [jnp.stack([p[l][1] for p in params])[:, None, :] for l in range(4)]
    offsets8 = jnp.concatenate(
        [offsets, jnp.zeros((NCHUNK, 3), jnp.int32)], axis=1)

    per_w = nc // NW
    mol_grp = per_w // (16 * A)
    sums = []
    for c in range(NCHUNK):
        dest_c = dest[c]
        dest3 = dest_c.reshape(NW, per_w // G, G)
        sorted_aev = _sc_scatter_sort(aev_flat, dest3, n_pad, c * nc, nc)
        y = _tc_moe(sorted_aev, offsets8[c], wts, bss)
        dest3t = (dest_c.reshape(NW, mol_grp, 16, A)
                  .transpose(0, 1, 3, 2)
                  .reshape(NW, per_w // G, G))
        sums.append(_sc_segment_sum(y.reshape(n_pad), dest3t,
                                    nc // A, A, nc))
    return (species, jnp.concatenate(sums))

# --- scband reference (transcript-rebuilt; emitter-appended) ---
"""Pipeline reference for scband-sanimodel-21878563406032 (READ-ONLY COPY).

The authoritative reference and input builder live on the scoring server;
editing this copy changes nothing except your own understanding.
"""

import jax, jax.numpy as jnp
import numpy as np

AEV_LEN = 384
HIDDEN = [256, 192, 160]
N_SPECIES = 4
B, A = 1024, 64


def _init_net(key):
    dims = [AEV_LEN] + HIDDEN + [1]
    params = []
    for i in range(len(dims) - 1):
        key, k1, k2 = jax.random.split(key, 3)
        bound = 1.0 / np.sqrt(dims[i])
        W = jax.random.uniform(k1, (dims[i + 1], dims[i]), minval=-bound, maxval=bound, dtype=jnp.float32)
        b = jax.random.uniform(k2, (dims[i + 1],), minval=-bound, maxval=bound, dtype=jnp.float32)
        params.append((W, b))
    return params, key


def setup_inputs(seed: int = 0) -> dict:
    key = jax.random.key(seed)
    key, k1, k2 = jax.random.split(key, 3)
    species = jax.random.randint(k1, (B, A), 0, N_SPECIES, dtype=jnp.int64 if jax.config.jax_enable_x64 else jnp.int32)
    aev = jax.random.normal(k2, (B, A, AEV_LEN), dtype=jnp.float32)
    params = []
    for _ in range(N_SPECIES):
        p, key = _init_net(key)
        params.append(p)
    return {"species": species, "aev": aev, "params": params}


def _atomic_net(net_params, x):
    # Sequential: Linear->CELU(0.1)->Linear->CELU(0.1)->Linear->CELU(0.1)->Linear
    n = len(net_params)
    for i, (W, b) in enumerate(net_params):
        x = x @ W.T + b
        if i < n - 1:
            x = jax.nn.celu(x, alpha=0.1)
    return x


def reference(species, aev, params):
    # aev_computer is an identity passthrough: (species, aev) -> (species, aev)
    species_ = species.reshape(-1)                      # [B*A]
    aev_flat = aev.reshape(-1, aev.shape[-1])           # [B*A, aev_len]
    # per-expert outputs, then hard top-1 routing gather by species id
    expert_outs = jnp.stack([_atomic_net(p, aev_flat).reshape(-1) for p in params], axis=0)  # [E, N]
    output = jnp.take_along_axis(expert_outs, species_[None, :].astype(jnp.int32), axis=0)[0]  # [N]
    output = output.reshape(species.shape)              # [B, A]
    return (species, jnp.sum(output, axis=1))

if __name__ == "__main__":
    import jax
    _d = setup_inputs()
    print(jax.jit(kernel)(*tuple(_d.values())))

</pallas_src>

<mosaic_0001>
#map = affine_map<(d0, d1) -> (0)>
#map1 = affine_map<(d0, d1) -> (0, 0, 0)>
module attributes {stable_mosaic.version = 14 : i64} {
  func.func @segsum_kernel(%arg0: i32, %arg1: i32, %arg2: memref<73728xf32, #tpu.memory_space<hbm>>, %arg3: memref<32x16x128xi32, #tpu.memory_space<hbm>>, %arg4: memref<1024xf32, #tpu.memory_space<hbm>>, %arg5: memref<16x128xi32, #tpu.memory_space<vmem>>, %arg6: memref<16x128xf32, #tpu.memory_space<vmem>>, %arg7: memref<32xf32, #tpu.memory_space<vmem>>, %arg8: memref<!tpu.dma_semaphore, #tpu.memory_space<semaphore_mem>>) attributes {dimension_semantics = [#tpu.dimension_semantics<core_parallel>, #tpu.dimension_semantics<subcore_parallel>], iteration_bounds = array<i64: 2, 16>, scalar_prefetch = 0 : i64, scratch_operands = 4 : i64, tpu.core_type = #tpu.core_type<sc_vector_subcore>, window_params = [{transform_indices = #map}, {transform_indices = #map1}, {transform_indices = #map}]} {
    %mul3A = arith.constant 2 : i32
    %mul3A_0 = arith.muli %arg1, %mul3A : i32
    %add3A = arith.addi %mul3A_0, %arg0 : i32
    "tpu.region"() ({
      %run_scoped3A = tpu.sem_alloc : memref<!tpu.dma_semaphore, #tpu.memory_space<semaphore_mem>>
      %dma_start3A_1098 = arith.constant 0 : i32
      %dma_start3A_1099 = arith.constant 0 : i32
      %dma_start3A_1100 = tpu.memref_slice %arg3[%add3A, %dma_start3A_1098, %dma_start3A_1099] : memref<32x16x128xi32, #tpu.memory_space<hbm>> -> memref<1x16x128xi32, #tpu.memory_space<hbm>>
      %dma_start3A_1101 = tpu.memref_squeeze %dma_start3A_1100 : memref<1x16x128xi32, #tpu.memory_space<hbm>> -> memref<16x128xi32, #tpu.memory_space<hbm>>
      %dma_start3A_1102 = arith.constant 0 : i32
      %dma_start3A_1103 = arith.constant 0 : i32
      %dma_start3A_1104 = tpu.memref_slice %arg3[%add3A, %dma_start3A_1102, %dma_start3A_1103] : memref<32x16x128xi32, #tpu.memory_space<hbm>> -> memref<1x16x128xi32, #tpu.memory_space<hbm>>
      %dma_start3A_1105 = tpu.memref_squeeze %dma_start3A_1104 : memref<1x16x128xi32, #tpu.memory_space<hbm>> -> memref<16x128xi32, #tpu.memory_space<hbm>>
      tpu.enqueue_dma source(%dma_start3A_1105 : memref<16x128xi32, #tpu.memory_space<hbm>>) target(%arg5 : memref<16x128xi32, #tpu.memory_space<vmem>>) target_semaphore(%run_scoped3A : memref<!tpu.dma_semaphore, #tpu.memory_space<semaphore_mem>>)
      %dma_wait3A_1106 = arith.constant 0 : i32
      %dma_wait3A_1107 = arith.constant 0 : i32
      %dma_wait3A_1108 = tpu.memref_slice %arg3[%add3A, %dma_wait3A_1106, %dma_wait3A_1107] : memref<32x16x128xi32, #tpu.memory_space<hbm>> -> memref<1x16x128xi32, #tpu.memory_space<hbm>>
      %dma_wait3A_1109 = tpu.memref_squeeze %dma_wait3A_1108 : memref<1x16x128xi32, #tpu.memory_space<hbm>> -> memref<16x128xi32, #tpu.memory_space<hbm>>
      %dma_wait3A_1110 = arith.constant 0 : i32
      %dma_wait3A_1111 = arith.constant 0 : i32
      %dma_wait3A_1112 = tpu.memref_slice %arg3[%add3A, %dma_wait3A_1110, %dma_wait3A_1111] : memref<32x16x128xi32, #tpu.memory_space<hbm>> -> memref<1x16x128xi32, #tpu.memory_space<hbm>>
      %dma_wait3A_1113 = tpu.memref_squeeze %dma_wait3A_1112 : memref<1x16x128xi32, #tpu.memory_space<hbm>> -> memref<16x128xi32, #tpu.memory_space<hbm>>
      tpu.wait_dma2 semaphore(%run_scoped3A : memref<!tpu.dma_semaphore, #tpu.memory_space<semaphore_mem>>) src(%dma_wait3A_1113 : memref<16x128xi32, #tpu.memory_space<hbm>>) dst(%arg5 : memref<16x128xi32, #tpu.memory_space<vmem>>)
      tpu.yield
    }) : () -> ()
    %dma_start3A = arith.constant 0 : i32
    %dma_start3A_1 = arith.constant 0 : i32
    %dma_start3A_2 = arith.constant 0 : i32
    %dma_start3A_3 = tpu.memref_slice %arg6[%dma_start3A_1, %dma_start3A_2] : memref<16x128xf32, #tpu.memory_space<vmem>> -> memref<1x128xf32, #tpu.memory_space<vmem>>
    %dma_start3A_4 = tpu.memref_squeeze %dma_start3A_3 : memref<1x128xf32, #tpu.memory_space<vmem>> -> memref<128xf32, #tpu.memory_space<vmem>>
    %dma_start3A_5 = arith.constant 0 : i32
    %dma_start3A_6 = tpu.memref_slice %arg5[%dma_start3A, %dma_start3A_5] : memref<16x128xi32, #tpu.memory_space<vmem>> -> memref<1x128xi32, #tpu.memory_space<vmem>>
    %dma_start3A_7 = tpu.memref_squeeze %dma_start3A_6 : memref<1x128xi32, #tpu.memory_space<vmem>> -> memref<128xi32, #tpu.memory_space<vmem>>
    %dma_start3A_8 = arith.constant 0 : i32
    %dma_start3A_9 = tpu.memref_slice %arg2[%dma_start3A_8] : memref<73728xf32, #tpu.memory_space<hbm>> -> memref<73728xf32, #tpu.memory_space<hbm>>
    tpu.enqueue_indirect_dma source(%dma_start3A_9 : memref<73728xf32, #tpu.memory_space<hbm>>) target(%dma_start3A_4 : memref<128xf32, #tpu.memory_space<vmem>>) offsets(%dma_start3A_7 : memref<128xi32, #tpu.memory_space<vmem>>) semaphore(%arg8 : memref<!tpu.dma_semaphore, #tpu.memory_space<semaphore_mem>>)
    %dma_start3A_10 = arith.constant 1 : i32
    %dma_start3A_11 = arith.constant 1 : i32
    %dma_start3A_12 = arith.constant 0 : i32
    %dma_start3A_13 = tpu.memref_slice %arg6[%dma_start3A_11, %dma_start3A_12] : memref<16x128xf32, #tpu.memory_space<vmem>> -> memref<1x128xf32, #tpu.memory_space<vmem>>
    %dma_start3A_14 = tpu.memref_squeeze %dma_start3A_13 : memref<1x128xf32, #tpu.memory_space<vmem>> -> memref<128xf32, #tpu.memory_space<vmem>>
    %dma_start3A_15 = arith.constant 0 : i32
    %dma_start3A_16 = tpu.memref_slice %arg5[%dma_start3A_10, %dma_start3A_15] : memref<16x128xi32, #tpu.memory_space<vmem>> -> memref<1x128xi32, #tpu.memory_space<vmem>>
    %dma_start3A_17 = tpu.memref_squeeze %dma_start3A_16 : memref<1x128xi32, #tpu.memory_space<vmem>> -> memref<128xi32, #tpu.memory_space<vmem>>
    %dma_start3A_18 = arith.constant 0 : i32
    %dma_start3A_19 = tpu.memref_slice %arg2[%dma_start3A_18] : memref<73728xf32, #tpu.memory_space<hbm>> -> memref<73728xf32, #tpu.memory_space<hbm>>
    tpu.enqueue_indirect_dma source(%dma_start3A_19 : memref<73728xf32, #tpu.memory_space<hbm>>) target(%dma_start3A_14 : memref<128xf32, #tpu.memory_space<vmem>>) offsets(%dma_start3A_17 : memref<128xi32, #tpu.memory_space<vmem>>) semaphore(%arg8 : memref<!tpu.dma_semaphore, #tpu.memory_space<semaphore_mem>>)
    %dma_start3A_20 = arith.constant 2 : i32
    %dma_start3A_21 = arith.constant 2 : i32
    %dma_start3A_22 = arith.constant 0 : i32
    %dma_start3A_23 = tpu.memref_slice %arg6[%dma_start3A_21, %dma_start3A_22] : memref<16x128xf32, #tpu.memory_space<vmem>> -> memref<1x128xf32, #tpu.memory_space<vmem>>
    %dma_start3A_24 = tpu.memref_squeeze %dma_start3A_23 : memref<1x128xf32, #tpu.memory_space<vmem>> -> memref<128xf32, #tpu.memory_space<vmem>>
    %dma_start3A_25 = arith.constant 0 : i32
    %dma_start3A_26 = tpu.memref_slice %arg5[%dma_start3A_20, %dma_start3A_25] : memref<16x128xi32, #tpu.memory_space<vmem>> -> memref<1x128xi32, #tpu.memory_space<vmem>>
    %dma_start3A_27 = tpu.memref_squeeze %dma_start3A_26 : memref<1x128xi32, #tpu.memory_space<vmem>> -> memref<128xi32, #tpu.memory_space<vmem>>
    %dma_start3A_28 = arith.constant 0 : i32
    %dma_start3A_29 = tpu.memref_slice %arg2[%dma_start3A_28] : memref<73728xf32, #tpu.memory_space<hbm>> -> memref<73728xf32, #tpu.memory_space<hbm>>
    tpu.enqueue_indirect_dma source(%dma_start3A_29 : memref<73728xf32, #tpu.memory_space<hbm>>) target(%dma_start3A_24 : memref<128xf32, #tpu.memory_space<vmem>>) offsets(%dma_start3A_27 : memref<128xi32, #tpu.memory_space<vmem>>) semaphore(%arg8 : memref<!tpu.dma_semaphore, #tpu.memory_space<semaphore_mem>>)
    %dma_start3A_30 = arith.constant 3 : i32
    %dma_start3A_31 = arith.constant 3 : i32
    %dma_start3A_32 = arith.constant 0 : i32
    %dma_start3A_33 = tpu.memref_slice %arg6[%dma_start3A_31, %dma_start3A_32] : memref<16x128xf32, #tpu.memory_space<vmem>> -> memref<1x128xf32, #tpu.memory_space<vmem>>
    %dma_start3A_34 = tpu.memref_squeeze %dma_start3A_33 : memref<1x128xf32, #tpu.memory_space<vmem>> -> memref<128xf32, #tpu.memory_space<vmem>>
    %dma_start3A_35 = arith.constant 0 : i32
    %dma_start3A_36 = tpu.memref_slice %arg5[%dma_start3A_30, %dma_start3A_35] : memref<16x128xi32, #tpu.memory_space<vmem>> -> memref<1x128xi32, #tpu.memory_space<vmem>>
    %dma_start3A_37 = tpu.memref_squeeze %dma_start3A_36 : memref<1x128xi32, #tpu.memory_space<vmem>> -> memref<128xi32, #tpu.memory_space<vmem>>
    %dma_start3A_38 = arith.constant 0 : i32
    %dma_start3A_39 = tpu.memref_slice %arg2[%dma_start3A_38] : memref<73728xf32, #tpu.memory_space<hbm>> -> memref<73728xf32, #tpu.memory_space<hbm>>
    tpu.enqueue_indirect_dma source(%dma_start3A_39 : memref<73728xf32, #tpu.memory_space<hbm>>) target(%dma_start3A_34 : memref<128xf32, #tpu.memory_space<vmem>>) offsets(%dma_start3A_37 : memref<128xi32, #tpu.memory_space<vmem>>) semaphore(%arg8 : memref<!tpu.dma_semaphore, #tpu.memory_space<semaphore_mem>>)
    %dma_start3A_40 = arith.constant 4 : i32
    %dma_start3A_41 = arith.constant 4 : i32
    %dma_start3A_42 = arith.constant 0 : i32
    %dma_start3A_43 = tpu.memref_slice %arg6[%dma_start3A_41, %dma_start3A_42] : memref<16x128xf32, #tpu.memory_space<vmem>> -> memref<1x128xf32, #tpu.memory_space<vmem>>
    %dma_start3A_44 = tpu.memref_squeeze %dma_start3A_43 : memref<1x128xf32, #tpu.memory_space<vmem>> -> memref<128xf32, #tpu.memory_space<vmem>>
    %dma_start3A_45 = arith.constant 0 : i32
    %dma_start3A_46 = tpu.memref_slice %arg5[%dma_start3A_40, %dma_start3A_45] : memref<16x128xi32, #tpu.memory_space<vmem>> -> memref<1x128xi32, #tpu.memory_space<vmem>>
    %dma_start3A_47 = tpu.memref_squeeze %dma_start3A_46 : memref<1x128xi32, #tpu.memory_space<vmem>> -> memref<128xi32, #tpu.memory_space<vmem>>
    %dma_start3A_48 = arith.constant 0 : i32
    %dma_start3A_49 = tpu.memref_slice %arg2[%dma_start3A_48] : memref<73728xf32, #tpu.memory_space<hbm>> -> memref<73728xf32, #tpu.memory_space<hbm>>
    tpu.enqueue_indirect_dma source(%dma_start3A_49 : memref<73728xf32, #tpu.memory_space<hbm>>) target(%dma_start3A_44 : memref<128xf32, #tpu.memory_space<vmem>>) offsets(%dma_start3A_47 : memref<128xi32, #tpu.memory_space<vmem>>) semaphore(%arg8 : memref<!tpu.dma_semaphore, #tpu.memory_space<semaphore_mem>>)
    %dma_start3A_50 = arith.constant 5 : i32
    %dma_start3A_51 = arith.constant 5 : i32
    %dma_start3A_52 = arith.constant 0 : i32
    %dma_start3A_53 = tpu.memref_slice %arg6[%dma_start3A_51, %dma_start3A_52] : memref<16x128xf32, #tpu.memory_space<vmem>> -> memref<1x128xf32, #tpu.memory_space<vmem>>
    %dma_start3A_54 = tpu.memref_squeeze %dma_start3A_53 : memref<1x128xf32, #tpu.memory_space<vmem>> -> memref<128xf32, #tpu.memory_space<vmem>>
    %dma_start3A_55 = arith.constant 0 : i32
    %dma_start3A_56 = tpu.memref_slice %arg5[%dma_start3A_50, %dma_start3A_55] : memref<16x128xi32, #tpu.memory_space<vmem>> -> memref<1x128xi32, #tpu.memory_space<vmem>>
    %dma_start3A_57 = tpu.memref_squeeze %dma_start3A_56 : memref<1x128xi32, #tpu.memory_space<vmem>> -> memref<128xi32, #tpu.memory_space<vmem>>
    %dma_start3A_58 = arith.constant 0 : i32
    %dma_start3A_59 = tpu.memref_slice %arg2[%dma_start3A_58] : memref<73728xf32, #tpu.memory_space<hbm>> -> memref<73728xf32, #tpu.memory_space<hbm>>
    tpu.enqueue_indirect_dma source(%dma_start3A_59 : memref<73728xf32, #tpu.memory_space<hbm>>) target(%dma_start3A_54 : memref<128xf32, #tpu.memory_space<vmem>>) offsets(%dma_start3A_57 : memref<128xi32, #tpu.memory_space<vmem>>) semaphore(%arg8 : memref<!tpu.dma_semaphore, #tpu.memory_space<semaphore_mem>>)
    %dma_start3A_60 = arith.constant 6 : i32
    %dma_start3A_61 = arith.constant 6 : i32
    %dma_start3A_62 = arith.constant 0 : i32
    %dma_start3A_63 = tpu.memref_slice %arg6[%dma_start3A_61, %dma_start3A_62] : memref<16x128xf32, #tpu.memory_space<vmem>> -> memref<1x128xf32, #tpu.memory_space<vmem>>
    %dma_start3A_64 = tpu.memref_squeeze %dma_start3A_63 : memref<1x128xf32, #tpu.memory_space<vmem>> -> memref<128xf32, #tpu.memory_space<vmem>>
    %dma_start3A_65 = arith.constant 0 : i32
    %dma_start3A_66 = tpu.memref_slice %arg5[%dma_start3A_60, %dma_start3A_65] : memref<16x128xi32, #tpu.memory_space<vmem>> -> memref<1x128xi32, #tpu.memory_space<vmem>>
    %dma_start3A_67 = tpu.memref_squeeze %dma_start3A_66 : memref<1x128xi32, #tpu.memory_space<vmem>> -> memref<128xi32, #tpu.memory_space<vmem>>
    %dma_start3A_68 = arith.constant 0 : i32
    %dma_start3A_69 = tpu.memref_slice %arg2[%dma_start3A_68] : memref<73728xf32, #tpu.memory_space<hbm>> -> memref<73728xf32, #tpu.memory_space<hbm>>
    tpu.enqueue_indirect_dma source(%dma_start3A_69 : memref<73728xf32, #tpu.memory_space<hbm>>) target(%dma_start3A_64 : memref<128xf32, #tpu.memory_space<vmem>>) offsets(%dma_start3A_67 : memref<128xi32, #tpu.memory_space<vmem>>) semaphore(%arg8 : memref<!tpu.dma_semaphore, #tpu.memory_space<semaphore_mem>>)
    %dma_start3A_70 = arith.constant 7 : i32
    %dma_start3A_71 = arith.constant 7 : i32
    %dma_start3A_72 = arith.constant 0 : i32
    %dma_start3A_73 = tpu.memref_slice %arg6[%dma_start3A_71, %dma_start3A_72] : memref<16x128xf32, #tpu.memory_space<vmem>> -> memref<1x128xf32, #tpu.memory_space<vmem>>
    %dma_start3A_74 = tpu.memref_squeeze %dma_start3A_73 : memref<1x128xf32, #tpu.memory_space<vmem>> -> memref<128xf32, #tpu.memory_space<vmem>>
    %dma_start3A_75 = arith.constant 0 : i32
    %dma_start3A_76 = tpu.memref_slice %arg5[%dma_start3A_70, %dma_start3A_75] : memref<16x128xi32, #tpu.memory_space<vmem>> -> memref<1x128xi32, #tpu.memory_space<vmem>>
    %dma_start3A_77 = tpu.memref_squeeze %dma_start3A_76 : memref<1x128xi32, #tpu.memory_space<vmem>> -> memref<128xi32, #tpu.memory_space<vmem>>
    %dma_start3A_78 = arith.constant 0 : i32
    %dma_start3A_79 = tpu.memref_slice %arg2[%dma_start3A_78] : memref<73728xf32, #tpu.memory_space<hbm>> -> memref<73728xf32, #tpu.memory_space<hbm>>
    tpu.enqueue_indirect_dma source(%dma_start3A_79 : memref<73728xf32, #tpu.memory_space<hbm>>) target(%dma_start3A_74 : memref<128xf32, #tpu.memory_space<vmem>>) offsets(%dma_start3A_77 : memref<128xi32, #tpu.memory_space<vmem>>) semaphore(%arg8 : memref<!tpu.dma_semaphore, #tpu.memory_space<semaphore_mem>>)
    %dma_start3A_80 = arith.constant 8 : i32
    %dma_start3A_81 = arith.constant 8 : i32
    %dma_start3A_82 = arith.constant 0 : i32
    %dma_start3A_83 = tpu.memref_slice %arg6[%dma_start3A_81, %dma_start3A_82] : memref<16x128xf32, #tpu.memory_space<vmem>> -> memref<1x128xf32, #tpu.memory_space<vmem>>
    %dma_start3A_84 = tpu.memref_squeeze %dma_start3A_83 : memref<1x128xf32, #tpu.memory_space<vmem>> -> memref<128xf32, #tpu.memory_space<vmem>>
    %dma_start3A_85 = arith.constant 0 : i32
    %dma_start3A_86 = tpu.memref_slice %arg5[%dma_start3A_80, %dma_start3A_85] : memref<16x128xi32, #tpu.memory_space<vmem>> -> memref<1x128xi32, #tpu.memory_space<vmem>>
    %dma_start3A_87 = tpu.memref_squeeze %dma_start3A_86 : memref<1x128xi32, #tpu.memory_space<vmem>> -> memref<128xi32, #tpu.memory_space<vmem>>
    %dma_start3A_88 = arith.constant 0 : i32
    %dma_start3A_89 = tpu.memref_slice %arg2[%dma_start3A_88] : memref<73728xf32, #tpu.memory_space<hbm>> -> memref<73728xf32, #tpu.memory_space<hbm>>
    tpu.enqueue_indirect_dma source(%dma_start3A_89 : memref<73728xf32, #tpu.memory_space<hbm>>) target(%dma_start3A_84 : memref<128xf32, #tpu.memory_space<vmem>>) offsets(%dma_start3A_87 : memref<128xi32, #tpu.memory_space<vmem>>) semaphore(%arg8 : memref<!tpu.dma_semaphore, #tpu.memory_space<semaphore_mem>>)
    %dma_start3A_90 = arith.constant 9 : i32
    %dma_start3A_91 = arith.constant 9 : i32
    %dma_start3A_92 = arith.constant 0 : i32
    %dma_start3A_93 = tpu.memref_slice %arg6[%dma_start3A_91, %dma_start3A_92] : memref<16x128xf32, #tpu.memory_space<vmem>> -> memref<1x128xf32, #tpu.memory_space<vmem>>
    %dma_start3A_94 = tpu.memref_squeeze %dma_start3A_93 : memref<1x128xf32, #tpu.memory_space<vmem>> -> memref<128xf32, #tpu.memory_space<vmem>>
    %dma_start3A_95 = arith.constant 0 : i32
    %dma_start3A_96 = tpu.memref_slice %arg5[%dma_start3A_90, %dma_start3A_95] : memref<16x128xi32, #tpu.memory_space<vmem>> -> memref<1x128xi32, #tpu.memory_space<vmem>>
    %dma_start3A_97 = tpu.memref_squeeze %dma_start3A_96 : memref<1x128xi32, #tpu.memory_space<vmem>> -> memref<128xi32, #tpu.memory_space<vmem>>
    %dma_start3A_98 = arith.constant 0 : i32
    %dma_start3A_99 = tpu.memref_slice %arg2[%dma_start3A_98] : memref<73728xf32, #tpu.memory_space<hbm>> -> memref<73728xf32, #tpu.memory_space<hbm>>
    tpu.enqueue_indirect_dma source(%dma_start3A_99 : memref<73728xf32, #tpu.memory_space<hbm>>) target(%dma_start3A_94 : memref<128xf32, #tpu.memory_space<vmem>>) offsets(%dma_start3A_97 : memref<128xi32, #tpu.memory_space<vmem>>) semaphore(%arg8 : memref<!tpu.dma_semaphore, #tpu.memory_space<semaphore_mem>>)
    %dma_start3A_100 = arith.constant 10 : i32
    %dma_start3A_101 = arith.constant 10 : i32
    %dma_start3A_102 = arith.constant 0 : i32
    %dma_start3A_103 = tpu.memref_slice %arg6[%dma_start3A_101, %dma_start3A_102] : memref<16x128xf32, #tpu.memory_space<vmem>> -> memref<1x128xf32, #tpu.memory_space<vmem>>
    %dma_start3A_104 = tpu.memref_squeeze %dma_start3A_103 : memref<1x128xf32, #tpu.memory_space<vmem>> -> memref<128xf32, #tpu.memory_space<vmem>>
    %dma_start3A_105 = arith.constant 0 : i32
    %dma_start3A_106 = tpu.memref_slice %arg5[%dma_start3A_100, %dma_start3A_105] : memref<16x128xi32, #tpu.memory_space<vmem>> -> memref<1x128xi32, #tpu.memory_space<vmem>>
    %dma_start3A_107 = tpu.memref_squeeze %dma_start3A_106 : memref<1x128xi32, #tpu.memory_space<vmem>> -> memref<128xi32, #tpu.memory_space<vmem>>
    %dma_start3A_108 = arith.constant 0 : i32
    %dma_start3A_109 = tpu.memref_slice %arg2[%dma_start3A_108] : memref<73728xf32, #tpu.memory_space<hbm>> -> memref<73728xf32, #tpu.memory_space<hbm>>
    tpu.enqueue_indirect_dma source(%dma_start3A_109 : memref<73728xf32, #tpu.memory_space<hbm>>) target(%dma_start3A_104 : memref<128xf32, #tpu.memory_space<vmem>>) offsets(%dma_start3A_107 : memref<128xi32, #tpu.memory_space<vmem>>) semaphore(%arg8 : memref<!tpu.dma_semaphore, #tpu.memory_space<semaphore_mem>>)
    %dma_start3A_110 = arith.constant 11 : i32
    %dma_start3A_111 = arith.constant 11 : i32
    %dma_start3A_112 = arith.constant 0 : i32
    %dma_start3A_113 = tpu.memref_slice %arg6[%dma_start3A_111, %dma_start3A_112] : memref<16x128xf32, #tpu.memory_space<vmem>> -> memref<1x128xf32, #tpu.memory_space<vmem>>
    %dma_start3A_114 = tpu.memref_squeeze %dma_start3A_113 : memref<1x128xf32, #tpu.memory_space<vmem>> -> memref<128xf32, #tpu.memory_space<vmem>>
    %dma_start3A_115 = arith.constant 0 : i32
    %dma_start3A_116 = tpu.memref_slice %arg5[%dma_start3A_110, %dma_start3A_115] : memref<16x128xi32, #tpu.memory_space<vmem>> -> memref<1x128xi32, #tpu.memory_space<vmem>>
    %dma_start3A_117 = tpu.memref_squeeze %dma_start3A_116 : memref<1x128xi32, #tpu.memory_space<vmem>> -> memref<128xi32, #tpu.memory_space<vmem>>
    %dma_start3A_118 = arith.constant 0 : i32
    %dma_start3A_119 = tpu.memref_slice %arg2[%dma_start3A_118] : memref<73728xf32, #tpu.memory_space<hbm>> -> memref<73728xf32, #tpu.memory_space<hbm>>
    tpu.enqueue_indirect_dma source(%dma_start3A_119 : memref<73728xf32, #tpu.memory_space<hbm>>) target(%dma_start3A_114 : memref<128xf32, #tpu.memory_space<vmem>>) offsets(%dma_start3A_117 : memref<128xi32, #tpu.memory_space<vmem>>) semaphore(%arg8 : memref<!tpu.dma_semaphore, #tpu.memory_space<semaphore_mem>>)
    %dma_start3A_120 = arith.constant 12 : i32
    %dma_start3A_121 = arith.constant 12 : i32
    %dma_start3A_122 = arith.constant 0 : i32
    %dma_start3A_123 = tpu.memref_slice %arg6[%dma_start3A_121, %dma_start3A_122] : memref<16x128xf32, #tpu.memory_space<vmem>> -> memref<1x128xf32, #tpu.memory_space<vmem>>
    %dma_start3A_124 = tpu.memref_squeeze %dma_start3A_123 : memref<1x128xf32, #tpu.memory_space<vmem>> -> memref<128xf32, #tpu.memory_space<vmem>>
    %dma_start3A_125 = arith.constant 0 : i32
    %dma_start3A_126 = tpu.memref_slice %arg5[%dma_start3A_120, %dma_start3A_125] : memref<16x128xi32, #tpu.memory_space<vmem>> -> memref<1x128xi32, #tpu.memory_space<vmem>>
    %dma_start3A_127 = tpu.memref_squeeze %dma_start3A_126 : memref<1x128xi32, #tpu.memory_space<vmem>> -> memref<128xi32, #tpu.memory_space<vmem>>
    %dma_start3A_128 = arith.constant 0 : i32
    %dma_start3A_129 = tpu.memref_slice %arg2[%dma_start3A_128] : memref<73728xf32, #tpu.memory_space<hbm>> -> memref<73728xf32, #tpu.memory_space<hbm>>
    tpu.enqueue_indirect_dma source(%dma_start3A_129 : memref<73728xf32, #tpu.memory_space<hbm>>) target(%dma_start3A_124 : memref<128xf32, #tpu.memory_space<vmem>>) offsets(%dma_start3A_127 : memref<128xi32, #tpu.memory_space<vmem>>) semaphore(%arg8 : memref<!tpu.dma_semaphore, #tpu.memory_space<semaphore_mem>>)
    %dma_start3A_130 = arith.constant 13 : i32
    %dma_start3A_131 = arith.constant 13 : i32
    %dma_start3A_132 = arith.constant 0 : i32
    %dma_start3A_133 = tpu.memref_slice %arg6[%dma_start3A_131, %dma_start3A_132] : memref<16x128xf32, #tpu.memory_space<vmem>> -> memref<1x128xf32, #tpu.memory_space<vmem>>
    %dma_start3A_134 = tpu.memref_squeeze %dma_start3A_133 : memref<1x128xf32, #tpu.memory_space<vmem>> -> memref<128xf32, #tpu.memory_space<vmem>>
    %dma_start3A_135 = arith.constant 0 : i32
    %dma_start3A_136 = tpu.memref_slice %arg5[%dma_start3A_130, %dma_start3A_135] : memref<16x128xi32, #tpu.memory_space<vmem>> -> memref<1x128xi32, #tpu.memory_space<vmem>>
    %dma_start3A_137 = tpu.memref_squeeze %dma_start3A_136 : memref<1x128xi32, #tpu.memory_space<vmem>> -> memref<128xi32, #tpu.memory_space<vmem>>
    %dma_start3A_138 = arith.constant 0 : i32
    %dma_start3A_139 = tpu.memref_slice %arg2[%dma_start3A_138] : memref<73728xf32, #tpu.memory_space<hbm>> -> memref<73728xf32, #tpu.memory_space<hbm>>
    tpu.enqueue_indirect_dma source(%dma_start3A_139 : memref<73728xf32, #tpu.memory_space<hbm>>) target(%dma_start3A_134 : memref<128xf32, #tpu.memory_space<vmem>>) offsets(%dma_start3A_137 : memref<128xi32, #tpu.memory_space<vmem>>) semaphore(%arg8 : memref<!tpu.dma_semaphore, #tpu.memory_space<semaphore_mem>>)
    %dma_start3A_140 = arith.constant 14 : i32
    %dma_start3A_141 = arith.constant 14 : i32
    %dma_start3A_142 = arith.constant 0 : i32
    %dma_start3A_143 = tpu.memref_slice %arg6[%dma_start3A_141, %dma_start3A_142] : memref<16x128xf32, #tpu.memory_space<vmem>> -> memref<1x128xf32, #tpu.memory_space<vmem>>
    %dma_start3A_144 = tpu.memref_squeeze %dma_start3A_143 : memref<1x128xf32, #tpu.memory_space<vmem>> -> memref<128xf32, #tpu.memory_space<vmem>>
    %dma_start3A_145 = arith.constant 0 : i32
    %dma_start3A_146 = tpu.memref_slice %arg5[%dma_start3A_140, %dma_start3A_145] : memref<16x128xi32, #tpu.memory_space<vmem>> -> memref<1x128xi32, #tpu.memory_space<vmem>>
    %dma_start3A_147 = tpu.memref_squeeze %dma_start3A_146 : memref<1x128xi32, #tpu.memory_space<vmem>> -> memref<128xi32, #tpu.memory_space<vmem>>
    %dma_start3A_148 = arith.constant 0 : i32
    %dma_start3A_149 = tpu.memref_slice %arg2[%dma_start3A_148] : memref<73728xf32, #tpu.memory_space<hbm>> -> memref<73728xf32, #tpu.memory_space<hbm>>
    tpu.enqueue_indirect_dma source(%dma_start3A_149 : memref<73728xf32, #tpu.memory_space<hbm>>) target(%dma_start3A_144 : memref<128xf32, #tpu.memory_space<vmem>>) offsets(%dma_start3A_147 : memref<128xi32, #tpu.memory_space<vmem>>) semaphore(%arg8 : memref<!tpu.dma_semaphore, #tpu.memory_space<semaphore_mem>>)
    %dma_start3A_150 = arith.constant 15 : i32
    %dma_start3A_151 = arith.constant 15 : i32
    %dma_start3A_152 = arith.constant 0 : i32
    %dma_start3A_153 = tpu.memref_slice %arg6[%dma_start3A_151, %dma_start3A_152] : memref<16x128xf32, #tpu.memory_space<vmem>> -> memref<1x128xf32, #tpu.memory_space<vmem>>
    %dma_start3A_154 = tpu.memref_squeeze %dma_start3A_153 : memref<1x128xf32, #tpu.memory_space<vmem>> -> memref<128xf32, #tpu.memory_space<vmem>>
    %dma_start3A_155 = arith.constant 0 : i32
    %dma_start3A_156 = tpu.memref_slice %arg5[%dma_start3A_150, %dma_start3A_155] : memref<16x128xi32, #tpu.memory_space<vmem>> -> memref<1x128xi32, #tpu.memory_space<vmem>>
    %dma_start3A_157 = tpu.memref_squeeze %dma_start3A_156 : memref<1x128xi32, #tpu.memory_space<vmem>> -> memref<128xi32, #tpu.memory_space<vmem>>
    %dma_start3A_158 = arith.constant 0 : i32
    %dma_start3A_159 = tpu.memref_slice %arg2[%dma_start3A_158] : memref<73728xf32, #tpu.memory_space<hbm>> -> memref<73728xf32, #tpu.memory_space<hbm>>
    tpu.enqueue_indirect_dma source(%dma_start3A_159 : memref<73728xf32, #tpu.memory_space<hbm>>) target(%dma_start3A_154 : memref<128xf32, #tpu.memory_space<vmem>>) offsets(%dma_start3A_157 : memref<128xi32, #tpu.memory_space<vmem>>) semaphore(%arg8 : memref<!tpu.dma_semaphore, #tpu.memory_space<semaphore_mem>>)
    %dma_wait3A = arith.constant 0 : i32
    %dma_wait3A_160 = arith.constant 0 : i32
    %dma_wait3A_161 = arith.constant 0 : i32
    %dma_wait3A_162 = tpu.memref_slice %arg6[%dma_wait3A_160, %dma_wait3A_161] : memref<16x128xf32, #tpu.memory_space<vmem>> -> memref<1x128xf32, #tpu.memory_space<vmem>>
    %dma_wait3A_163 = tpu.memref_squeeze %dma_wait3A_162 : memref<1x128xf32, #tpu.memory_space<vmem>> -> memref<128xf32, #tpu.memory_space<vmem>>
    %dma_wait3A_164 = arith.constant 0 : i32
    %dma_wait3A_165 = tpu.memref_slice %arg5[%dma_wait3A, %dma_wait3A_164] : memref<16x128xi32, #tpu.memory_space<vmem>> -> memref<1x128xi32, #tpu.memory_space<vmem>>
    %dma_wait3A_166 = tpu.memref_squeeze %dma_wait3A_165 : memref<1x128xi32, #tpu.memory_space<vmem>> -> memref<128xi32, #tpu.memory_space<vmem>>
    %dma_wait3A_167 = arith.constant 0 : i32
    %dma_wait3A_168 = tpu.memref_slice %arg2[%dma_wait3A_167] : memref<73728xf32, #tpu.memory_space<hbm>> -> memref<73728xf32, #tpu.memory_space<hbm>>
    tpu.wait_indirect_dma semaphore(%arg8 : memref<!tpu.dma_semaphore, #tpu.memory_space<semaphore_mem>>) src(%dma_wait3A_168 : memref<73728xf32, #tpu.memory_space<hbm>>) dst(%dma_wait3A_163 : memref<128xf32, #tpu.memory_space<vmem>>)
    %dma_wait3A_169 = arith.constant 1 : i32
    %dma_wait3A_170 = arith.constant 1 : i32
    %dma_wait3A_171 = arith.constant 0 : i32
    %dma_wait3A_172 = tpu.memref_slice %arg6[%dma_wait3A_170, %dma_wait3A_171] : memref<16x128xf32, #tpu.memory_space<vmem>> -> memref<1x128xf32, #tpu.memory_space<vmem>>
    %dma_wait3A_173 = tpu.memref_squeeze %dma_wait3A_172 : memref<1x128xf32, #tpu.memory_space<vmem>> -> memref<128xf32, #tpu.memory_space<vmem>>
    %dma_wait3A_174 = arith.constant 0 : i32
    %dma_wait3A_175 = tpu.memref_slice %arg5[%dma_wait3A_169, %dma_wait3A_174] : memref<16x128xi32, #tpu.memory_space<vmem>> -> memref<1x128xi32, #tpu.memory_space<vmem>>
    %dma_wait3A_176 = tpu.memref_squeeze %dma_wait3A_175 : memref<1x128xi32, #tpu.memory_space<vmem>> -> memref<128xi32, #tpu.memory_space<vmem>>
    %dma_wait3A_177 = arith.constant 0 : i32
    %dma_wait3A_178 = tpu.memref_slice %arg2[%dma_wait3A_177] : memref<73728xf32, #tpu.memory_space<hbm>> -> memref<73728xf32, #tpu.memory_space<hbm>>
    tpu.wait_indirect_dma semaphore(%arg8 : memref<!tpu.dma_semaphore, #tpu.memory_space<semaphore_mem>>) src(%dma_wait3A_178 : memref<73728xf32, #tpu.memory_space<hbm>>) dst(%dma_wait3A_173 : memref<128xf32, #tpu.memory_space<vmem>>)
    %dma_wait3A_179 = arith.constant 2 : i32
    %dma_wait3A_180 = arith.constant 2 : i32
    %dma_wait3A_181 = arith.constant 0 : i32
    %dma_wait3A_182 = tpu.memref_slice %arg6[%dma_wait3A_180, %dma_wait3A_181] : memref<16x128xf32, #tpu.memory_space<vmem>> -> memref<1x128xf32, #tpu.memory_space<vmem>>
    %dma_wait3A_183 = tpu.memref_squeeze %dma_wait3A_182 : memref<1x128xf32, #tpu.memory_space<vmem>> -> memref<128xf32, #tpu.memory_space<vmem>>
    %dma_wait3A_184 = arith.constant 0 : i32
    %dma_wait3A_185 = tpu.memref_slice %arg5[%dma_wait3A_179, %dma_wait3A_184] : memref<16x128xi32, #tpu.memory_space<vmem>> -> memref<1x128xi32, #tpu.memory_space<vmem>>
    %dma_wait3A_186 = tpu.memref_squeeze %dma_wait3A_185 : memref<1x128xi32, #tpu.memory_space<vmem>> -> memref<128xi32, #tpu.memory_space<vmem>>
    %dma_wait3A_187 = arith.constant 0 : i32
    %dma_wait3A_188 = tpu.memref_slice %arg2[%dma_wait3A_187] : memref<73728xf32, #tpu.memory_space<hbm>> -> memref<73728xf32, #tpu.memory_space<hbm>>
    tpu.wait_indirect_dma semaphore(%arg8 : memref<!tpu.dma_semaphore, #tpu.memory_space<semaphore_mem>>) src(%dma_wait3A_188 : memref<73728xf32, #tpu.memory_space<hbm>>) dst(%dma_wait3A_183 : memref<128xf32, #tpu.memory_space<vmem>>)
    %dma_wait3A_189 = arith.constant 3 : i32
    %dma_wait3A_190 = arith.constant 3 : i32
    %dma_wait3A_191 = arith.constant 0 : i32
    %dma_wait3A_192 = tpu.memref_slice %arg6[%dma_wait3A_190, %dma_wait3A_191] : memref<16x128xf32, #tpu.memory_space<vmem>> -> memref<1x128xf32, #tpu.memory_space<vmem>>
    %dma_wait3A_193 = tpu.memref_squeeze %dma_wait3A_192 : memref<1x128xf32, #tpu.memory_space<vmem>> -> memref<128xf32, #tpu.memory_space<vmem>>
    %dma_wait3A_194 = arith.constant 0 : i32
    %dma_wait3A_195 = tpu.memref_slice %arg5[%dma_wait3A_189, %dma_wait3A_194] : memref<16x128xi32, #tpu.memory_space<vmem>> -> memref<1x128xi32, #tpu.memory_space<vmem>>
    %dma_wait3A_196 = tpu.memref_squeeze %dma_wait3A_195 : memref<1x128xi32, #tpu.memory_space<vmem>> -> memref<128xi32, #tpu.memory_space<vmem>>
    %dma_wait3A_197 = arith.constant 0 : i32
    %dma_wait3A_198 = tpu.memref_slice %arg2[%dma_wait3A_197] : memref<73728xf32, #tpu.memory_space<hbm>> -> memref<73728xf32, #tpu.memory_space<hbm>>
    tpu.wait_indirect_dma semaphore(%arg8 : memref<!tpu.dma_semaphore, #tpu.memory_space<semaphore_mem>>) src(%dma_wait3A_198 : memref<73728xf32, #tpu.memory_space<hbm>>) dst(%dma_wait3A_193 : memref<128xf32, #tpu.memory_space<vmem>>)
    %dma_wait3A_199 = arith.constant 4 : i32
    %dma_wait3A_200 = arith.constant 4 : i32
    %dma_wait3A_201 = arith.constant 0 : i32
    %dma_wait3A_202 = tpu.memref_slice %arg6[%dma_wait3A_200, %dma_wait3A_201] : memref<16x128xf32, #tpu.memory_space<vmem>> -> memref<1x128xf32, #tpu.memory_space<vmem>>
    %dma_wait3A_203 = tpu.memref_squeeze %dma_wait3A_202 : memref<1x128xf32, #tpu.memory_space<vmem>> -> memref<128xf32, #tpu.memory_space<vmem>>
    %dma_wait3A_204 = arith.constant 0 : i32
    %dma_wait3A_205 = tpu.memref_slice %arg5[%dma_wait3A_199, %dma_wait3A_204] : memref<16x128xi32, #tpu.memory_space<vmem>> -> memref<1x128xi32, #tpu.memory_space<vmem>>
    %dma_wait3A_206 = tpu.memref_squeeze %dma_wait3A_205 : memref<1x128xi32, #tpu.memory_space<vmem>> -> memref<128xi32, #tpu.memory_space<vmem>>
    %dma_wait3A_207 = arith.constant 0 : i32
    %dma_wait3A_208 = tpu.memref_slice %arg2[%dma_wait3A_207] : memref<73728xf32, #tpu.memory_space<hbm>> -> memref<73728xf32, #tpu.memory_space<hbm>>
    tpu.wait_indirect_dma semaphore(%arg8 : memref<!tpu.dma_semaphore, #tpu.memory_space<semaphore_mem>>) src(%dma_wait3A_208 : memref<73728xf32, #tpu.memory_space<hbm>>) dst(%dma_wait3A_203 : memref<128xf32, #tpu.memory_space<vmem>>)
    %dma_wait3A_209 = arith.constant 5 : i32
    %dma_wait3A_210 = arith.constant 5 : i32
    %dma_wait3A_211 = arith.constant 0 : i32
    %dma_wait3A_212 = tpu.memref_slice %arg6[%dma_wait3A_210, %dma_wait3A_211] : memref<16x128xf32, #tpu.memory_space<vmem>> -> memref<1x128xf32, #tpu.memory_space<vmem>>
    %dma_wait3A_213 = tpu.memref_squeeze %dma_wait3A_212 : memref<1x128xf32, #tpu.memory_space<vmem>> -> memref<128xf32, #tpu.memory_space<vmem>>
    %dma_wait3A_214 = arith.constant 0 : i32
    %dma_wait3A_215 = tpu.memref_slice %arg5[%dma_wait3A_209, %dma_wait3A_214] : memref<16x128xi32, #tpu.memory_space<vmem>> -> memref<1x128xi32, #tpu.memory_space<vmem>>
    %dma_wait3A_216 = tpu.memref_squeeze %dma_wait3A_215 : memref<1x128xi32, #tpu.memory_space<vmem>> -> memref<128xi32, #tpu.memory_space<vmem>>
    %dma_wait3A_217 = arith.constant 0 : i32
    %dma_wait3A_218 = tpu.memref_slice %arg2[%dma_wait3A_217] : memref<73728xf32, #tpu.memory_space<hbm>> -> memref<73728xf32, #tpu.memory_space<hbm>>
    tpu.wait_indirect_dma semaphore(%arg8 : memref<!tpu.dma_semaphore, #tpu.memory_space<semaphore_mem>>) src(%dma_wait3A_218 : memref<73728xf32, #tpu.memory_space<hbm>>) dst(%dma_wait3A_213 : memref<128xf32, #tpu.memory_space<vmem>>)
    %dma_wait3A_219 = arith.constant 6 : i32
    %dma_wait3A_220 = arith.constant 6 : i32
    %dma_wait3A_221 = arith.constant 0 : i32
    %dma_wait3A_222 = tpu.memref_slice %arg6[%dma_wait3A_220, %dma_wait3A_221] : memref<16x128xf32, #tpu.memory_space<vmem>> -> memref<1x128xf32, #tpu.memory_space<vmem>>
    %dma_wait3A_223 = tpu.memref_squeeze %dma_wait3A_222 : memref<1x128xf32, #tpu.memory_space<vmem>> -> memref<128xf32, #tpu.memory_space<vmem>>
    %dma_wait3A_224 = arith.constant 0 : i32
    %dma_wait3A_225 = tpu.memref_slice %arg5[%dma_wait3A_219, %dma_wait3A_224] : memref<16x128xi32, #tpu.memory_space<vmem>> -> memref<1x128xi32, #tpu.memory_space<vmem>>
    %dma_wait3A_226 = tpu.memref_squeeze %dma_wait3A_225 : memref<1x128xi32, #tpu.memory_space<vmem>> -> memref<128xi32, #tpu.memory_space<vmem>>
    %dma_wait3A_227 = arith.constant 0 : i32
    %dma_wait3A_228 = tpu.memref_slice %arg2[%dma_wait3A_227] : memref<73728xf32, #tpu.memory_space<hbm>> -> memref<73728xf32, #tpu.memory_space<hbm>>
    tpu.wait_indirect_dma semaphore(%arg8 : memref<!tpu.dma_semaphore, #tpu.memory_space<semaphore_mem>>) src(%dma_wait3A_228 : memref<73728xf32, #tpu.memory_space<hbm>>) dst(%dma_wait3A_223 : memref<128xf32, #tpu.memory_space<vmem>>)
    %dma_wait3A_229 = arith.constant 7 : i32
    %dma_wait3A_230 = arith.constant 7 : i32
    %dma_wait3A_231 = arith.constant 0 : i32
    %dma_wait3A_232 = tpu.memref_slice %arg6[%dma_wait3A_230, %dma_wait3A_231] : memref<16x128xf32, #tpu.memory_space<vmem>> -> memref<1x128xf32, #tpu.memory_space<vmem>>
    %dma_wait3A_233 = tpu.memref_squeeze %dma_wait3A_232 : memref<1x128xf32, #tpu.memory_space<vmem>> -> memref<128xf32, #tpu.memory_space<vmem>>
    %dma_wait3A_234 = arith.constant 0 : i32
    %dma_wait3A_235 = tpu.memref_slice %arg5[%dma_wait3A_229, %dma_wait3A_234] : memref<16x128xi32, #tpu.memory_space<vmem>> -> memref<1x128xi32, #tpu.memory_space<vmem>>
    %dma_wait3A_236 = tpu.memref_squeeze %dma_wait3A_235 : memref<1x128xi32, #tpu.memory_space<vmem>> -> memref<128xi32, #tpu.memory_space<vmem>>
    %dma_wait3A_237 = arith.constant 0 : i32
    %dma_wait3A_238 = tpu.memref_slice %arg2[%dma_wait3A_237] : memref<73728xf32, #tpu.memory_space<hbm>> -> memref<73728xf32, #tpu.memory_space<hbm>>
    tpu.wait_indirect_dma semaphore(%arg8 : memref<!tpu.dma_semaphore, #tpu.memory_space<semaphore_mem>>) src(%dma_wait3A_238 : memref<73728xf32, #tpu.memory_space<hbm>>) dst(%dma_wait3A_233 : memref<128xf32, #tpu.memory_space<vmem>>)
    %dma_wait3A_239 = arith.constant 8 : i32
    %dma_wait3A_240 = arith.constant 8 : i32
    %dma_wait3A_241 = arith.constant 0 : i32
    %dma_wait3A_242 = tpu.memref_slice %arg6[%dma_wait3A_240, %dma_wait3A_241] : memref<16x128xf32, #tpu.memory_space<vmem>> -> memref<1x128xf32, #tpu.memory_space<vmem>>
    %dma_wait3A_243 = tpu.memref_squeeze %dma_wait3A_242 : memref<1x128xf32, #tpu.memory_space<vmem>> -> memref<128xf32, #tpu.memory_space<vmem>>
    %dma_wait3A_244 = arith.constant 0 : i32
    %dma_wait3A_245 = tpu.memref_slice %arg5[%dma_wait3A_239, %dma_wait3A_244] : memref<16x128xi32, #tpu.memory_space<vmem>> -> memref<1x128xi32, #tpu.memory_space<vmem>>
    %dma_wait3A_246 = tpu.memref_squeeze %dma_wait3A_245 : memref<1x128xi32, #tpu.memory_space<vmem>> -> memref<128xi32, #tpu.memory_space<vmem>>
    %dma_wait3A_247 = arith.constant 0 : i32
    %dma_wait3A_248 = tpu.memref_slice %arg2[%dma_wait3A_247] : memref<73728xf32, #tpu.memory_space<hbm>> -> memref<73728xf32, #tpu.memory_space<hbm>>
    tpu.wait_indirect_dma semaphore(%arg8 : memref<!tpu.dma_semaphore, #tpu.memory_space<semaphore_mem>>) src(%dma_wait3A_248 : memref<73728xf32, #tpu.memory_space<hbm>>) dst(%dma_wait3A_243 : memref<128xf32, #tpu.memory_space<vmem>>)
    %dma_wait3A_249 = arith.constant 9 : i32
    %dma_wait3A_250 = arith.constant 9 : i32
    %dma_wait3A_251 = arith.constant 0 : i32
    %dma_wait3A_252 = tpu.memref_slice %arg6[%dma_wait3A_250, %dma_wait3A_251] : memref<16x128xf32, #tpu.memory_space<vmem>> -> memref<1x128xf32, #tpu.memory_space<vmem>>
    %dma_wait3A_253 = tpu.memref_squeeze %dma_wait3A_252 : memref<1x128xf32, #tpu.memory_space<vmem>> -> memref<128xf32, #tpu.memory_space<vmem>>
    %dma_wait3A_254 = arith.constant 0 : i32
    %dma_wait3A_255 = tpu.memref_slice %arg5[%dma_wait3A_249, %dma_wait3A_254] : memref<16x128xi32, #tpu.memory_space<vmem>> -> memref<1x128xi32, #tpu.memory_space<vmem>>
    %dma_wait3A_256 = tpu.memref_squeeze %dma_wait3A_255 : memref<1x128xi32, #tpu.memory_space<vmem>> -> memref<128xi32, #tpu.memory_space<vmem>>
    %dma_wait3A_257 = arith.constant 0 : i32
    %dma_wait3A_258 = tpu.memref_slice %arg2[%dma_wait3A_257] : memref<73728xf32, #tpu.memory_space<hbm>> -> memref<73728xf32, #tpu.memory_space<hbm>>
    tpu.wait_indirect_dma semaphore(%arg8 : memref<!tpu.dma_semaphore, #tpu.memory_space<semaphore_mem>>) src(%dma_wait3A_258 : memref<73728xf32, #tpu.memory_space<hbm>>) dst(%dma_wait3A_253 : memref<128xf32, #tpu.memory_space<vmem>>)
    %dma_wait3A_259 = arith.constant 10 : i32
    %dma_wait3A_260 = arith.constant 10 : i32
    %dma_wait3A_261 = arith.constant 0 : i32
    %dma_wait3A_262 = tpu.memref_slice %arg6[%dma_wait3A_260, %dma_wait3A_261] : memref<16x128xf32, #tpu.memory_space<vmem>> -> memref<1x128xf32, #tpu.memory_space<vmem>>
    %dma_wait3A_263 = tpu.memref_squeeze %dma_wait3A_262 : memref<1x128xf32, #tpu.memory_space<vmem>> -> memref<128xf32, #tpu.memory_space<vmem>>
    %dma_wait3A_264 = arith.constant 0 : i32
    %dma_wait3A_265 = tpu.memref_slice %arg5[%dma_wait3A_259, %dma_wait3A_264] : memref<16x128xi32, #tpu.memory_space<vmem>> -> memref<1x128xi32, #tpu.memory_space<vmem>>
    %dma_wait3A_266 = tpu.memref_squeeze %dma_wait3A_265 : memref<1x128xi32, #tpu.memory_space<vmem>> -> memref<128xi32, #tpu.memory_space<vmem>>
    %dma_wait3A_267 = arith.constant 0 : i32
    %dma_wait3A_268 = tpu.memref_slice %arg2[%dma_wait3A_267] : memref<73728xf32, #tpu.memory_space<hbm>> -> memref<73728xf32, #tpu.memory_space<hbm>>
    tpu.wait_indirect_dma semaphore(%arg8 : memref<!tpu.dma_semaphore, #tpu.memory_space<semaphore_mem>>) src(%dma_wait3A_268 : memref<73728xf32, #tpu.memory_space<hbm>>) dst(%dma_wait3A_263 : memref<128xf32, #tpu.memory_space<vmem>>)
    %dma_wait3A_269 = arith.constant 11 : i32
    %dma_wait3A_270 = arith.constant 11 : i32
    %dma_wait3A_271 = arith.constant 0 : i32
    %dma_wait3A_272 = tpu.memref_slice %arg6[%dma_wait3A_270, %dma_wait3A_271] : memref<16x128xf32, #tpu.memory_space<vmem>> -> memref<1x128xf32, #tpu.memory_space<vmem>>
    %dma_wait3A_273 = tpu.memref_squeeze %dma_wait3A_272 : memref<1x128xf32, #tpu.memory_space<vmem>> -> memref<128xf32, #tpu.memory_space<vmem>>
    %dma_wait3A_274 = arith.constant 0 : i32
    %dma_wait3A_275 = tpu.memref_slice %arg5[%dma_wait3A_269, %dma_wait3A_274] : memref<16x128xi32, #tpu.memory_space<vmem>> -> memref<1x128xi32, #tpu.memory_space<vmem>>
    %dma_wait3A_276 = tpu.memref_squeeze %dma_wait3A_275 : memref<1x128xi32, #tpu.memory_space<vmem>> -> memref<128xi32, #tpu.memory_space<vmem>>
    %dma_wait3A_277 = arith.constant 0 : i32
    %dma_wait3A_278 = tpu.memref_slice %arg2[%dma_wait3A_277] : memref<73728xf32, #tpu.memory_space<hbm>> -> memref<73728xf32, #tpu.memory_space<hbm>>
    tpu.wait_indirect_dma semaphore(%arg8 : memref<!tpu.dma_semaphore, #tpu.memory_space<semaphore_mem>>) src(%dma_wait3A_278 : memref<73728xf32, #tpu.memory_space<hbm>>) dst(%dma_wait3A_273 : memref<128xf32, #tpu.memory_space<vmem>>)
    %dma_wait3A_279 = arith.constant 12 : i32
    %dma_wait3A_280 = arith.constant 12 : i32
    %dma_wait3A_281 = arith.constant 0 : i32
    %dma_wait3A_282 = tpu.memref_slice %arg6[%dma_wait3A_280, %dma_wait3A_281] : memref<16x128xf32, #tpu.memory_space<vmem>> -> memref<1x128xf32, #tpu.memory_space<vmem>>
    %dma_wait3A_283 = tpu.memref_squeeze %dma_wait3A_282 : memref<1x128xf32, #tpu.memory_space<vmem>> -> memref<128xf32, #tpu.memory_space<vmem>>
    %dma_wait3A_284 = arith.constant 0 : i32
    %dma_wait3A_285 = tpu.memref_slice %arg5[%dma_wait3A_279, %dma_wait3A_284] : memref<16x128xi32, #tpu.memory_space<vmem>> -> memref<1x128xi32, #tpu.memory_space<vmem>>
    %dma_wait3A_286 = tpu.memref_squeeze %dma_wait3A_285 : memref<1x128xi32, #tpu.memory_space<vmem>> -> memref<128xi32, #tpu.memory_space<vmem>>
    %dma_wait3A_287 = arith.constant 0 : i32
    %dma_wait3A_288 = tpu.memref_slice %arg2[%dma_wait3A_287] : memref<73728xf32, #tpu.memory_space<hbm>> -> memref<73728xf32, #tpu.memory_space<hbm>>
    tpu.wait_indirect_dma semaphore(%arg8 : memref<!tpu.dma_semaphore, #tpu.memory_space<semaphore_mem>>) src(%dma_wait3A_288 : memref<73728xf32, #tpu.memory_space<hbm>>) dst(%dma_wait3A_283 : memref<128xf32, #tpu.memory_space<vmem>>)
    %dma_wait3A_289 = arith.constant 13 : i32
    %dma_wait3A_290 = arith.constant 13 : i32
    %dma_wait3A_291 = arith.constant 0 : i32
    %dma_wait3A_292 = tpu.memref_slice %arg6[%dma_wait3A_290, %dma_wait3A_291] : memref<16x128xf32, #tpu.memory_space<vmem>> -> memref<1x128xf32, #tpu.memory_space<vmem>>
    %dma_wait3A_293 = tpu.memref_squeeze %dma_wait3A_292 : memref<1x128xf32, #tpu.memory_space<vmem>> -> memref<128xf32, #tpu.memory_space<vmem>>
    %dma_wait3A_294 = arith.constant 0 : i32
    %dma_wait3A_295 = tpu.memref_slice %arg5[%dma_wait3A_289, %dma_wait3A_294] : memref<16x128xi32, #tpu.memory_space<vmem>> -> memref<1x128xi32, #tpu.memory_space<vmem>>
    %dma_wait3A_296 = tpu.memref_squeeze %dma_wait3A_295 : memref<1x128xi32, #tpu.memory_space<vmem>> -> memref<128xi32, #tpu.memory_space<vmem>>
    %dma_wait3A_297 = arith.constant 0 : i32
    %dma_wait3A_298 = tpu.memref_slice %arg2[%dma_wait3A_297] : memref<73728xf32, #tpu.memory_space<hbm>> -> memref<73728xf32, #tpu.memory_space<hbm>>
    tpu.wait_indirect_dma semaphore(%arg8 : memref<!tpu.dma_semaphore, #tpu.memory_space<semaphore_mem>>) src(%dma_wait3A_298 : memref<73728xf32, #tpu.memory_space<hbm>>) dst(%dma_wait3A_293 : memref<128xf32, #tpu.memory_space<vmem>>)
    %dma_wait3A_299 = arith.constant 14 : i32
    %dma_wait3A_300 = arith.constant 14 : i32
    %dma_wait3A_301 = arith.constant 0 : i32
    %dma_wait3A_302 = tpu.memref_slice %arg6[%dma_wait3A_300, %dma_wait3A_301] : memref<16x128xf32, #tpu.memory_space<vmem>> -> memref<1x128xf32, #tpu.memory_space<vmem>>
    %dma_wait3A_303 = tpu.memref_squeeze %dma_wait3A_302 : memref<1x128xf32, #tpu.memory_space<vmem>> -> memref<128xf32, #tpu.memory_space<vmem>>
    %dma_wait3A_304 = arith.constant 0 : i32
    %dma_wait3A_305 = tpu.memref_slice %arg5[%dma_wait3A_299, %dma_wait3A_304] : memref<16x128xi32, #tpu.memory_space<vmem>> -> memref<1x128xi32, #tpu.memory_space<vmem>>
    %dma_wait3A_306 = tpu.memref_squeeze %dma_wait3A_305 : memref<1x128xi32, #tpu.memory_space<vmem>> -> memref<128xi32, #tpu.memory_space<vmem>>
    %dma_wait3A_307 = arith.constant 0 : i32
    %dma_wait3A_308 = tpu.memref_slice %arg2[%dma_wait3A_307] : memref<73728xf32, #tpu.memory_space<hbm>> -> memref<73728xf32, #tpu.memory_space<hbm>>
    tpu.wait_indirect_dma semaphore(%arg8 : memref<!tpu.dma_semaphore, #tpu.memory_space<semaphore_mem>>) src(%dma_wait3A_308 : memref<73728xf32, #tpu.memory_space<hbm>>) dst(%dma_wait3A_303 : memref<128xf32, #tpu.memory_space<vmem>>)
    %dma_wait3A_309 = arith.constant 15 : i32
    %dma_wait3A_310 = arith.constant 15 : i32
    %dma_wait3A_311 = arith.constant 0 : i32
    %dma_wait3A_312 = tpu.memref_slice %arg6[%dma_wait3A_310, %dma_wait3A_311] : memref<16x128xf32, #tpu.memory_space<vmem>> -> memref<1x128xf32, #tpu.memory_space<vmem>>
    %dma_wait3A_313 = tpu.memref_squeeze %dma_wait3A_312 : memref<1x128xf32, #tpu.memory_space<vmem>> -> memref<128xf32, #tpu.memory_space<vmem>>
    %dma_wait3A_314 = arith.constant 0 : i32
    %dma_wait3A_315 = tpu.memref_slice %arg5[%dma_wait3A_309, %dma_wait3A_314] : memref<16x128xi32, #tpu.memory_space<vmem>> -> memref<1x128xi32, #tpu.memory_space<vmem>>
    %dma_wait3A_316 = tpu.memref_squeeze %dma_wait3A_315 : memref<1x128xi32, #tpu.memory_space<vmem>> -> memref<128xi32, #tpu.memory_space<vmem>>
    %dma_wait3A_317 = arith.constant 0 : i32
    %dma_wait3A_318 = tpu.memref_slice %arg2[%dma_wait3A_317] : memref<73728xf32, #tpu.memory_space<hbm>> -> memref<73728xf32, #tpu.memory_space<hbm>>
    tpu.wait_indirect_dma semaphore(%arg8 : memref<!tpu.dma_semaphore, #tpu.memory_space<semaphore_mem>>) src(%dma_wait3A_318 : memref<73728xf32, #tpu.memory_space<hbm>>) dst(%dma_wait3A_313 : memref<128xf32, #tpu.memory_space<vmem>>)
    %broadcast_in_dim3A = arith.constant 0.000000e+00 : f32
    %broadcast_in_dim3A_319 = vector.broadcast %broadcast_in_dim3A : f32 to vector<16xf32>
    %get3A = arith.constant 0 : i32
    %get3A_320 = arith.index_cast %get3A : i32 to index
    %get3A_321 = arith.constant 0 : index
    %get3A_322 = tpu.vector_load %arg6[%get3A_320, %get3A_321] {strides = array<i32>} : memref<16x128xf32, #tpu.memory_space<vmem>>, vector<1x16xf32>,
    %get3A_323 = vector.shape_cast %get3A_322 : vector<1x16xf32> to vector<16xf32>
    %add3A_324 = arith.addf %broadcast_in_dim3A_319, %get3A_323 : vector<16xf32>
    %get3A_325 = arith.constant 0 : i32
    %get3A_326 = arith.index_cast %get3A_325 : i32 to index
    %get3A_327 = arith.constant 16 : index
    %get3A_328 = tpu.vector_load %arg6[%get3A_326, %get3A_327] {strides = array<i32>} : memref<16x128xf32, #tpu.memory_space<vmem>>, vector<1x16xf32>,
    %get3A_329 = vector.shape_cast %get3A_328 : vector<1x16xf32> to vector<16xf32>
    %add3A_330 = arith.addf %add3A_324, %get3A_329 : vector<16xf32>
    %get3A_331 = arith.constant 0 : i32
    %get3A_332 = arith.index_cast %get3A_331 : i32 to index
    %get3A_333 = arith.constant 32 : index
    %get3A_334 = tpu.vector_load %arg6[%get3A_332, %get3A_333] {strides = array<i32>} : memref<16x128xf32, #tpu.memory_space<vmem>>, vector<1x16xf32>,
    %get3A_335 = vector.shape_cast %get3A_334 : vector<1x16xf32> to vector<16xf32>
    %add3A_336 = arith.addf %add3A_330, %get3A_335 : vector<16xf32>
    %get3A_337 = arith.constant 0 : i32
    %get3A_338 = arith.index_cast %get3A_337 : i32 to index
    %get3A_339 = arith.constant 48 : index
    %get3A_340 = tpu.vector_load %arg6[%get3A_338, %get3A_339] {strides = array<i32>} : memref<16x128xf32, #tpu.memory_space<vmem>>, vector<1x16xf32>,
    %get3A_341 = vector.shape_cast %get3A_340 : vector<1x16xf32> to vector<16xf32>
    %add3A_342 = arith.addf %add3A_336, %get3A_341 : vector<16xf32>
    %get3A_343 = arith.constant 0 : i32
    %get3A_344 = arith.index_cast %get3A_343 : i32 to index
    %get3A_345 = arith.constant 64 : index
    %get3A_346 = tpu.vector_load %arg6[%get3A_344, %get3A_345] {strides = array<i32>} : memref<16x128xf32, #tpu.memory_space<vmem>>, vector<1x16xf32>,
    %get3A_347 = vector.shape_cast %get3A_346 : vector<1x16xf32> to vector<16xf32>
    %add3A_348 = arith.addf %add3A_342, %get3A_347 : vector<16xf32>
    %get3A_349 = arith.constant 0 : i32
    %get3A_350 = arith.index_cast %get3A_349 : i32 to index
    %get3A_351 = arith.constant 80 : index
    %get3A_352 = tpu.vector_load %arg6[%get3A_350, %get3A_351] {strides = array<i32>} : memref<16x128xf32, #tpu.memory_space<vmem>>, vector<1x16xf32>,
    %get3A_353 = vector.shape_cast %get3A_352 : vector<1x16xf32> to vector<16xf32>
    %add3A_354 = arith.addf %add3A_348, %get3A_353 : vector<16xf32>
    %get3A_355 = arith.constant 0 : i32
    %get3A_356 = arith.index_cast %get3A_355 : i32 to index
    %get3A_357 = arith.constant 96 : index
    %get3A_358 = tpu.vector_load %arg6[%get3A_356, %get3A_357] {strides = array<i32>} : memref<16x128xf32, #tpu.memory_space<vmem>>, vector<1x16xf32>,
    %get3A_359 = vector.shape_cast %get3A_358 : vector<1x16xf32> to vector<16xf32>
    %add3A_360 = arith.addf %add3A_354, %get3A_359 : vector<16xf32>
    %get3A_361 = arith.constant 0 : i32
    %get3A_362 = arith.index_cast %get3A_361 : i32 to index
    %get3A_363 = arith.constant 112 : index
    %get3A_364 = tpu.vector_load %arg6[%get3A_362, %get3A_363] {strides = array<i32>} : memref<16x128xf32, #tpu.memory_space<vmem>>, vector<1x16xf32>,
    %get3A_365 = vector.shape_cast %get3A_364 : vector<1x16xf32> to vector<16xf32>
    %add3A_366 = arith.addf %add3A_360, %get3A_365 : vector<16xf32>
    %get3A_367 = arith.constant 1 : i32
    %get3A_368 = arith.index_cast %get3A_367 : i32 to index
    %get3A_369 = arith.constant 0 : index
    %get3A_370 = tpu.vector_load %arg6[%get3A_368, %get3A_369] {strides = array<i32>} : memref<16x128xf32, #tpu.memory_space<vmem>>, vector<1x16xf32>,
    %get3A_371 = vector.shape_cast %get3A_370 : vector<1x16xf32> to vector<16xf32>
    %add3A_372 = arith.addf %add3A_366, %get3A_371 : vector<16xf32>
    %get3A_373 = arith.constant 1 : i32
    %get3A_374 = arith.index_cast %get3A_373 : i32 to index
    %get3A_375 = arith.constant 16 : index
    %get3A_376 = tpu.vector_load %arg6[%get3A_374, %get3A_375] {strides = array<i32>} : memref<16x128xf32, #tpu.memory_space<vmem>>, vector<1x16xf32>,
    %get3A_377 = vector.shape_cast %get3A_376 : vector<1x16xf32> to vector<16xf32>
    %add3A_378 = arith.addf %add3A_372, %get3A_377 : vector<16xf32>
    %get3A_379 = arith.constant 1 : i32
    %get3A_380 = arith.index_cast %get3A_379 : i32 to index
    %get3A_381 = arith.constant 32 : index
    %get3A_382 = tpu.vector_load %arg6[%get3A_380, %get3A_381] {strides = array<i32>} : memref<16x128xf32, #tpu.memory_space<vmem>>, vector<1x16xf32>,
    %get3A_383 = vector.shape_cast %get3A_382 : vector<1x16xf32> to vector<16xf32>
    %add3A_384 = arith.addf %add3A_378, %get3A_383 : vector<16xf32>
    %get3A_385 = arith.constant 1 : i32
    %get3A_386 = arith.index_cast %get3A_385 : i32 to index
    %get3A_387 = arith.constant 48 : index
    %get3A_388 = tpu.vector_load %arg6[%get3A_386, %get3A_387] {strides = array<i32>} : memref<16x128xf32, #tpu.memory_space<vmem>>, vector<1x16xf32>,
    %get3A_389 = vector.shape_cast %get3A_388 : vector<1x16xf32> to vector<16xf32>
    %add3A_390 = arith.addf %add3A_384, %get3A_389 : vector<16xf32>
    %get3A_391 = arith.constant 1 : i32
    %get3A_392 = arith.index_cast %get3A_391 : i32 to index
    %get3A_393 = arith.constant 64 : index
    %get3A_394 = tpu.vector_load %arg6[%get3A_392, %get3A_393] {strides = array<i32>} : memref<16x128xf32, #tpu.memory_space<vmem>>, vector<1x16xf32>,
    %get3A_395 = vector.shape_cast %get3A_394 : vector<1x16xf32> to vector<16xf32>
    %add3A_396 = arith.addf %add3A_390, %get3A_395 : vector<16xf32>
    %get3A_397 = arith.constant 1 : i32
    %get3A_398 = arith.index_cast %get3A_397 : i32 to index
    %get3A_399 = arith.constant 80 : index
    %get3A_400 = tpu.vector_load %arg6[%get3A_398, %get3A_399] {strides = array<i32>} : memref<16x128xf32, #tpu.memory_space<vmem>>, vector<1x16xf32>,
    %get3A_401 = vector.shape_cast %get3A_400 : vector<1x16xf32> to vector<16xf32>
    %add3A_402 = arith.addf %add3A_396, %get3A_401 : vector<16xf32>
    %get3A_403 = arith.constant 1 : i32
    %get3A_404 = arith.index_cast %get3A_403 : i32 to index
    %get3A_405 = arith.constant 96 : index
    %get3A_406 = tpu.vector_load %arg6[%get3A_404, %get3A_405] {strides = array<i32>} : memref<16x128xf32, #tpu.memory_space<vmem>>, vector<1x16xf32>,
    %get3A_407 = vector.shape_cast %get3A_406 : vector<1x16xf32> to vector<16xf32>
    %add3A_408 = arith.addf %add3A_402, %get3A_407 : vector<16xf32>
    %get3A_409 = arith.constant 1 : i32
    %get3A_410 = arith.index_cast %get3A_409 : i32 to index
    %get3A_411 = arith.constant 112 : index
    %get3A_412 = tpu.vector_load %arg6[%get3A_410, %get3A_411] {strides = array<i32>} : memref<16x128xf32, #tpu.memory_space<vmem>>, vector<1x16xf32>,
    %get3A_413 = vector.shape_cast %get3A_412 : vector<1x16xf32> to vector<16xf32>
    %add3A_414 = arith.addf %add3A_408, %get3A_413 : vector<16xf32>
    %get3A_415 = arith.constant 2 : i32
    %get3A_416 = arith.index_cast %get3A_415 : i32 to index
    %get3A_417 = arith.constant 0 : index
    %get3A_418 = tpu.vector_load %arg6[%get3A_416, %get3A_417] {strides = array<i32>} : memref<16x128xf32, #tpu.memory_space<vmem>>, vector<1x16xf32>,
    %get3A_419 = vector.shape_cast %get3A_418 : vector<1x16xf32> to vector<16xf32>
    %add3A_420 = arith.addf %add3A_414, %get3A_419 : vector<16xf32>
    %get3A_421 = arith.constant 2 : i32
    %get3A_422 = arith.index_cast %get3A_421 : i32 to index
    %get3A_423 = arith.constant 16 : index
    %get3A_424 = tpu.vector_load %arg6[%get3A_422, %get3A_423] {strides = array<i32>} : memref<16x128xf32, #tpu.memory_space<vmem>>, vector<1x16xf32>,
    %get3A_425 = vector.shape_cast %get3A_424 : vector<1x16xf32> to vector<16xf32>
    %add3A_426 = arith.addf %add3A_420, %get3A_425 : vector<16xf32>
    %get3A_427 = arith.constant 2 : i32
    %get3A_428 = arith.index_cast %get3A_427 : i32 to index
    %get3A_429 = arith.constant 32 : index
    %get3A_430 = tpu.vector_load %arg6[%get3A_428, %get3A_429] {strides = array<i32>} : memref<16x128xf32, #tpu.memory_space<vmem>>, vector<1x16xf32>,
    %get3A_431 = vector.shape_cast %get3A_430 : vector<1x16xf32> to vector<16xf32>
    %add3A_432 = arith.addf %add3A_426, %get3A_431 : vector<16xf32>
    %get3A_433 = arith.constant 2 : i32
    %get3A_434 = arith.index_cast %get3A_433 : i32 to index
    %get3A_435 = arith.constant 48 : index
    %get3A_436 = tpu.vector_load %arg6[%get3A_434, %get3A_435] {strides = array<i32>} : memref<16x128xf32, #tpu.memory_space<vmem>>, vector<1x16xf32>,
    %get3A_437 = vector.shape_cast %get3A_436 : vector<1x16xf32> to vector<16xf32>
    %add3A_438 = arith.addf %add3A_432, %get3A_437 : vector<16xf32>
    %get3A_439 = arith.constant 2 : i32
    %get3A_440 = arith.index_cast %get3A_439 : i32 to index
    %get3A_441 = arith.constant 64 : index
    %get3A_442 = tpu.vector_load %arg6[%get3A_440, %get3A_441] {strides = array<i32>} : memref<16x128xf32, #tpu.memory_space<vmem>>, vector<1x16xf32>,
    %get3A_443 = vector.shape_cast %get3A_442 : vector<1x16xf32> to vector<16xf32>
    %add3A_444 = arith.addf %add3A_438, %get3A_443 : vector<16xf32>
    %get3A_445 = arith.constant 2 : i32
    %get3A_446 = arith.index_cast %get3A_445 : i32 to index
    %get3A_447 = arith.constant 80 : index
    %get3A_448 = tpu.vector_load %arg6[%get3A_446, %get3A_447] {strides = array<i32>} : memref<16x128xf32, #tpu.memory_space<vmem>>, vector<1x16xf32>,
    %get3A_449 = vector.shape_cast %get3A_448 : vector<1x16xf32> to vector<16xf32>
    %add3A_450 = arith.addf %add3A_444, %get3A_449 : vector<16xf32>
    %get3A_451 = arith.constant 2 : i32
    %get3A_452 = arith.index_cast %get3A_451 : i32 to index
    %get3A_453 = arith.constant 96 : index
    %get3A_454 = tpu.vector_load %arg6[%get3A_452, %get3A_453] {strides = array<i32>} : memref<16x128xf32, #tpu.memory_space<vmem>>, vector<1x16xf32>,
    %get3A_455 = vector.shape_cast %get3A_454 : vector<1x16xf32> to vector<16xf32>
    %add3A_456 = arith.addf %add3A_450, %get3A_455 : vector<16xf32>
    %get3A_457 = arith.constant 2 : i32
    %get3A_458 = arith.index_cast %get3A_457 : i32 to index
    %get3A_459 = arith.constant 112 : index
    %get3A_460 = tpu.vector_load %arg6[%get3A_458, %get3A_459] {strides = array<i32>} : memref<16x128xf32, #tpu.memory_space<vmem>>, vector<1x16xf32>,
    %get3A_461 = vector.shape_cast %get3A_460 : vector<1x16xf32> to vector<16xf32>
    %add3A_462 = arith.addf %add3A_456, %get3A_461 : vector<16xf32>
    %get3A_463 = arith.constant 3 : i32
    %get3A_464 = arith.index_cast %get3A_463 : i32 to index
    %get3A_465 = arith.constant 0 : index
    %get3A_466 = tpu.vector_load %arg6[%get3A_464, %get3A_465] {strides = array<i32>} : memref<16x128xf32, #tpu.memory_space<vmem>>, vector<1x16xf32>,
    %get3A_467 = vector.shape_cast %get3A_466 : vector<1x16xf32> to vector<16xf32>
    %add3A_468 = arith.addf %add3A_462, %get3A_467 : vector<16xf32>
    %get3A_469 = arith.constant 3 : i32
    %get3A_470 = arith.index_cast %get3A_469 : i32 to index
    %get3A_471 = arith.constant 16 : index
    %get3A_472 = tpu.vector_load %arg6[%get3A_470, %get3A_471] {strides = array<i32>} : memref<16x128xf32, #tpu.memory_space<vmem>>, vector<1x16xf32>,
    %get3A_473 = vector.shape_cast %get3A_472 : vector<1x16xf32> to vector<16xf32>
    %add3A_474 = arith.addf %add3A_468, %get3A_473 : vector<16xf32>
    %get3A_475 = arith.constant 3 : i32
    %get3A_476 = arith.index_cast %get3A_475 : i32 to index
    %get3A_477 = arith.constant 32 : index
    %get3A_478 = tpu.vector_load %arg6[%get3A_476, %get3A_477] {strides = array<i32>} : memref<16x128xf32, #tpu.memory_space<vmem>>, vector<1x16xf32>,
    %get3A_479 = vector.shape_cast %get3A_478 : vector<1x16xf32> to vector<16xf32>
    %add3A_480 = arith.addf %add3A_474, %get3A_479 : vector<16xf32>
    %get3A_481 = arith.constant 3 : i32
    %get3A_482 = arith.index_cast %get3A_481 : i32 to index
    %get3A_483 = arith.constant 48 : index
    %get3A_484 = tpu.vector_load %arg6[%get3A_482, %get3A_483] {strides = array<i32>} : memref<16x128xf32, #tpu.memory_space<vmem>>, vector<1x16xf32>,
    %get3A_485 = vector.shape_cast %get3A_484 : vector<1x16xf32> to vector<16xf32>
    %add3A_486 = arith.addf %add3A_480, %get3A_485 : vector<16xf32>
    %get3A_487 = arith.constant 3 : i32
    %get3A_488 = arith.index_cast %get3A_487 : i32 to index
    %get3A_489 = arith.constant 64 : index
    %get3A_490 = tpu.vector_load %arg6[%get3A_488, %get3A_489] {strides = array<i32>} : memref<16x128xf32, #tpu.memory_space<vmem>>, vector<1x16xf32>,
    %get3A_491 = vector.shape_cast %get3A_490 : vector<1x16xf32> to vector<16xf32>
    %add3A_492 = arith.addf %add3A_486, %get3A_491 : vector<16xf32>
    %get3A_493 = arith.constant 3 : i32
    %get3A_494 = arith.index_cast %get3A_493 : i32 to index
    %get3A_495 = arith.constant 80 : index
    %get3A_496 = tpu.vector_load %arg6[%get3A_494, %get3A_495] {strides = array<i32>} : memref<16x128xf32, #tpu.memory_space<vmem>>, vector<1x16xf32>,
    %get3A_497 = vector.shape_cast %get3A_496 : vector<1x16xf32> to vector<16xf32>
    %add3A_498 = arith.addf %add3A_492, %get3A_497 : vector<16xf32>
    %get3A_499 = arith.constant 3 : i32
    %get3A_500 = arith.index_cast %get3A_499 : i32 to index
    %get3A_501 = arith.constant 96 : index
    %get3A_502 = tpu.vector_load %arg6[%get3A_500, %get3A_501] {strides = array<i32>} : memref<16x128xf32, #tpu.memory_space<vmem>>, vector<1x16xf32>,
    %get3A_503 = vector.shape_cast %get3A_502 : vector<1x16xf32> to vector<16xf32>
    %add3A_504 = arith.addf %add3A_498, %get3A_503 : vector<16xf32>
    %get3A_505 = arith.constant 3 : i32
    %get3A_506 = arith.index_cast %get3A_505 : i32 to index
    %get3A_507 = arith.constant 112 : index
    %get3A_508 = tpu.vector_load %arg6[%get3A_506, %get3A_507] {strides = array<i32>} : memref<16x128xf32, #tpu.memory_space<vmem>>, vector<1x16xf32>,
    %get3A_509 = vector.shape_cast %get3A_508 : vector<1x16xf32> to vector<16xf32>
    %add3A_510 = arith.addf %add3A_504, %get3A_509 : vector<16xf32>
    %get3A_511 = arith.constant 4 : i32
    %get3A_512 = arith.index_cast %get3A_511 : i32 to index
    %get3A_513 = arith.constant 0 : index
    %get3A_514 = tpu.vector_load %arg6[%get3A_512, %get3A_513] {strides = array<i32>} : memref<16x128xf32, #tpu.memory_space<vmem>>, vector<1x16xf32>,
    %get3A_515 = vector.shape_cast %get3A_514 : vector<1x16xf32> to vector<16xf32>
    %add3A_516 = arith.addf %add3A_510, %get3A_515 : vector<16xf32>
    %get3A_517 = arith.constant 4 : i32
    %get3A_518 = arith.index_cast %get3A_517 : i32 to index
    %get3A_519 = arith.constant 16 : index
    %get3A_520 = tpu.vector_load %arg6[%get3A_518, %get3A_519] {strides = array<i32>} : memref<16x128xf32, #tpu.memory_space<vmem>>, vector<1x16xf32>,
    %get3A_521 = vector.shape_cast %get3A_520 : vector<1x16xf32> to vector<16xf32>
    %add3A_522 = arith.addf %add3A_516, %get3A_521 : vector<16xf32>
    %get3A_523 = arith.constant 4 : i32
    %get3A_524 = arith.index_cast %get3A_523 : i32 to index
    %get3A_525 = arith.constant 32 : index
    %get3A_526 = tpu.vector_load %arg6[%get3A_524, %get3A_525] {strides = array<i32>} : memref<16x128xf32, #tpu.memory_space<vmem>>, vector<1x16xf32>,
    %get3A_527 = vector.shape_cast %get3A_526 : vector<1x16xf32> to vector<16xf32>
    %add3A_528 = arith.addf %add3A_522, %get3A_527 : vector<16xf32>
    %get3A_529 = arith.constant 4 : i32
    %get3A_530 = arith.index_cast %get3A_529 : i32 to index
    %get3A_531 = arith.constant 48 : index
    %get3A_532 = tpu.vector_load %arg6[%get3A_530, %get3A_531] {strides = array<i32>} : memref<16x128xf32, #tpu.memory_space<vmem>>, vector<1x16xf32>,
    %get3A_533 = vector.shape_cast %get3A_532 : vector<1x16xf32> to vector<16xf32>
    %add3A_534 = arith.addf %add3A_528, %get3A_533 : vector<16xf32>
    %get3A_535 = arith.constant 4 : i32
    %get3A_536 = arith.index_cast %get3A_535 : i32 to index
    %get3A_537 = arith.constant 64 : index
    %get3A_538 = tpu.vector_load %arg6[%get3A_536, %get3A_537] {strides = array<i32>} : memref<16x128xf32, #tpu.memory_space<vmem>>, vector<1x16xf32>,
    %get3A_539 = vector.shape_cast %get3A_538 : vector<1x16xf32> to vector<16xf32>
    %add3A_540 = arith.addf %add3A_534, %get3A_539 : vector<16xf32>
    %get3A_541 = arith.constant 4 : i32
    %get3A_542 = arith.index_cast %get3A_541 : i32 to index
    %get3A_543 = arith.constant 80 : index
    %get3A_544 = tpu.vector_load %arg6[%get3A_542, %get3A_543] {strides = array<i32>} : memref<16x128xf32, #tpu.memory_space<vmem>>, vector<1x16xf32>,
    %get3A_545 = vector.shape_cast %get3A_544 : vector<1x16xf32> to vector<16xf32>
    %add3A_546 = arith.addf %add3A_540, %get3A_545 : vector<16xf32>
    %get3A_547 = arith.constant 4 : i32
    %get3A_548 = arith.index_cast %get3A_547 : i32 to index
    %get3A_549 = arith.constant 96 : index
    %get3A_550 = tpu.vector_load %arg6[%get3A_548, %get3A_549] {strides = array<i32>} : memref<16x128xf32, #tpu.memory_space<vmem>>, vector<1x16xf32>,
    %get3A_551 = vector.shape_cast %get3A_550 : vector<1x16xf32> to vector<16xf32>
    %add3A_552 = arith.addf %add3A_546, %get3A_551 : vector<16xf32>
    %get3A_553 = arith.constant 4 : i32
    %get3A_554 = arith.index_cast %get3A_553 : i32 to index
    %get3A_555 = arith.constant 112 : index
    %get3A_556 = tpu.vector_load %arg6[%get3A_554, %get3A_555] {strides = array<i32>} : memref<16x128xf32, #tpu.memory_space<vmem>>, vector<1x16xf32>,
    %get3A_557 = vector.shape_cast %get3A_556 : vector<1x16xf32> to vector<16xf32>
    %add3A_558 = arith.addf %add3A_552, %get3A_557 : vector<16xf32>
    %get3A_559 = arith.constant 5 : i32
    %get3A_560 = arith.index_cast %get3A_559 : i32 to index
    %get3A_561 = arith.constant 0 : index
    %get3A_562 = tpu.vector_load %arg6[%get3A_560, %get3A_561] {strides = array<i32>} : memref<16x128xf32, #tpu.memory_space<vmem>>, vector<1x16xf32>,
    %get3A_563 = vector.shape_cast %get3A_562 : vector<1x16xf32> to vector<16xf32>
    %add3A_564 = arith.addf %add3A_558, %get3A_563 : vector<16xf32>
    %get3A_565 = arith.constant 5 : i32
    %get3A_566 = arith.index_cast %get3A_565 : i32 to index
    %get3A_567 = arith.constant 16 : index
    %get3A_568 = tpu.vector_load %arg6[%get3A_566, %get3A_567] {strides = array<i32>} : memref<16x128xf32, #tpu.memory_space<vmem>>, vector<1x16xf32>,
    %get3A_569 = vector.shape_cast %get3A_568 : vector<1x16xf32> to vector<16xf32>
    %add3A_570 = arith.addf %add3A_564, %get3A_569 : vector<16xf32>
    %get3A_571 = arith.constant 5 : i32
    %get3A_572 = arith.index_cast %get3A_571 : i32 to index
    %get3A_573 = arith.constant 32 : index
    %get3A_574 = tpu.vector_load %arg6[%get3A_572, %get3A_573] {strides = array<i32>} : memref<16x128xf32, #tpu.memory_space<vmem>>, vector<1x16xf32>,
    %get3A_575 = vector.shape_cast %get3A_574 : vector<1x16xf32> to vector<16xf32>
    %add3A_576 = arith.addf %add3A_570, %get3A_575 : vector<16xf32>
    %get3A_577 = arith.constant 5 : i32
    %get3A_578 = arith.index_cast %get3A_577 : i32 to index
    %get3A_579 = arith.constant 48 : index
    %get3A_580 = tpu.vector_load %arg6[%get3A_578, %get3A_579] {strides = array<i32>} : memref<16x128xf32, #tpu.memory_space<vmem>>, vector<1x16xf32>,
    %get3A_581 = vector.shape_cast %get3A_580 : vector<1x16xf32> to vector<16xf32>
    %add3A_582 = arith.addf %add3A_576, %get3A_581 : vector<16xf32>
    %get3A_583 = arith.constant 5 : i32
    %get3A_584 = arith.index_cast %get3A_583 : i32 to index
    %get3A_585 = arith.constant 64 : index
    %get3A_586 = tpu.vector_load %arg6[%get3A_584, %get3A_585] {strides = array<i32>} : memref<16x128xf32, #tpu.memory_space<vmem>>, vector<1x16xf32>,
    %get3A_587 = vector.shape_cast %get3A_586 : vector<1x16xf32> to vector<16xf32>
    %add3A_588 = arith.addf %add3A_582, %get3A_587 : vector<16xf32>
    %get3A_589 = arith.constant 5 : i32
    %get3A_590 = arith.index_cast %get3A_589 : i32 to index
    %get3A_591 = arith.constant 80 : index
    %get3A_592 = tpu.vector_load %arg6[%get3A_590, %get3A_591] {strides = array<i32>} : memref<16x128xf32, #tpu.memory_space<vmem>>, vector<1x16xf32>,
    %get3A_593 = vector.shape_cast %get3A_592 : vector<1x16xf32> to vector<16xf32>
    %add3A_594 = arith.addf %add3A_588, %get3A_593 : vector<16xf32>
    %get3A_595 = arith.constant 5 : i32
    %get3A_596 = arith.index_cast %get3A_595 : i32 to index
    %get3A_597 = arith.constant 96 : index
    %get3A_598 = tpu.vector_load %arg6[%get3A_596, %get3A_597] {strides = array<i32>} : memref<16x128xf32, #tpu.memory_space<vmem>>, vector<1x16xf32>,
    %get3A_599 = vector.shape_cast %get3A_598 : vector<1x16xf32> to vector<16xf32>
    %add3A_600 = arith.addf %add3A_594, %get3A_599 : vector<16xf32>
    %get3A_601 = arith.constant 5 : i32
    %get3A_602 = arith.index_cast %get3A_601 : i32 to index
    %get3A_603 = arith.constant 112 : index
    %get3A_604 = tpu.vector_load %arg6[%get3A_602, %get3A_603] {strides = array<i32>} : memref<16x128xf32, #tpu.memory_space<vmem>>, vector<1x16xf32>,
    %get3A_605 = vector.shape_cast %get3A_604 : vector<1x16xf32> to vector<16xf32>
    %add3A_606 = arith.addf %add3A_600, %get3A_605 : vector<16xf32>
    %get3A_607 = arith.constant 6 : i32
    %get3A_608 = arith.index_cast %get3A_607 : i32 to index
    %get3A_609 = arith.constant 0 : index
    %get3A_610 = tpu.vector_load %arg6[%get3A_608, %get3A_609] {strides = array<i32>} : memref<16x128xf32, #tpu.memory_space<vmem>>, vector<1x16xf32>,
    %get3A_611 = vector.shape_cast %get3A_610 : vector<1x16xf32> to vector<16xf32>
    %add3A_612 = arith.addf %add3A_606, %get3A_611 : vector<16xf32>
    %get3A_613 = arith.constant 6 : i32
    %get3A_614 = arith.index_cast %get3A_613 : i32 to index
    %get3A_615 = arith.constant 16 : index
    %get3A_616 = tpu.vector_load %arg6[%get3A_614, %get3A_615] {strides = array<i32>} : memref<16x128xf32, #tpu.memory_space<vmem>>, vector<1x16xf32>,
    %get3A_617 = vector.shape_cast %get3A_616 : vector<1x16xf32> to vector<16xf32>
    %add3A_618 = arith.addf %add3A_612, %get3A_617 : vector<16xf32>
    %get3A_619 = arith.constant 6 : i32
    %get3A_620 = arith.index_cast %get3A_619 : i32 to index
    %get3A_621 = arith.constant 32 : index
    %get3A_622 = tpu.vector_load %arg6[%get3A_620, %get3A_621] {strides = array<i32>} : memref<16x128xf32, #tpu.memory_space<vmem>>, vector<1x16xf32>,
    %get3A_623 = vector.shape_cast %get3A_622 : vector<1x16xf32> to vector<16xf32>
    %add3A_624 = arith.addf %add3A_618, %get3A_623 : vector<16xf32>
    %get3A_625 = arith.constant 6 : i32
    %get3A_626 = arith.index_cast %get3A_625 : i32 to index
    %get3A_627 = arith.constant 48 : index
    %get3A_628 = tpu.vector_load %arg6[%get3A_626, %get3A_627] {strides = array<i32>} : memref<16x128xf32, #tpu.memory_space<vmem>>, vector<1x16xf32>,
    %get3A_629 = vector.shape_cast %get3A_628 : vector<1x16xf32> to vector<16xf32>
    %add3A_630 = arith.addf %add3A_624, %get3A_629 : vector<16xf32>
    %get3A_631 = arith.constant 6 : i32
    %get3A_632 = arith.index_cast %get3A_631 : i32 to index
    %get3A_633 = arith.constant 64 : index
    %get3A_634 = tpu.vector_load %arg6[%get3A_632, %get3A_633] {strides = array<i32>} : memref<16x128xf32, #tpu.memory_space<vmem>>, vector<1x16xf32>,
    %get3A_635 = vector.shape_cast %get3A_634 : vector<1x16xf32> to vector<16xf32>
    %add3A_636 = arith.addf %add3A_630, %get3A_635 : vector<16xf32>
    %get3A_637 = arith.constant 6 : i32
    %get3A_638 = arith.index_cast %get3A_637 : i32 to index
    %get3A_639 = arith.constant 80 : index
    %get3A_640 = tpu.vector_load %arg6[%get3A_638, %get3A_639] {strides = array<i32>} : memref<16x128xf32, #tpu.memory_space<vmem>>, vector<1x16xf32>,
    %get3A_641 = vector.shape_cast %get3A_640 : vector<1x16xf32> to vector<16xf32>
    %add3A_642 = arith.addf %add3A_636, %get3A_641 : vector<16xf32>
    %get3A_643 = arith.constant 6 : i32
    %get3A_644 = arith.index_cast %get3A_643 : i32 to index
    %get3A_645 = arith.constant 96 : index
    %get3A_646 = tpu.vector_load %arg6[%get3A_644, %get3A_645] {strides = array<i32>} : memref<16x128xf32, #tpu.memory_space<vmem>>, vector<1x16xf32>,
    %get3A_647 = vector.shape_cast %get3A_646 : vector<1x16xf32> to vector<16xf32>
    %add3A_648 = arith.addf %add3A_642, %get3A_647 : vector<16xf32>
    %get3A_649 = arith.constant 6 : i32
    %get3A_650 = arith.index_cast %get3A_649 : i32 to index
    %get3A_651 = arith.constant 112 : index
    %get3A_652 = tpu.vector_load %arg6[%get3A_650, %get3A_651] {strides = array<i32>} : memref<16x128xf32, #tpu.memory_space<vmem>>, vector<1x16xf32>,
    %get3A_653 = vector.shape_cast %get3A_652 : vector<1x16xf32> to vector<16xf32>
    %add3A_654 = arith.addf %add3A_648, %get3A_653 : vector<16xf32>
    %get3A_655 = arith.constant 7 : i32
    %get3A_656 = arith.index_cast %get3A_655 : i32 to index
    %get3A_657 = arith.constant 0 : index
    %get3A_658 = tpu.vector_load %arg6[%get3A_656, %get3A_657] {strides = array<i32>} : memref<16x128xf32, #tpu.memory_space<vmem>>, vector<1x16xf32>,
    %get3A_659 = vector.shape_cast %get3A_658 : vector<1x16xf32> to vector<16xf32>
    %add3A_660 = arith.addf %add3A_654, %get3A_659 : vector<16xf32>
    %get3A_661 = arith.constant 7 : i32
    %get3A_662 = arith.index_cast %get3A_661 : i32 to index
    %get3A_663 = arith.constant 16 : index
    %get3A_664 = tpu.vector_load %arg6[%get3A_662, %get3A_663] {strides = array<i32>} : memref<16x128xf32, #tpu.memory_space<vmem>>, vector<1x16xf32>,
    %get3A_665 = vector.shape_cast %get3A_664 : vector<1x16xf32> to vector<16xf32>
    %add3A_666 = arith.addf %add3A_660, %get3A_665 : vector<16xf32>
    %get3A_667 = arith.constant 7 : i32
    %get3A_668 = arith.index_cast %get3A_667 : i32 to index
    %get3A_669 = arith.constant 32 : index
    %get3A_670 = tpu.vector_load %arg6[%get3A_668, %get3A_669] {strides = array<i32>} : memref<16x128xf32, #tpu.memory_space<vmem>>, vector<1x16xf32>,
    %get3A_671 = vector.shape_cast %get3A_670 : vector<1x16xf32> to vector<16xf32>
    %add3A_672 = arith.addf %add3A_666, %get3A_671 : vector<16xf32>
    %get3A_673 = arith.constant 7 : i32
    %get3A_674 = arith.index_cast %get3A_673 : i32 to index
    %get3A_675 = arith.constant 48 : index
    %get3A_676 = tpu.vector_load %arg6[%get3A_674, %get3A_675] {strides = array<i32>} : memref<16x128xf32, #tpu.memory_space<vmem>>, vector<1x16xf32>,
    %get3A_677 = vector.shape_cast %get3A_676 : vector<1x16xf32> to vector<16xf32>
    %add3A_678 = arith.addf %add3A_672, %get3A_677 : vector<16xf32>
    %get3A_679 = arith.constant 7 : i32
    %get3A_680 = arith.index_cast %get3A_679 : i32 to index
    %get3A_681 = arith.constant 64 : index
    %get3A_682 = tpu.vector_load %arg6[%get3A_680, %get3A_681] {strides = array<i32>} : memref<16x128xf32, #tpu.memory_space<vmem>>, vector<1x16xf32>,
    %get3A_683 = vector.shape_cast %get3A_682 : vector<1x16xf32> to vector<16xf32>
    %add3A_684 = arith.addf %add3A_678, %get3A_683 : vector<16xf32>
    %get3A_685 = arith.constant 7 : i32
    %get3A_686 = arith.index_cast %get3A_685 : i32 to index
    %get3A_687 = arith.constant 80 : index
    %get3A_688 = tpu.vector_load %arg6[%get3A_686, %get3A_687] {strides = array<i32>} : memref<16x128xf32, #tpu.memory_space<vmem>>, vector<1x16xf32>,
    %get3A_689 = vector.shape_cast %get3A_688 : vector<1x16xf32> to vector<16xf32>
    %add3A_690 = arith.addf %add3A_684, %get3A_689 : vector<16xf32>
    %get3A_691 = arith.constant 7 : i32
    %get3A_692 = arith.index_cast %get3A_691 : i32 to index
    %get3A_693 = arith.constant 96 : index
    %get3A_694 = tpu.vector_load %arg6[%get3A_692, %get3A_693] {strides = array<i32>} : memref<16x128xf32, #tpu.memory_space<vmem>>, vector<1x16xf32>,
    %get3A_695 = vector.shape_cast %get3A_694 : vector<1x16xf32> to vector<16xf32>
    %add3A_696 = arith.addf %add3A_690, %get3A_695 : vector<16xf32>
    %get3A_697 = arith.constant 7 : i32
    %get3A_698 = arith.index_cast %get3A_697 : i32 to index
    %get3A_699 = arith.constant 112 : index
    %get3A_700 = tpu.vector_load %arg6[%get3A_698, %get3A_699] {strides = array<i32>} : memref<16x128xf32, #tpu.memory_space<vmem>>, vector<1x16xf32>,
    %get3A_701 = vector.shape_cast %get3A_700 : vector<1x16xf32> to vector<16xf32>
    %add3A_702 = arith.addf %add3A_696, %get3A_701 : vector<16xf32>
    %swap3A = arith.constant 0 : index
    %swap3A_703 = tpu.vector_load %arg7[%swap3A] {strides = array<i32>} : memref<32xf32, #tpu.memory_space<vmem>>, vector<16xf32>,
    %swap3A_704 = vector.shape_cast %swap3A_703 : vector<16xf32> to vector<16xf32>
    %swap3A_705 = vector.shape_cast %add3A_702 : vector<16xf32> to vector<16xf32>
    tpu.vector_store %arg7[%swap3A], %swap3A_705 {strides = array<i32>} : memref<32xf32, #tpu.memory_space<vmem>>, vector<16xf32>,
    %broadcast_in_dim3A_706 = arith.constant 0.000000e+00 : f32
    %broadcast_in_dim3A_707 = vector.broadcast %broadcast_in_dim3A_706 : f32 to vector<16xf32>
    %get3A_708 = arith.constant 8 : i32
    %get3A_709 = arith.index_cast %get3A_708 : i32 to index
    %get3A_710 = arith.constant 0 : index
    %get3A_711 = tpu.vector_load %arg6[%get3A_709, %get3A_710] {strides = array<i32>} : memref<16x128xf32, #tpu.memory_space<vmem>>, vector<1x16xf32>,
    %get3A_712 = vector.shape_cast %get3A_711 : vector<1x16xf32> to vector<16xf32>
    %add3A_713 = arith.addf %broadcast_in_dim3A_707, %get3A_712 : vector<16xf32>
    %get3A_714 = arith.constant 8 : i32
    %get3A_715 = arith.index_cast %get3A_714 : i32 to index
    %get3A_716 = arith.constant 16 : index
    %get3A_717 = tpu.vector_load %arg6[%get3A_715, %get3A_716] {strides = array<i32>} : memref<16x128xf32, #tpu.memory_space<vmem>>, vector<1x16xf32>,
    %get3A_718 = vector.shape_cast %get3A_717 : vector<1x16xf32> to vector<16xf32>
    %add3A_719 = arith.addf %add3A_713, %get3A_718 : vector<16xf32>
    %get3A_720 = arith.constant 8 : i32
    %get3A_721 = arith.index_cast %get3A_720 : i32 to index
    %get3A_722 = arith.constant 32 : index
    %get3A_723 = tpu.vector_load %arg6[%get3A_721, %get3A_722] {strides = array<i32>} : memref<16x128xf32, #tpu.memory_space<vmem>>, vector<1x16xf32>,
    %get3A_724 = vector.shape_cast %get3A_723 : vector<1x16xf32> to vector<16xf32>
    %add3A_725 = arith.addf %add3A_719, %get3A_724 : vector<16xf32>
    %get3A_726 = arith.constant 8 : i32
    %get3A_727 = arith.index_cast %get3A_726 : i32 to index
    %get3A_728 = arith.constant 48 : index
    %get3A_729 = tpu.vector_load %arg6[%get3A_727, %get3A_728] {strides = array<i32>} : memref<16x128xf32, #tpu.memory_space<vmem>>, vector<1x16xf32>,
    %get3A_730 = vector.shape_cast %get3A_729 : vector<1x16xf32> to vector<16xf32>
    %add3A_731 = arith.addf %add3A_725, %get3A_730 : vector<16xf32>
    %get3A_732 = arith.constant 8 : i32
    %get3A_733 = arith.index_cast %get3A_732 : i32 to index
    %get3A_734 = arith.constant 64 : index
    %get3A_735 = tpu.vector_load %arg6[%get3A_733, %get3A_734] {strides = array<i32>} : memref<16x128xf32, #tpu.memory_space<vmem>>, vector<1x16xf32>,
    %get3A_736 = vector.shape_cast %get3A_735 : vector<1x16xf32> to vector<16xf32>
    %add3A_737 = arith.addf %add3A_731, %get3A_736 : vector<16xf32>
    %get3A_738 = arith.constant 8 : i32
    %get3A_739 = arith.index_cast %get3A_738 : i32 to index
    %get3A_740 = arith.constant 80 : index
    %get3A_741 = tpu.vector_load %arg6[%get3A_739, %get3A_740] {strides = array<i32>} : memref<16x128xf32, #tpu.memory_space<vmem>>, vector<1x16xf32>,
    %get3A_742 = vector.shape_cast %get3A_741 : vector<1x16xf32> to vector<16xf32>
    %add3A_743 = arith.addf %add3A_737, %get3A_742 : vector<16xf32>
    %get3A_744 = arith.constant 8 : i32
    %get3A_745 = arith.index_cast %get3A_744 : i32 to index
    %get3A_746 = arith.constant 96 : index
    %get3A_747 = tpu.vector_load %arg6[%get3A_745, %get3A_746] {strides = array<i32>} : memref<16x128xf32, #tpu.memory_space<vmem>>, vector<1x16xf32>,
    %get3A_748 = vector.shape_cast %get3A_747 : vector<1x16xf32> to vector<16xf32>
    %add3A_749 = arith.addf %add3A_743, %get3A_748 : vector<16xf32>
    %get3A_750 = arith.constant 8 : i32
    %get3A_751 = arith.index_cast %get3A_750 : i32 to index
    %get3A_752 = arith.constant 112 : index
    %get3A_753 = tpu.vector_load %arg6[%get3A_751, %get3A_752] {strides = array<i32>} : memref<16x128xf32, #tpu.memory_space<vmem>>, vector<1x16xf32>,
    %get3A_754 = vector.shape_cast %get3A_753 : vector<1x16xf32> to vector<16xf32>
    %add3A_755 = arith.addf %add3A_749, %get3A_754 : vector<16xf32>
    %get3A_756 = arith.constant 9 : i32
    %get3A_757 = arith.index_cast %get3A_756 : i32 to index
    %get3A_758 = arith.constant 0 : index
    %get3A_759 = tpu.vector_load %arg6[%get3A_757, %get3A_758] {strides = array<i32>} : memref<16x128xf32, #tpu.memory_space<vmem>>, vector<1x16xf32>,
    %get3A_760 = vector.shape_cast %get3A_759 : vector<1x16xf32> to vector<16xf32>
    %add3A_761 = arith.addf %add3A_755, %get3A_760 : vector<16xf32>
    %get3A_762 = arith.constant 9 : i32
    %get3A_763 = arith.index_cast %get3A_762 : i32 to index
    %get3A_764 = arith.constant 16 : index
    %get3A_765 = tpu.vector_load %arg6[%get3A_763, %get3A_764] {strides = array<i32>} : memref<16x128xf32, #tpu.memory_space<vmem>>, vector<1x16xf32>,
    %get3A_766 = vector.shape_cast %get3A_765 : vector<1x16xf32> to vector<16xf32>
    %add3A_767 = arith.addf %add3A_761, %get3A_766 : vector<16xf32>
    %get3A_768 = arith.constant 9 : i32
    %get3A_769 = arith.index_cast %get3A_768 : i32 to index
    %get3A_770 = arith.constant 32 : index
    %get3A_771 = tpu.vector_load %arg6[%get3A_769, %get3A_770] {strides = array<i32>} : memref<16x128xf32, #tpu.memory_space<vmem>>, vector<1x16xf32>,
    %get3A_772 = vector.shape_cast %get3A_771 : vector<1x16xf32> to vector<16xf32>
    %add3A_773 = arith.addf %add3A_767, %get3A_772 : vector<16xf32>
    %get3A_774 = arith.constant 9 : i32
    %get3A_775 = arith.index_cast %get3A_774 : i32 to index
    %get3A_776 = arith.constant 48 : index
    %get3A_777 = tpu.vector_load %arg6[%get3A_775, %get3A_776] {strides = array<i32>} : memref<16x128xf32, #tpu.memory_space<vmem>>, vector<1x16xf32>,
    %get3A_778 = vector.shape_cast %get3A_777 : vector<1x16xf32> to vector<16xf32>
    %add3A_779 = arith.addf %add3A_773, %get3A_778 : vector<16xf32>
    %get3A_780 = arith.constant 9 : i32
    %get3A_781 = arith.index_cast %get3A_780 : i32 to index
    %get3A_782 = arith.constant 64 : index
    %get3A_783 = tpu.vector_load %arg6[%get3A_781, %get3A_782] {strides = array<i32>} : memref<16x128xf32, #tpu.memory_space<vmem>>, vector<1x16xf32>,
    %get3A_784 = vector.shape_cast %get3A_783 : vector<1x16xf32> to vector<16xf32>
    %add3A_785 = arith.addf %add3A_779, %get3A_784 : vector<16xf32>
    %get3A_786 = arith.constant 9 : i32
    %get3A_787 = arith.index_cast %get3A_786 : i32 to index
    %get3A_788 = arith.constant 80 : index
    %get3A_789 = tpu.vector_load %arg6[%get3A_787, %get3A_788] {strides = array<i32>} : memref<16x128xf32, #tpu.memory_space<vmem>>, vector<1x16xf32>,
    %get3A_790 = vector.shape_cast %get3A_789 : vector<1x16xf32> to vector<16xf32>
    %add3A_791 = arith.addf %add3A_785, %get3A_790 : vector<16xf32>
    %get3A_792 = arith.constant 9 : i32
    %get3A_793 = arith.index_cast %get3A_792 : i32 to index
    %get3A_794 = arith.constant 96 : index
    %get3A_795 = tpu.vector_load %arg6[%get3A_793, %get3A_794] {strides = array<i32>} : memref<16x128xf32, #tpu.memory_space<vmem>>, vector<1x16xf32>,
    %get3A_796 = vector.shape_cast %get3A_795 : vector<1x16xf32> to vector<16xf32>
    %add3A_797 = arith.addf %add3A_791, %get3A_796 : vector<16xf32>
    %get3A_798 = arith.constant 9 : i32
    %get3A_799 = arith.index_cast %get3A_798 : i32 to index
    %get3A_800 = arith.constant 112 : index
    %get3A_801 = tpu.vector_load %arg6[%get3A_799, %get3A_800] {strides = array<i32>} : memref<16x128xf32, #tpu.memory_space<vmem>>, vector<1x16xf32>,
    %get3A_802 = vector.shape_cast %get3A_801 : vector<1x16xf32> to vector<16xf32>
    %add3A_803 = arith.addf %add3A_797, %get3A_802 : vector<16xf32>
    %get3A_804 = arith.constant 10 : i32
    %get3A_805 = arith.index_cast %get3A_804 : i32 to index
    %get3A_806 = arith.constant 0 : index
    %get3A_807 = tpu.vector_load %arg6[%get3A_805, %get3A_806] {strides = array<i32>} : memref<16x128xf32, #tpu.memory_space<vmem>>, vector<1x16xf32>,
    %get3A_808 = vector.shape_cast %get3A_807 : vector<1x16xf32> to vector<16xf32>
    %add3A_809 = arith.addf %add3A_803, %get3A_808 : vector<16xf32>
    %get3A_810 = arith.constant 10 : i32
    %get3A_811 = arith.index_cast %get3A_810 : i32 to index
    %get3A_812 = arith.constant 16 : index
    %get3A_813 = tpu.vector_load %arg6[%get3A_811, %get3A_812] {strides = array<i32>} : memref<16x128xf32, #tpu.memory_space<vmem>>, vector<1x16xf32>,
    %get3A_814 = vector.shape_cast %get3A_813 : vector<1x16xf32> to vector<16xf32>
    %add3A_815 = arith.addf %add3A_809, %get3A_814 : vector<16xf32>
    %get3A_816 = arith.constant 10 : i32
    %get3A_817 = arith.index_cast %get3A_816 : i32 to index
    %get3A_818 = arith.constant 32 : index
    %get3A_819 = tpu.vector_load %arg6[%get3A_817, %get3A_818] {strides = array<i32>} : memref<16x128xf32, #tpu.memory_space<vmem>>, vector<1x16xf32>,
    %get3A_820 = vector.shape_cast %get3A_819 : vector<1x16xf32> to vector<16xf32>
    %add3A_821 = arith.addf %add3A_815, %get3A_820 : vector<16xf32>
    %get3A_822 = arith.constant 10 : i32
    %get3A_823 = arith.index_cast %get3A_822 : i32 to index
    %get3A_824 = arith.constant 48 : index
    %get3A_825 = tpu.vector_load %arg6[%get3A_823, %get3A_824] {strides = array<i32>} : memref<16x128xf32, #tpu.memory_space<vmem>>, vector<1x16xf32>,
    %get3A_826 = vector.shape_cast %get3A_825 : vector<1x16xf32> to vector<16xf32>
    %add3A_827 = arith.addf %add3A_821, %get3A_826 : vector<16xf32>
    %get3A_828 = arith.constant 10 : i32
    %get3A_829 = arith.index_cast %get3A_828 : i32 to index
    %get3A_830 = arith.constant 64 : index
    %get3A_831 = tpu.vector_load %arg6[%get3A_829, %get3A_830] {strides = array<i32>} : memref<16x128xf32, #tpu.memory_space<vmem>>, vector<1x16xf32>,
    %get3A_832 = vector.shape_cast %get3A_831 : vector<1x16xf32> to vector<16xf32>
    %add3A_833 = arith.addf %add3A_827, %get3A_832 : vector<16xf32>
    %get3A_834 = arith.constant 10 : i32
    %get3A_835 = arith.index_cast %get3A_834 : i32 to index
    %get3A_836 = arith.constant 80 : index
    %get3A_837 = tpu.vector_load %arg6[%get3A_835, %get3A_836] {strides = array<i32>} : memref<16x128xf32, #tpu.memory_space<vmem>>, vector<1x16xf32>,
    %get3A_838 = vector.shape_cast %get3A_837 : vector<1x16xf32> to vector<16xf32>
    %add3A_839 = arith.addf %add3A_833, %get3A_838 : vector<16xf32>
    %get3A_840 = arith.constant 10 : i32
    %get3A_841 = arith.index_cast %get3A_840 : i32 to index
    %get3A_842 = arith.constant 96 : index
    %get3A_843 = tpu.vector_load %arg6[%get3A_841, %get3A_842] {strides = array<i32>} : memref<16x128xf32, #tpu.memory_space<vmem>>, vector<1x16xf32>,
    %get3A_844 = vector.shape_cast %get3A_843 : vector<1x16xf32> to vector<16xf32>
    %add3A_845 = arith.addf %add3A_839, %get3A_844 : vector<16xf32>
    %get3A_846 = arith.constant 10 : i32
    %get3A_847 = arith.index_cast %get3A_846 : i32 to index
    %get3A_848 = arith.constant 112 : index
    %get3A_849 = tpu.vector_load %arg6[%get3A_847, %get3A_848] {strides = array<i32>} : memref<16x128xf32, #tpu.memory_space<vmem>>, vector<1x16xf32>,
    %get3A_850 = vector.shape_cast %get3A_849 : vector<1x16xf32> to vector<16xf32>
    %add3A_851 = arith.addf %add3A_845, %get3A_850 : vector<16xf32>
    %get3A_852 = arith.constant 11 : i32
    %get3A_853 = arith.index_cast %get3A_852 : i32 to index
    %get3A_854 = arith.constant 0 : index
    %get3A_855 = tpu.vector_load %arg6[%get3A_853, %get3A_854] {strides = array<i32>} : memref<16x128xf32, #tpu.memory_space<vmem>>, vector<1x16xf32>,
    %get3A_856 = vector.shape_cast %get3A_855 : vector<1x16xf32> to vector<16xf32>
    %add3A_857 = arith.addf %add3A_851, %get3A_856 : vector<16xf32>
    %get3A_858 = arith.constant 11 : i32
    %get3A_859 = arith.index_cast %get3A_858 : i32 to index
    %get3A_860 = arith.constant 16 : index
    %get3A_861 = tpu.vector_load %arg6[%get3A_859, %get3A_860] {strides = array<i32>} : memref<16x128xf32, #tpu.memory_space<vmem>>, vector<1x16xf32>,
    %get3A_862 = vector.shape_cast %get3A_861 : vector<1x16xf32> to vector<16xf32>
    %add3A_863 = arith.addf %add3A_857, %get3A_862 : vector<16xf32>
    %get3A_864 = arith.constant 11 : i32
    %get3A_865 = arith.index_cast %get3A_864 : i32 to index
    %get3A_866 = arith.constant 32 : index
    %get3A_867 = tpu.vector_load %arg6[%get3A_865, %get3A_866] {strides = array<i32>} : memref<16x128xf32, #tpu.memory_space<vmem>>, vector<1x16xf32>,
    %get3A_868 = vector.shape_cast %get3A_867 : vector<1x16xf32> to vector<16xf32>
    %add3A_869 = arith.addf %add3A_863, %get3A_868 : vector<16xf32>
    %get3A_870 = arith.constant 11 : i32
    %get3A_871 = arith.index_cast %get3A_870 : i32 to index
    %get3A_872 = arith.constant 48 : index
    %get3A_873 = tpu.vector_load %arg6[%get3A_871, %get3A_872] {strides = array<i32>} : memref<16x128xf32, #tpu.memory_space<vmem>>, vector<1x16xf32>,
    %get3A_874 = vector.shape_cast %get3A_873 : vector<1x16xf32> to vector<16xf32>
    %add3A_875 = arith.addf %add3A_869, %get3A_874 : vector<16xf32>
    %get3A_876 = arith.constant 11 : i32
    %get3A_877 = arith.index_cast %get3A_876 : i32 to index
    %get3A_878 = arith.constant 64 : index
    %get3A_879 = tpu.vector_load %arg6[%get3A_877, %get3A_878] {strides = array<i32>} : memref<16x128xf32, #tpu.memory_space<vmem>>, vector<1x16xf32>,
    %get3A_880 = vector.shape_cast %get3A_879 : vector<1x16xf32> to vector<16xf32>
    %add3A_881 = arith.addf %add3A_875, %get3A_880 : vector<16xf32>
    %get3A_882 = arith.constant 11 : i32
    %get3A_883 = arith.index_cast %get3A_882 : i32 to index
    %get3A_884 = arith.constant 80 : index
    %get3A_885 = tpu.vector_load %arg6[%get3A_883, %get3A_884] {strides = array<i32>} : memref<16x128xf32, #tpu.memory_space<vmem>>, vector<1x16xf32>,
    %get3A_886 = vector.shape_cast %get3A_885 : vector<1x16xf32> to vector<16xf32>
    %add3A_887 = arith.addf %add3A_881, %get3A_886 : vector<16xf32>
    %get3A_888 = arith.constant 11 : i32
    %get3A_889 = arith.index_cast %get3A_888 : i32 to index
    %get3A_890 = arith.constant 96 : index
    %get3A_891 = tpu.vector_load %arg6[%get3A_889, %get3A_890] {strides = array<i32>} : memref<16x128xf32, #tpu.memory_space<vmem>>, vector<1x16xf32>,
    %get3A_892 = vector.shape_cast %get3A_891 : vector<1x16xf32> to vector<16xf32>
    %add3A_893 = arith.addf %add3A_887, %get3A_892 : vector<16xf32>
    %get3A_894 = arith.constant 11 : i32
    %get3A_895 = arith.index_cast %get3A_894 : i32 to index
    %get3A_896 = arith.constant 112 : index
    %get3A_897 = tpu.vector_load %arg6[%get3A_895, %get3A_896] {strides = array<i32>} : memref<16x128xf32, #tpu.memory_space<vmem>>, vector<1x16xf32>,
    %get3A_898 = vector.shape_cast %get3A_897 : vector<1x16xf32> to vector<16xf32>
    %add3A_899 = arith.addf %add3A_893, %get3A_898 : vector<16xf32>
    %get3A_900 = arith.constant 12 : i32
    %get3A_901 = arith.index_cast %get3A_900 : i32 to index
    %get3A_902 = arith.constant 0 : index
    %get3A_903 = tpu.vector_load %arg6[%get3A_901, %get3A_902] {strides = array<i32>} : memref<16x128xf32, #tpu.memory_space<vmem>>, vector<1x16xf32>,
    %get3A_904 = vector.shape_cast %get3A_903 : vector<1x16xf32> to vector<16xf32>
    %add3A_905 = arith.addf %add3A_899, %get3A_904 : vector<16xf32>
    %get3A_906 = arith.constant 12 : i32
    %get3A_907 = arith.index_cast %get3A_906 : i32 to index
    %get3A_908 = arith.constant 16 : index
    %get3A_909 = tpu.vector_load %arg6[%get3A_907, %get3A_908] {strides = array<i32>} : memref<16x128xf32, #tpu.memory_space<vmem>>, vector<1x16xf32>,
    %get3A_910 = vector.shape_cast %get3A_909 : vector<1x16xf32> to vector<16xf32>
    %add3A_911 = arith.addf %add3A_905, %get3A_910 : vector<16xf32>
    %get3A_912 = arith.constant 12 : i32
    %get3A_913 = arith.index_cast %get3A_912 : i32 to index
    %get3A_914 = arith.constant 32 : index
    %get3A_915 = tpu.vector_load %arg6[%get3A_913, %get3A_914] {strides = array<i32>} : memref<16x128xf32, #tpu.memory_space<vmem>>, vector<1x16xf32>,
    %get3A_916 = vector.shape_cast %get3A_915 : vector<1x16xf32> to vector<16xf32>
    %add3A_917 = arith.addf %add3A_911, %get3A_916 : vector<16xf32>
    %get3A_918 = arith.constant 12 : i32
    %get3A_919 = arith.index_cast %get3A_918 : i32 to index
    %get3A_920 = arith.constant 48 : index
    %get3A_921 = tpu.vector_load %arg6[%get3A_919, %get3A_920] {strides = array<i32>} : memref<16x128xf32, #tpu.memory_space<vmem>>, vector<1x16xf32>,
    %get3A_922 = vector.shape_cast %get3A_921 : vector<1x16xf32> to vector<16xf32>
    %add3A_923 = arith.addf %add3A_917, %get3A_922 : vector<16xf32>
    %get3A_924 = arith.constant 12 : i32
    %get3A_925 = arith.index_cast %get3A_924 : i32 to index
    %get3A_926 = arith.constant 64 : index
    %get3A_927 = tpu.vector_load %arg6[%get3A_925, %get3A_926] {strides = array<i32>} : memref<16x128xf32, #tpu.memory_space<vmem>>, vector<1x16xf32>,
    %get3A_928 = vector.shape_cast %get3A_927 : vector<1x16xf32> to vector<16xf32>
    %add3A_929 = arith.addf %add3A_923, %get3A_928 : vector<16xf32>
    %get3A_930 = arith.constant 12 : i32
    %get3A_931 = arith.index_cast %get3A_930 : i32 to index
    %get3A_932 = arith.constant 80 : index
    %get3A_933 = tpu.vector_load %arg6[%get3A_931, %get3A_932] {strides = array<i32>} : memref<16x128xf32, #tpu.memory_space<vmem>>, vector<1x16xf32>,
    %get3A_934 = vector.shape_cast %get3A_933 : vector<1x16xf32> to vector<16xf32>
    %add3A_935 = arith.addf %add3A_929, %get3A_934 : vector<16xf32>
    %get3A_936 = arith.constant 12 : i32
    %get3A_937 = arith.index_cast %get3A_936 : i32 to index
    %get3A_938 = arith.constant 96 : index
    %get3A_939 = tpu.vector_load %arg6[%get3A_937, %get3A_938] {strides = array<i32>} : memref<16x128xf32, #tpu.memory_space<vmem>>, vector<1x16xf32>,
    %get3A_940 = vector.shape_cast %get3A_939 : vector<1x16xf32> to vector<16xf32>
    %add3A_941 = arith.addf %add3A_935, %get3A_940 : vector<16xf32>
    %get3A_942 = arith.constant 12 : i32
    %get3A_943 = arith.index_cast %get3A_942 : i32 to index
    %get3A_944 = arith.constant 112 : index
    %get3A_945 = tpu.vector_load %arg6[%get3A_943, %get3A_944] {strides = array<i32>} : memref<16x128xf32, #tpu.memory_space<vmem>>, vector<1x16xf32>,
    %get3A_946 = vector.shape_cast %get3A_945 : vector<1x16xf32> to vector<16xf32>
    %add3A_947 = arith.addf %add3A_941, %get3A_946 : vector<16xf32>
    %get3A_948 = arith.constant 13 : i32
    %get3A_949 = arith.index_cast %get3A_948 : i32 to index
    %get3A_950 = arith.constant 0 : index
    %get3A_951 = tpu.vector_load %arg6[%get3A_949, %get3A_950] {strides = array<i32>} : memref<16x128xf32, #tpu.memory_space<vmem>>, vector<1x16xf32>,
    %get3A_952 = vector.shape_cast %get3A_951 : vector<1x16xf32> to vector<16xf32>
    %add3A_953 = arith.addf %add3A_947, %get3A_952 : vector<16xf32>
    %get3A_954 = arith.constant 13 : i32
    %get3A_955 = arith.index_cast %get3A_954 : i32 to index
    %get3A_956 = arith.constant 16 : index
    %get3A_957 = tpu.vector_load %arg6[%get3A_955, %get3A_956] {strides = array<i32>} : memref<16x128xf32, #tpu.memory_space<vmem>>, vector<1x16xf32>,
    %get3A_958 = vector.shape_cast %get3A_957 : vector<1x16xf32> to vector<16xf32>
    %add3A_959 = arith.addf %add3A_953, %get3A_958 : vector<16xf32>
    %get3A_960 = arith.constant 13 : i32
    %get3A_961 = arith.index_cast %get3A_960 : i32 to index
    %get3A_962 = arith.constant 32 : index
    %get3A_963 = tpu.vector_load %arg6[%get3A_961, %get3A_962] {strides = array<i32>} : memref<16x128xf32, #tpu.memory_space<vmem>>, vector<1x16xf32>,
    %get3A_964 = vector.shape_cast %get3A_963 : vector<1x16xf32> to vector<16xf32>
    %add3A_965 = arith.addf %add3A_959, %get3A_964 : vector<16xf32>
    %get3A_966 = arith.constant 13 : i32
    %get3A_967 = arith.index_cast %get3A_966 : i32 to index
    %get3A_968 = arith.constant 48 : index
    %get3A_969 = tpu.vector_load %arg6[%get3A_967, %get3A_968] {strides = array<i32>} : memref<16x128xf32, #tpu.memory_space<vmem>>, vector<1x16xf32>,
    %get3A_970 = vector.shape_cast %get3A_969 : vector<1x16xf32> to vector<16xf32>
    %add3A_971 = arith.addf %add3A_965, %get3A_970 : vector<16xf32>
    %get3A_972 = arith.constant 13 : i32
    %get3A_973 = arith.index_cast %get3A_972 : i32 to index
    %get3A_974 = arith.constant 64 : index
    %get3A_975 = tpu.vector_load %arg6[%get3A_973, %get3A_974] {strides = array<i32>} : memref<16x128xf32, #tpu.memory_space<vmem>>, vector<1x16xf32>,
    %get3A_976 = vector.shape_cast %get3A_975 : vector<1x16xf32> to vector<16xf32>
    %add3A_977 = arith.addf %add3A_971, %get3A_976 : vector<16xf32>
    %get3A_978 = arith.constant 13 : i32
    %get3A_979 = arith.index_cast %get3A_978 : i32 to index
    %get3A_980 = arith.constant 80 : index
    %get3A_981 = tpu.vector_load %arg6[%get3A_979, %get3A_980] {strides = array<i32>} : memref<16x128xf32, #tpu.memory_space<vmem>>, vector<1x16xf32>,
    %get3A_982 = vector.shape_cast %get3A_981 : vector<1x16xf32> to vector<16xf32>
    %add3A_983 = arith.addf %add3A_977, %get3A_982 : vector<16xf32>
    %get3A_984 = arith.constant 13 : i32
    %get3A_985 = arith.index_cast %get3A_984 : i32 to index
    %get3A_986 = arith.constant 96 : index
    %get3A_987 = tpu.vector_load %arg6[%get3A_985, %get3A_986] {strides = array<i32>} : memref<16x128xf32, #tpu.memory_space<vmem>>, vector<1x16xf32>,
    %get3A_988 = vector.shape_cast %get3A_987 : vector<1x16xf32> to vector<16xf32>
    %add3A_989 = arith.addf %add3A_983, %get3A_988 : vector<16xf32>
    %get3A_990 = arith.constant 13 : i32
    %get3A_991 = arith.index_cast %get3A_990 : i32 to index
    %get3A_992 = arith.constant 112 : index
    %get3A_993 = tpu.vector_load %arg6[%get3A_991, %get3A_992] {strides = array<i32>} : memref<16x128xf32, #tpu.memory_space<vmem>>, vector<1x16xf32>,
    %get3A_994 = vector.shape_cast %get3A_993 : vector<1x16xf32> to vector<16xf32>
    %add3A_995 = arith.addf %add3A_989, %get3A_994 : vector<16xf32>
    %get3A_996 = arith.constant 14 : i32
    %get3A_997 = arith.index_cast %get3A_996 : i32 to index
    %get3A_998 = arith.constant 0 : index
    %get3A_999 = tpu.vector_load %arg6[%get3A_997, %get3A_998] {strides = array<i32>} : memref<16x128xf32, #tpu.memory_space<vmem>>, vector<1x16xf32>,
    %get3A_1000 = vector.shape_cast %get3A_999 : vector<1x16xf32> to vector<16xf32>
    %add3A_1001 = arith.addf %add3A_995, %get3A_1000 : vector<16xf32>
    %get3A_1002 = arith.constant 14 : i32
    %get3A_1003 = arith.index_cast %get3A_1002 : i32 to index
    %get3A_1004 = arith.constant 16 : index
    %get3A_1005 = tpu.vector_load %arg6[%get3A_1003, %get3A_1004] {strides = array<i32>} : memref<16x128xf32, #tpu.memory_space<vmem>>, vector<1x16xf32>,
    %get3A_1006 = vector.shape_cast %get3A_1005 : vector<1x16xf32> to vector<16xf32>
    %add3A_1007 = arith.addf %add3A_1001, %get3A_1006 : vector<16xf32>
    %get3A_1008 = arith.constant 14 : i32
    %get3A_1009 = arith.index_cast %get3A_1008 : i32 to index
    %get3A_1010 = arith.constant 32 : index
    %get3A_1011 = tpu.vector_load %arg6[%get3A_1009, %get3A_1010] {strides = array<i32>} : memref<16x128xf32, #tpu.memory_space<vmem>>, vector<1x16xf32>,
    %get3A_1012 = vector.shape_cast %get3A_1011 : vector<1x16xf32> to vector<16xf32>
    %add3A_1013 = arith.addf %add3A_1007, %get3A_1012 : vector<16xf32>
    %get3A_1014 = arith.constant 14 : i32
    %get3A_1015 = arith.index_cast %get3A_1014 : i32 to index
    %get3A_1016 = arith.constant 48 : index
    %get3A_1017 = tpu.vector_load %arg6[%get3A_1015, %get3A_1016] {strides = array<i32>} : memref<16x128xf32, #tpu.memory_space<vmem>>, vector<1x16xf32>,
    %get3A_1018 = vector.shape_cast %get3A_1017 : vector<1x16xf32> to vector<16xf32>
    %add3A_1019 = arith.addf %add3A_1013, %get3A_1018 : vector<16xf32>
    %get3A_1020 = arith.constant 14 : i32
    %get3A_1021 = arith.index_cast %get3A_1020 : i32 to index
    %get3A_1022 = arith.constant 64 : index
    %get3A_1023 = tpu.vector_load %arg6[%get3A_1021, %get3A_1022] {strides = array<i32>} : memref<16x128xf32, #tpu.memory_space<vmem>>, vector<1x16xf32>,
    %get3A_1024 = vector.shape_cast %get3A_1023 : vector<1x16xf32> to vector<16xf32>
    %add3A_1025 = arith.addf %add3A_1019, %get3A_1024 : vector<16xf32>
    %get3A_1026 = arith.constant 14 : i32
    %get3A_1027 = arith.index_cast %get3A_1026 : i32 to index
    %get3A_1028 = arith.constant 80 : index
    %get3A_1029 = tpu.vector_load %arg6[%get3A_1027, %get3A_1028] {strides = array<i32>} : memref<16x128xf32, #tpu.memory_space<vmem>>, vector<1x16xf32>,
    %get3A_1030 = vector.shape_cast %get3A_1029 : vector<1x16xf32> to vector<16xf32>
    %add3A_1031 = arith.addf %add3A_1025, %get3A_1030 : vector<16xf32>
    %get3A_1032 = arith.constant 14 : i32
    %get3A_1033 = arith.index_cast %get3A_1032 : i32 to index
    %get3A_1034 = arith.constant 96 : index
    %get3A_1035 = tpu.vector_load %arg6[%get3A_1033, %get3A_1034] {strides = array<i32>} : memref<16x128xf32, #tpu.memory_space<vmem>>, vector<1x16xf32>,
    %get3A_1036 = vector.shape_cast %get3A_1035 : vector<1x16xf32> to vector<16xf32>
    %add3A_1037 = arith.addf %add3A_1031, %get3A_1036 : vector<16xf32>
    %get3A_1038 = arith.constant 14 : i32
    %get3A_1039 = arith.index_cast %get3A_1038 : i32 to index
    %get3A_1040 = arith.constant 112 : index
    %get3A_1041 = tpu.vector_load %arg6[%get3A_1039, %get3A_1040] {strides = array<i32>} : memref<16x128xf32, #tpu.memory_space<vmem>>, vector<1x16xf32>,
    %get3A_1042 = vector.shape_cast %get3A_1041 : vector<1x16xf32> to vector<16xf32>
    %add3A_1043 = arith.addf %add3A_1037, %get3A_1042 : vector<16xf32>
    %get3A_1044 = arith.constant 15 : i32
    %get3A_1045 = arith.index_cast %get3A_1044 : i32 to index
    %get3A_1046 = arith.constant 0 : index
    %get3A_1047 = tpu.vector_load %arg6[%get3A_1045, %get3A_1046] {strides = array<i32>} : memref<16x128xf32, #tpu.memory_space<vmem>>, vector<1x16xf32>,
    %get3A_1048 = vector.shape_cast %get3A_1047 : vector<1x16xf32> to vector<16xf32>
    %add3A_1049 = arith.addf %add3A_1043, %get3A_1048 : vector<16xf32>
    %get3A_1050 = arith.constant 15 : i32
    %get3A_1051 = arith.index_cast %get3A_1050 : i32 to index
    %get3A_1052 = arith.constant 16 : index
    %get3A_1053 = tpu.vector_load %arg6[%get3A_1051, %get3A_1052] {strides = array<i32>} : memref<16x128xf32, #tpu.memory_space<vmem>>, vector<1x16xf32>,
    %get3A_1054 = vector.shape_cast %get3A_1053 : vector<1x16xf32> to vector<16xf32>
    %add3A_1055 = arith.addf %add3A_1049, %get3A_1054 : vector<16xf32>
    %get3A_1056 = arith.constant 15 : i32
    %get3A_1057 = arith.index_cast %get3A_1056 : i32 to index
    %get3A_1058 = arith.constant 32 : index
    %get3A_1059 = tpu.vector_load %arg6[%get3A_1057, %get3A_1058] {strides = array<i32>} : memref<16x128xf32, #tpu.memory_space<vmem>>, vector<1x16xf32>,
    %get3A_1060 = vector.shape_cast %get3A_1059 : vector<1x16xf32> to vector<16xf32>
    %add3A_1061 = arith.addf %add3A_1055, %get3A_1060 : vector<16xf32>
    %get3A_1062 = arith.constant 15 : i32
    %get3A_1063 = arith.index_cast %get3A_1062 : i32 to index
    %get3A_1064 = arith.constant 48 : index
    %get3A_1065 = tpu.vector_load %arg6[%get3A_1063, %get3A_1064] {strides = array<i32>} : memref<16x128xf32, #tpu.memory_space<vmem>>, vector<1x16xf32>,
    %get3A_1066 = vector.shape_cast %get3A_1065 : vector<1x16xf32> to vector<16xf32>
    %add3A_1067 = arith.addf %add3A_1061, %get3A_1066 : vector<16xf32>
    %get3A_1068 = arith.constant 15 : i32
    %get3A_1069 = arith.index_cast %get3A_1068 : i32 to index
    %get3A_1070 = arith.constant 64 : index
    %get3A_1071 = tpu.vector_load %arg6[%get3A_1069, %get3A_1070] {strides = array<i32>} : memref<16x128xf32, #tpu.memory_space<vmem>>, vector<1x16xf32>,
    %get3A_1072 = vector.shape_cast %get3A_1071 : vector<1x16xf32> to vector<16xf32>
    %add3A_1073 = arith.addf %add3A_1067, %get3A_1072 : vector<16xf32>
    %get3A_1074 = arith.constant 15 : i32
    %get3A_1075 = arith.index_cast %get3A_1074 : i32 to index
    %get3A_1076 = arith.constant 80 : index
    %get3A_1077 = tpu.vector_load %arg6[%get3A_1075, %get3A_1076] {strides = array<i32>} : memref<16x128xf32, #tpu.memory_space<vmem>>, vector<1x16xf32>,
    %get3A_1078 = vector.shape_cast %get3A_1077 : vector<1x16xf32> to vector<16xf32>
    %add3A_1079 = arith.addf %add3A_1073, %get3A_1078 : vector<16xf32>
    %get3A_1080 = arith.constant 15 : i32
    %get3A_1081 = arith.index_cast %get3A_1080 : i32 to index
    %get3A_1082 = arith.constant 96 : index
    %get3A_1083 = tpu.vector_load %arg6[%get3A_1081, %get3A_1082] {strides = array<i32>} : memref<16x128xf32, #tpu.memory_space<vmem>>, vector<1x16xf32>,
    %get3A_1084 = vector.shape_cast %get3A_1083 : vector<1x16xf32> to vector<16xf32>
    %add3A_1085 = arith.addf %add3A_1079, %get3A_1084 : vector<16xf32>
    %get3A_1086 = arith.constant 15 : i32
    %get3A_1087 = arith.index_cast %get3A_1086 : i32 to index
    %get3A_1088 = arith.constant 112 : index
    %get3A_1089 = tpu.vector_load %arg6[%get3A_1087, %get3A_1088] {strides = array<i32>} : memref<16x128xf32, #tpu.memory_space<vmem>>, vector<1x16xf32>,
    %get3A_1090 = vector.shape_cast %get3A_1089 : vector<1x16xf32> to vector<16xf32>
    %add3A_1091 = arith.addf %add3A_1085, %get3A_1090 : vector<16xf32>
    %swap3A_1092 = arith.constant 16 : index
    %swap3A_1093 = tpu.vector_load %arg7[%swap3A_1092] {strides = array<i32>} : memref<32xf32, #tpu.memory_space<vmem>>, vector<16xf32>,
    %swap3A_1094 = vector.shape_cast %swap3A_1093 : vector<16xf32> to vector<16xf32>
    %swap3A_1095 = vector.shape_cast %add3A_1091 : vector<16xf32> to vector<16xf32>
    tpu.vector_store %arg7[%swap3A_1092], %swap3A_1095 {strides = array<i32>} : memref<32xf32, #tpu.memory_space<vmem>>, vector<16xf32>,
    %mul3A_1096 = arith.constant 32 : i32
    %mul3A_1097 = arith.muli %add3A, %mul3A_1096 : i32
    "tpu.region"() ({
      %run_scoped3A = tpu.sem_alloc : memref<!tpu.dma_semaphore, #tpu.memory_space<semaphore_mem>>
      %dma_start3A_1098 = tpu.memref_slice %arg4[%mul3A_1097] : memref<1024xf32, #tpu.memory_space<hbm>> -> memref<32xf32, #tpu.memory_space<hbm>>
      %dma_start3A_1099 = tpu.memref_slice %arg4[%mul3A_1097] : memref<1024xf32, #tpu.memory_space<hbm>> -> memref<32xf32, #tpu.memory_space<hbm>>
      tpu.enqueue_dma source(%arg7 : memref<32xf32, #tpu.memory_space<vmem>>) target(%dma_start3A_1099 : memref<32xf32, #tpu.memory_space<hbm>>) target_semaphore(%run_scoped3A : memref<!tpu.dma_semaphore, #tpu.memory_space<semaphore_mem>>)
      %dma_wait3A_1100 = tpu.memref_slice %arg4[%mul3A_1097] : memref<1024xf32, #tpu.memory_space<hbm>> -> memref<32xf32, #tpu.memory_space<hbm>>
      %dma_wait3A_1101 = tpu.memref_slice %arg4[%mul3A_1097] : memref<1024xf32, #tpu.memory_space<hbm>> -> memref<32xf32, #tpu.memory_space<hbm>>
      tpu.wait_dma2 semaphore(%run_scoped3A : memref<!tpu.dma_semaphore, #tpu.memory_space<semaphore_mem>>) src(%arg7 : memref<32xf32, #tpu.memory_space<vmem>>) dst(%dma_wait3A_1101 : memref<32xf32, #tpu.memory_space<hbm>>)
      tpu.yield
    }) : () -> ()
    return
  }
}

#map = affine_map<(d0, d1) -> (0, 0)>
#map1 = affine_map<(d0, d1) -> (0, 0, 0)>
module attributes {stable_mosaic.version = 14 : i64} {
  func.func @scatter_kernel(%arg0: i32, %arg1: i32, %arg2: memref<65536x384xf32, #tpu.memory_space<hbm>>, %arg3: memref<32x16x128xi32, #tpu.memory_space<hbm>>, %arg4: memref<73728x384xf32, #tpu.memory_space<hbm>>, %arg5: memref<16x128xi32, #tpu.memory_space<vmem>>, %arg6: memref<128x384xf32, #tpu.memory_space<vmem>>, %arg7: memref<128x384xf32, #tpu.memory_space<vmem>>, %arg8: memref<!tpu.dma_semaphore, #tpu.memory_space<semaphore_mem>>, %arg9: memref<!tpu.dma_semaphore, #tpu.memory_space<semaphore_mem>>) attributes {dimension_semantics = [#tpu.dimension_semantics<core_parallel>, #tpu.dimension_semantics<subcore_parallel>], iteration_bounds = array<i64: 2, 16>, scalar_prefetch = 0 : i64, scratch_operands = 5 : i64, tpu.core_type = #tpu.core_type<sc_vector_subcore>, window_params = [{transform_indices = #map}, {transform_indices = #map1}, {transform_indices = #map}]} {
    %mul3A = arith.constant 2 : i32
    %mul3A_0 = arith.muli %arg1, %mul3A : i32
    %add3A = arith.addi %mul3A_0, %arg0 : i32
    %mul3A_1 = arith.constant 2048 : i32
    %mul3A_2 = arith.muli %add3A, %mul3A_1 : i32
    %add3A_3 = arith.constant 0 : i32
    %add3A_4 = arith.addi %add3A_3, %mul3A_2 : i32
    "tpu.region"() ({
      %run_scoped3A = tpu.sem_alloc : memref<!tpu.dma_semaphore, #tpu.memory_space<semaphore_mem>>
      %dma_start3A_385 = arith.constant 0 : i32
      %dma_start3A_386 = arith.constant 0 : i32
      %dma_start3A_387 = tpu.memref_slice %arg3[%add3A, %dma_start3A_385, %dma_start3A_386] : memref<32x16x128xi32, #tpu.memory_space<hbm>> -> memref<1x16x128xi32, #tpu.memory_space<hbm>>
      %dma_start3A_388 = tpu.memref_squeeze %dma_start3A_387 : memref<1x16x128xi32, #tpu.memory_space<hbm>> -> memref<16x128xi32, #tpu.memory_space<hbm>>
      %dma_start3A_389 = arith.constant 0 : i32
      %dma_start3A_390 = arith.constant 0 : i32
      %dma_start3A_391 = tpu.memref_slice %arg3[%add3A, %dma_start3A_389, %dma_start3A_390] : memref<32x16x128xi32, #tpu.memory_space<hbm>> -> memref<1x16x128xi32, #tpu.memory_space<hbm>>
      %dma_start3A_392 = tpu.memref_squeeze %dma_start3A_391 : memref<1x16x128xi32, #tpu.memory_space<hbm>> -> memref<16x128xi32, #tpu.memory_space<hbm>>
      tpu.enqueue_dma source(%dma_start3A_392 : memref<16x128xi32, #tpu.memory_space<hbm>>) target(%arg5 : memref<16x128xi32, #tpu.memory_space<vmem>>) target_semaphore(%run_scoped3A : memref<!tpu.dma_semaphore, #tpu.memory_space<semaphore_mem>>)
      %dma_wait3A_393 = arith.constant 0 : i32
      %dma_wait3A_394 = arith.constant 0 : i32
      %dma_wait3A_395 = tpu.memref_slice %arg3[%add3A, %dma_wait3A_393, %dma_wait3A_394] : memref<32x16x128xi32, #tpu.memory_space<hbm>> -> memref<1x16x128xi32, #tpu.memory_space<hbm>>
      %dma_wait3A_396 = tpu.memref_squeeze %dma_wait3A_395 : memref<1x16x128xi32, #tpu.memory_space<hbm>> -> memref<16x128xi32, #tpu.memory_space<hbm>>
      %dma_wait3A_397 = arith.constant 0 : i32
      %dma_wait3A_398 = arith.constant 0 : i32
      %dma_wait3A_399 = tpu.memref_slice %arg3[%add3A, %dma_wait3A_397, %dma_wait3A_398] : memref<32x16x128xi32, #tpu.memory_space<hbm>> -> memref<1x16x128xi32, #tpu.memory_space<hbm>>
      %dma_wait3A_400 = tpu.memref_squeeze %dma_wait3A_399 : memref<1x16x128xi32, #tpu.memory_space<hbm>> -> memref<16x128xi32, #tpu.memory_space<hbm>>
      tpu.wait_dma2 semaphore(%run_scoped3A : memref<!tpu.dma_semaphore, #tpu.memory_space<semaphore_mem>>) src(%dma_wait3A_400 : memref<16x128xi32, #tpu.memory_space<hbm>>) dst(%arg5 : memref<16x128xi32, #tpu.memory_space<vmem>>)
      tpu.yield
    }) : () -> ()
    %dma_start3A = arith.constant 0 : i32
    %dma_start3A_5 = tpu.memref_slice %arg2[%add3A_4, %dma_start3A] : memref<65536x384xf32, #tpu.memory_space<hbm>> -> memref<128x384xf32, #tpu.memory_space<hbm>>
    %dma_start3A_6 = arith.constant 0 : i32
    %dma_start3A_7 = tpu.memref_slice %arg2[%add3A_4, %dma_start3A_6] : memref<65536x384xf32, #tpu.memory_space<hbm>> -> memref<128x384xf32, #tpu.memory_space<hbm>>
    tpu.enqueue_dma source(%dma_start3A_7 : memref<128x384xf32, #tpu.memory_space<hbm>>) target(%arg6 : memref<128x384xf32, #tpu.memory_space<vmem>>) target_semaphore(%arg8 : memref<!tpu.dma_semaphore, #tpu.memory_space<semaphore_mem>>)
    %add3A_8 = arith.constant 128 : i32
    %add3A_9 = arith.addi %add3A_4, %add3A_8 : i32
    %dma_start3A_10 = arith.constant 0 : i32
    %dma_start3A_11 = tpu.memref_slice %arg2[%add3A_9, %dma_start3A_10] : memref<65536x384xf32, #tpu.memory_space<hbm>> -> memref<128x384xf32, #tpu.memory_space<hbm>>
    %dma_start3A_12 = arith.constant 0 : i32
    %dma_start3A_13 = tpu.memref_slice %arg2[%add3A_9, %dma_start3A_12] : memref<65536x384xf32, #tpu.memory_space<hbm>> -> memref<128x384xf32, #tpu.memory_space<hbm>>
    tpu.enqueue_dma source(%dma_start3A_13 : memref<128x384xf32, #tpu.memory_space<hbm>>) target(%arg7 : memref<128x384xf32, #tpu.memory_space<vmem>>) target_semaphore(%arg8 : memref<!tpu.dma_semaphore, #tpu.memory_space<semaphore_mem>>)
    %dma_wait3A = arith.constant 0 : i32
    %dma_wait3A_14 = tpu.memref_slice %arg2[%add3A_4, %dma_wait3A] : memref<65536x384xf32, #tpu.memory_space<hbm>> -> memref<128x384xf32, #tpu.memory_space<hbm>>
    %dma_wait3A_15 = arith.constant 0 : i32
    %dma_wait3A_16 = tpu.memref_slice %arg2[%add3A_4, %dma_wait3A_15] : memref<65536x384xf32, #tpu.memory_space<hbm>> -> memref<128x384xf32, #tpu.memory_space<hbm>>
    tpu.wait_dma2 semaphore(%arg8 : memref<!tpu.dma_semaphore, #tpu.memory_space<semaphore_mem>>) src(%dma_wait3A_16 : memref<128x384xf32, #tpu.memory_space<hbm>>) dst(%arg6 : memref<128x384xf32, #tpu.memory_space<vmem>>)
    %dma_start3A_17 = arith.constant 0 : i32
    %dma_start3A_18 = arith.constant 0 : i32
    %dma_start3A_19 = tpu.memref_slice %arg5[%dma_start3A_17, %dma_start3A_18] : memref<16x128xi32, #tpu.memory_space<vmem>> -> memref<1x128xi32, #tpu.memory_space<vmem>>
    %dma_start3A_20 = tpu.memref_squeeze %dma_start3A_19 : memref<1x128xi32, #tpu.memory_space<vmem>> -> memref<128xi32, #tpu.memory_space<vmem>>
    %dma_start3A_21 = arith.constant 0 : i32
    %dma_start3A_22 = arith.constant 0 : i32
    %dma_start3A_23 = tpu.memref_slice %arg4[%dma_start3A_21, %dma_start3A_22] : memref<73728x384xf32, #tpu.memory_space<hbm>> -> memref<73728x384xf32, #tpu.memory_space<hbm>>
    tpu.enqueue_indirect_dma source(%arg6 : memref<128x384xf32, #tpu.memory_space<vmem>>) target(%dma_start3A_23 : memref<73728x384xf32, #tpu.memory_space<hbm>>) offsets(%dma_start3A_20 : memref<128xi32, #tpu.memory_space<vmem>>) semaphore(%arg9 : memref<!tpu.dma_semaphore, #tpu.memory_space<semaphore_mem>>)
    %dma_wait3A_24 = arith.constant 0 : i32
    %dma_wait3A_25 = arith.constant 0 : i32
    %dma_wait3A_26 = tpu.memref_slice %arg5[%dma_wait3A_24, %dma_wait3A_25] : memref<16x128xi32, #tpu.memory_space<vmem>> -> memref<1x128xi32, #tpu.memory_space<vmem>>
    %dma_wait3A_27 = tpu.memref_squeeze %dma_wait3A_26 : memref<1x128xi32, #tpu.memory_space<vmem>> -> memref<128xi32, #tpu.memory_space<vmem>>
    %dma_wait3A_28 = arith.constant 0 : i32
    %dma_wait3A_29 = arith.constant 0 : i32
    %dma_wait3A_30 = tpu.memref_slice %arg4[%dma_wait3A_28, %dma_wait3A_29] : memref<73728x384xf32, #tpu.memory_space<hbm>> -> memref<73728x384xf32, #tpu.memory_space<hbm>>
    tpu.wait_indirect_dma semaphore(%arg9 : memref<!tpu.dma_semaphore, #tpu.memory_space<semaphore_mem>>) src(%arg6 : memref<128x384xf32, #tpu.memory_space<vmem>>) dst(%dma_wait3A_30 : memref<73728x384xf32, #tpu.memory_space<hbm>>)
    %add3A_31 = arith.constant 256 : i32
    %add3A_32 = arith.addi %add3A_4, %add3A_31 : i32
    %dma_start3A_33 = arith.constant 0 : i32
    %dma_start3A_34 = tpu.memref_slice %arg2[%add3A_32, %dma_start3A_33] : memref<65536x384xf32, #tpu.memory_space<hbm>> -> memref<128x384xf32, #tpu.memory_space<hbm>>
    %dma_start3A_35 = arith.constant 0 : i32
    %dma_start3A_36 = tpu.memref_slice %arg2[%add3A_32, %dma_start3A_35] : memref<65536x384xf32, #tpu.memory_space<hbm>> -> memref<128x384xf32, #tpu.memory_space<hbm>>
    tpu.enqueue_dma source(%dma_start3A_36 : memref<128x384xf32, #tpu.memory_space<hbm>>) target(%arg6 : memref<128x384xf32, #tpu.memory_space<vmem>>) target_semaphore(%arg8 : memref<!tpu.dma_semaphore, #tpu.memory_space<semaphore_mem>>)
    %dma_wait3A_37 = arith.constant 0 : i32
    %dma_wait3A_38 = tpu.memref_slice %arg2[%add3A_9, %dma_wait3A_37] : memref<65536x384xf32, #tpu.memory_space<hbm>> -> memref<128x384xf32, #tpu.memory_space<hbm>>
    %dma_wait3A_39 = arith.constant 0 : i32
    %dma_wait3A_40 = tpu.memref_slice %arg2[%add3A_9, %dma_wait3A_39] : memref<65536x384xf32, #tpu.memory_space<hbm>> -> memref<128x384xf32, #tpu.memory_space<hbm>>
    tpu.wait_dma2 semaphore(%arg8 : memref<!tpu.dma_semaphore, #tpu.memory_space<semaphore_mem>>) src(%dma_wait3A_40 : memref<128x384xf32, #tpu.memory_space<hbm>>) dst(%arg7 : memref<128x384xf32, #tpu.memory_space<vmem>>)
    %dma_start3A_41 = arith.constant 1 : i32
    %dma_start3A_42 = arith.constant 0 : i32
    %dma_start3A_43 = tpu.memref_slice %arg5[%dma_start3A_41, %dma_start3A_42] : memref<16x128xi32, #tpu.memory_space<vmem>> -> memref<1x128xi32, #tpu.memory_space<vmem>>
    %dma_start3A_44 = tpu.memref_squeeze %dma_start3A_43 : memref<1x128xi32, #tpu.memory_space<vmem>> -> memref<128xi32, #tpu.memory_space<vmem>>
    %dma_start3A_45 = arith.constant 0 : i32
    %dma_start3A_46 = arith.constant 0 : i32
    %dma_start3A_47 = tpu.memref_slice %arg4[%dma_start3A_45, %dma_start3A_46] : memref<73728x384xf32, #tpu.memory_space<hbm>> -> memref<73728x384xf32, #tpu.memory_space<hbm>>
    tpu.enqueue_indirect_dma source(%arg7 : memref<128x384xf32, #tpu.memory_space<vmem>>) target(%dma_start3A_47 : memref<73728x384xf32, #tpu.memory_space<hbm>>) offsets(%dma_start3A_44 : memref<128xi32, #tpu.memory_space<vmem>>) semaphore(%arg9 : memref<!tpu.dma_semaphore, #tpu.memory_space<semaphore_mem>>)
    %dma_wait3A_48 = arith.constant 1 : i32
    %dma_wait3A_49 = arith.constant 0 : i32
    %dma_wait3A_50 = tpu.memref_slice %arg5[%dma_wait3A_48, %dma_wait3A_49] : memref<16x128xi32, #tpu.memory_space<vmem>> -> memref<1x128xi32, #tpu.memory_space<vmem>>
    %dma_wait3A_51 = tpu.memref_squeeze %dma_wait3A_50 : memref<1x128xi32, #tpu.memory_space<vmem>> -> memref<128xi32, #tpu.memory_space<vmem>>
    %dma_wait3A_52 = arith.constant 0 : i32
    %dma_wait3A_53 = arith.constant 0 : i32
    %dma_wait3A_54 = tpu.memref_slice %arg4[%dma_wait3A_52, %dma_wait3A_53] : memref<73728x384xf32, #tpu.memory_space<hbm>> -> memref<73728x384xf32, #tpu.memory_space<hbm>>
    tpu.wait_indirect_dma semaphore(%arg9 : memref<!tpu.dma_semaphore, #tpu.memory_space<semaphore_mem>>) src(%arg7 : memref<128x384xf32, #tpu.memory_space<vmem>>) dst(%dma_wait3A_54 : memref<73728x384xf32, #tpu.memory_space<hbm>>)
    %add3A_55 = arith.constant 384 : i32
    %add3A_56 = arith.addi %add3A_4, %add3A_55 : i32
    %dma_start3A_57 = arith.constant 0 : i32
    %dma_start3A_58 = tpu.memref_slice %arg2[%add3A_56, %dma_start3A_57] : memref<65536x384xf32, #tpu.memory_space<hbm>> -> memref<128x384xf32, #tpu.memory_space<hbm>>
    %dma_start3A_59 = arith.constant 0 : i32
    %dma_start3A_60 = tpu.memref_slice %arg2[%add3A_56, %dma_start3A_59] : memref<65536x384xf32, #tpu.memory_space<hbm>> -> memref<128x384xf32, #tpu.memory_space<hbm>>
    tpu.enqueue_dma source(%dma_start3A_60 : memref<128x384xf32, #tpu.memory_space<hbm>>) target(%arg7 : memref<128x384xf32, #tpu.memory_space<vmem>>) target_semaphore(%arg8 : memref<!tpu.dma_semaphore, #tpu.memory_space<semaphore_mem>>)
    %dma_wait3A_61 = arith.constant 0 : i32
    %dma_wait3A_62 = tpu.memref_slice %arg2[%add3A_32, %dma_wait3A_61] : memref<65536x384xf32, #tpu.memory_space<hbm>> -> memref<128x384xf32, #tpu.memory_space<hbm>>
    %dma_wait3A_63 = arith.constant 0 : i32
    %dma_wait3A_64 = tpu.memref_slice %arg2[%add3A_32, %dma_wait3A_63] : memref<65536x384xf32, #tpu.memory_space<hbm>> -> memref<128x384xf32, #tpu.memory_space<hbm>>
    tpu.wait_dma2 semaphore(%arg8 : memref<!tpu.dma_semaphore, #tpu.memory_space<semaphore_mem>>) src(%dma_wait3A_64 : memref<128x384xf32, #tpu.memory_space<hbm>>) dst(%arg6 : memref<128x384xf32, #tpu.memory_space<vmem>>)
    %dma_start3A_65 = arith.constant 2 : i32
    %dma_start3A_66 = arith.constant 0 : i32
    %dma_start3A_67 = tpu.memref_slice %arg5[%dma_start3A_65, %dma_start3A_66] : memref<16x128xi32, #tpu.memory_space<vmem>> -> memref<1x128xi32, #tpu.memory_space<vmem>>
    %dma_start3A_68 = tpu.memref_squeeze %dma_start3A_67 : memref<1x128xi32, #tpu.memory_space<vmem>> -> memref<128xi32, #tpu.memory_space<vmem>>
    %dma_start3A_69 = arith.constant 0 : i32
    %dma_start3A_70 = arith.constant 0 : i32
    %dma_start3A_71 = tpu.memref_slice %arg4[%dma_start3A_69, %dma_start3A_70] : memref<73728x384xf32, #tpu.memory_space<hbm>> -> memref<73728x384xf32, #tpu.memory_space<hbm>>
    tpu.enqueue_indirect_dma source(%arg6 : memref<128x384xf32, #tpu.memory_space<vmem>>) target(%dma_start3A_71 : memref<73728x384xf32, #tpu.memory_space<hbm>>) offsets(%dma_start3A_68 : memref<128xi32, #tpu.memory_space<vmem>>) semaphore(%arg9 : memref<!tpu.dma_semaphore, #tpu.memory_space<semaphore_mem>>)
    %dma_wait3A_72 = arith.constant 2 : i32
    %dma_wait3A_73 = arith.constant 0 : i32
    %dma_wait3A_74 = tpu.memref_slice %arg5[%dma_wait3A_72, %dma_wait3A_73] : memref<16x128xi32, #tpu.memory_space<vmem>> -> memref<1x128xi32, #tpu.memory_space<vmem>>
    %dma_wait3A_75 = tpu.memref_squeeze %dma_wait3A_74 : memref<1x128xi32, #tpu.memory_space<vmem>> -> memref<128xi32, #tpu.memory_space<vmem>>
    %dma_wait3A_76 = arith.constant 0 : i32
    %dma_wait3A_77 = arith.constant 0 : i32
    %dma_wait3A_78 = tpu.memref_slice %arg4[%dma_wait3A_76, %dma_wait3A_77] : memref<73728x384xf32, #tpu.memory_space<hbm>> -> memref<73728x384xf32, #tpu.memory_space<hbm>>
    tpu.wait_indirect_dma semaphore(%arg9 : memref<!tpu.dma_semaphore, #tpu.memory_space<semaphore_mem>>) src(%arg6 : memref<128x384xf32, #tpu.memory_space<vmem>>) dst(%dma_wait3A_78 : memref<73728x384xf32, #tpu.memory_space<hbm>>)
    %add3A_79 = arith.constant 512 : i32
    %add3A_80 = arith.addi %add3A_4, %add3A_79 : i32
    %dma_start3A_81 = arith.constant 0 : i32
    %dma_start3A_82 = tpu.memref_slice %arg2[%add3A_80, %dma_start3A_81] : memref<65536x384xf32, #tpu.memory_space<hbm>> -> memref<128x384xf32, #tpu.memory_space<hbm>>
    %dma_start3A_83 = arith.constant 0 : i32
    %dma_start3A_84 = tpu.memref_slice %arg2[%add3A_80, %dma_start3A_83] : memref<65536x384xf32, #tpu.memory_space<hbm>> -> memref<128x384xf32, #tpu.memory_space<hbm>>
    tpu.enqueue_dma source(%dma_start3A_84 : memref<128x384xf32, #tpu.memory_space<hbm>>) target(%arg6 : memref<128x384xf32, #tpu.memory_space<vmem>>) target_semaphore(%arg8 : memref<!tpu.dma_semaphore, #tpu.memory_space<semaphore_mem>>)
    %dma_wait3A_85 = arith.constant 0 : i32
    %dma_wait3A_86 = tpu.memref_slice %arg2[%add3A_56, %dma_wait3A_85] : memref<65536x384xf32, #tpu.memory_space<hbm>> -> memref<128x384xf32, #tpu.memory_space<hbm>>
    %dma_wait3A_87 = arith.constant 0 : i32
    %dma_wait3A_88 = tpu.memref_slice %arg2[%add3A_56, %dma_wait3A_87] : memref<65536x384xf32, #tpu.memory_space<hbm>> -> memref<128x384xf32, #tpu.memory_space<hbm>>
    tpu.wait_dma2 semaphore(%arg8 : memref<!tpu.dma_semaphore, #tpu.memory_space<semaphore_mem>>) src(%dma_wait3A_88 : memref<128x384xf32, #tpu.memory_space<hbm>>) dst(%arg7 : memref<128x384xf32, #tpu.memory_space<vmem>>)
    %dma_start3A_89 = arith.constant 3 : i32
    %dma_start3A_90 = arith.constant 0 : i32
    %dma_start3A_91 = tpu.memref_slice %arg5[%dma_start3A_89, %dma_start3A_90] : memref<16x128xi32, #tpu.memory_space<vmem>> -> memref<1x128xi32, #tpu.memory_space<vmem>>
    %dma_start3A_92 = tpu.memref_squeeze %dma_start3A_91 : memref<1x128xi32, #tpu.memory_space<vmem>> -> memref<128xi32, #tpu.memory_space<vmem>>
    %dma_start3A_93 = arith.constant 0 : i32
    %dma_start3A_94 = arith.constant 0 : i32
    %dma_start3A_95 = tpu.memref_slice %arg4[%dma_start3A_93, %dma_start3A_94] : memref<73728x384xf32, #tpu.memory_space<hbm>> -> memref<73728x384xf32, #tpu.memory_space<hbm>>
    tpu.enqueue_indirect_dma source(%arg7 : memref<128x384xf32, #tpu.memory_space<vmem>>) target(%dma_start3A_95 : memref<73728x384xf32, #tpu.memory_space<hbm>>) offsets(%dma_start3A_92 : memref<128xi32, #tpu.memory_space<vmem>>) semaphore(%arg9 : memref<!tpu.dma_semaphore, #tpu.memory_space<semaphore_mem>>)
    %dma_wait3A_96 = arith.constant 3 : i32
    %dma_wait3A_97 = arith.constant 0 : i32
    %dma_wait3A_98 = tpu.memref_slice %arg5[%dma_wait3A_96, %dma_wait3A_97] : memref<16x128xi32, #tpu.memory_space<vmem>> -> memref<1x128xi32, #tpu.memory_space<vmem>>
    %dma_wait3A_99 = tpu.memref_squeeze %dma_wait3A_98 : memref<1x128xi32, #tpu.memory_space<vmem>> -> memref<128xi32, #tpu.memory_space<vmem>>
    %dma_wait3A_100 = arith.constant 0 : i32
    %dma_wait3A_101 = arith.constant 0 : i32
    %dma_wait3A_102 = tpu.memref_slice %arg4[%dma_wait3A_100, %dma_wait3A_101] : memref<73728x384xf32, #tpu.memory_space<hbm>> -> memref<73728x384xf32, #tpu.memory_space<hbm>>
    tpu.wait_indirect_dma semaphore(%arg9 : memref<!tpu.dma_semaphore, #tpu.memory_space<semaphore_mem>>) src(%arg7 : memref<128x384xf32, #tpu.memory_space<vmem>>) dst(%dma_wait3A_102 : memref<73728x384xf32, #tpu.memory_space<hbm>>)
    %add3A_103 = arith.constant 640 : i32
    %add3A_104 = arith.addi %add3A_4, %add3A_103 : i32
    %dma_start3A_105 = arith.constant 0 : i32
    %dma_start3A_106 = tpu.memref_slice %arg2[%add3A_104, %dma_start3A_105] : memref<65536x384xf32, #tpu.memory_space<hbm>> -> memref<128x384xf32, #tpu.memory_space<hbm>>
    %dma_start3A_107 = arith.constant 0 : i32
    %dma_start3A_108 = tpu.memref_slice %arg2[%add3A_104, %dma_start3A_107] : memref<65536x384xf32, #tpu.memory_space<hbm>> -> memref<128x384xf32, #tpu.memory_space<hbm>>
    tpu.enqueue_dma source(%dma_start3A_108 : memref<128x384xf32, #tpu.memory_space<hbm>>) target(%arg7 : memref<128x384xf32, #tpu.memory_space<vmem>>) target_semaphore(%arg8 : memref<!tpu.dma_semaphore, #tpu.memory_space<semaphore_mem>>)
    %dma_wait3A_109 = arith.constant 0 : i32
    %dma_wait3A_110 = tpu.memref_slice %arg2[%add3A_80, %dma_wait3A_109] : memref<65536x384xf32, #tpu.memory_space<hbm>> -> memref<128x384xf32, #tpu.memory_space<hbm>>
    %dma_wait3A_111 = arith.constant 0 : i32
    %dma_wait3A_112 = tpu.memref_slice %arg2[%add3A_80, %dma_wait3A_111] : memref<65536x384xf32, #tpu.memory_space<hbm>> -> memref<128x384xf32, #tpu.memory_space<hbm>>
    tpu.wait_dma2 semaphore(%arg8 : memref<!tpu.dma_semaphore, #tpu.memory_space<semaphore_mem>>) src(%dma_wait3A_112 : memref<128x384xf32, #tpu.memory_space<hbm>>) dst(%arg6 : memref<128x384xf32, #tpu.memory_space<vmem>>)
    %dma_start3A_113 = arith.constant 4 : i32
    %dma_start3A_114 = arith.constant 0 : i32
    %dma_start3A_115 = tpu.memref_slice %arg5[%dma_start3A_113, %dma_start3A_114] : memref<16x128xi32, #tpu.memory_space<vmem>> -> memref<1x128xi32, #tpu.memory_space<vmem>>
    %dma_start3A_116 = tpu.memref_squeeze %dma_start3A_115 : memref<1x128xi32, #tpu.memory_space<vmem>> -> memref<128xi32, #tpu.memory_space<vmem>>
    %dma_start3A_117 = arith.constant 0 : i32
    %dma_start3A_118 = arith.constant 0 : i32
    %dma_start3A_119 = tpu.memref_slice %arg4[%dma_start3A_117, %dma_start3A_118] : memref<73728x384xf32, #tpu.memory_space<hbm>> -> memref<73728x384xf32, #tpu.memory_space<hbm>>
    tpu.enqueue_indirect_dma source(%arg6 : memref<128x384xf32, #tpu.memory_space<vmem>>) target(%dma_start3A_119 : memref<73728x384xf32, #tpu.memory_space<hbm>>) offsets(%dma_start3A_116 : memref<128xi32, #tpu.memory_space<vmem>>) semaphore(%arg9 : memref<!tpu.dma_semaphore, #tpu.memory_space<semaphore_mem>>)
    %dma_wait3A_120 = arith.constant 4 : i32
    %dma_wait3A_121 = arith.constant 0 : i32
    %dma_wait3A_122 = tpu.memref_slice %arg5[%dma_wait3A_120, %dma_wait3A_121] : memref<16x128xi32, #tpu.memory_space<vmem>> -> memref<1x128xi32, #tpu.memory_space<vmem>>
    %dma_wait3A_123 = tpu.memref_squeeze %dma_wait3A_122 : memref<1x128xi32, #tpu.memory_space<vmem>> -> memref<128xi32, #tpu.memory_space<vmem>>
    %dma_wait3A_124 = arith.constant 0 : i32
    %dma_wait3A_125 = arith.constant 0 : i32
    %dma_wait3A_126 = tpu.memref_slice %arg4[%dma_wait3A_124, %dma_wait3A_125] : memref<73728x384xf32, #tpu.memory_space<hbm>> -> memref<73728x384xf32, #tpu.memory_space<hbm>>
    tpu.wait_indirect_dma semaphore(%arg9 : memref<!tpu.dma_semaphore, #tpu.memory_space<semaphore_mem>>) src(%arg6 : memref<128x384xf32, #tpu.memory_space<vmem>>) dst(%dma_wait3A_126 : memref<73728x384xf32, #tpu.memory_space<hbm>>)
    %add3A_127 = arith.constant 768 : i32
    %add3A_128 = arith.addi %add3A_4, %add3A_127 : i32
    %dma_start3A_129 = arith.constant 0 : i32
    %dma_start3A_130 = tpu.memref_slice %arg2[%add3A_128, %dma_start3A_129] : memref<65536x384xf32, #tpu.memory_space<hbm>> -> memref<128x384xf32, #tpu.memory_space<hbm>>
    %dma_start3A_131 = arith.constant 0 : i32
    %dma_start3A_132 = tpu.memref_slice %arg2[%add3A_128, %dma_start3A_131] : memref<65536x384xf32, #tpu.memory_space<hbm>> -> memref<128x384xf32, #tpu.memory_space<hbm>>
    tpu.enqueue_dma source(%dma_start3A_132 : memref<128x384xf32, #tpu.memory_space<hbm>>) target(%arg6 : memref<128x384xf32, #tpu.memory_space<vmem>>) target_semaphore(%arg8 : memref<!tpu.dma_semaphore, #tpu.memory_space<semaphore_mem>>)
    %dma_wait3A_133 = arith.constant 0 : i32
    %dma_wait3A_134 = tpu.memref_slice %arg2[%add3A_104, %dma_wait3A_133] : memref<65536x384xf32, #tpu.memory_space<hbm>> -> memref<128x384xf32, #tpu.memory_space<hbm>>
    %dma_wait3A_135 = arith.constant 0 : i32
    %dma_wait3A_136 = tpu.memref_slice %arg2[%add3A_104, %dma_wait3A_135] : memref<65536x384xf32, #tpu.memory_space<hbm>> -> memref<128x384xf32, #tpu.memory_space<hbm>>
    tpu.wait_dma2 semaphore(%arg8 : memref<!tpu.dma_semaphore, #tpu.memory_space<semaphore_mem>>) src(%dma_wait3A_136 : memref<128x384xf32, #tpu.memory_space<hbm>>) dst(%arg7 : memref<128x384xf32, #tpu.memory_space<vmem>>)
    %dma_start3A_137 = arith.constant 5 : i32
    %dma_start3A_138 = arith.constant 0 : i32
    %dma_start3A_139 = tpu.memref_slice %arg5[%dma_start3A_137, %dma_start3A_138] : memref<16x128xi32, #tpu.memory_space<vmem>> -> memref<1x128xi32, #tpu.memory_space<vmem>>
    %dma_start3A_140 = tpu.memref_squeeze %dma_start3A_139 : memref<1x128xi32, #tpu.memory_space<vmem>> -> memref<128xi32, #tpu.memory_space<vmem>>
    %dma_start3A_141 = arith.constant 0 : i32
    %dma_start3A_142 = arith.constant 0 : i32
    %dma_start3A_143 = tpu.memref_slice %arg4[%dma_start3A_141, %dma_start3A_142] : memref<73728x384xf32, #tpu.memory_space<hbm>> -> memref<73728x384xf32, #tpu.memory_space<hbm>>
    tpu.enqueue_indirect_dma source(%arg7 : memref<128x384xf32, #tpu.memory_space<vmem>>) target(%dma_start3A_143 : memref<73728x384xf32, #tpu.memory_space<hbm>>) offsets(%dma_start3A_140 : memref<128xi32, #tpu.memory_space<vmem>>) semaphore(%arg9 : memref<!tpu.dma_semaphore, #tpu.memory_space<semaphore_mem>>)
    %dma_wait3A_144 = arith.constant 5 : i32
    %dma_wait3A_145 = arith.constant 0 : i32
    %dma_wait3A_146 = tpu.memref_slice %arg5[%dma_wait3A_144, %dma_wait3A_145] : memref<16x128xi32, #tpu.memory_space<vmem>> -> memref<1x128xi32, #tpu.memory_space<vmem>>
    %dma_wait3A_147 = tpu.memref_squeeze %dma_wait3A_146 : memref<1x128xi32, #tpu.memory_space<vmem>> -> memref<128xi32, #tpu.memory_space<vmem>>
    %dma_wait3A_148 = arith.constant 0 : i32
    %dma_wait3A_149 = arith.constant 0 : i32
    %dma_wait3A_150 = tpu.memref_slice %arg4[%dma_wait3A_148, %dma_wait3A_149] : memref<73728x384xf32, #tpu.memory_space<hbm>> -> memref<73728x384xf32, #tpu.memory_space<hbm>>
    tpu.wait_indirect_dma semaphore(%arg9 : memref<!tpu.dma_semaphore, #tpu.memory_space<semaphore_mem>>) src(%arg7 : memref<128x384xf32, #tpu.memory_space<vmem>>) dst(%dma_wait3A_150 : memref<73728x384xf32, #tpu.memory_space<hbm>>)
    %add3A_151 = arith.constant 896 : i32
    %add3A_152 = arith.addi %add3A_4, %add3A_151 : i32
    %dma_start3A_153 = arith.constant 0 : i32
    %dma_start3A_154 = tpu.memref_slice %arg2[%add3A_152, %dma_start3A_153] : memref<65536x384xf32, #tpu.memory_space<hbm>> -> memref<128x384xf32, #tpu.memory_space<hbm>>
    %dma_start3A_155 = arith.constant 0 : i32
    %dma_start3A_156 = tpu.memref_slice %arg2[%add3A_152, %dma_start3A_155] : memref<65536x384xf32, #tpu.memory_space<hbm>> -> memref<128x384xf32, #tpu.memory_space<hbm>>
    tpu.enqueue_dma source(%dma_start3A_156 : memref<128x384xf32, #tpu.memory_space<hbm>>) target(%arg7 : memref<128x384xf32, #tpu.memory_space<vmem>>) target_semaphore(%arg8 : memref<!tpu.dma_semaphore, #tpu.memory_space<semaphore_mem>>)
    %dma_wait3A_157 = arith.constant 0 : i32
    %dma_wait3A_158 = tpu.memref_slice %arg2[%add3A_128, %dma_wait3A_157] : memref<65536x384xf32, #tpu.memory_space<hbm>> -> memref<128x384xf32, #tpu.memory_space<hbm>>
    %dma_wait3A_159 = arith.constant 0 : i32
    %dma_wait3A_160 = tpu.memref_slice %arg2[%add3A_128, %dma_wait3A_159] : memref<65536x384xf32, #tpu.memory_space<hbm>> -> memref<128x384xf32, #tpu.memory_space<hbm>>
    tpu.wait_dma2 semaphore(%arg8 : memref<!tpu.dma_semaphore, #tpu.memory_space<semaphore_mem>>) src(%dma_wait3A_160 : memref<128x384xf32, #tpu.memory_space<hbm>>) dst(%arg6 : memref<128x384xf32, #tpu.memory_space<vmem>>)
    %dma_start3A_161 = arith.constant 6 : i32
    %dma_start3A_162 = arith.constant 0 : i32
    %dma_start3A_163 = tpu.memref_slice %arg5[%dma_start3A_161, %dma_start3A_162] : memref<16x128xi32, #tpu.memory_space<vmem>> -> memref<1x128xi32, #tpu.memory_space<vmem>>
    %dma_start3A_164 = tpu.memref_squeeze %dma_start3A_163 : memref<1x128xi32, #tpu.memory_space<vmem>> -> memref<128xi32, #tpu.memory_space<vmem>>
    %dma_start3A_165 = arith.constant 0 : i32
    %dma_start3A_166 = arith.constant 0 : i32
    %dma_start3A_167 = tpu.memref_slice %arg4[%dma_start3A_165, %dma_start3A_166] : memref<73728x384xf32, #tpu.memory_space<hbm>> -> memref<73728x384xf32, #tpu.memory_space<hbm>>
    tpu.enqueue_indirect_dma source(%arg6 : memref<128x384xf32, #tpu.memory_space<vmem>>) target(%dma_start3A_167 : memref<73728x384xf32, #tpu.memory_space<hbm>>) offsets(%dma_start3A_164 : memref<128xi32, #tpu.memory_space<vmem>>) semaphore(%arg9 : memref<!tpu.dma_semaphore, #tpu.memory_space<semaphore_mem>>)
    %dma_wait3A_168 = arith.constant 6 : i32
    %dma_wait3A_169 = arith.constant 0 : i32
    %dma_wait3A_170 = tpu.memref_slice %arg5[%dma_wait3A_168, %dma_wait3A_169] : memref<16x128xi32, #tpu.memory_space<vmem>> -> memref<1x128xi32, #tpu.memory_space<vmem>>
    %dma_wait3A_171 = tpu.memref_squeeze %dma_wait3A_170 : memref<1x128xi32, #tpu.memory_space<vmem>> -> memref<128xi32, #tpu.memory_space<vmem>>
    %dma_wait3A_172 = arith.constant 0 : i32
    %dma_wait3A_173 = arith.constant 0 : i32
    %dma_wait3A_174 = tpu.memref_slice %arg4[%dma_wait3A_172, %dma_wait3A_173] : memref<73728x384xf32, #tpu.memory_space<hbm>> -> memref<73728x384xf32, #tpu.memory_space<hbm>>
    tpu.wait_indirect_dma semaphore(%arg9 : memref<!tpu.dma_semaphore, #tpu.memory_space<semaphore_mem>>) src(%arg6 : memref<128x384xf32, #tpu.memory_space<vmem>>) dst(%dma_wait3A_174 : memref<73728x384xf32, #tpu.memory_space<hbm>>)
    %add3A_175 = arith.constant 1024 : i32
    %add3A_176 = arith.addi %add3A_4, %add3A_175 : i32
    %dma_start3A_177 = arith.constant 0 : i32
    %dma_start3A_178 = tpu.memref_slice %arg2[%add3A_176, %dma_start3A_177] : memref<65536x384xf32, #tpu.memory_space<hbm>> -> memref<128x384xf32, #tpu.memory_space<hbm>>
    %dma_start3A_179 = arith.constant 0 : i32
    %dma_start3A_180 = tpu.memref_slice %arg2[%add3A_176, %dma_start3A_179] : memref<65536x384xf32, #tpu.memory_space<hbm>> -> memref<128x384xf32, #tpu.memory_space<hbm>>
    tpu.enqueue_dma source(%dma_start3A_180 : memref<128x384xf32, #tpu.memory_space<hbm>>) target(%arg6 : memref<128x384xf32, #tpu.memory_space<vmem>>) target_semaphore(%arg8 : memref<!tpu.dma_semaphore, #tpu.memory_space<semaphore_mem>>)
    %dma_wait3A_181 = arith.constant 0 : i32
    %dma_wait3A_182 = tpu.memref_slice %arg2[%add3A_152, %dma_wait3A_181] : memref<65536x384xf32, #tpu.memory_space<hbm>> -> memref<128x384xf32, #tpu.memory_space<hbm>>
    %dma_wait3A_183 = arith.constant 0 : i32
    %dma_wait3A_184 = tpu.memref_slice %arg2[%add3A_152, %dma_wait3A_183] : memref<65536x384xf32, #tpu.memory_space<hbm>> -> memref<128x384xf32, #tpu.memory_space<hbm>>
    tpu.wait_dma2 semaphore(%arg8 : memref<!tpu.dma_semaphore, #tpu.memory_space<semaphore_mem>>) src(%dma_wait3A_184 : memref<128x384xf32, #tpu.memory_space<hbm>>) dst(%arg7 : memref<128x384xf32, #tpu.memory_space<vmem>>)
    %dma_start3A_185 = arith.constant 7 : i32
    %dma_start3A_186 = arith.constant 0 : i32
    %dma_start3A_187 = tpu.memref_slice %arg5[%dma_start3A_185, %dma_start3A_186] : memref<16x128xi32, #tpu.memory_space<vmem>> -> memref<1x128xi32, #tpu.memory_space<vmem>>
    %dma_start3A_188 = tpu.memref_squeeze %dma_start3A_187 : memref<1x128xi32, #tpu.memory_space<vmem>> -> memref<128xi32, #tpu.memory_space<vmem>>
    %dma_start3A_189 = arith.constant 0 : i32
    %dma_start3A_190 = arith.constant 0 : i32
    %dma_start3A_191 = tpu.memref_slice %arg4[%dma_start3A_189, %dma_start3A_190] : memref<73728x384xf32, #tpu.memory_space<hbm>> -> memref<73728x384xf32, #tpu.memory_space<hbm>>
    tpu.enqueue_indirect_dma source(%arg7 : memref<128x384xf32, #tpu.memory_space<vmem>>) target(%dma_start3A_191 : memref<73728x384xf32, #tpu.memory_space<hbm>>) offsets(%dma_start3A_188 : memref<128xi32, #tpu.memory_space<vmem>>) semaphore(%arg9 : memref<!tpu.dma_semaphore, #tpu.memory_space<semaphore_mem>>)
    %dma_wait3A_192 = arith.constant 7 : i32
    %dma_wait3A_193 = arith.constant 0 : i32
    %dma_wait3A_194 = tpu.memref_slice %arg5[%dma_wait3A_192, %dma_wait3A_193] : memref<16x128xi32, #tpu.memory_space<vmem>> -> memref<1x128xi32, #tpu.memory_space<vmem>>
    %dma_wait3A_195 = tpu.memref_squeeze %dma_wait3A_194 : memref<1x128xi32, #tpu.memory_space<vmem>> -> memref<128xi32, #tpu.memory_space<vmem>>
    %dma_wait3A_196 = arith.constant 0 : i32
    %dma_wait3A_197 = arith.constant 0 : i32
    %dma_wait3A_198 = tpu.memref_slice %arg4[%dma_wait3A_196, %dma_wait3A_197] : memref<73728x384xf32, #tpu.memory_space<hbm>> -> memref<73728x384xf32, #tpu.memory_space<hbm>>
    tpu.wait_indirect_dma semaphore(%arg9 : memref<!tpu.dma_semaphore, #tpu.memory_space<semaphore_mem>>) src(%arg7 : memref<128x384xf32, #tpu.memory_space<vmem>>) dst(%dma_wait3A_198 : memref<73728x384xf32, #tpu.memory_space<hbm>>)
    %add3A_199 = arith.constant 1152 : i32
    %add3A_200 = arith.addi %add3A_4, %add3A_199 : i32
    %dma_start3A_201 = arith.constant 0 : i32
    %dma_start3A_202 = tpu.memref_slice %arg2[%add3A_200, %dma_start3A_201] : memref<65536x384xf32, #tpu.memory_space<hbm>> -> memref<128x384xf32, #tpu.memory_space<hbm>>
    %dma_start3A_203 = arith.constant 0 : i32
    %dma_start3A_204 = tpu.memref_slice %arg2[%add3A_200, %dma_start3A_203] : memref<65536x384xf32, #tpu.memory_space<hbm>> -> memref<128x384xf32, #tpu.memory_space<hbm>>
    tpu.enqueue_dma source(%dma_start3A_204 : memref<128x384xf32, #tpu.memory_space<hbm>>) target(%arg7 : memref<128x384xf32, #tpu.memory_space<vmem>>) target_semaphore(%arg8 : memref<!tpu.dma_semaphore, #tpu.memory_space<semaphore_mem>>)
    %dma_wait3A_205 = arith.constant 0 : i32
    %dma_wait3A_206 = tpu.memref_slice %arg2[%add3A_176, %dma_wait3A_205] : memref<65536x384xf32, #tpu.memory_space<hbm>> -> memref<128x384xf32, #tpu.memory_space<hbm>>
    %dma_wait3A_207 = arith.constant 0 : i32
    %dma_wait3A_208 = tpu.memref_slice %arg2[%add3A_176, %dma_wait3A_207] : memref<65536x384xf32, #tpu.memory_space<hbm>> -> memref<128x384xf32, #tpu.memory_space<hbm>>
    tpu.wait_dma2 semaphore(%arg8 : memref<!tpu.dma_semaphore, #tpu.memory_space<semaphore_mem>>) src(%dma_wait3A_208 : memref<128x384xf32, #tpu.memory_space<hbm>>) dst(%arg6 : memref<128x384xf32, #tpu.memory_space<vmem>>)
    %dma_start3A_209 = arith.constant 8 : i32
    %dma_start3A_210 = arith.constant 0 : i32
    %dma_start3A_211 = tpu.memref_slice %arg5[%dma_start3A_209, %dma_start3A_210] : memref<16x128xi32, #tpu.memory_space<vmem>> -> memref<1x128xi32, #tpu.memory_space<vmem>>
    %dma_start3A_212 = tpu.memref_squeeze %dma_start3A_211 : memref<1x128xi32, #tpu.memory_space<vmem>> -> memref<128xi32, #tpu.memory_space<vmem>>
    %dma_start3A_213 = arith.constant 0 : i32
    %dma_start3A_214 = arith.constant 0 : i32
    %dma_start3A_215 = tpu.memref_slice %arg4[%dma_start3A_213, %dma_start3A_214] : memref<73728x384xf32, #tpu.memory_space<hbm>> -> memref<73728x384xf32, #tpu.memory_space<hbm>>
    tpu.enqueue_indirect_dma source(%arg6 : memref<128x384xf32, #tpu.memory_space<vmem>>) target(%dma_start3A_215 : memref<73728x384xf32, #tpu.memory_space<hbm>>) offsets(%dma_start3A_212 : memref<128xi32, #tpu.memory_space<vmem>>) semaphore(%arg9 : memref<!tpu.dma_semaphore, #tpu.memory_space<semaphore_mem>>)
    %dma_wait3A_216 = arith.constant 8 : i32
    %dma_wait3A_217 = arith.constant 0 : i32
    %dma_wait3A_218 = tpu.memref_slice %arg5[%dma_wait3A_216, %dma_wait3A_217] : memref<16x128xi32, #tpu.memory_space<vmem>> -> memref<1x128xi32, #tpu.memory_space<vmem>>
    %dma_wait3A_219 = tpu.memref_squeeze %dma_wait3A_218 : memref<1x128xi32, #tpu.memory_space<vmem>> -> memref<128xi32, #tpu.memory_space<vmem>>
    %dma_wait3A_220 = arith.constant 0 : i32
    %dma_wait3A_221 = arith.constant 0 : i32
    %dma_wait3A_222 = tpu.memref_slice %arg4[%dma_wait3A_220, %dma_wait3A_221] : memref<73728x384xf32, #tpu.memory_space<hbm>> -> memref<73728x384xf32, #tpu.memory_space<hbm>>
    tpu.wait_indirect_dma semaphore(%arg9 : memref<!tpu.dma_semaphore, #tpu.memory_space<semaphore_mem>>) src(%arg6 : memref<128x384xf32, #tpu.memory_space<vmem>>) dst(%dma_wait3A_222 : memref<73728x384xf32, #tpu.memory_space<hbm>>)
    %add3A_223 = arith.constant 1280 : i32
    %add3A_224 = arith.addi %add3A_4, %add3A_223 : i32
    %dma_start3A_225 = arith.constant 0 : i32
    %dma_start3A_226 = tpu.memref_slice %arg2[%add3A_224, %dma_start3A_225] : memref<65536x384xf32, #tpu.memory_space<hbm>> -> memref<128x384xf32, #tpu.memory_space<hbm>>
    %dma_start3A_227 = arith.constant 0 : i32
    %dma_start3A_228 = tpu.memref_slice %arg2[%add3A_224, %dma_start3A_227] : memref<65536x384xf32, #tpu.memory_space<hbm>> -> memref<128x384xf32, #tpu.memory_space<hbm>>
    tpu.enqueue_dma source(%dma_start3A_228 : memref<128x384xf32, #tpu.memory_space<hbm>>) target(%arg6 : memref<128x384xf32, #tpu.memory_space<vmem>>) target_semaphore(%arg8 : memref<!tpu.dma_semaphore, #tpu.memory_space<semaphore_mem>>)
    %dma_wait3A_229 = arith.constant 0 : i32
    %dma_wait3A_230 = tpu.memref_slice %arg2[%add3A_200, %dma_wait3A_229] : memref<65536x384xf32, #tpu.memory_space<hbm>> -> memref<128x384xf32, #tpu.memory_space<hbm>>
    %dma_wait3A_231 = arith.constant 0 : i32
    %dma_wait3A_232 = tpu.memref_slice %arg2[%add3A_200, %dma_wait3A_231] : memref<65536x384xf32, #tpu.memory_space<hbm>> -> memref<128x384xf32, #tpu.memory_space<hbm>>
    tpu.wait_dma2 semaphore(%arg8 : memref<!tpu.dma_semaphore, #tpu.memory_space<semaphore_mem>>) src(%dma_wait3A_232 : memref<128x384xf32, #tpu.memory_space<hbm>>) dst(%arg7 : memref<128x384xf32, #tpu.memory_space<vmem>>)
    %dma_start3A_233 = arith.constant 9 : i32
    %dma_start3A_234 = arith.constant 0 : i32
    %dma_start3A_235 = tpu.memref_slice %arg5[%dma_start3A_233, %dma_start3A_234] : memref<16x128xi32, #tpu.memory_space<vmem>> -> memref<1x128xi32, #tpu.memory_space<vmem>>
    %dma_start3A_236 = tpu.memref_squeeze %dma_start3A_235 : memref<1x128xi32, #tpu.memory_space<vmem>> -> memref<128xi32, #tpu.memory_space<vmem>>
    %dma_start3A_237 = arith.constant 0 : i32
    %dma_start3A_238 = arith.constant 0 : i32
    %dma_start3A_239 = tpu.memref_slice %arg4[%dma_start3A_237, %dma_start3A_238] : memref<73728x384xf32, #tpu.memory_space<hbm>> -> memref<73728x384xf32, #tpu.memory_space<hbm>>
    tpu.enqueue_indirect_dma source(%arg7 : memref<128x384xf32, #tpu.memory_space<vmem>>) target(%dma_start3A_239 : memref<73728x384xf32, #tpu.memory_space<hbm>>) offsets(%dma_start3A_236 : memref<128xi32, #tpu.memory_space<vmem>>) semaphore(%arg9 : memref<!tpu.dma_semaphore, #tpu.memory_space<semaphore_mem>>)
    %dma_wait3A_240 = arith.constant 9 : i32
    %dma_wait3A_241 = arith.constant 0 : i32
    %dma_wait3A_242 = tpu.memref_slice %arg5[%dma_wait3A_240, %dma_wait3A_241] : memref<16x128xi32, #tpu.memory_space<vmem>> -> memref<1x128xi32, #tpu.memory_space<vmem>>
    %dma_wait3A_243 = tpu.memref_squeeze %dma_wait3A_242 : memref<1x128xi32, #tpu.memory_space<vmem>> -> memref<128xi32, #tpu.memory_space<vmem>>
    %dma_wait3A_244 = arith.constant 0 : i32
    %dma_wait3A_245 = arith.constant 0 : i32
    %dma_wait3A_246 = tpu.memref_slice %arg4[%dma_wait3A_244, %dma_wait3A_245] : memref<73728x384xf32, #tpu.memory_space<hbm>> -> memref<73728x384xf32, #tpu.memory_space<hbm>>
    tpu.wait_indirect_dma semaphore(%arg9 : memref<!tpu.dma_semaphore, #tpu.memory_space<semaphore_mem>>) src(%arg7 : memref<128x384xf32, #tpu.memory_space<vmem>>) dst(%dma_wait3A_246 : memref<73728x384xf32, #tpu.memory_space<hbm>>)
    %add3A_247 = arith.constant 1408 : i32
    %add3A_248 = arith.addi %add3A_4, %add3A_247 : i32
    %dma_start3A_249 = arith.constant 0 : i32
    %dma_start3A_250 = tpu.memref_slice %arg2[%add3A_248, %dma_start3A_249] : memref<65536x384xf32, #tpu.memory_space<hbm>> -> memref<128x384xf32, #tpu.memory_space<hbm>>
    %dma_start3A_251 = arith.constant 0 : i32
    %dma_start3A_252 = tpu.memref_slice %arg2[%add3A_248, %dma_start3A_251] : memref<65536x384xf32, #tpu.memory_space<hbm>> -> memref<128x384xf32, #tpu.memory_space<hbm>>
    tpu.enqueue_dma source(%dma_start3A_252 : memref<128x384xf32, #tpu.memory_space<hbm>>) target(%arg7 : memref<128x384xf32, #tpu.memory_space<vmem>>) target_semaphore(%arg8 : memref<!tpu.dma_semaphore, #tpu.memory_space<semaphore_mem>>)
    %dma_wait3A_253 = arith.constant 0 : i32
    %dma_wait3A_254 = tpu.memref_slice %arg2[%add3A_224, %dma_wait3A_253] : memref<65536x384xf32, #tpu.memory_space<hbm>> -> memref<128x384xf32, #tpu.memory_space<hbm>>
    %dma_wait3A_255 = arith.constant 0 : i32
    %dma_wait3A_256 = tpu.memref_slice %arg2[%add3A_224, %dma_wait3A_255] : memref<65536x384xf32, #tpu.memory_space<hbm>> -> memref<128x384xf32, #tpu.memory_space<hbm>>
    tpu.wait_dma2 semaphore(%arg8 : memref<!tpu.dma_semaphore, #tpu.memory_space<semaphore_mem>>) src(%dma_wait3A_256 : memref<128x384xf32, #tpu.memory_space<hbm>>) dst(%arg6 : memref<128x384xf32, #tpu.memory_space<vmem>>)
    %dma_start3A_257 = arith.constant 10 : i32
    %dma_start3A_258 = arith.constant 0 : i32
    %dma_start3A_259 = tpu.memref_slice %arg5[%dma_start3A_257, %dma_start3A_258] : memref<16x128xi32, #tpu.memory_space<vmem>> -> memref<1x128xi32, #tpu.memory_space<vmem>>
    %dma_start3A_260 = tpu.memref_squeeze %dma_start3A_259 : memref<1x128xi32, #tpu.memory_space<vmem>> -> memref<128xi32, #tpu.memory_space<vmem>>
    %dma_start3A_261 = arith.constant 0 : i32
    %dma_start3A_262 = arith.constant 0 : i32
    %dma_start3A_263 = tpu.memref_slice %arg4[%dma_start3A_261, %dma_start3A_262] : memref<73728x384xf32, #tpu.memory_space<hbm>> -> memref<73728x384xf32, #tpu.memory_space<hbm>>
    tpu.enqueue_indirect_dma source(%arg6 : memref<128x384xf32, #tpu.memory_space<vmem>>) target(%dma_start3A_263 : memref<73728x384xf32, #tpu.memory_space<hbm>>) offsets(%dma_start3A_260 : memref<128xi32, #tpu.memory_space<vmem>>) semaphore(%arg9 : memref<!tpu.dma_semaphore, #tpu.memory_space<semaphore_mem>>)
    %dma_wait3A_264 = arith.constant 10 : i32
    %dma_wait3A_265 = arith.constant 0 : i32
    %dma_wait3A_266 = tpu.memref_slice %arg5[%dma_wait3A_264, %dma_wait3A_265] : memref<16x128xi32, #tpu.memory_space<vmem>> -> memref<1x128xi32, #tpu.memory_space<vmem>>
    %dma_wait3A_267 = tpu.memref_squeeze %dma_wait3A_266 : memref<1x128xi32, #tpu.memory_space<vmem>> -> memref<128xi32, #tpu.memory_space<vmem>>
    %dma_wait3A_268 = arith.constant 0 : i32
    %dma_wait3A_269 = arith.constant 0 : i32
    %dma_wait3A_270 = tpu.memref_slice %arg4[%dma_wait3A_268, %dma_wait3A_269] : memref<73728x384xf32, #tpu.memory_space<hbm>> -> memref<73728x384xf32, #tpu.memory_space<hbm>>
    tpu.wait_indirect_dma semaphore(%arg9 : memref<!tpu.dma_semaphore, #tpu.memory_space<semaphore_mem>>) src(%arg6 : memref<128x384xf32, #tpu.memory_space<vmem>>) dst(%dma_wait3A_270 : memref<73728x384xf32, #tpu.memory_space<hbm>>)
    %add3A_271 = arith.constant 1536 : i32
    %add3A_272 = arith.addi %add3A_4, %add3A_271 : i32
    %dma_start3A_273 = arith.constant 0 : i32
    %dma_start3A_274 = tpu.memref_slice %arg2[%add3A_272, %dma_start3A_273] : memref<65536x384xf32, #tpu.memory_space<hbm>> -> memref<128x384xf32, #tpu.memory_space<hbm>>
    %dma_start3A_275 = arith.constant 0 : i32
    %dma_start3A_276 = tpu.memref_slice %arg2[%add3A_272, %dma_start3A_275] : memref<65536x384xf32, #tpu.memory_space<hbm>> -> memref<128x384xf32, #tpu.memory_space<hbm>>
    tpu.enqueue_dma source(%dma_start3A_276 : memref<128x384xf32, #tpu.memory_space<hbm>>) target(%arg6 : memref<128x384xf32, #tpu.memory_space<vmem>>) target_semaphore(%arg8 : memref<!tpu.dma_semaphore, #tpu.memory_space<semaphore_mem>>)
    %dma_wait3A_277 = arith.constant 0 : i32
    %dma_wait3A_278 = tpu.memref_slice %arg2[%add3A_248, %dma_wait3A_277] : memref<65536x384xf32, #tpu.memory_space<hbm>> -> memref<128x384xf32, #tpu.memory_space<hbm>>
    %dma_wait3A_279 = arith.constant 0 : i32
    %dma_wait3A_280 = tpu.memref_slice %arg2[%add3A_248, %dma_wait3A_279] : memref<65536x384xf32, #tpu.memory_space<hbm>> -> memref<128x384xf32, #tpu.memory_space<hbm>>
    tpu.wait_dma2 semaphore(%arg8 : memref<!tpu.dma_semaphore, #tpu.memory_space<semaphore_mem>>) src(%dma_wait3A_280 : memref<128x384xf32, #tpu.memory_space<hbm>>) dst(%arg7 : memref<128x384xf32, #tpu.memory_space<vmem>>)
    %dma_start3A_281 = arith.constant 11 : i32
    %dma_start3A_282 = arith.constant 0 : i32
    %dma_start3A_283 = tpu.memref_slice %arg5[%dma_start3A_281, %dma_start3A_282] : memref<16x128xi32, #tpu.memory_space<vmem>> -> memref<1x128xi32, #tpu.memory_space<vmem>>
    %dma_start3A_284 = tpu.memref_squeeze %dma_start3A_283 : memref<1x128xi32, #tpu.memory_space<vmem>> -> memref<128xi32, #tpu.memory_space<vmem>>
    %dma_start3A_285 = arith.constant 0 : i32
    %dma_start3A_286 = arith.constant 0 : i32
    %dma_start3A_287 = tpu.memref_slice %arg4[%dma_start3A_285, %dma_start3A_286] : memref<73728x384xf32, #tpu.memory_space<hbm>> -> memref<73728x384xf32, #tpu.memory_space<hbm>>
    tpu.enqueue_indirect_dma source(%arg7 : memref<128x384xf32, #tpu.memory_space<vmem>>) target(%dma_start3A_287 : memref<73728x384xf32, #tpu.memory_space<hbm>>) offsets(%dma_start3A_284 : memref<128xi32, #tpu.memory_space<vmem>>) semaphore(%arg9 : memref<!tpu.dma_semaphore, #tpu.memory_space<semaphore_mem>>)
    %dma_wait3A_288 = arith.constant 11 : i32
    %dma_wait3A_289 = arith.constant 0 : i32
    %dma_wait3A_290 = tpu.memref_slice %arg5[%dma_wait3A_288, %dma_wait3A_289] : memref<16x128xi32, #tpu.memory_space<vmem>> -> memref<1x128xi32, #tpu.memory_space<vmem>>
    %dma_wait3A_291 = tpu.memref_squeeze %dma_wait3A_290 : memref<1x128xi32, #tpu.memory_space<vmem>> -> memref<128xi32, #tpu.memory_space<vmem>>
    %dma_wait3A_292 = arith.constant 0 : i32
    %dma_wait3A_293 = arith.constant 0 : i32
    %dma_wait3A_294 = tpu.memref_slice %arg4[%dma_wait3A_292, %dma_wait3A_293] : memref<73728x384xf32, #tpu.memory_space<hbm>> -> memref<73728x384xf32, #tpu.memory_space<hbm>>
    tpu.wait_indirect_dma semaphore(%arg9 : memref<!tpu.dma_semaphore, #tpu.memory_space<semaphore_mem>>) src(%arg7 : memref<128x384xf32, #tpu.memory_space<vmem>>) dst(%dma_wait3A_294 : memref<73728x384xf32, #tpu.memory_space<hbm>>)
    %add3A_295 = arith.constant 1664 : i32
    %add3A_296 = arith.addi %add3A_4, %add3A_295 : i32
    %dma_start3A_297 = arith.constant 0 : i32
    %dma_start3A_298 = tpu.memref_slice %arg2[%add3A_296, %dma_start3A_297] : memref<65536x384xf32, #tpu.memory_space<hbm>> -> memref<128x384xf32, #tpu.memory_space<hbm>>
    %dma_start3A_299 = arith.constant 0 : i32
    %dma_start3A_300 = tpu.memref_slice %arg2[%add3A_296, %dma_start3A_299] : memref<65536x384xf32, #tpu.memory_space<hbm>> -> memref<128x384xf32, #tpu.memory_space<hbm>>
    tpu.enqueue_dma source(%dma_start3A_300 : memref<128x384xf32, #tpu.memory_space<hbm>>) target(%arg7 : memref<128x384xf32, #tpu.memory_space<vmem>>) target_semaphore(%arg8 : memref<!tpu.dma_semaphore, #tpu.memory_space<semaphore_mem>>)
    %dma_wait3A_301 = arith.constant 0 : i32
    %dma_wait3A_302 = tpu.memref_slice %arg2[%add3A_272, %dma_wait3A_301] : memref<65536x384xf32, #tpu.memory_space<hbm>> -> memref<128x384xf32, #tpu.memory_space<hbm>>
    %dma_wait3A_303 = arith.constant 0 : i32
    %dma_wait3A_304 = tpu.memref_slice %arg2[%add3A_272, %dma_wait3A_303] : memref<65536x384xf32, #tpu.memory_space<hbm>> -> memref<128x384xf32, #tpu.memory_space<hbm>>
    tpu.wait_dma2 semaphore(%arg8 : memref<!tpu.dma_semaphore, #tpu.memory_space<semaphore_mem>>) src(%dma_wait3A_304 : memref<128x384xf32, #tpu.memory_space<hbm>>) dst(%arg6 : memref<128x384xf32, #tpu.memory_space<vmem>>)
    %dma_start3A_305 = arith.constant 12 : i32
    %dma_start3A_306 = arith.constant 0 : i32
    %dma_start3A_307 = tpu.memref_slice %arg5[%dma_start3A_305, %dma_start3A_306] : memref<16x128xi32, #tpu.memory_space<vmem>> -> memref<1x128xi32, #tpu.memory_space<vmem>>
    %dma_start3A_308 = tpu.memref_squeeze %dma_start3A_307 : memref<1x128xi32, #tpu.memory_space<vmem>> -> memref<128xi32, #tpu.memory_space<vmem>>
    %dma_start3A_309 = arith.constant 0 : i32
    %dma_start3A_310 = arith.constant 0 : i32
    %dma_start3A_311 = tpu.memref_slice %arg4[%dma_start3A_309, %dma_start3A_310] : memref<73728x384xf32, #tpu.memory_space<hbm>> -> memref<73728x384xf32, #tpu.memory_space<hbm>>
    tpu.enqueue_indirect_dma source(%arg6 : memref<128x384xf32, #tpu.memory_space<vmem>>) target(%dma_start3A_311 : memref<73728x384xf32, #tpu.memory_space<hbm>>) offsets(%dma_start3A_308 : memref<128xi32, #tpu.memory_space<vmem>>) semaphore(%arg9 : memref<!tpu.dma_semaphore, #tpu.memory_space<semaphore_mem>>)
    %dma_wait3A_312 = arith.constant 12 : i32
    %dma_wait3A_313 = arith.constant 0 : i32
    %dma_wait3A_314 = tpu.memref_slice %arg5[%dma_wait3A_312, %dma_wait3A_313] : memref<16x128xi32, #tpu.memory_space<vmem>> -> memref<1x128xi32, #tpu.memory_space<vmem>>
    %dma_wait3A_315 = tpu.memref_squeeze %dma_wait3A_314 : memref<1x128xi32, #tpu.memory_space<vmem>> -> memref<128xi32, #tpu.memory_space<vmem>>
    %dma_wait3A_316 = arith.constant 0 : i32
    %dma_wait3A_317 = arith.constant 0 : i32
    %dma_wait3A_318 = tpu.memref_slice %arg4[%dma_wait3A_316, %dma_wait3A_317] : memref<73728x384xf32, #tpu.memory_space<hbm>> -> memref<73728x384xf32, #tpu.memory_space<hbm>>
    tpu.wait_indirect_dma semaphore(%arg9 : memref<!tpu.dma_semaphore, #tpu.memory_space<semaphore_mem>>) src(%arg6 : memref<128x384xf32, #tpu.memory_space<vmem>>) dst(%dma_wait3A_318 : memref<73728x384xf32, #tpu.memory_space<hbm>>)
    %add3A_319 = arith.constant 1792 : i32
    %add3A_320 = arith.addi %add3A_4, %add3A_319 : i32
    %dma_start3A_321 = arith.constant 0 : i32
    %dma_start3A_322 = tpu.memref_slice %arg2[%add3A_320, %dma_start3A_321] : memref<65536x384xf32, #tpu.memory_space<hbm>> -> memref<128x384xf32, #tpu.memory_space<hbm>>
    %dma_start3A_323 = arith.constant 0 : i32
    %dma_start3A_324 = tpu.memref_slice %arg2[%add3A_320, %dma_start3A_323] : memref<65536x384xf32, #tpu.memory_space<hbm>> -> memref<128x384xf32, #tpu.memory_space<hbm>>
    tpu.enqueue_dma source(%dma_start3A_324 : memref<128x384xf32, #tpu.memory_space<hbm>>) target(%arg6 : memref<128x384xf32, #tpu.memory_space<vmem>>) target_semaphore(%arg8 : memref<!tpu.dma_semaphore, #tpu.memory_space<semaphore_mem>>)
    %dma_wait3A_325 = arith.constant 0 : i32
    %dma_wait3A_326 = tpu.memref_slice %arg2[%add3A_296, %dma_wait3A_325] : memref<65536x384xf32, #tpu.memory_space<hbm>> -> memref<128x384xf32, #tpu.memory_space<hbm>>
    %dma_wait3A_327 = arith.constant 0 : i32
    %dma_wait3A_328 = tpu.memref_slice %arg2[%add3A_296, %dma_wait3A_327] : memref<65536x384xf32, #tpu.memory_space<hbm>> -> memref<128x384xf32, #tpu.memory_space<hbm>>
    tpu.wait_dma2 semaphore(%arg8 : memref<!tpu.dma_semaphore, #tpu.memory_space<semaphore_mem>>) src(%dma_wait3A_328 : memref<128x384xf32, #tpu.memory_space<hbm>>) dst(%arg7 : memref<128x384xf32, #tpu.memory_space<vmem>>)
    %dma_start3A_329 = arith.constant 13 : i32
    %dma_start3A_330 = arith.constant 0 : i32
    %dma_start3A_331 = tpu.memref_slice %arg5[%dma_start3A_329, %dma_start3A_330] : memref<16x128xi32, #tpu.memory_space<vmem>> -> memref<1x128xi32, #tpu.memory_space<vmem>>
    %dma_start3A_332 = tpu.memref_squeeze %dma_start3A_331 : memref<1x128xi32, #tpu.memory_space<vmem>> -> memref<128xi32, #tpu.memory_space<vmem>>
    %dma_start3A_333 = arith.constant 0 : i32
    %dma_start3A_334 = arith.constant 0 : i32
    %dma_start3A_335 = tpu.memref_slice %arg4[%dma_start3A_333, %dma_start3A_334] : memref<73728x384xf32, #tpu.memory_space<hbm>> -> memref<73728x384xf32, #tpu.memory_space<hbm>>
    tpu.enqueue_indirect_dma source(%arg7 : memref<128x384xf32, #tpu.memory_space<vmem>>) target(%dma_start3A_335 : memref<73728x384xf32, #tpu.memory_space<hbm>>) offsets(%dma_start3A_332 : memref<128xi32, #tpu.memory_space<vmem>>) semaphore(%arg9 : memref<!tpu.dma_semaphore, #tpu.memory_space<semaphore_mem>>)
    %dma_wait3A_336 = arith.constant 13 : i32
    %dma_wait3A_337 = arith.constant 0 : i32
    %dma_wait3A_338 = tpu.memref_slice %arg5[%dma_wait3A_336, %dma_wait3A_337] : memref<16x128xi32, #tpu.memory_space<vmem>> -> memref<1x128xi32, #tpu.memory_space<vmem>>
    %dma_wait3A_339 = tpu.memref_squeeze %dma_wait3A_338 : memref<1x128xi32, #tpu.memory_space<vmem>> -> memref<128xi32, #tpu.memory_space<vmem>>
    %dma_wait3A_340 = arith.constant 0 : i32
    %dma_wait3A_341 = arith.constant 0 : i32
    %dma_wait3A_342 = tpu.memref_slice %arg4[%dma_wait3A_340, %dma_wait3A_341] : memref<73728x384xf32, #tpu.memory_space<hbm>> -> memref<73728x384xf32, #tpu.memory_space<hbm>>
    tpu.wait_indirect_dma semaphore(%arg9 : memref<!tpu.dma_semaphore, #tpu.memory_space<semaphore_mem>>) src(%arg7 : memref<128x384xf32, #tpu.memory_space<vmem>>) dst(%dma_wait3A_342 : memref<73728x384xf32, #tpu.memory_space<hbm>>)
    %add3A_343 = arith.constant 1920 : i32
    %add3A_344 = arith.addi %add3A_4, %add3A_343 : i32
    %dma_start3A_345 = arith.constant 0 : i32
    %dma_start3A_346 = tpu.memref_slice %arg2[%add3A_344, %dma_start3A_345] : memref<65536x384xf32, #tpu.memory_space<hbm>> -> memref<128x384xf32, #tpu.memory_space<hbm>>
    %dma_start3A_347 = arith.constant 0 : i32
    %dma_start3A_348 = tpu.memref_slice %arg2[%add3A_344, %dma_start3A_347] : memref<65536x384xf32, #tpu.memory_space<hbm>> -> memref<128x384xf32, #tpu.memory_space<hbm>>
    tpu.enqueue_dma source(%dma_start3A_348 : memref<128x384xf32, #tpu.memory_space<hbm>>) target(%arg7 : memref<128x384xf32, #tpu.memory_space<vmem>>) target_semaphore(%arg8 : memref<!tpu.dma_semaphore, #tpu.memory_space<semaphore_mem>>)
    %dma_wait3A_349 = arith.constant 0 : i32
    %dma_wait3A_350 = tpu.memref_slice %arg2[%add3A_320, %dma_wait3A_349] : memref<65536x384xf32, #tpu.memory_space<hbm>> -> memref<128x384xf32, #tpu.memory_space<hbm>>
    %dma_wait3A_351 = arith.constant 0 : i32
    %dma_wait3A_352 = tpu.memref_slice %arg2[%add3A_320, %dma_wait3A_351] : memref<65536x384xf32, #tpu.memory_space<hbm>> -> memref<128x384xf32, #tpu.memory_space<hbm>>
    tpu.wait_dma2 semaphore(%arg8 : memref<!tpu.dma_semaphore, #tpu.memory_space<semaphore_mem>>) src(%dma_wait3A_352 : memref<128x384xf32, #tpu.memory_space<hbm>>) dst(%arg6 : memref<128x384xf32, #tpu.memory_space<vmem>>)
    %dma_start3A_353 = arith.constant 14 : i32
    %dma_start3A_354 = arith.constant 0 : i32
    %dma_start3A_355 = tpu.memref_slice %arg5[%dma_start3A_353, %dma_start3A_354] : memref<16x128xi32, #tpu.memory_space<vmem>> -> memref<1x128xi32, #tpu.memory_space<vmem>>
    %dma_start3A_356 = tpu.memref_squeeze %dma_start3A_355 : memref<1x128xi32, #tpu.memory_space<vmem>> -> memref<128xi32, #tpu.memory_space<vmem>>
    %dma_start3A_357 = arith.constant 0 : i32
    %dma_start3A_358 = arith.constant 0 : i32
    %dma_start3A_359 = tpu.memref_slice %arg4[%dma_start3A_357, %dma_start3A_358] : memref<73728x384xf32, #tpu.memory_space<hbm>> -> memref<73728x384xf32, #tpu.memory_space<hbm>>
    tpu.enqueue_indirect_dma source(%arg6 : memref<128x384xf32, #tpu.memory_space<vmem>>) target(%dma_start3A_359 : memref<73728x384xf32, #tpu.memory_space<hbm>>) offsets(%dma_start3A_356 : memref<128xi32, #tpu.memory_space<vmem>>) semaphore(%arg9 : memref<!tpu.dma_semaphore, #tpu.memory_space<semaphore_mem>>)
    %dma_wait3A_360 = arith.constant 0 : i32
    %dma_wait3A_361 = tpu.memref_slice %arg2[%add3A_344, %dma_wait3A_360] : memref<65536x384xf32, #tpu.memory_space<hbm>> -> memref<128x384xf32, #tpu.memory_space<hbm>>
    %dma_wait3A_362 = arith.constant 0 : i32
    %dma_wait3A_363 = tpu.memref_slice %arg2[%add3A_344, %dma_wait3A_362] : memref<65536x384xf32, #tpu.memory_space<hbm>> -> memref<128x384xf32, #tpu.memory_space<hbm>>
    tpu.wait_dma2 semaphore(%arg8 : memref<!tpu.dma_semaphore, #tpu.memory_space<semaphore_mem>>) src(%dma_wait3A_363 : memref<128x384xf32, #tpu.memory_space<hbm>>) dst(%arg7 : memref<128x384xf32, #tpu.memory_space<vmem>>)
    %dma_start3A_364 = arith.constant 15 : i32
    %dma_start3A_365 = arith.constant 0 : i32
    %dma_start3A_366 = tpu.memref_slice %arg5[%dma_start3A_364, %dma_start3A_365] : memref<16x128xi32, #tpu.memory_space<vmem>> -> memref<1x128xi32, #tpu.memory_space<vmem>>
    %dma_start3A_367 = tpu.memref_squeeze %dma_start3A_366 : memref<1x128xi32, #tpu.memory_space<vmem>> -> memref<128xi32, #tpu.memory_space<vmem>>
    %dma_start3A_368 = arith.constant 0 : i32
    %dma_start3A_369 = arith.constant 0 : i32
    %dma_start3A_370 = tpu.memref_slice %arg4[%dma_start3A_368, %dma_start3A_369] : memref<73728x384xf32, #tpu.memory_space<hbm>> -> memref<73728x384xf32, #tpu.memory_space<hbm>>
    tpu.enqueue_indirect_dma source(%arg7 : memref<128x384xf32, #tpu.memory_space<vmem>>) target(%dma_start3A_370 : memref<73728x384xf32, #tpu.memory_space<hbm>>) offsets(%dma_start3A_367 : memref<128xi32, #tpu.memory_space<vmem>>) semaphore(%arg9 : memref<!tpu.dma_semaphore, #tpu.memory_space<semaphore_mem>>)
    %dma_wait3A_371 = arith.constant 14 : i32
    %dma_wait3A_372 = arith.constant 0 : i32
    %dma_wait3A_373 = tpu.memref_slice %arg5[%dma_wait3A_371, %dma_wait3A_372] : memref<16x128xi32, #tpu.memory_space<vmem>> -> memref<1x128xi32, #tpu.memory_space<vmem>>
    %dma_wait3A_374 = tpu.memref_squeeze %dma_wait3A_373 : memref<1x128xi32, #tpu.memory_space<vmem>> -> memref<128xi32, #tpu.memory_space<vmem>>
    %dma_wait3A_375 = arith.constant 0 : i32
    %dma_wait3A_376 = arith.constant 0 : i32
    %dma_wait3A_377 = tpu.memref_slice %arg4[%dma_wait3A_375, %dma_wait3A_376] : memref<73728x384xf32, #tpu.memory_space<hbm>> -> memref<73728x384xf32, #tpu.memory_space<hbm>>
    tpu.wait_indirect_dma semaphore(%arg9 : memref<!tpu.dma_semaphore, #tpu.memory_space<semaphore_mem>>) src(%arg6 : memref<128x384xf32, #tpu.memory_space<vmem>>) dst(%dma_wait3A_377 : memref<73728x384xf32, #tpu.memory_space<hbm>>)
    %dma_wait3A_378 = arith.constant 15 : i32
    %dma_wait3A_379 = arith.constant 0 : i32
    %dma_wait3A_380 = tpu.memref_slice %arg5[%dma_wait3A_378, %dma_wait3A_379] : memref<16x128xi32, #tpu.memory_space<vmem>> -> memref<1x128xi32, #tpu.memory_space<vmem>>
    %dma_wait3A_381 = tpu.memref_squeeze %dma_wait3A_380 : memref<1x128xi32, #tpu.memory_space<vmem>> -> memref<128xi32, #tpu.memory_space<vmem>>
    %dma_wait3A_382 = arith.constant 0 : i32
    %dma_wait3A_383 = arith.constant 0 : i32
    %dma_wait3A_384 = tpu.memref_slice %arg4[%dma_wait3A_382, %dma_wait3A_383] : memref<73728x384xf32, #tpu.memory_space<hbm>> -> memref<73728x384xf32, #tpu.memory_space<hbm>>
    tpu.wait_indirect_dma semaphore(%arg9 : memref<!tpu.dma_semaphore, #tpu.memory_space<semaphore_mem>>) src(%arg7 : memref<128x384xf32, #tpu.memory_space<vmem>>) dst(%dma_wait3A_384 : memref<73728x384xf32, #tpu.memory_space<hbm>>)
    return
  }
}

module attributes {stable_mosaic.version = 14 : i64} {
  func.func @body(%arg0: i32, %arg1: memref<8xi32, #tpu.memory_space<smem>>, %arg2: memref<2048x384xf32, #tpu.memory_space<vmem>>, %arg3: memref<4x384x256xbf16, #tpu.memory_space<vmem>>, %arg4: memref<4x1x256xf32, #tpu.memory_space<vmem>>, %arg5: memref<4x256x192xbf16, #tpu.memory_space<vmem>>, %arg6: memref<4x1x192xf32, #tpu.memory_space<vmem>>, %arg7: memref<4x192x160xbf16, #tpu.memory_space<vmem>>, %arg8: memref<4x1x160xf32, #tpu.memory_space<vmem>>, %arg9: memref<4x160x1xbf16, #tpu.memory_space<vmem>>, %arg10: memref<4x1x1xf32, #tpu.memory_space<vmem>>, %arg11: memref<2048x1xf32, #tpu.memory_space<vmem>>) attributes {dimension_semantics = [#tpu.dimension_semantics<arbitrary>], iteration_bounds = array<i64: 36>, scalar_prefetch = 0 : i64, scratch_operands = 0 : i64, tpu.core_type = #tpu.core_type<tc>, window_params = [{transform_indices = @transform_0, window_bounds = array<i64: 8>}, {transform_indices = @transform_1, window_bounds = array<i64: 2048, 384>}, {pipeline_mode = #tpu.pipeline_mode<synchronous>, transform_indices = @transform_2, window_bounds = array<i64: 4, 384, 256>}, {pipeline_mode = #tpu.pipeline_mode<synchronous>, transform_indices = @transform_3, window_bounds = array<i64: 4, 1, 256>}, {pipeline_mode = #tpu.pipeline_mode<synchronous>, transform_indices = @transform_4, window_bounds = array<i64: 4, 256, 192>}, {pipeline_mode = #tpu.pipeline_mode<synchronous>, transform_indices = @transform_5, window_bounds = array<i64: 4, 1, 192>}, {pipeline_mode = #tpu.pipeline_mode<synchronous>, transform_indices = @transform_6, window_bounds = array<i64: 4, 192, 160>}, {pipeline_mode = #tpu.pipeline_mode<synchronous>, transform_indices = @transform_7, window_bounds = array<i64: 4, 1, 160>}, {pipeline_mode = #tpu.pipeline_mode<synchronous>, transform_indices = @transform_8, window_bounds = array<i64: 4, 160, 1>}, {pipeline_mode = #tpu.pipeline_mode<synchronous>, transform_indices = @transform_9, window_bounds = array<i64: 4, 1, 1>}, {transform_indices = @transform_10, window_bounds = array<i64: 2048, 1>}]} {
    %mul3A = arith.constant 2048 : i32
    %mul3A_0 = arith.muli %arg0, %mul3A : i32
    %get3A = arith.constant 1 : index
    %get3A_1 = memref.load %arg1[%get3A] : memref<8xi32, #tpu.memory_space<smem>>
    %ge3A = arith.cmpi sge, %mul3A_0, %get3A_1 : i32
    %convert_element_type3A = arith.extui %ge3A : i1 to i32
    %get3A_2 = arith.constant 2 : index
    %get3A_3 = memref.load %arg1[%get3A_2] : memref<8xi32, #tpu.memory_space<smem>>
    %ge3A_4 = arith.cmpi sge, %mul3A_0, %get3A_3 : i32
    %convert_element_type3A_5 = arith.extui %ge3A_4 : i1 to i32
    %add3A = arith.addi %convert_element_type3A, %convert_element_type3A_5 : i32
    %get3A_6 = arith.constant 3 : index
    %get3A_7 = memref.load %arg1[%get3A_6] : memref<8xi32, #tpu.memory_space<smem>>
    %ge3A_8 = arith.cmpi sge, %mul3A_0, %get3A_7 : i32
    %convert_element_type3A_9 = arith.extui %ge3A_8 : i1 to i32
    %add3A_10 = arith.addi %add3A, %convert_element_type3A_9 : i32
    %get3A_11 = arith.constant 0 : index
    %get3A_12 = arith.constant 0 : index
    %get3A_13 = vector.load %arg2[%get3A_11, %get3A_12] : memref<2048x384xf32, #tpu.memory_space<vmem>>, vector<2048x384xf32>
    %convert_element_type3A_14 = arith.truncf %get3A_13 : vector<2048x384xf32> to vector<2048x384xbf16>
    %get3A_15 = arith.index_cast %add3A_10 : i32 to index
    %get3A_16 = arith.constant 0 : index
    %get3A_17 = arith.constant 0 : index
    %get3A_18 = vector.load %arg3[%get3A_15, %get3A_16, %get3A_17] : memref<4x384x256xbf16, #tpu.memory_space<vmem>>, vector<1x384x256xbf16>
    %get3A_19 = vector.shape_cast %get3A_18 : vector<1x384x256xbf16> to vector<384x256xbf16>
    %dot_general3A = arith.constant dense<0.000000e+00> : vector<2048x256xf32>
    %dot_general3A_20 = tpu.matmul %convert_element_type3A_14, %get3A_19, %dot_general3A {dimension_numbers = #tpu.dot_dimension_numbers<[1], [0], [0], [1], [0, 0, 1, 1], [], []>, transpose_lhs_hint = false} : vector<2048x384xbf16>, vector<384x256xbf16>, vector<2048x256xf32> -> vector<2048x256xf32>
    %get3A_21 = arith.index_cast %add3A_10 : i32 to index
    %get3A_22 = arith.constant 0 : index
    %get3A_23 = arith.constant 0 : index
    %get3A_24 = vector.load %arg4[%get3A_21, %get3A_22, %get3A_23] : memref<4x1x256xf32, #tpu.memory_space<vmem>>, vector<1x1x256xf32>
    %get3A_25 = vector.shape_cast %get3A_24 : vector<1x1x256xf32> to vector<1x256xf32>
    %add3A_26 = vector.broadcast %get3A_25 : vector<1x256xf32> to vector<2048x256xf32>
    %add3A_27 = arith.addf %dot_general3A_20, %add3A_26 : vector<2048x256xf32>
    %mul3A_28 = arith.constant 14.4269505 : f32
    %mul3A_29 = vector.broadcast %mul3A_28 : f32 to vector<2048x256xf32>
    %mul3A_30 = arith.mulf %add3A_27, %mul3A_29 : vector<2048x256xf32>
    %exp23A = math.exp2 %mul3A_30 : vector<2048x256xf32>
    %gt3A = arith.constant 0.000000e+00 : f32
    %gt3A_31 = vector.broadcast %gt3A : f32 to vector<2048x256xf32>
    %gt3A_32 = arith.cmpf ogt, %add3A_27, %gt3A_31 : vector<2048x256xf32>
    %mul3A_33 = arith.constant 1.000000e-01 : f32
    %mul3A_34 = vector.broadcast %mul3A_33 : f32 to vector<2048x256xf32>
    %mul3A_35 = arith.mulf %exp23A, %mul3A_34 : vector<2048x256xf32>
    %sub3A = arith.constant 1.000000e-01 : f32
    %sub3A_36 = vector.broadcast %sub3A : f32 to vector<2048x256xf32>
    %sub3A_37 = arith.subf %mul3A_35, %sub3A_36 : vector<2048x256xf32>
    %select_n3A = arith.select %gt3A_32, %add3A_27, %sub3A_37 : vector<2048x256xi1>, vector<2048x256xf32>
    %convert_element_type3A_38 = arith.truncf %select_n3A : vector<2048x256xf32> to vector<2048x256xbf16>
    %get3A_39 = arith.index_cast %add3A_10 : i32 to index
    %get3A_40 = arith.constant 0 : index
    %get3A_41 = arith.constant 0 : index
    %get3A_42 = vector.load %arg5[%get3A_39, %get3A_40, %get3A_41] : memref<4x256x192xbf16, #tpu.memory_space<vmem>>, vector<1x256x192xbf16>
    %get3A_43 = vector.shape_cast %get3A_42 : vector<1x256x192xbf16> to vector<256x192xbf16>
    %dot_general3A_44 = arith.constant dense<0.000000e+00> : vector<2048x192xf32>
    %dot_general3A_45 = tpu.matmul %convert_element_type3A_38, %get3A_43, %dot_general3A_44 {dimension_numbers = #tpu.dot_dimension_numbers<[1], [0], [0], [1], [0, 0, 1, 1], [], []>, transpose_lhs_hint = false} : vector<2048x256xbf16>, vector<256x192xbf16>, vector<2048x192xf32> -> vector<2048x192xf32>
    %get3A_46 = arith.index_cast %add3A_10 : i32 to index
    %get3A_47 = arith.constant 0 : index
    %get3A_48 = arith.constant 0 : index
    %get3A_49 = vector.load %arg6[%get3A_46, %get3A_47, %get3A_48] : memref<4x1x192xf32, #tpu.memory_space<vmem>>, vector<1x1x192xf32>
    %get3A_50 = vector.shape_cast %get3A_49 : vector<1x1x192xf32> to vector<1x192xf32>
    %add3A_51 = vector.broadcast %get3A_50 : vector<1x192xf32> to vector<2048x192xf32>
    %add3A_52 = arith.addf %dot_general3A_45, %add3A_51 : vector<2048x192xf32>
    %mul3A_53 = arith.constant 14.4269505 : f32
    %mul3A_54 = vector.broadcast %mul3A_53 : f32 to vector<2048x192xf32>
    %mul3A_55 = arith.mulf %add3A_52, %mul3A_54 : vector<2048x192xf32>
    %exp23A_56 = math.exp2 %mul3A_55 : vector<2048x192xf32>
    %gt3A_57 = arith.constant 0.000000e+00 : f32
    %gt3A_58 = vector.broadcast %gt3A_57 : f32 to vector<2048x192xf32>
    %gt3A_59 = arith.cmpf ogt, %add3A_52, %gt3A_58 : vector<2048x192xf32>
    %mul3A_60 = arith.constant 1.000000e-01 : f32
    %mul3A_61 = vector.broadcast %mul3A_60 : f32 to vector<2048x192xf32>
    %mul3A_62 = arith.mulf %exp23A_56, %mul3A_61 : vector<2048x192xf32>
    %sub3A_63 = arith.constant 1.000000e-01 : f32
    %sub3A_64 = vector.broadcast %sub3A_63 : f32 to vector<2048x192xf32>
    %sub3A_65 = arith.subf %mul3A_62, %sub3A_64 : vector<2048x192xf32>
    %select_n3A_66 = arith.select %gt3A_59, %add3A_52, %sub3A_65 : vector<2048x192xi1>, vector<2048x192xf32>
    %convert_element_type3A_67 = arith.truncf %select_n3A_66 : vector<2048x192xf32> to vector<2048x192xbf16>
    %get3A_68 = arith.index_cast %add3A_10 : i32 to index
    %get3A_69 = arith.constant 0 : index
    %get3A_70 = arith.constant 0 : index
    %get3A_71 = vector.load %arg7[%get3A_68, %get3A_69, %get3A_70] : memref<4x192x160xbf16, #tpu.memory_space<vmem>>, vector<1x192x160xbf16>
    %get3A_72 = vector.shape_cast %get3A_71 : vector<1x192x160xbf16> to vector<192x160xbf16>
    %dot_general3A_73 = arith.constant dense<0.000000e+00> : vector<2048x160xf32>
    %dot_general3A_74 = tpu.matmul %convert_element_type3A_67, %get3A_72, %dot_general3A_73 {dimension_numbers = #tpu.dot_dimension_numbers<[1], [0], [0], [1], [0, 0, 1, 1], [], []>, transpose_lhs_hint = false} : vector<2048x192xbf16>, vector<192x160xbf16>, vector<2048x160xf32> -> vector<2048x160xf32>
    %get3A_75 = arith.index_cast %add3A_10 : i32 to index
    %get3A_76 = arith.constant 0 : index
    %get3A_77 = arith.constant 0 : index
    %get3A_78 = vector.load %arg8[%get3A_75, %get3A_76, %get3A_77] : memref<4x1x160xf32, #tpu.memory_space<vmem>>, vector<1x1x160xf32>
    %get3A_79 = vector.shape_cast %get3A_78 : vector<1x1x160xf32> to vector<1x160xf32>
    %add3A_80 = vector.broadcast %get3A_79 : vector<1x160xf32> to vector<2048x160xf32>
    %add3A_81 = arith.addf %dot_general3A_74, %add3A_80 : vector<2048x160xf32>
    %mul3A_82 = arith.constant 14.4269505 : f32
    %mul3A_83 = vector.broadcast %mul3A_82 : f32 to vector<2048x160xf32>
    %mul3A_84 = arith.mulf %add3A_81, %mul3A_83 : vector<2048x160xf32>
    %exp23A_85 = math.exp2 %mul3A_84 : vector<2048x160xf32>
    %gt3A_86 = arith.constant 0.000000e+00 : f32
    %gt3A_87 = vector.broadcast %gt3A_86 : f32 to vector<2048x160xf32>
    %gt3A_88 = arith.cmpf ogt, %add3A_81, %gt3A_87 : vector<2048x160xf32>
    %mul3A_89 = arith.constant 1.000000e-01 : f32
    %mul3A_90 = vector.broadcast %mul3A_89 : f32 to vector<2048x160xf32>
    %mul3A_91 = arith.mulf %exp23A_85, %mul3A_90 : vector<2048x160xf32>
    %sub3A_92 = arith.constant 1.000000e-01 : f32
    %sub3A_93 = vector.broadcast %sub3A_92 : f32 to vector<2048x160xf32>
    %sub3A_94 = arith.subf %mul3A_91, %sub3A_93 : vector<2048x160xf32>
    %select_n3A_95 = arith.select %gt3A_88, %add3A_81, %sub3A_94 : vector<2048x160xi1>, vector<2048x160xf32>
    %convert_element_type3A_96 = arith.truncf %select_n3A_95 : vector<2048x160xf32> to vector<2048x160xbf16>
    %get3A_97 = arith.index_cast %add3A_10 : i32 to index
    %get3A_98 = arith.constant 0 : index
    %get3A_99 = arith.constant 0 : index
    %get3A_100 = vector.load %arg9[%get3A_97, %get3A_98, %get3A_99] : memref<4x160x1xbf16, #tpu.memory_space<vmem>>, vector<1x160x1xbf16>
    %get3A_101 = vector.shape_cast %get3A_100 : vector<1x160x1xbf16> to vector<160x1xbf16>
    %dot_general3A_102 = arith.constant dense<0.000000e+00> : vector<2048x1xf32>
    %dot_general3A_103 = tpu.matmul %convert_element_type3A_96, %get3A_101, %dot_general3A_102 {dimension_numbers = #tpu.dot_dimension_numbers<[1], [0], [0], [1], [0, 0, 1, 1], [], []>, transpose_lhs_hint = false} : vector<2048x160xbf16>, vector<160x1xbf16>, vector<2048x1xf32> -> vector<2048x1xf32>
    %get3A_104 = arith.index_cast %add3A_10 : i32 to index
    %get3A_105 = arith.constant 0 : index
    %get3A_106 = arith.constant 0 : index
    %get3A_107 = vector.load %arg10[%get3A_104, %get3A_105, %get3A_106] : memref<4x1x1xf32, #tpu.memory_space<vmem>>, vector<1x1x1xf32>
    %get3A_108 = vector.shape_cast %get3A_107 : vector<1x1x1xf32> to vector<1x1xf32>
    %add3A_109 = vector.broadcast %get3A_108 : vector<1x1xf32> to vector<2048x1xf32>
    %add3A_110 = arith.addf %dot_general3A_103, %add3A_109 : vector<2048x1xf32>
    %swap3A = arith.constant 0 : index
    %swap3A_111 = arith.constant 0 : index
    %swap3A_112 = vector.load %arg11[%swap3A, %swap3A_111] : memref<2048x1xf32, #tpu.memory_space<vmem>>, vector<2048x1xf32>
    tpu.vector_store %arg11[%swap3A, %swap3A_111], %add3A_110 {strides = array<i32>} : memref<2048x1xf32, #tpu.memory_space<vmem>>, vector<2048x1xf32>,
    return
  }
  func.func @transform_0(%arg0: i32) -> i32 {
    %c0_i32 = arith.constant 0 : i32
    %c0_i32_0 = arith.constant 0 : i32
    return %c0_i32 : i32
  }
  func.func @transform_1(%arg0: i32) -> (i32, i32) {
    %c0_i32 = arith.constant 0 : i32
    %c0_i32_0 = arith.constant 0 : i32
    return %arg0, %c0_i32 : i32, i32
  }
  func.func @transform_2(%arg0: i32) -> (i32, i32, i32) {
    %c0_i32 = arith.constant 0 : i32
    %c0_i32_0 = arith.constant 0 : i32
    %c0_i32_1 = arith.constant 0 : i32
    %c0_i32_2 = arith.constant 0 : i32
    return %c0_i32, %c0_i32_0, %c0_i32_1 : i32, i32, i32
  }
  func.func @transform_3(%arg0: i32) -> (i32, i32, i32) {
    %c0_i32 = arith.constant 0 : i32
    %c0_i32_0 = arith.constant 0 : i32
    %c0_i32_1 = arith.constant 0 : i32
    %c0_i32_2 = arith.constant 0 : i32
    return %c0_i32, %c0_i32_0, %c0_i32_1 : i32, i32, i32
  }
  func.func @transform_4(%arg0: i32) -> (i32, i32, i32) {
    %c0_i32 = arith.constant 0 : i32
    %c0_i32_0 = arith.constant 0 : i32
    %c0_i32_1 = arith.constant 0 : i32
    %c0_i32_2 = arith.constant 0 : i32
    return %c0_i32, %c0_i32_0, %c0_i32_1 : i32, i32, i32
  }
  func.func @transform_5(%arg0: i32) -> (i32, i32, i32) {
    %c0_i32 = arith.constant 0 : i32
    %c0_i32_0 = arith.constant 0 : i32
    %c0_i32_1 = arith.constant 0 : i32
    %c0_i32_2 = arith.constant 0 : i32
    return %c0_i32, %c0_i32_0, %c0_i32_1 : i32, i32, i32
  }
  func.func @transform_6(%arg0: i32) -> (i32, i32, i32) {
    %c0_i32 = arith.constant 0 : i32
    %c0_i32_0 = arith.constant 0 : i32
    %c0_i32_1 = arith.constant 0 : i32
    %c0_i32_2 = arith.constant 0 : i32
    return %c0_i32, %c0_i32_0, %c0_i32_1 : i32, i32, i32
  }
  func.func @transform_7(%arg0: i32) -> (i32, i32, i32) {
    %c0_i32 = arith.constant 0 : i32
    %c0_i32_0 = arith.constant 0 : i32
    %c0_i32_1 = arith.constant 0 : i32
    %c0_i32_2 = arith.constant 0 : i32
    return %c0_i32, %c0_i32_0, %c0_i32_1 : i32, i32, i32
  }
  func.func @transform_8(%arg0: i32) -> (i32, i32, i32) {
    %c0_i32 = arith.constant 0 : i32
    %c0_i32_0 = arith.constant 0 : i32
    %c0_i32_1 = arith.constant 0 : i32
    %c0_i32_2 = arith.constant 0 : i32
    return %c0_i32, %c0_i32_0, %c0_i32_1 : i32, i32, i32
  }
  func.func @transform_9(%arg0: i32) -> (i32, i32, i32) {
    %c0_i32 = arith.constant 0 : i32
    %c0_i32_0 = arith.constant 0 : i32
    %c0_i32_1 = arith.constant 0 : i32
    %c0_i32_2 = arith.constant 0 : i32
    return %c0_i32, %c0_i32_0, %c0_i32_1 : i32, i32, i32
  }
  func.func @transform_10(%arg0: i32) -> (i32, i32) {
    %c0_i32 = arith.constant 0 : i32
    %c0_i32_0 = arith.constant 0 : i32
    return %arg0, %c0_i32 : i32, i32
  }
}

</mosaic_0001>

<sc_bundles>
// kernel: kernel.5.cloned.1.call-start
scs
__scs_entry_jumppad:
0x0: {  	(pc) =	sbr.rel $0x88, $3  }
0x1: {  	(tag) =	ssettag $0x0;
	lr =	simm.s32 $0x1  }
0x2: {  	[smem:$0x3F7F] =	sst lr;
	_ =	strace $0xD0000000  }
0x3: {  	_ = 	snop  }
0x4: {  	_ = 	snop  }
0x5: {  	_ = 	snop  }
0x6: {  	_ = 	snop  }
0x7: {  	_ = 	snop  }
__scs_overlays_trampoline_lowered:
0x8: {  	[smem:$0x3F8E] =	sst s0  }
0x9: {  	[smem:$0x3F8F] =	sst s1  }
0xa: {  	[smem:$0x3F90] =	sst s2  }
0xb: {  	[smem:$0x3F91] =	sst s3  }
0xc: {  	[smem:$0x3F92] =	sst s4  }
0xd: {  	[smem:$0x3F93] =	sst s5  }
0xe: {  	[smem:$0x3F94] =	sst s6  }
0xf: {  	[smem:$0x3F95] =	sst s7  }
0x10: {  	[smem:$0x3F96] =	sst s8  }
0x11: {  	[smem:$0x3F97] =	sst s9;
	s0 =	simm.s32 @!p0 $0x0  }
0x12: {  	s1 =	sld [smem:$0x3F7D];
	s0 =	simm.s32 @p0 $0x1  }
0x13: {  	[smem:$0x3F98] =	sst s0;
	s0 =	simm.s32 @!p1 $0x0  }
0x14: {  	s2 =	sld [smem:$0x3F7C];
	s0 =	simm.s32 @p1 $0x1  }
0x15: {  	[smem:$0x3F99] =	sst s0;
	s0 =	simm.s32 @!p2 $0x0  }
0x16: {  	s3 =	sld [smem:$0x3FDB];
	s0 =	simm.s32 @p2 $0x1  }
0x17: {  	s4 =	simm.s32 $0x1BF5;
	[smem:$0x3F9B] =	sst s0  }
0x18: {  	s0 =	sld [smem:$0x3F7E];
	_ =	swait.ge [sflag:s4], $0x0  }
0x19: {  	s7 =	sld [smem:$0x3F7F]  }
0x1a: {  	s8 =	sadd.s32 $0xFFFFE003, lr  }
0x1b: {  	s9 =	sadd.s32 $0xFFFFFEF7, lr;
	s5 =	simm.s32 $0xFFFFFFFF;
	p2 =	slt.u32 s8, $0xFFFFF086  }
0x1c: {  	p1 =	slt.u32 s9, $0xF7A;
	s5 =	simm.s32 @!p2 $0x0  }
0x1d: {  	s5 =	simm.s32 @p1 $0x1;
	p0 =	seq.s32 s7, s2  }
0x1e: {  	s7 =	smul.u32 @!p0 $0xF7A, s2;
	p2 =	seq.s32 @!p0 s5, $0x0  }
0x1f: {  	s9 =	smul.u32 $0xF7A, s1;
	s8 =	simm.s32 @!p0 $0x1BF5;
	p2 =	por !p2, p0  }
0x20: {  	[sflag:s8] =	ssyncset.s32 @!p0 $0xFFFFF086;
	s6 =	sadd.s32 @!p0 s3, s7;
	s7 =	simm.s32 @!p0 $0x108  }
0x21: {  	s3 =	sadd.s32 s3, s9;
	s6 =	sadd.s32 @!p0 $0x88, s6;
	s7 =	simm.s32 @p2 $0x1082  }
0x22: {  	[simem:s7], [sflag:s8] =	dma.local @!p0 [hbm:s6], $0xF7A  }
0x23: {  	s9 =	sor.u32 $0xD0000000, s2;
	s6 =	simm.s32 $0x108;
	_ =	swait.ge @!p0 [sflag:s8], $0x0  }
0x24: {  	s3 =	sadd.s32 $0x88, s3;
	s6 =	simm.s32 @!p1 $0x1082;
	[sflag:s4] =	ssyncset.s32 $0xFFFFF086  }
0x25: {  	[simem:s6], [sflag:s4] =	dma.local [hbm:s3], $0xF7A  }
0x26: {  	[smem:$0x3F7F] =	sst s1;
	(tag) =	ssettag s2;
	_ =	strace s9  }
0x27: {  	s1 =	sld [smem:$0x3F8F]  }
0x28: {  	s2 =	sld [smem:$0x3F90]  }
0x29: {  	s4 =	sld [smem:$0x3F92]  }
0x2a: {  	p0 =	seq.s32 s5, $0x0;
	s5 =	sld [smem:$0x3F93]  }
0x2b: {  	s6 =	sld [smem:$0x3F94]  }
0x2c: {  	s7 =	sld [smem:$0x3F95]  }
0x2d: {  	s3 =	simm.s32 $0x108;
	s8 =	sld [smem:$0x3F96]  }
0x2e: {  	s3 =	simm.s32 @!p0 $0x1082;
	s9 =	sld [smem:$0x3F97]  }
0x2f: {  	lr =	sadd.s32 s0, s3;
	s0 =	sld [smem:$0x3F8E]  }
0x30: {  	s3 =	sld [smem:$0x3F91]  }
0x31: {  	[smem:$0x3F9A] =	sst s10  }
0x32: {  	s10 =	sld [smem:$0x3F98];
	_ =	sdelay $0x3  }
0x33: {  	p0 =	seq.s32 s10, $0x1;
	s10 =	sld [smem:$0x3F9A];
	_ =	sdelay $0x3  }
0x34: {  	[smem:$0x3F9A] =	sst s10  }
0x35: {  	s10 =	sld [smem:$0x3F99];
	_ =	sdelay $0x3  }
0x36: {  	p1 =	seq.s32 s10, $0x1;
	s10 =	sld [smem:$0x3F9A];
	_ =	sdelay $0x3  }
0x37: {  	[smem:$0x3F9A] =	sst s10  }
0x38: {  	s10 =	sld [smem:$0x3F9B]  }
0x39: {  	_ = 	snop;
	(pc) =	sbr.ind lr, $3  }
0x3a: {  	_ = 	snop  }
0x3b: {  	_ = 	snop  }
0x3c: {  	p2 =	seq.s32 s10, $0x1;
	s10 =	sld [smem:$0x3F9A]  }
0x3d: {  	_ =	shalt  }
0x3e: {  	_ =	shalt  }
0x3f: {  	_ =	shalt  }
0x40: {  	_ =	shalt  }
0x41: {  	_ =	shalt  }
0x42: {  	_ =	shalt  }
0x43: {  	_ =	shalt  }
0x44: {  	_ =	shalt  }
0x45: {  	_ =	shalt  }
0x46: {  	_ =	shalt  }
0x47: {  	_ =	shalt  }
0x48: {  	_ =	shalt  }
0x49: {  	_ =	shalt  }
0x4a: {  	_ =	shalt  }
0x4b: {  	_ =	shalt  }
0x4c: {  	_ =	shalt  }
0x4d: {  	_ =	shalt  }
0x4e: {  	_ =	shalt  }
0x4f: {  	_ =	shalt  }
0x50: {  	_ =	shalt  }
0x51: {  	_ =	shalt  }
0x52: {  	_ =	shalt  }
0x53: {  	_ =	shalt  }
0x54: {  	_ =	shalt  }
0x55: {  	_ =	shalt  }
0x56: {  	_ =	shalt  }
0x57: {  	_ =	shalt  }
0x58: {  	_ =	shalt  }
0x59: {  	_ =	shalt  }
0x5a: {  	_ =	shalt  }
0x5b: {  	_ =	shalt  }
0x5c: {  	_ =	shalt  }
0x5d: {  	_ =	shalt  }
0x5e: {  	_ =	shalt  }
0x5f: {  	_ =	shalt  }
0x60: {  	_ =	shalt  }
0x61: {  	_ =	shalt  }
0x62: {  	_ =	shalt  }
0x63: {  	_ =	shalt  }
0x64: {  	_ =	shalt  }
0x65: {  	_ =	shalt  }
0x66: {  	_ =	shalt  }
0x67: {  	_ =	shalt  }
0x68: {  	_ =	shalt  }
0x69: {  	_ =	shalt  }
0x6a: {  	_ =	shalt  }
0x6b: {  	_ =	shalt  }
0x6c: {  	_ =	shalt  }
0x6d: {  	_ =	shalt  }
0x6e: {  	_ =	shalt  }
0x6f: {  	_ =	shalt  }
0x70: {  	_ =	shalt  }
0x71: {  	_ =	shalt  }
0x72: {  	_ =	shalt  }
0x73: {  	_ =	shalt  }
0x74: {  	_ =	shalt  }
0x75: {  	_ =	shalt  }
0x76: {  	_ =	shalt  }
0x77: {  	_ =	shalt  }
0x78: {  	_ =	shalt  }
0x79: {  	_ =	shalt  }
0x7a: {  	_ =	shalt  }
0x7b: {  	_ =	shalt  }
0x7c: {  	_ =	shalt  }
0x7d: {  	_ =	shalt  }
0x7e: {  	_ =	shalt  }
0x7f: {  	_ =	shalt  }
0x80: {  	_ =	shalt  }
0x81: {  	_ =	shalt  }
0x82: {  	_ =	shalt  }
0x83: {  	_ =	shalt  }
0x84: {  	_ =	shalt  }
0x85: {  	_ =	shalt  }
0x86: {  	_ =	shalt  }
0x87: {  	_ =	shalt  }
.Lfunc_end0:
.L_simem_size_0:
called_computation_lowered:
.L_overlay_start_0:
0x88: {  	s2 =	sld [smem:$0x3FD9]  }
0x89: {  	s3 =	sld [smem:$0x3FFE];
	_ =	sdelay $0x1  }
0x8a: {  	s1 =	srdreg.scid  }
0x8b: {  	s0 =	sand.u32 $0x1, s1  }
0x8c: {  	s14 =	sshll.u32 s0, $0xA;
	s2 =	sadd.s32 s3, s2  }
0x8d: {  	s2 =	sadd.s32 s2, s14  }
0x8e: {  	[smem:$0x3FA6] =	sst s2  }
0x8f: {  	_ = 	snop  }
0x90: {  	s2 =	sld [smem:$0x3FD0];
	_ =	sdelay $0x2  }
0x91: {  	s4 =	simm.s32 $0xA;
	s5 =	simm.s32 $0x10;
	s15 =	sld [smem:$0x3FC8]  }
0x92: {  	[smem:s5], [sflag:s4] =	dma.local [hbm:s2], $0x1  }
0x93: {  	_ =	swait.eq [sflag:s4], $0x1  }
0x94: {  	[sflag:s4] =	ssyncset.done $0x0  }
0x95: {  	[sflag:s4] =	ssyncadd.s32 $0xFFFFFFFF  }
0x96: {  	s16 =	sld [smem:$0x10];
	(tm) =	ssettm $0x1  }
0x97: {  	s17 =	sld [smem:$0x3FFB];
	_ =	sdelay $0x3  }
0x98: {  	_ =	strace s17  }
0x99: {  	s4 =	sld [smem:$0x3FFC];
	_ =	sdelay $0x3  }
0x9a: {  	_ =	strace s4  }
0x9b: {  	s4 =	sld [smem:$0x3FFD];
	_ =	sdelay $0x3  }
0x9c: {  	_ =	strace s4  }
0x9d: {  	_ =	strace $0x8FFFFFFF  }
0x9e: {  	s18 =	sld [smem:$0x3FDB];
	_ =	sdelay $0x1  }
0x9f: {  	s19 =	simm.s32 $_scs_section_size  }
0xa0: {  	s6 =	simm.s32 $_size__tile_overlayer_lowered;
	s7 =	simm.s32 $_tile_overlayer_lowered  }
0xa1: {  	s22 =	simm.s32 $0x1BFF;
	s21 =	sshll.u32 s7, $0x1;
	s4 =	sadd.s32 s19, s18  }
0xa2: {  	s8 =	simm.s32 $0x0;
	s20 =	sshll.u32 s6, $0x1;
	s6 =	sadd.s32 s21, s4  }
0xa3: {  	[timem:s8], [sflag:s22] =	dma.local [hbm:s6], s20  }
0xa4: {  	_ =	swait.ge [sflag:s22], s20  }
0xa5: {  	s5 =	ssub.s32 $0x0, s20;
	[sflag:s22] =	ssyncset.done $0x0  }
0xa6: {  	[sflag:s22] =	ssyncadd.s32 s5;
	_ =	sdelay $0x1  }
0xa7: {  	s23 =	simm.s32 $0x1B8B  }
0xa8: {  	_ =	swait.ge [sflag:s23], $0x1  }
0xa9: {  	[sflag:s23] =	ssyncset.done $0x0  }
0xaa: {  	s25 =	simm.s32 $0x1B8E;
	s24 =	sld [smem:$0x3FFE];
	[sflag:s23] =	ssyncadd.s32 $0xFFFFFFFF  }
0xab: {  	s26 =	simm.s32 $execute0_lowered;
	[smem:$0x3FD2] =	sst s25  }
0xac: {  	s6 =	sshll.u32 s26, $0x1;
	_ =	strace $0x80000046;
	[dreg:$0x1] =	wrdreg $0xFFFFFFFF  }
0xad: {  	s28 =	simm.s32 $_size_execute0_lowered;
	s4 =	sadd.s32 s4, s6;
	[dreg:$0x0] =	wrdreg $0x0  }
0xae: {  	s6 =	sshll.u32 s28, $0x1;
	[dreg:$0x2] =	wrdreg s4  }
0xaf: {  	[dreg:$0x3] =	wrdreg s6  }
0xb0: {  	[dreg:$0x4] =	wrdreg $0xC0  }
0xb1: {  	_ =	task [dreg:s8], $0x5FFFF  }
0xb2: {  	[dreg:$0x1] =	wrdreg $0xFFFFFFFF  }
0xb3: {  	[dreg:$0x0] =	wrdreg $0x60  }
0xb4: {  	[dreg:$0x2] =	wrdreg s15  }
0xb5: {  	[dreg:$0x3] =	wrdreg s16  }
0xb6: {  	[dreg:$0x4] =	wrdreg s24  }
0xb7: {  	[dreg:$0x5] =	wrdreg $0x9  }
0xb8: {  	_ =	task.clear_ibuf [dreg:s8], $0x6FFFF;
	_ =	strace $0x90000046  }
0xb9: {  	s29 =	simm.s32 $0x9;
	_ =	strace $0x80000048  }
0xba: {  	_ =	swait.ge [sflag:s29], $0x1  }
0xbb: {  	[sflag:s29] =	ssyncadd.s32 $0xFFFFFFFF  }
0xbc: {  	_ =	strace $0x90000048  }
0xbd: {  	_ =	sfence  }
0xbe: {  	s30 =	sld [smem:$0x0];
	_ =	sdelay $0x2  }
0xbf: {  	s31 =	sshll.u32 s1, $0xD;
	s1 =	sshrl.u32 s1, $0x2  }
0xc0: {  	s3 =	sand.u32 $0x4000, s31;
	s1 =	sadd.s32 s1, s30  }
0xc1: {  	s0 =	sor.u32 s3, s0;
	s1 =	sshll.u32 s1, $0x11  }
0xc2: {  	s0 =	sor.u32 s1, s0  }
0xc3: {  	s0 =	sadd.s32 $0x8F2B, s0  }
0xc4: {  	[sflag:s0] =	ssyncadd.remote.s32 $0x1  }
0xc5: {  	_ =	sfence.sel $0xFFFF  }
0xc6: {  	[dreg:$0x0] =	wrdreg $0xFFFFFFFF;
	(pc) =	sbr.abs _section_cstart, $3  }
0xc7: {  	[dreg:$0x1] =	wrdreg $0xFFFFFFFF  }
0xc8: {  	_ =	task.clear_ibuf [dreg:s8], $0x2FFFF;
	_ =	strace $0x9FFFFFFF  }
0xc9: {  	(tm) =	ssettm $0x7FFFFFFF  }
tec
execute0_lowered:
.L_overlay_start_1:
0x0: {  	(tag) =	ssettag $0x1  }
0x1: {  	s0 =	srdreg.scid  }
0x2: {  	s2 =	stileid.u32;
	s0 =	sand.u32 $0x1, s0  }
0x3: {  	s1 =	rddreg [dreg:$0x0];
	s2 =	sshll.u32 s2, $0x9;
	s4 =	sshll.u32 s0, $0x8  }
0x4: {  	s3 =	rddreg [dreg:$0x1];
	s4 =	sor.u32 s4, s2  }
0x5: {  	s5 =	rddreg [dreg:$0x2];
	s2 =	simm.s32 $0x0;
	s6 =	smul.u32 $0x180, s4  }
0x6: {  	[smem:$0x7FF] =	sst s2;
	s3 =	sadd.s32 s3, s4  }
0x7: {  	_ =	strace $0x80000047;
	[dreg:$0x4] =	wrdreg s3;
	s6 =	sadd.s32 s1, s6  }
0x8: {  	s16 =	sadd.s32 $0x1800, s6;
	[dreg:$0x14] =	wrdreg s6  }
0x9: {  	s4 =	smul.u32 $0xC00, s4;
	s17 =	sadd.s32 $0x3000, s6;
	[dreg:$0x5] =	wrdreg s16  }
0xa: {  	s18 =	sadd.s32 $0x4800, s6;
	[dreg:$0x6] =	wrdreg s17  }
0xb: {  	s4 =	sshrl.u32 s4, $0x3;
	s19 =	sadd.s32 $0x6000, s6;
	[dreg:$0x7] =	wrdreg s18  }
0xc: {  	s20 =	sadd.s32 $0x7800, s6;
	s1 =	sadd.s32 s1, s4;
	[dreg:$0x8] =	wrdreg s19  }
0xd: {  	[dreg:$0x9] =	wrdreg s20;
	s21 =	sadd.s32 $0x9000, s1  }
0xe: {  	s22 =	sadd.s32 $0xA800, s1;
	[dreg:$0xa] =	wrdreg s21  }
0xf: {  	s23 =	sadd.s32 $0xC000, s1;
	[dreg:$0xb] =	wrdreg s22  }
0x10: {  	s24 =	sadd.s32 $0xD800, s1;
	[dreg:$0xc] =	wrdreg s23  }
0x11: {  	s10 =	simm.s32 $0x1;
	s25 =	sadd.s32 $0xF000, s1;
	[dreg:$0xd] =	wrdreg s24  }
0x12: {  	s0 =	ssub.s32 $0x2, s0;
	s26 =	sadd.s32 $0x10800, s1;
	[dreg:$0xe] =	wrdreg s25  }
0x13: {  	s29 =	sshrl.u32 s0, $0x1;
	s28 =	sadd.s32 $0x12000, s1;
	[dreg:$0xf] =	wrdreg s26  }
0x14: {  	s0 =	ssub.s32 s0, s29;
	s30 =	sadd.s32 $0x13800, s1;
	[dreg:$0x10] =	wrdreg s28  }
0x15: {  	v2 =	vlaneseq.u32;
	s0 =	smax.u32 s0, $0x1;
	s31 =	sadd.s32 $0x15000, s1;
	[dreg:$0x11] =	wrdreg s30  }
0x16: {  	vm0 =	vmmov $0xffff;
	vm1 =	vmmov $0xff;
	v1 =	vshrl.u32 v2, $0x3;
	s4 =	sadd.s32 $0x1600, s5;
	s1 =	sadd.s32 $0x16800, s1;
	[dreg:$0x12] =	wrdreg s31  }
0x17: {  	v0 =	vand.u32 $0x7, v2;
	v2 =	vor.u32 $0x8, v2;
	v1 =	vmul.u32 $0x8, v1;
	s5 =	sadd.s32 $0x1700, s5;
	s18 =	simm.s32 $0x2;
	[dreg:$0x13] =	wrdreg s1  }
.LBB2_1:
0x18: {  	[dreg:$0x15] =	wrdreg s0  }
0x19: {  	s28 =	rddreg [dreg:$0x4];
	s11 =	simm.s32 $0x3  }
0x1a: {  	[tilespmem:s2], [sflag:$0x3] =	stream.linear.gather [hbm4b:s28+s2], $0x800, $0x38;
	[tilespmem:$0x18800] =	vst v63  }
0x1b: {  	_ =	swait.ge [sflag:s11], $0x800  }
0x1c: {  	[sflag:s11] =	ssyncset.done $0x0  }
0x1d: {  	s13 =	simm.s32 $0x800;
	s29 =	rddreg [dreg:$0x14];
	[sflag:s11] =	ssyncadd.s32 $0xFFFFF800  }
0x1e: {  	[tilespmem:s13], [sflag:$0x1] =	stream.linear.gather [hbm4b:s29+s2], $0xC000, $0x38;
	[tilespmem:$0x18800] =	vst v63  }
0x1f: {  	s14 =	simm.s32 $0xC800;
	s12 =	rddreg [dreg:$0x5]  }
0x20: {  	[tilespmem:s14], [sflag:$0x1] =	stream.linear.gather [hbm4b:s12+s2], $0xC000, $0x38;
	[tilespmem:$0x18800] =	vst v63  }
0x21: {  	_ =	swait.ge [sflag:s10], $0xC000  }
0x22: {  	[sflag:s10] =	ssyncset.done $0x0  }
0x23: {  	[sflag:s10] =	ssyncadd.s32 $0xFFFF4000  }
0x24: {  	v3 =	vld [tilespmem:$0x0];
	_ =	sdelay $0x4  }
0x25: {  	v4 =	vshrl.u32 v3, $0x3  }
0x26: {  	v4 =	vmul.u32 $0x18, v4  }
0x27: {  	v3 =	vand.u32 $0x7, v3  }
0x28: {  	v3 =	vor.u32 v3, v4  }
0x29: {  	v4 =	vperm.xlane v3, v0;
	_ =	sdelay $0x1  }
0x2a: {  	v4 =	vadd.s32 v1, v4;
	_ =	sdelay $0x1  }
0x2b: {  	v3 =	vperm.xlane v3, v2;
	_ =	sdelay $0x1  }
0x2c: {  	s3 =	simm.s32 $0x800;
	v3 =	vadd.s32 v1, v3  }
0x2d: {  	[hbm4b:s4+s2] =	stream.indirect_vreg.scatter [tilespmem:s3], [sflag:$0x2], $0x80, v4, vm0, $0xb8;
	[tilespmem:$0x18800] =	vst v63  }
0x2e: {  	s15 =	simm.s32 $0x1000  }
0x2f: {  	[hbm4b:s5+s2] =	stream.indirect_vreg.scatter [tilespmem:s15], [sflag:$0x2], $0x80, v4, vm1, $0xb8;
	[tilespmem:$0x18800] =	vst v63  }
0x30: {  	s16 =	simm.s32 $0x1400  }
0x31: {  	[hbm4b:s4+s2] =	stream.indirect_vreg.scatter [tilespmem:s16], [sflag:$0x2], $0x80, v3, vm0, $0xb8;
	[tilespmem:$0x18800] =	vst v63  }
0x32: {  	s17 =	simm.s32 $0x1C00  }
0x33: {  	[hbm4b:s5+s2] =	stream.indirect_vreg.scatter [tilespmem:s17], [sflag:$0x2], $0x80, v3, vm1, $0xb8;
	[tilespmem:$0x18800] =	vst v63  }
0x34: {  	v3 =	vld [tilespmem:$0x10];
	_ =	sdelay $0x4  }
0x35: {  	v49 =	vshrl.u32 v3, $0x3  }
0x36: {  	v4 =	vmul.u32 $0x18, v49  }
0x37: {  	v3 =	vand.u32 $0x7, v3  }
0x38: {  	v3 =	vor.u32 v3, v4  }
0x39: {  	v4 =	vperm.xlane v3, v0;
	_ =	sdelay $0x1  }
0x3a: {  	v4 =	vadd.s32 v1, v4;
	_ =	sdelay $0x1  }
0x3b: {  	v3 =	vperm.xlane v3, v2;
	_ =	sdelay $0x1  }
0x3c: {  	s19 =	simm.s32 $0x2000;
	v3 =	vadd.s32 v1, v3  }
0x3d: {  	[hbm4b:s4+s2] =	stream.indirect_vreg.scatter [tilespmem:s19], [sflag:$0x2], $0x80, v4, vm0, $0xb8;
	[tilespmem:$0x18800] =	vst v63  }
0x3e: {  	s20 =	simm.s32 $0x2800  }
0x3f: {  	[hbm4b:s5+s2] =	stream.indirect_vreg.scatter [tilespmem:s20], [sflag:$0x2], $0x80, v4, vm1, $0xb8;
	[tilespmem:$0x18800] =	vst v63  }
0x40: {  	s21 =	simm.s32 $0x2C00  }
0x41: {  	[hbm4b:s4+s2] =	stream.indirect_vreg.scatter [tilespmem:s21], [sflag:$0x2], $0x80, v3, vm0, $0xb8;
	[tilespmem:$0x18800] =	vst v63  }
0x42: {  	s22 =	simm.s32 $0x3400  }
0x43: {  	[hbm4b:s5+s2] =	stream.indirect_vreg.scatter [tilespmem:s22], [sflag:$0x2], $0x80, v3, vm1, $0xb8;
	[tilespmem:$0x18800] =	vst v63  }
0x44: {  	v3 =	vld [tilespmem:$0x20];
	_ =	sdelay $0x4  }
0x45: {  	v50 =	vshrl.u32 v3, $0x3  }
0x46: {  	v4 =	vmul.u32 $0x18, v50  }
0x47: {  	v3 =	vand.u32 $0x7, v3  }
0x48: {  	v3 =	vor.u32 v3, v4  }
0x49: {  	v4 =	vperm.xlane v3, v0;
	_ =	sdelay $0x1  }
0x4a: {  	v4 =	vadd.s32 v1, v4;
	_ =	sdelay $0x1  }
0x4b: {  	v3 =	vperm.xlane v3, v2;
	_ =	sdelay $0x1  }
0x4c: {  	s23 =	simm.s32 $0x3800;
	v3 =	vadd.s32 v1, v3  }
0x4d: {  	[hbm4b:s4+s2] =	stream.indirect_vreg.scatter [tilespmem:s23], [sflag:$0x2], $0x80, v4, vm0, $0xb8;
	[tilespmem:$0x18800] =	vst v63  }
0x4e: {  	s24 =	simm.s32 $0x4000  }
0x4f: {  	[hbm4b:s5+s2] =	stream.indirect_vreg.scatter [tilespmem:s24], [sflag:$0x2], $0x80, v4, vm1, $0xb8;
	[tilespmem:$0x18800] =	vst v63  }
0x50: {  	s25 =	simm.s32 $0x4400  }
0x51: {  	[hbm4b:s4+s2] =	stream.indirect_vreg.scatter [tilespmem:s25], [sflag:$0x2], $0x80, v3, vm0, $0xb8;
	[tilespmem:$0x18800] =	vst v63  }
0x52: {  	s26 =	simm.s32 $0x4C00  }
0x53: {  	[hbm4b:s5+s2] =	stream.indirect_vreg.scatter [tilespmem:s26], [sflag:$0x2], $0x80, v3, vm1, $0xb8;
	[tilespmem:$0x18800] =	vst v63  }
0x54: {  	v3 =	vld [tilespmem:$0x30];
	_ =	sdelay $0x4  }
0x55: {  	v51 =	vshrl.u32 v3, $0x3  }
0x56: {  	v4 =	vmul.u32 $0x18, v51  }
0x57: {  	v3 =	vand.u32 $0x7, v3  }
0x58: {  	v3 =	vor.u32 v3, v4  }
0x59: {  	v4 =	vperm.xlane v3, v0;
	_ =	sdelay $0x1  }
0x5a: {  	v4 =	vadd.s32 v1, v4;
	_ =	sdelay $0x1  }
0x5b: {  	v3 =	vperm.xlane v3, v2;
	_ =	sdelay $0x1  }
0x5c: {  	s28 =	simm.s32 $0x5000;
	v3 =	vadd.s32 v1, v3  }
0x5d: {  	[hbm4b:s4+s2] =	stream.indirect_vreg.scatter [tilespmem:s28], [sflag:$0x2], $0x80, v4, vm0, $0xb8;
	[tilespmem:$0x18800] =	vst v63  }
0x5e: {  	s29 =	simm.s32 $0x5800  }
0x5f: {  	[hbm4b:s5+s2] =	stream.indirect_vreg.scatter [tilespmem:s29], [sflag:$0x2], $0x80, v4, vm1, $0xb8;
	[tilespmem:$0x18800] =	vst v63  }
0x60: {  	s30 =	simm.s32 $0x5C00  }
0x61: {  	[hbm4b:s4+s2] =	stream.indirect_vreg.scatter [tilespmem:s30], [sflag:$0x2], $0x80, v3, vm0, $0xb8;
	[tilespmem:$0x18800] =	vst v63  }
0x62: {  	s31 =	simm.s32 $0x6400  }
0x63: {  	[hbm4b:s5+s2] =	stream.indirect_vreg.scatter [tilespmem:s31], [sflag:$0x2], $0x80, v3, vm1, $0xb8;
	[tilespmem:$0x18800] =	vst v63  }
0x64: {  	v3 =	vld [tilespmem:$0x40];
	_ =	sdelay $0x4  }
0x65: {  	v52 =	vshrl.u32 v3, $0x3  }
0x66: {  	v4 =	vmul.u32 $0x18, v52  }
0x67: {  	v3 =	vand.u32 $0x7, v3  }
0x68: {  	v3 =	vor.u32 v3, v4  }
0x69: {  	v4 =	vperm.xlane v3, v0;
	_ =	sdelay $0x1  }
0x6a: {  	v4 =	vadd.s32 v1, v4;
	_ =	sdelay $0x1  }
0x6b: {  	v3 =	vperm.xlane v3, v2;
	_ =	sdelay $0x1  }
0x6c: {  	s7 =	simm.s32 $0x6800;
	v3 =	vadd.s32 v1, v3  }
0x6d: {  	[hbm4b:s4+s2] =	stream.indirect_vreg.scatter [tilespmem:s7], [sflag:$0x2], $0x80, v4, vm0, $0xb8;
	[tilespmem:$0x18800] =	vst v63  }
0x6e: {  	s9 =	simm.s32 $0x7000  }
0x6f: {  	[hbm4b:s5+s2] =	stream.indirect_vreg.scatter [tilespmem:s9], [sflag:$0x2], $0x80, v4, vm1, $0xb8;
	[tilespmem:$0x18800] =	vst v63  }
0x70: {  	s11 =	simm.s32 $0x7400  }
0x71: {  	[hbm4b:s4+s2] =	stream.indirect_vreg.scatter [tilespmem:s11], [sflag:$0x2], $0x80, v3, vm0, $0xb8;
	[tilespmem:$0x18800] =	vst v63  }
0x72: {  	s12 =	simm.s32 $0x7C00  }
0x73: {  	[hbm4b:s5+s2] =	stream.indirect_vreg.scatter [tilespmem:s12], [sflag:$0x2], $0x80, v3, vm1, $0xb8;
	[tilespmem:$0x18800] =	vst v63  }
0x74: {  	v3 =	vld [tilespmem:$0x50];
	_ =	sdelay $0x4  }
0x75: {  	v53 =	vshrl.u32 v3, $0x3  }
0x76: {  	v4 =	vmul.u32 $0x18, v53  }
0x77: {  	v3 =	vand.u32 $0x7, v3  }
0x78: {  	v3 =	vor.u32 v3, v4  }
0x79: {  	v4 =	vperm.xlane v3, v0;
	_ =	sdelay $0x1  }
0x7a: {  	v4 =	vadd.s32 v1, v4;
	_ =	sdelay $0x1  }
0x7b: {  	v3 =	vperm.xlane v3, v2;
	_ =	sdelay $0x1  }
0x7c: {  	s13 =	simm.s32 $0x8000;
	v3 =	vadd.s32 v1, v3  }
0x7d: {  	[hbm4b:s4+s2] =	stream.indirect_vreg.scatter [tilespmem:s13], [sflag:$0x2], $0x80, v4, vm0, $0xb8;
	[tilespmem:$0x18800] =	vst v63  }
0x7e: {  	s15 =	simm.s32 $0x8800  }
0x7f: {  	[hbm4b:s5+s2] =	stream.indirect_vreg.scatter [tilespmem:s15], [sflag:$0x2], $0x80, v4, vm1, $0xb8;
	[tilespmem:$0x18800] =	vst v63  }
0x80: {  	s16 =	simm.s32 $0x8C00  }
0x81: {  	[hbm4b:s4+s2] =	stream.indirect_vreg.scatter [tilespmem:s16], [sflag:$0x2], $0x80, v3, vm0, $0xb8;
	[tilespmem:$0x18800] =	vst v63  }
0x82: {  	s19 =	simm.s32 $0x9400  }
0x83: {  	[hbm4b:s5+s2] =	stream.indirect_vreg.scatter [tilespmem:s19], [sflag:$0x2], $0x80, v3, vm1, $0xb8;
	[tilespmem:$0x18800] =	vst v63  }
0x84: {  	v3 =	vld [tilespmem:$0x60];
	_ =	sdelay $0x4  }
0x85: {  	v54 =	vshrl.u32 v3, $0x3  }
0x86: {  	v4 =	vmul.u32 $0x18, v54  }
0x87: {  	v3 =	vand.u32 $0x7, v3  }
0x88: {  	v3 =	vor.u32 v3, v4  }
0x89: {  	v4 =	vperm.xlane v3, v0;
	_ =	sdelay $0x1  }
0x8a: {  	v4 =	vadd.s32 v1, v4;
	_ =	sdelay $0x1  }
0x8b: {  	v3 =	vperm.xlane v3, v2;
	_ =	sdelay $0x1  }
0x8c: {  	s20 =	simm.s32 $0x9800;
	v3 =	vadd.s32 v1, v3  }
0x8d: {  	[hbm4b:s4+s2] =	stream.indirect_vreg.scatter [tilespmem:s20], [sflag:$0x2], $0x80, v4, vm0, $0xb8;
	[tilespmem:$0x18800] =	vst v63  }
0x8e: {  	s22 =	simm.s32 $0xA000  }
0x8f: {  	[hbm4b:s5+s2] =	stream.indirect_vreg.scatter [tilespmem:s22], [sflag:$0x2], $0x80, v4, vm1, $0xb8;
	[tilespmem:$0x18800] =	vst v63  }
0x90: {  	s23 =	simm.s32 $0xA400  }
0x91: {  	[hbm4b:s4+s2] =	stream.indirect_vreg.scatter [tilespmem:s23], [sflag:$0x2], $0x80, v3, vm0, $0xb8;
	[tilespmem:$0x18800] =	vst v63  }
0x92: {  	s25 =	simm.s32 $0xAC00  }
0x93: {  	[hbm4b:s5+s2] =	stream.indirect_vreg.scatter [tilespmem:s25], [sflag:$0x2], $0x80, v3, vm1, $0xb8;
	[tilespmem:$0x18800] =	vst v63  }
0x94: {  	v3 =	vld [tilespmem:$0x70];
	_ =	sdelay $0x4  }
0x95: {  	v55 =	vshrl.u32 v3, $0x3  }
0x96: {  	v4 =	vmul.u32 $0x18, v55  }
0x97: {  	v3 =	vand.u32 $0x7, v3  }
0x98: {  	v3 =	vor.u32 v3, v4  }
0x99: {  	v4 =	vperm.xlane v3, v0;
	_ =	sdelay $0x1  }
0x9a: {  	v4 =	vadd.s32 v1, v4;
	_ =	sdelay $0x1  }
0x9b: {  	v3 =	vperm.xlane v3, v2;
	_ =	sdelay $0x1  }
0x9c: {  	s26 =	simm.s32 $0xB000;
	v3 =	vadd.s32 v1, v3  }
0x9d: {  	[hbm4b:s4+s2] =	stream.indirect_vreg.scatter [tilespmem:s26], [sflag:$0x2], $0x80, v4, vm0, $0xb8;
	[tilespmem:$0x18800] =	vst v63  }
0x9e: {  	s28 =	simm.s32 $0xB800  }
0x9f: {  	[hbm4b:s5+s2] =	stream.indirect_vreg.scatter [tilespmem:s28], [sflag:$0x2], $0x80, v4, vm1, $0xb8;
	[tilespmem:$0x18800] =	vst v63  }
0xa0: {  	s29 =	simm.s32 $0xBC00  }
0xa1: {  	[hbm4b:s4+s2] =	stream.indirect_vreg.scatter [tilespmem:s29], [sflag:$0x2], $0x80, v3, vm0, $0xb8;
	[tilespmem:$0x18800] =	vst v63  }
0xa2: {  	s31 =	simm.s32 $0xC400  }
0xa3: {  	[hbm4b:s5+s2] =	stream.indirect_vreg.scatter [tilespmem:s31], [sflag:$0x2], $0x80, v3, vm1, $0xb8;
	[tilespmem:$0x18800] =	vst v63  }
0xa4: {  	_ =	swait.ge [sflag:s18], $0xC000  }
0xa5: {  	[sflag:s18] =	ssyncset.done $0x0  }
0xa6: {  	s6 =	simm.s32 $0x800;
	s0 =	rddreg [dreg:$0x6];
	[sflag:s18] =	ssyncadd.s32 $0xFFFF4000  }
0xa7: {  	[tilespmem:s6], [sflag:$0x1] =	stream.linear.gather [hbm4b:s0+s2], $0xC000, $0x38;
	[tilespmem:$0x18800] =	vst v63  }
0xa8: {  	_ =	swait.ge [sflag:s10], $0xC000  }
0xa9: {  	[sflag:s10] =	ssyncset.done $0x0  }
0xaa: {  	[sflag:s10] =	ssyncadd.s32 $0xFFFF4000  }
0xab: {  	v3 =	vld [tilespmem:$0x80];
	_ =	sdelay $0x4  }
0xac: {  	v56 =	vshrl.u32 v3, $0x3  }
0xad: {  	v4 =	vmul.u32 $0x18, v56  }
0xae: {  	v3 =	vand.u32 $0x7, v3  }
0xaf: {  	v3 =	vor.u32 v3, v4  }
0xb0: {  	v4 =	vperm.xlane v3, v0;
	_ =	sdelay $0x1  }
0xb1: {  	v4 =	vadd.s32 v1, v4;
	_ =	sdelay $0x1  }
0xb2: {  	v3 =	vperm.xlane v3, v2;
	_ =	sdelay $0x1  }
0xb3: {  	s1 =	simm.s32 $0xC800;
	v3 =	vadd.s32 v1, v3  }
0xb4: {  	[hbm4b:s4+s2] =	stream.indirect_vreg.scatter [tilespmem:s1], [sflag:$0x2], $0x80, v4, vm0, $0xb8;
	[tilespmem:$0x18800] =	vst v63  }
0xb5: {  	s7 =	simm.s32 $0xD000  }
0xb6: {  	[hbm4b:s5+s2] =	stream.indirect_vreg.scatter [tilespmem:s7], [sflag:$0x2], $0x80, v4, vm1, $0xb8;
	[tilespmem:$0x18800] =	vst v63  }
0xb7: {  	s9 =	simm.s32 $0xD400  }
0xb8: {  	[hbm4b:s4+s2] =	stream.indirect_vreg.scatter [tilespmem:s9], [sflag:$0x2], $0x80, v3, vm0, $0xb8;
	[tilespmem:$0x18800] =	vst v63  }
0xb9: {  	s11 =	simm.s32 $0xDC00  }
0xba: {  	[hbm4b:s5+s2] =	stream.indirect_vreg.scatter [tilespmem:s11], [sflag:$0x2], $0x80, v3, vm1, $0xb8;
	[tilespmem:$0x18800] =	vst v63  }
0xbb: {  	v3 =	vld [tilespmem:$0x90];
	_ =	sdelay $0x4  }
0xbc: {  	v57 =	vshrl.u32 v3, $0x3  }
0xbd: {  	v4 =	vmul.u32 $0x18, v57  }
0xbe: {  	v3 =	vand.u32 $0x7, v3  }
0xbf: {  	v3 =	vor.u32 v3, v4  }
0xc0: {  	v4 =	vperm.xlane v3, v0;
	_ =	sdelay $0x1  }
0xc1: {  	v4 =	vadd.s32 v1, v4;
	_ =	sdelay $0x1  }
0xc2: {  	v3 =	vperm.xlane v3, v2;
	_ =	sdelay $0x1  }
0xc3: {  	s12 =	simm.s32 $0xE000;
	v3 =	vadd.s32 v1, v3  }
0xc4: {  	[hbm4b:s4+s2] =	stream.indirect_vreg.scatter [tilespmem:s12], [sflag:$0x2], $0x80, v4, vm0, $0xb8;
	[tilespmem:$0x18800] =	vst v63  }
0xc5: {  	s13 =	simm.s32 $0xE800  }
0xc6: {  	[hbm4b:s5+s2] =	stream.indirect_vreg.scatter [tilespmem:s13], [sflag:$0x2], $0x80, v4, vm1, $0xb8;
	[tilespmem:$0x18800] =	vst v63  }
0xc7: {  	s15 =	simm.s32 $0xEC00  }
0xc8: {  	[hbm4b:s4+s2] =	stream.indirect_vreg.scatter [tilespmem:s15], [sflag:$0x2], $0x80, v3, vm0, $0xb8;
	[tilespmem:$0x18800] =	vst v63  }
0xc9: {  	s16 =	simm.s32 $0xF400  }
0xca: {  	[hbm4b:s5+s2] =	stream.indirect_vreg.scatter [tilespmem:s16], [sflag:$0x2], $0x80, v3, vm1, $0xb8;
	[tilespmem:$0x18800] =	vst v63  }
0xcb: {  	v3 =	vld [tilespmem:$0xA0];
	_ =	sdelay $0x4  }
0xcc: {  	v58 =	vshrl.u32 v3, $0x3  }
0xcd: {  	v4 =	vmul.u32 $0x18, v58  }
0xce: {  	v3 =	vand.u32 $0x7, v3  }
0xcf: {  	v3 =	vor.u32 v3, v4  }
0xd0: {  	v4 =	vperm.xlane v3, v0;
	_ =	sdelay $0x1  }
0xd1: {  	v4 =	vadd.s32 v1, v4;
	_ =	sdelay $0x1  }
0xd2: {  	v3 =	vperm.xlane v3, v2;
	_ =	sdelay $0x1  }
0xd3: {  	s19 =	simm.s32 $0xF800;
	v3 =	vadd.s32 v1, v3  }
0xd4: {  	[hbm4b:s4+s2] =	stream.indirect_vreg.scatter [tilespmem:s19], [sflag:$0x2], $0x80, v4, vm0, $0xb8;
	[tilespmem:$0x18800] =	vst v63  }
0xd5: {  	s20 =	simm.s32 $0x10000  }
0xd6: {  	[hbm4b:s5+s2] =	stream.indirect_vreg.scatter [tilespmem:s20], [sflag:$0x2], $0x80, v4, vm1, $0xb8;
	[tilespmem:$0x18800] =	vst v63  }
0xd7: {  	s22 =	simm.s32 $0x10400  }
0xd8: {  	[hbm4b:s4+s2] =	stream.indirect_vreg.scatter [tilespmem:s22], [sflag:$0x2], $0x80, v3, vm0, $0xb8;
	[tilespmem:$0x18800] =	vst v63  }
0xd9: {  	s23 =	simm.s32 $0x10C00  }
0xda: {  	[hbm4b:s5+s2] =	stream.indirect_vreg.scatter [tilespmem:s23], [sflag:$0x2], $0x80, v3, vm1, $0xb8;
	[tilespmem:$0x18800] =	vst v63  }
0xdb: {  	v3 =	vld [tilespmem:$0xB0];
	_ =	sdelay $0x4  }
0xdc: {  	v59 =	vshrl.u32 v3, $0x3  }
0xdd: {  	v4 =	vmul.u32 $0x18, v59  }
0xde: {  	v3 =	vand.u32 $0x7, v3  }
0xdf: {  	v3 =	vor.u32 v3, v4  }
0xe0: {  	v4 =	vperm.xlane v3, v0;
	_ =	sdelay $0x1  }
0xe1: {  	v4 =	vadd.s32 v1, v4;
	_ =	sdelay $0x1  }
0xe2: {  	v3 =	vperm.xlane v3, v2;
	_ =	sdelay $0x1  }
0xe3: {  	s25 =	simm.s32 $0x11000;
	v3 =	vadd.s32 v1, v3  }
0xe4: {  	[hbm4b:s4+s2] =	stream.indirect_vreg.scatter [tilespmem:s25], [sflag:$0x2], $0x80, v4, vm0, $0xb8;
	[tilespmem:$0x18800] =	vst v63  }
0xe5: {  	s26 =	simm.s32 $0x11800  }
0xe6: {  	[hbm4b:s5+s2] =	stream.indirect_vreg.scatter [tilespmem:s26], [sflag:$0x2], $0x80, v4, vm1, $0xb8;
	[tilespmem:$0x18800] =	vst v63  }
0xe7: {  	s28 =	simm.s32 $0x11C00  }
0xe8: {  	[hbm4b:s4+s2] =	stream.indirect_vreg.scatter [tilespmem:s28], [sflag:$0x2], $0x80, v3, vm0, $0xb8;
	[tilespmem:$0x18800] =	vst v63  }
0xe9: {  	s29 =	simm.s32 $0x12400  }
0xea: {  	[hbm4b:s5+s2] =	stream.indirect_vreg.scatter [tilespmem:s29], [sflag:$0x2], $0x80, v3, vm1, $0xb8;
	[tilespmem:$0x18800] =	vst v63  }
0xeb: {  	v3 =	vld [tilespmem:$0xC0];
	_ =	sdelay $0x4  }
0xec: {  	v60 =	vshrl.u32 v3, $0x3  }
0xed: {  	v4 =	vmul.u32 $0x18, v60  }
0xee: {  	v3 =	vand.u32 $0x7, v3  }
0xef: {  	v3 =	vor.u32 v3, v4  }
0xf0: {  	v4 =	vperm.xlane v3, v0;
	_ =	sdelay $0x1  }
0xf1: {  	v4 =	vadd.s32 v1, v4;
	_ =	sdelay $0x1  }
0xf2: {  	v3 =	vperm.xlane v3, v2;
	_ =	sdelay $0x1  }
0xf3: {  	s31 =	simm.s32 $0x12800;
	v3 =	vadd.s32 v1, v3  }
0xf4: {  	[hbm4b:s4+s2] =	stream.indirect_vreg.scatter [tilespmem:s31], [sflag:$0x2], $0x80, v4, vm0, $0xb8;
	[tilespmem:$0x18800] =	vst v63  }
0xf5: {  	s6 =	simm.s32 $0x13000  }
0xf6: {  	[hbm4b:s5+s2] =	stream.indirect_vreg.scatter [tilespmem:s6], [sflag:$0x2], $0x80, v4, vm1, $0xb8;
	[tilespmem:$0x18800] =	vst v63  }
0xf7: {  	s7 =	simm.s32 $0x13400  }
0xf8: {  	[hbm4b:s4+s2] =	stream.indirect_vreg.scatter [tilespmem:s7], [sflag:$0x2], $0x80, v3, vm0, $0xb8;
	[tilespmem:$0x18800] =	vst v63  }
0xf9: {  	s9 =	simm.s32 $0x13C00  }
0xfa: {  	[hbm4b:s5+s2] =	stream.indirect_vreg.scatter [tilespmem:s9], [sflag:$0x2], $0x80, v3, vm1, $0xb8;
	[tilespmem:$0x18800] =	vst v63  }
0xfb: {  	v3 =	vld [tilespmem:$0xD0];
	_ =	sdelay $0x4  }
0xfc: {  	v61 =	vshrl.u32 v3, $0x3  }
0xfd: {  	v4 =	vmul.u32 $0x18, v61  }
0xfe: {  	v3 =	vand.u32 $0x7, v3  }
0xff: {  	v3 =	vor.u32 v3, v4  }
0x100: {  	v4 =	vperm.xlane v3, v0;
	_ =	sdelay $0x1  }
0x101: {  	v4 =	vadd.s32 v1, v4;
	_ =	sdelay $0x1  }
0x102: {  	v3 =	vperm.xlane v3, v2;
	_ =	sdelay $0x1  }
0x103: {  	s11 =	simm.s32 $0x14000;
	v3 =	vadd.s32 v1, v3  }
0x104: {  	[hbm4b:s4+s2] =	stream.indirect_vreg.scatter [tilespmem:s11], [sflag:$0x2], $0x80, v4, vm0, $0xb8;
	[tilespmem:$0x18800] =	vst v63  }
0x105: {  	s12 =	simm.s32 $0x14800  }
0x106: {  	[hbm4b:s5+s2] =	stream.indirect_vreg.scatter [tilespmem:s12], [sflag:$0x2], $0x80, v4, vm1, $0xb8;
	[tilespmem:$0x18800] =	vst v63  }
0x107: {  	s13 =	simm.s32 $0x14C00  }
0x108: {  	[hbm4b:s4+s2] =	stream.indirect_vreg.scatter [tilespmem:s13], [sflag:$0x2], $0x80, v3, vm0, $0xb8;
	[tilespmem:$0x18800] =	vst v63  }
0x109: {  	s15 =	simm.s32 $0x15400  }
0x10a: {  	[hbm4b:s5+s2] =	stream.indirect_vreg.scatter [tilespmem:s15], [sflag:$0x2], $0x80, v3, vm1, $0xb8;
	[tilespmem:$0x18800] =	vst v63  }
0x10b: {  	v3 =	vld [tilespmem:$0xE0];
	_ =	sdelay $0x4  }
0x10c: {  	v62 =	vshrl.u32 v3, $0x3  }
0x10d: {  	v4 =	vmul.u32 $0x18, v62  }
0x10e: {  	v3 =	vand.u32 $0x7, v3  }
0x10f: {  	v3 =	vor.u32 v3, v4  }
0x110: {  	v4 =	vperm.xlane v3, v0;
	_ =	sdelay $0x1  }
0x111: {  	v4 =	vadd.s32 v1, v4;
	_ =	sdelay $0x1  }
0x112: {  	v3 =	vperm.xlane v3, v2;
	_ =	sdelay $0x1  }
0x113: {  	s16 =	simm.s32 $0x15800;
	v3 =	vadd.s32 v1, v3  }
0x114: {  	[hbm4b:s4+s2] =	stream.indirect_vreg.scatter [tilespmem:s16], [sflag:$0x2], $0x80, v4, vm0, $0xb8;
	[tilespmem:$0x18800] =	vst v63  }
0x115: {  	s19 =	simm.s32 $0x16000  }
0x116: {  	[hbm4b:s5+s2] =	stream.indirect_vreg.scatter [tilespmem:s19], [sflag:$0x2], $0x80, v4, vm1, $0xb8;
	[tilespmem:$0x18800] =	vst v63  }
0x117: {  	s20 =	simm.s32 $0x16400  }
0x118: {  	[hbm4b:s4+s2] =	stream.indirect_vreg.scatter [tilespmem:s20], [sflag:$0x2], $0x80, v3, vm0, $0xb8;
	[tilespmem:$0x18800] =	vst v63  }
0x119: {  	s22 =	simm.s32 $0x16C00  }
0x11a: {  	[hbm4b:s5+s2] =	stream.indirect_vreg.scatter [tilespmem:s22], [sflag:$0x2], $0x80, v3, vm1, $0xb8;
	[tilespmem:$0x18800] =	vst v63  }
0x11b: {  	v3 =	vld [tilespmem:$0xF0];
	_ =	sdelay $0x4  }
0x11c: {  	v63 =	vshrl.u32 v3, $0x3  }
0x11d: {  	v4 =	vmul.u32 $0x18, v63  }
0x11e: {  	v3 =	vand.u32 $0x7, v3  }
0x11f: {  	v3 =	vor.u32 v3, v4  }
0x120: {  	v4 =	vperm.xlane v3, v0;
	_ =	sdelay $0x1  }
0x121: {  	v4 =	vadd.s32 v1, v4;
	_ =	sdelay $0x1  }
0x122: {  	v3 =	vperm.xlane v3, v2;
	_ =	sdelay $0x1  }
0x123: {  	s23 =	simm.s32 $0x17000;
	v3 =	vadd.s32 v1, v3  }
0x124: {  	[hbm4b:s4+s2] =	stream.indirect_vreg.scatter [tilespmem:s23], [sflag:$0x2], $0x80, v4, vm0, $0xb8;
	[tilespmem:$0x18800] =	vst v63  }
0x125: {  	s25 =	simm.s32 $0x17800  }
0x126: {  	[hbm4b:s5+s2] =	stream.indirect_vreg.scatter [tilespmem:s25], [sflag:$0x2], $0x80, v4, vm1, $0xb8;
	[tilespmem:$0x18800] =	vst v63  }
0x127: {  	s26 =	simm.s32 $0x17C00  }
0x128: {  	[hbm4b:s4+s2] =	stream.indirect_vreg.scatter [tilespmem:s26], [sflag:$0x2], $0x80, v3, vm0, $0xb8;
	[tilespmem:$0x18800] =	vst v63  }
0x129: {  	s28 =	simm.s32 $0x18400  }
0x12a: {  	[hbm4b:s5+s2] =	stream.indirect_vreg.scatter [tilespmem:s28], [sflag:$0x2], $0x80, v3, vm1, $0xb8;
	[tilespmem:$0x18800] =	vst v63  }
0x12b: {  	_ =	swait.ge [sflag:s18], $0xC000  }
0x12c: {  	[sflag:s18] =	ssyncset.done $0x0  }
0x12d: {  	s1 =	simm.s32 $0xC800;
	s29 =	rddreg [dreg:$0x7];
	[sflag:s18] =	ssyncadd.s32 $0xFFFF4000  }
0x12e: {  	[tilespmem:s1], [sflag:$0x1] =	stream.linear.gather [hbm4b:s29+s2], $0xC000, $0x38;
	[tilespmem:$0x18800] =	vst v63  }
0x12f: {  	_ =	swait.ge [sflag:s10], $0xC000  }
0x130: {  	[sflag:s10] =	ssyncset.done $0x0  }
0x131: {  	[sflag:s10] =	ssyncadd.s32 $0xFFFF4000  }
0x132: {  	v3 =	vld [tilespmem:$0x100];
	_ =	sdelay $0x4  }
0x133: {  	v8 =	vshrl.u32 v3, $0x3  }
0x134: {  	v4 =	vmul.u32 $0x18, v8  }
0x135: {  	v3 =	vand.u32 $0x7, v3  }
0x136: {  	v3 =	vor.u32 v3, v4  }
0x137: {  	v4 =	vperm.xlane v3, v0;
	_ =	sdelay $0x1  }
0x138: {  	v4 =	vadd.s32 v1, v4;
	_ =	sdelay $0x1  }
0x139: {  	v3 =	vperm.xlane v3, v2;
	_ =	sdelay $0x1  }
0x13a: {  	s9 =	simm.s32 $0x800;
	v3 =	vadd.s32 v1, v3  }
0x13b: {  	[hbm4b:s4+s2] =	stream.indirect_vreg.scatter [tilespmem:s9], [sflag:$0x2], $0x80, v4, vm0, $0xb8;
	[tilespmem:$0x18800] =	vst v63  }
0x13c: {  	s12 =	simm.s32 $0x1000  }
0x13d: {  	[hbm4b:s5+s2] =	stream.indirect_vreg.scatter [tilespmem:s12], [sflag:$0x2], $0x80, v4, vm1, $0xb8;
	[tilespmem:$0x18800] =	vst v63  }
0x13e: {  	s31 =	simm.s32 $0x1400  }
0x13f: {  	[hbm4b:s4+s2] =	stream.indirect_vreg.scatter [tilespmem:s31], [sflag:$0x2], $0x80, v3, vm0, $0xb8;
	[tilespmem:$0x18800] =	vst v63  }
0x140: {  	s3 =	simm.s32 $0x1C00  }
0x141: {  	[hbm4b:s5+s2] =	stream.indirect_vreg.scatter [tilespmem:s3], [sflag:$0x2], $0x80, v3, vm1, $0xb8;
	[tilespmem:$0x18800] =	vst v63  }
0x142: {  	v3 =	vld [tilespmem:$0x110];
	_ =	sdelay $0x4  }
0x143: {  	v9 =	vshrl.u32 v3, $0x3  }
0x144: {  	v4 =	vmul.u32 $0x18, v9  }
0x145: {  	v3 =	vand.u32 $0x7, v3  }
0x146: {  	v3 =	vor.u32 v3, v4  }
0x147: {  	v4 =	vperm.xlane v3, v0;
	_ =	sdelay $0x1  }
0x148: {  	v4 =	vadd.s32 v1, v4;
	_ =	sdelay $0x1  }
0x149: {  	v3 =	vperm.xlane v3, v2;
	_ =	sdelay $0x1  }
0x14a: {  	s3 =	simm.s32 $0x2000;
	v3 =	vadd.s32 v1, v3  }
0x14b: {  	[hbm4b:s4+s2] =	stream.indirect_vreg.scatter [tilespmem:s3], [sflag:$0x2], $0x80, v4, vm0, $0xb8;
	[tilespmem:$0x18800] =	vst v63  }
0x14c: {  	s6 =	simm.s32 $0x2800  }
0x14d: {  	[hbm4b:s5+s2] =	stream.indirect_vreg.scatter [tilespmem:s6], [sflag:$0x2], $0x80, v4, vm1, $0xb8;
	[tilespmem:$0x18800] =	vst v63  }
0x14e: {  	s7 =	simm.s32 $0x2C00  }
0x14f: {  	[hbm4b:s4+s2] =	stream.indirect_vreg.scatter [tilespmem:s7], [sflag:$0x2], $0x80, v3, vm0, $0xb8;
	[tilespmem:$0x18800] =	vst v63  }
0x150: {  	s8 =	simm.s32 $0x3400  }
0x151: {  	[hbm4b:s5+s2] =	stream.indirect_vreg.scatter [tilespmem:s8], [sflag:$0x2], $0x80, v3, vm1, $0xb8;
	[tilespmem:$0x18800] =	vst v63  }
0x152: {  	v3 =	vld [tilespmem:$0x120];
	_ =	sdelay $0x4  }
0x153: {  	v10 =	vshrl.u32 v3, $0x3  }
0x154: {  	v4 =	vmul.u32 $0x18, v10  }
0x155: {  	v3 =	vand.u32 $0x7, v3  }
0x156: {  	v3 =	vor.u32 v3, v4  }
0x157: {  	v4 =	vperm.xlane v3, v0;
	_ =	sdelay $0x1  }
0x158: {  	v4 =	vadd.s32 v1, v4;
	_ =	sdelay $0x1  }
0x159: {  	v3 =	vperm.xlane v3, v2;
	_ =	sdelay $0x1  }
0x15a: {  	s11 =	simm.s32 $0x3800;
	v3 =	vadd.s32 v1, v3  }
0x15b: {  	[hbm4b:s4+s2] =	stream.indirect_vreg.scatter [tilespmem:s11], [sflag:$0x2], $0x80, v4, vm0, $0xb8;
	[tilespmem:$0x18800] =	vst v63  }
0x15c: {  	s1 =	simm.s32 $0x4000  }
0x15d: {  	[hbm4b:s5+s2] =	stream.indirect_vreg.scatter [tilespmem:s1], [sflag:$0x2], $0x80, v4, vm1, $0xb8;
	[tilespmem:$0x18800] =	vst v63  }
0x15e: {  	s13 =	simm.s32 $0x4400  }
0x15f: {  	[hbm4b:s4+s2] =	stream.indirect_vreg.scatter [tilespmem:s13], [sflag:$0x2], $0x80, v3, vm0, $0xb8;
	[tilespmem:$0x18800] =	vst v63  }
0x160: {  	s14 =	simm.s32 $0x4C00  }
0x161: {  	[hbm4b:s5+s2] =	stream.indirect_vreg.scatter [tilespmem:s14], [sflag:$0x2], $0x80, v3, vm1, $0xb8;
	[tilespmem:$0x18800] =	vst v63  }
0x162: {  	v3 =	vld [tilespmem:$0x130];
	_ =	sdelay $0x4  }
0x163: {  	v11 =	vshrl.u32 v3, $0x3  }
0x164: {  	v4 =	vmul.u32 $0x18, v11  }
0x165: {  	v3 =	vand.u32 $0x7, v3  }
0x166: {  	v3 =	vor.u32 v3, v4  }
0x167: {  	v4 =	vperm.xlane v3, v0;
	_ =	sdelay $0x1  }
0x168: {  	v4 =	vadd.s32 v1, v4;
	_ =	sdelay $0x1  }
0x169: {  	v3 =	vperm.xlane v3, v2;
	_ =	sdelay $0x1  }
0x16a: {  	s14 =	simm.s32 $0x5000;
	v3 =	vadd.s32 v1, v3  }
0x16b: {  	[hbm4b:s4+s2] =	stream.indirect_vreg.scatter [tilespmem:s14], [sflag:$0x2], $0x80, v4, vm0, $0xb8;
	[tilespmem:$0x18800] =	vst v63  }
0x16c: {  	s15 =	simm.s32 $0x5800  }
0x16d: {  	[hbm4b:s5+s2] =	stream.indirect_vreg.scatter [tilespmem:s15], [sflag:$0x2], $0x80, v4, vm1, $0xb8;
	[tilespmem:$0x18800] =	vst v63  }
0x16e: {  	s16 =	simm.s32 $0x5C00  }
0x16f: {  	[hbm4b:s4+s2] =	stream.indirect_vreg.scatter [tilespmem:s16], [sflag:$0x2], $0x80, v3, vm0, $0xb8;
	[tilespmem:$0x18800] =	vst v63  }
0x170: {  	s17 =	simm.s32 $0x6400  }
0x171: {  	[hbm4b:s5+s2] =	stream.indirect_vreg.scatter [tilespmem:s17], [sflag:$0x2], $0x80, v3, vm1, $0xb8;
	[tilespmem:$0x18800] =	vst v63  }
0x172: {  	v3 =	vld [tilespmem:$0x140];
	_ =	sdelay $0x4  }
0x173: {  	v12 =	vshrl.u32 v3, $0x3  }
0x174: {  	v4 =	vmul.u32 $0x18, v12  }
0x175: {  	v3 =	vand.u32 $0x7, v3  }
0x176: {  	v3 =	vor.u32 v3, v4  }
0x177: {  	v4 =	vperm.xlane v3, v0;
	_ =	sdelay $0x1  }
0x178: {  	v4 =	vadd.s32 v1, v4;
	_ =	sdelay $0x1  }
0x179: {  	v3 =	vperm.xlane v3, v2;
	_ =	sdelay $0x1  }
0x17a: {  	s17 =	simm.s32 $0x6800;
	v3 =	vadd.s32 v1, v3  }
0x17b: {  	[hbm4b:s4+s2] =	stream.indirect_vreg.scatter [tilespmem:s17], [sflag:$0x2], $0x80, v4, vm0, $0xb8;
	[tilespmem:$0x18800] =	vst v63  }
0x17c: {  	s19 =	simm.s32 $0x7000  }
0x17d: {  	[hbm4b:s5+s2] =	stream.indirect_vreg.scatter [tilespmem:s19], [sflag:$0x2], $0x80, v4, vm1, $0xb8;
	[tilespmem:$0x18800] =	vst v63  }
0x17e: {  	s20 =	simm.s32 $0x7400  }
0x17f: {  	[hbm4b:s4+s2] =	stream.indirect_vreg.scatter [tilespmem:s20], [sflag:$0x2], $0x80, v3, vm0, $0xb8;
	[tilespmem:$0x18800] =	vst v63  }
0x180: {  	s21 =	simm.s32 $0x7C00  }
0x181: {  	[hbm4b:s5+s2] =	stream.indirect_vreg.scatter [tilespmem:s21], [sflag:$0x2], $0x80, v3, vm1, $0xb8;
	[tilespmem:$0x18800] =	vst v63  }
0x182: {  	v3 =	vld [tilespmem:$0x150];
	_ =	sdelay $0x4  }
0x183: {  	v13 =	vshrl.u32 v3, $0x3  }
0x184: {  	v4 =	vmul.u32 $0x18, v13  }
0x185: {  	v3 =	vand.u32 $0x7, v3  }
0x186: {  	v3 =	vor.u32 v3, v4  }
0x187: {  	v4 =	vperm.xlane v3, v0;
	_ =	sdelay $0x1  }
0x188: {  	v4 =	vadd.s32 v1, v4;
	_ =	sdelay $0x1  }
0x189: {  	v3 =	vperm.xlane v3, v2;
	_ =	sdelay $0x1  }
0x18a: {  	s21 =	simm.s32 $0x8000;
	v3 =	vadd.s32 v1, v3  }
0x18b: {  	[hbm4b:s4+s2] =	stream.indirect_vreg.scatter [tilespmem:s21], [sflag:$0x2], $0x80, v4, vm0, $0xb8;
	[tilespmem:$0x18800] =	vst v63  }
0x18c: {  	s22 =	simm.s32 $0x8800  }
0x18d: {  	[hbm4b:s5+s2] =	stream.indirect_vreg.scatter [tilespmem:s22], [sflag:$0x2], $0x80, v4, vm1, $0xb8;
	[tilespmem:$0x18800] =	vst v63  }
0x18e: {  	s23 =	simm.s32 $0x8C00  }
0x18f: {  	[hbm4b:s4+s2] =	stream.indirect_vreg.scatter [tilespmem:s23], [sflag:$0x2], $0x80, v3, vm0, $0xb8;
	[tilespmem:$0x18800] =	vst v63  }
0x190: {  	s24 =	simm.s32 $0x9400  }
0x191: {  	[hbm4b:s5+s2] =	stream.indirect_vreg.scatter [tilespmem:s24], [sflag:$0x2], $0x80, v3, vm1, $0xb8;
	[tilespmem:$0x18800] =	vst v63  }
0x192: {  	v3 =	vld [tilespmem:$0x160];
	_ =	sdelay $0x4  }
0x193: {  	v14 =	vshrl.u32 v3, $0x3  }
0x194: {  	v4 =	vmul.u32 $0x18, v14  }
0x195: {  	v3 =	vand.u32 $0x7, v3  }
0x196: {  	v3 =	vor.u32 v3, v4  }
0x197: {  	v4 =	vperm.xlane v3, v0;
	_ =	sdelay $0x1  }
0x198: {  	v4 =	vadd.s32 v1, v4;
	_ =	sdelay $0x1  }
0x199: {  	v3 =	vperm.xlane v3, v2;
	_ =	sdelay $0x1  }
0x19a: {  	s24 =	simm.s32 $0x9800;
	v3 =	vadd.s32 v1, v3  }
0x19b: {  	[hbm4b:s4+s2] =	stream.indirect_vreg.scatter [tilespmem:s24], [sflag:$0x2], $0x80, v4, vm0, $0xb8;
	[tilespmem:$0x18800] =	vst v63  }
0x19c: {  	s25 =	simm.s32 $0xA000  }
0x19d: {  	[hbm4b:s5+s2] =	stream.indirect_vreg.scatter [tilespmem:s25], [sflag:$0x2], $0x80, v4, vm1, $0xb8;
	[tilespmem:$0x18800] =	vst v63  }
0x19e: {  	s26 =	simm.s32 $0xA400  }
0x19f: {  	[hbm4b:s4+s2] =	stream.indirect_vreg.scatter [tilespmem:s26], [sflag:$0x2], $0x80, v3, vm0, $0xb8;
	[tilespmem:$0x18800] =	vst v63  }
0x1a0: {  	s30 =	simm.s32 $0xAC00  }
0x1a1: {  	[hbm4b:s5+s2] =	stream.indirect_vreg.scatter [tilespmem:s30], [sflag:$0x2], $0x80, v3, vm1, $0xb8;
	[tilespmem:$0x18800] =	vst v63  }
0x1a2: {  	v3 =	vld [tilespmem:$0x170];
	_ =	sdelay $0x4  }
0x1a3: {  	v15 =	vshrl.u32 v3, $0x3  }
0x1a4: {  	v4 =	vmul.u32 $0x18, v15  }
0x1a5: {  	v3 =	vand.u32 $0x7, v3  }
0x1a6: {  	v3 =	vor.u32 v3, v4  }
0x1a7: {  	v4 =	vperm.xlane v3, v0;
	_ =	sdelay $0x1  }
0x1a8: {  	v4 =	vadd.s32 v1, v4;
	_ =	sdelay $0x1  }
0x1a9: {  	v3 =	vperm.xlane v3, v2;
	_ =	sdelay $0x1  }
0x1aa: {  	s30 =	simm.s32 $0xB000;
	v3 =	vadd.s32 v1, v3  }
0x1ab: {  	[hbm4b:s4+s2] =	stream.indirect_vreg.scatter [tilespmem:s30], [sflag:$0x2], $0x80, v4, vm0, $0xb8;
	[tilespmem:$0x18800] =	vst v63  }
0x1ac: {  	s31 =	simm.s32 $0xB800  }
0x1ad: {  	[hbm4b:s5+s2] =	stream.indirect_vreg.scatter [tilespmem:s31], [sflag:$0x2], $0x80, v4, vm1, $0xb8;
	[tilespmem:$0x18800] =	vst v63  }
0x1ae: {  	s8 =	simm.s32 $0xBC00  }
0x1af: {  	[hbm4b:s4+s2] =	stream.indirect_vreg.scatter [tilespmem:s8], [sflag:$0x2], $0x80, v3, vm0, $0xb8;
	[tilespmem:$0x18800] =	vst v63  }
0x1b0: {  	s28 =	simm.s32 $0xC400  }
0x1b1: {  	[hbm4b:s5+s2] =	stream.indirect_vreg.scatter [tilespmem:s28], [sflag:$0x2], $0x80, v3, vm1, $0xb8;
	[tilespmem:$0x18800] =	vst v63  }
0x1b2: {  	_ =	swait.ge [sflag:s18], $0xC000  }
0x1b3: {  	[sflag:s18] =	ssyncset.done $0x0  }
0x1b4: {  	s0 =	rddreg [dreg:$0x8];
	[sflag:s18] =	ssyncadd.s32 $0xFFFF4000  }
0x1b5: {  	[tilespmem:s9], [sflag:$0x1] =	stream.linear.gather [hbm4b:s0+s2], $0xC000, $0x38;
	[tilespmem:$0x18800] =	vst v63  }
0x1b6: {  	_ =	swait.ge [sflag:s10], $0xC000  }
0x1b7: {  	[sflag:s10] =	ssyncset.done $0x0  }
0x1b8: {  	[sflag:s10] =	ssyncadd.s32 $0xFFFF4000  }
0x1b9: {  	v3 =	vld [tilespmem:$0x180];
	_ =	sdelay $0x4  }
0x1ba: {  	v16 =	vshrl.u32 v3, $0x3  }
0x1bb: {  	v4 =	vmul.u32 $0x18, v16  }
0x1bc: {  	v3 =	vand.u32 $0x7, v3  }
0x1bd: {  	v3 =	vor.u32 v3, v4  }
0x1be: {  	v4 =	vperm.xlane v3, v0;
	_ =	sdelay $0x1  }
0x1bf: {  	v4 =	vadd.s32 v1, v4;
	_ =	sdelay $0x1  }
0x1c0: {  	v3 =	vperm.xlane v3, v2;
	_ =	sdelay $0x1  }
0x1c1: {  	s29 =	simm.s32 $0xC800;
	v3 =	vadd.s32 v1, v3  }
0x1c2: {  	[hbm4b:s4+s2] =	stream.indirect_vreg.scatter [tilespmem:s29], [sflag:$0x2], $0x80, v4, vm0, $0xb8;
	[tilespmem:$0x18800] =	vst v63  }
0x1c3: {  	s1 =	simm.s32 $0xD000  }
0x1c4: {  	[hbm4b:s5+s2] =	stream.indirect_vreg.scatter [tilespmem:s1], [sflag:$0x2], $0x80, v4, vm1, $0xb8;
	[tilespmem:$0x18800] =	vst v63  }
0x1c5: {  	s29 =	simm.s32 $0xD400  }
0x1c6: {  	[hbm4b:s4+s2] =	stream.indirect_vreg.scatter [tilespmem:s29], [sflag:$0x2], $0x80, v3, vm0, $0xb8;
	[tilespmem:$0x18800] =	vst v63  }
0x1c7: {  	s28 =	simm.s32 $0xDC00  }
0x1c8: {  	[hbm4b:s5+s2] =	stream.indirect_vreg.scatter [tilespmem:s28], [sflag:$0x2], $0x80, v3, vm1, $0xb8;
	[tilespmem:$0x18800] =	vst v63  }
0x1c9: {  	v3 =	vld [tilespmem:$0x190];
	_ =	sdelay $0x4  }
0x1ca: {  	v17 =	vshrl.u32 v3, $0x3  }
0x1cb: {  	v4 =	vmul.u32 $0x18, v17  }
0x1cc: {  	v3 =	vand.u32 $0x7, v3  }
0x1cd: {  	v3 =	vor.u32 v3, v4  }
0x1ce: {  	v4 =	vperm.xlane v3, v0;
	_ =	sdelay $0x1  }
0x1cf: {  	v4 =	vadd.s32 v1, v4;
	_ =	sdelay $0x1  }
0x1d0: {  	v3 =	vperm.xlane v3, v2;
	_ =	sdelay $0x1  }
0x1d1: {  	s1 =	simm.s32 $0xE000;
	v3 =	vadd.s32 v1, v3  }
0x1d2: {  	[hbm4b:s4+s2] =	stream.indirect_vreg.scatter [tilespmem:s1], [sflag:$0x2], $0x80, v4, vm0, $0xb8;
	[tilespmem:$0x18800] =	vst v63  }
0x1d3: {  	s28 =	simm.s32 $0xE800  }
0x1d4: {  	[hbm4b:s5+s2] =	stream.indirect_vreg.scatter [tilespmem:s28], [sflag:$0x2], $0x80, v4, vm1, $0xb8;
	[tilespmem:$0x18800] =	vst v63  }
0x1d5: {  	s1 =	simm.s32 $0xEC00  }
0x1d6: {  	[hbm4b:s4+s2] =	stream.indirect_vreg.scatter [tilespmem:s1], [sflag:$0x2], $0x80, v3, vm0, $0xb8;
	[tilespmem:$0x18800] =	vst v63  }
0x1d7: {  	s28 =	simm.s32 $0xF400  }
0x1d8: {  	[hbm4b:s5+s2] =	stream.indirect_vreg.scatter [tilespmem:s28], [sflag:$0x2], $0x80, v3, vm1, $0xb8;
	[tilespmem:$0x18800] =	vst v63  }
0x1d9: {  	v3 =	vld [tilespmem:$0x1A0];
	_ =	sdelay $0x4  }
0x1da: {  	v18 =	vshrl.u32 v3, $0x3  }
0x1db: {  	v4 =	vmul.u32 $0x18, v18  }
0x1dc: {  	v3 =	vand.u32 $0x7, v3  }
0x1dd: {  	v3 =	vor.u32 v3, v4  }
0x1de: {  	v4 =	vperm.xlane v3, v0;
	_ =	sdelay $0x1  }
0x1df: {  	v4 =	vadd.s32 v1, v4;
	_ =	sdelay $0x1  }
0x1e0: {  	v3 =	vperm.xlane v3, v2;
	_ =	sdelay $0x1  }
0x1e1: {  	s1 =	simm.s32 $0xF800;
	v3 =	vadd.s32 v1, v3  }
0x1e2: {  	[hbm4b:s4+s2] =	stream.indirect_vreg.scatter [tilespmem:s1], [sflag:$0x2], $0x80, v4, vm0, $0xb8;
	[tilespmem:$0x18800] =	vst v63  }
0x1e3: {  	s28 =	simm.s32 $0x10000  }
0x1e4: {  	[hbm4b:s5+s2] =	stream.indirect_vreg.scatter [tilespmem:s28], [sflag:$0x2], $0x80, v4, vm1, $0xb8;
	[tilespmem:$0x18800] =	vst v63  }
0x1e5: {  	s1 =	simm.s32 $0x10400  }
0x1e6: {  	[hbm4b:s4+s2] =	stream.indirect_vreg.scatter [tilespmem:s1], [sflag:$0x2], $0x80, v3, vm0, $0xb8;
	[tilespmem:$0x18800] =	vst v63  }
0x1e7: {  	s28 =	simm.s32 $0x10C00  }
0x1e8: {  	[hbm4b:s5+s2] =	stream.indirect_vreg.scatter [tilespmem:s28], [sflag:$0x2], $0x80, v3, vm1, $0xb8;
	[tilespmem:$0x18800] =	vst v63  }
0x1e9: {  	v3 =	vld [tilespmem:$0x1B0];
	_ =	sdelay $0x4  }
0x1ea: {  	v19 =	vshrl.u32 v3, $0x3  }
0x1eb: {  	v4 =	vmul.u32 $0x18, v19  }
0x1ec: {  	v3 =	vand.u32 $0x7, v3  }
0x1ed: {  	v3 =	vor.u32 v3, v4  }
0x1ee: {  	v4 =	vperm.xlane v3, v0;
	_ =	sdelay $0x1  }
0x1ef: {  	v4 =	vadd.s32 v1, v4;
	_ =	sdelay $0x1  }
0x1f0: {  	v3 =	vperm.xlane v3, v2;
	_ =	sdelay $0x1  }
0x1f1: {  	s1 =	simm.s32 $0x11000;
	v3 =	vadd.s32 v1, v3  }
0x1f2: {  	[hbm4b:s4+s2] =	stream.indirect_vreg.scatter [tilespmem:s1], [sflag:$0x2], $0x80, v4, vm0, $0xb8;
	[tilespmem:$0x18800] =	vst v63  }
0x1f3: {  	s28 =	simm.s32 $0x11800  }
0x1f4: {  	[hbm4b:s5+s2] =	stream.indirect_vreg.scatter [tilespmem:s28], [sflag:$0x2], $0x80, v4, vm1, $0xb8;
	[tilespmem:$0x18800] =	vst v63  }
0x1f5: {  	s1 =	simm.s32 $0x11C00  }
0x1f6: {  	[hbm4b:s4+s2] =	stream.indirect_vreg.scatter [tilespmem:s1], [sflag:$0x2], $0x80, v3, vm0, $0xb8;
	[tilespmem:$0x18800] =	vst v63  }
0x1f7: {  	s28 =	simm.s32 $0x12400  }
0x1f8: {  	[hbm4b:s5+s2] =	stream.indirect_vreg.scatter [tilespmem:s28], [sflag:$0x2], $0x80, v3, vm1, $0xb8;
	[tilespmem:$0x18800] =	vst v63  }
0x1f9: {  	v3 =	vld [tilespmem:$0x1C0];
	_ =	sdelay $0x4  }
0x1fa: {  	v20 =	vshrl.u32 v3, $0x3  }
0x1fb: {  	v4 =	vmul.u32 $0x18, v20  }
0x1fc: {  	v3 =	vand.u32 $0x7, v3  }
0x1fd: {  	v3 =	vor.u32 v3, v4  }
0x1fe: {  	v4 =	vperm.xlane v3, v0;
	_ =	sdelay $0x1  }
0x1ff: {  	v4 =	vadd.s32 v1, v4;
	_ =	sdelay $0x1  }
0x200: {  	v3 =	vperm.xlane v3, v2;
	_ =	sdelay $0x1  }
0x201: {  	s1 =	simm.s32 $0x12800;
	v3 =	vadd.s32 v1, v3  }
0x202: {  	[hbm4b:s4+s2] =	stream.indirect_vreg.scatter [tilespmem:s1], [sflag:$0x2], $0x80, v4, vm0, $0xb8;
	[tilespmem:$0x18800] =	vst v63  }
0x203: {  	s28 =	simm.s32 $0x13000  }
0x204: {  	[hbm4b:s5+s2] =	stream.indirect_vreg.scatter [tilespmem:s28], [sflag:$0x2], $0x80, v4, vm1, $0xb8;
	[tilespmem:$0x18800] =	vst v63  }
0x205: {  	s1 =	simm.s32 $0x13400  }
0x206: {  	[hbm4b:s4+s2] =	stream.indirect_vreg.scatter [tilespmem:s1], [sflag:$0x2], $0x80, v3, vm0, $0xb8;
	[tilespmem:$0x18800] =	vst v63  }
0x207: {  	s28 =	simm.s32 $0x13C00  }
0x208: {  	[hbm4b:s5+s2] =	stream.indirect_vreg.scatter [tilespmem:s28], [sflag:$0x2], $0x80, v3, vm1, $0xb8;
	[tilespmem:$0x18800] =	vst v63  }
0x209: {  	v3 =	vld [tilespmem:$0x1D0];
	_ =	sdelay $0x4  }
0x20a: {  	v21 =	vshrl.u32 v3, $0x3  }
0x20b: {  	v4 =	vmul.u32 $0x18, v21  }
0x20c: {  	v3 =	vand.u32 $0x7, v3  }
0x20d: {  	v3 =	vor.u32 v3, v4  }
0x20e: {  	v4 =	vperm.xlane v3, v0;
	_ =	sdelay $0x1  }
0x20f: {  	v4 =	vadd.s32 v1, v4;
	_ =	sdelay $0x1  }
0x210: {  	v3 =	vperm.xlane v3, v2;
	_ =	sdelay $0x1  }
0x211: {  	s1 =	simm.s32 $0x14000;
	v3 =	vadd.s32 v1, v3  }
0x212: {  	[hbm4b:s4+s2] =	stream.indirect_vreg.scatter [tilespmem:s1], [sflag:$0x2], $0x80, v4, vm0, $0xb8;
	[tilespmem:$0x18800] =	vst v63  }
0x213: {  	s28 =	simm.s32 $0x14800  }
0x214: {  	[hbm4b:s5+s2] =	stream.indirect_vreg.scatter [tilespmem:s28], [sflag:$0x2], $0x80, v4, vm1, $0xb8;
	[tilespmem:$0x18800] =	vst v63  }
0x215: {  	s1 =	simm.s32 $0x14C00  }
0x216: {  	[hbm4b:s4+s2] =	stream.indirect_vreg.scatter [tilespmem:s1], [sflag:$0x2], $0x80, v3, vm0, $0xb8;
	[tilespmem:$0x18800] =	vst v63  }
0x217: {  	s28 =	simm.s32 $0x15400  }
0x218: {  	[hbm4b:s5+s2] =	stream.indirect_vreg.scatter [tilespmem:s28], [sflag:$0x2], $0x80, v3, vm1, $0xb8;
	[tilespmem:$0x18800] =	vst v63  }
0x219: {  	v3 =	vld [tilespmem:$0x1E0];
	_ =	sdelay $0x4  }
0x21a: {  	v22 =	vshrl.u32 v3, $0x3  }
0x21b: {  	v4 =	vmul.u32 $0x18, v22  }
0x21c: {  	v3 =	vand.u32 $0x7, v3  }
0x21d: {  	v3 =	vor.u32 v3, v4  }
0x21e: {  	v4 =	vperm.xlane v3, v0;
	_ =	sdelay $0x1  }
0x21f: {  	v4 =	vadd.s32 v1, v4;
	_ =	sdelay $0x1  }
0x220: {  	v3 =	vperm.xlane v3, v2;
	_ =	sdelay $0x1  }
0x221: {  	s1 =	simm.s32 $0x15800;
	v3 =	vadd.s32 v1, v3  }
0x222: {  	[hbm4b:s4+s2] =	stream.indirect_vreg.scatter [tilespmem:s1], [sflag:$0x2], $0x80, v4, vm0, $0xb8;
	[tilespmem:$0x18800] =	vst v63  }
0x223: {  	s28 =	simm.s32 $0x16000  }
0x224: {  	[hbm4b:s5+s2] =	stream.indirect_vreg.scatter [tilespmem:s28], [sflag:$0x2], $0x80, v4, vm1, $0xb8;
	[tilespmem:$0x18800] =	vst v63  }
0x225: {  	s1 =	simm.s32 $0x16400  }
0x226: {  	[hbm4b:s4+s2] =	stream.indirect_vreg.scatter [tilespmem:s1], [sflag:$0x2], $0x80, v3, vm0, $0xb8;
	[tilespmem:$0x18800] =	vst v63  }
0x227: {  	s28 =	simm.s32 $0x16C00  }
0x228: {  	[hbm4b:s5+s2] =	stream.indirect_vreg.scatter [tilespmem:s28], [sflag:$0x2], $0x80, v3, vm1, $0xb8;
	[tilespmem:$0x18800] =	vst v63  }
0x229: {  	v3 =	vld [tilespmem:$0x1F0];
	_ =	sdelay $0x4  }
0x22a: {  	v23 =	vshrl.u32 v3, $0x3  }
0x22b: {  	v4 =	vmul.u32 $0x18, v23  }
0x22c: {  	v3 =	vand.u32 $0x7, v3  }
0x22d: {  	v3 =	vor.u32 v3, v4  }
0x22e: {  	v4 =	vperm.xlane v3, v0;
	_ =	sdelay $0x1  }
0x22f: {  	v4 =	vadd.s32 v1, v4;
	_ =	sdelay $0x1  }
0x230: {  	v3 =	vperm.xlane v3, v2;
	_ =	sdelay $0x1  }
0x231: {  	s1 =	simm.s32 $0x17000;
	v3 =	vadd.s32 v1, v3  }
0x232: {  	[hbm4b:s4+s2] =	stream.indirect_vreg.scatter [tilespmem:s1], [sflag:$0x2], $0x80, v4, vm0, $0xb8;
	[tilespmem:$0x18800] =	vst v63  }
0x233: {  	s28 =	simm.s32 $0x17800  }
0x234: {  	[hbm4b:s5+s2] =	stream.indirect_vreg.scatter [tilespmem:s28], [sflag:$0x2], $0x80, v4, vm1, $0xb8;
	[tilespmem:$0x18800] =	vst v63  }
0x235: {  	s1 =	simm.s32 $0x17C00  }
0x236: {  	[hbm4b:s4+s2] =	stream.indirect_vreg.scatter [tilespmem:s1], [sflag:$0x2], $0x80, v3, vm0, $0xb8;
	[tilespmem:$0x18800] =	vst v63  }
0x237: {  	s28 =	simm.s32 $0x18400  }
0x238: {  	[hbm4b:s5+s2] =	stream.indirect_vreg.scatter [tilespmem:s28], [sflag:$0x2], $0x80, v3, vm1, $0xb8;
	[tilespmem:$0x18800] =	vst v63  }
0x239: {  	_ =	swait.ge [sflag:s18], $0xC000  }
0x23a: {  	[sflag:s18] =	ssyncset.done $0x0  }
0x23b: {  	s8 =	simm.s32 $0xC800;
	s1 =	rddreg [dreg:$0x9];
	[sflag:s18] =	ssyncadd.s32 $0xFFFF4000  }
0x23c: {  	[tilespmem:s8], [sflag:$0x1] =	stream.linear.gather [hbm4b:s1+s2], $0xC000, $0x38;
	[tilespmem:$0x18800] =	vst v63  }
0x23d: {  	_ =	swait.ge [sflag:s10], $0xC000  }
0x23e: {  	[sflag:s10] =	ssyncset.done $0x0  }
0x23f: {  	[sflag:s10] =	ssyncadd.s32 $0xFFFF4000  }
0x240: {  	v3 =	vld [tilespmem:$0x200];
	_ =	sdelay $0x4  }
0x241: {  	v24 =	vshrl.u32 v3, $0x3  }
0x242: {  	v4 =	vmul.u32 $0x18, v24  }
0x243: {  	v3 =	vand.u32 $0x7, v3  }
0x244: {  	v3 =	vor.u32 v3, v4  }
0x245: {  	v4 =	vperm.xlane v3, v0;
	_ =	sdelay $0x1  }
0x246: {  	v4 =	vadd.s32 v1, v4;
	_ =	sdelay $0x1  }
0x247: {  	v3 =	vperm.xlane v3, v2;
	_ =	sdelay $0x1  }
0x248: {  	s9 =	simm.s32 $0x800;
	v3 =	vadd.s32 v1, v3  }
0x249: {  	[hbm4b:s4+s2] =	stream.indirect_vreg.scatter [tilespmem:s9], [sflag:$0x2], $0x80, v4, vm0, $0xb8;
	[tilespmem:$0x18800] =	vst v63  }
0x24a: {  	_ = 	snop  }
0x24b: {  	[hbm4b:s5+s2] =	stream.indirect_vreg.scatter [tilespmem:s12], [sflag:$0x2], $0x80, v4, vm1, $0xb8;
	[tilespmem:$0x18800] =	vst v63  }
0x24c: {  	s9 =	simm.s32 $0x1400  }
0x24d: {  	[hbm4b:s4+s2] =	stream.indirect_vreg.scatter [tilespmem:s9], [sflag:$0x2], $0x80, v3, vm0, $0xb8;
	[tilespmem:$0x18800] =	vst v63  }
0x24e: {  	s12 =	simm.s32 $0x1C00  }
0x24f: {  	[hbm4b:s5+s2] =	stream.indirect_vreg.scatter [tilespmem:s12], [sflag:$0x2], $0x80, v3, vm1, $0xb8;
	[tilespmem:$0x18800] =	vst v63  }
0x250: {  	v3 =	vld [tilespmem:$0x210];
	_ =	sdelay $0x4  }
0x251: {  	v25 =	vshrl.u32 v3, $0x3  }
0x252: {  	v4 =	vmul.u32 $0x18, v25  }
0x253: {  	v3 =	vand.u32 $0x7, v3  }
0x254: {  	v3 =	vor.u32 v3, v4  }
0x255: {  	v4 =	vperm.xlane v3, v0;
	_ =	sdelay $0x1  }
0x256: {  	v4 =	vadd.s32 v1, v4;
	_ =	sdelay $0x1  }
0x257: {  	v3 =	vperm.xlane v3, v2;
	_ =	sdelay $0x1  }
0x258: {  	v3 =	vadd.s32 v1, v3  }
0x259: {  	[hbm4b:s4+s2] =	stream.indirect_vreg.scatter [tilespmem:s3], [sflag:$0x2], $0x80, v4, vm0, $0xb8;
	[tilespmem:$0x18800] =	vst v63  }
0x25a: {  	_ = 	snop  }
0x25b: {  	[hbm4b:s5+s2] =	stream.indirect_vreg.scatter [tilespmem:s6], [sflag:$0x2], $0x80, v4, vm1, $0xb8;
	[tilespmem:$0x18800] =	vst v63  }
0x25c: {  	_ = 	snop  }
0x25d: {  	[hbm4b:s4+s2] =	stream.indirect_vreg.scatter [tilespmem:s7], [sflag:$0x2], $0x80, v3, vm0, $0xb8;
	[tilespmem:$0x18800] =	vst v63  }
0x25e: {  	s3 =	simm.s32 $0x3400  }
0x25f: {  	[hbm4b:s5+s2] =	stream.indirect_vreg.scatter [tilespmem:s3], [sflag:$0x2], $0x80, v3, vm1, $0xb8;
	[tilespmem:$0x18800] =	vst v63  }
0x260: {  	v3 =	vld [tilespmem:$0x220];
	_ =	sdelay $0x4  }
0x261: {  	v26 =	vshrl.u32 v3, $0x3  }
0x262: {  	v4 =	vmul.u32 $0x18, v26  }
0x263: {  	v3 =	vand.u32 $0x7, v3  }
0x264: {  	v3 =	vor.u32 v3, v4  }
0x265: {  	v4 =	vperm.xlane v3, v0;
	_ =	sdelay $0x1  }
0x266: {  	v4 =	vadd.s32 v1, v4;
	_ =	sdelay $0x1  }
0x267: {  	v3 =	vperm.xlane v3, v2;
	_ =	sdelay $0x1  }
0x268: {  	v3 =	vadd.s32 v1, v3  }
0x269: {  	[hbm4b:s4+s2] =	stream.indirect_vreg.scatter [tilespmem:s11], [sflag:$0x2], $0x80, v4, vm0, $0xb8;
	[tilespmem:$0x18800] =	vst v63  }
0x26a: {  	s11 =	simm.s32 $0x4000  }
0x26b: {  	[hbm4b:s5+s2] =	stream.indirect_vreg.scatter [tilespmem:s11], [sflag:$0x2], $0x80, v4, vm1, $0xb8;
	[tilespmem:$0x18800] =	vst v63  }
0x26c: {  	_ = 	snop  }
0x26d: {  	[hbm4b:s4+s2] =	stream.indirect_vreg.scatter [tilespmem:s13], [sflag:$0x2], $0x80, v3, vm0, $0xb8;
	[tilespmem:$0x18800] =	vst v63  }
0x26e: {  	s6 =	simm.s32 $0x4C00  }
0x26f: {  	[hbm4b:s5+s2] =	stream.indirect_vreg.scatter [tilespmem:s6], [sflag:$0x2], $0x80, v3, vm1, $0xb8;
	[tilespmem:$0x18800] =	vst v63  }
0x270: {  	v3 =	vld [tilespmem:$0x230];
	_ =	sdelay $0x4  }
0x271: {  	v27 =	vshrl.u32 v3, $0x3  }
0x272: {  	v4 =	vmul.u32 $0x18, v27  }
0x273: {  	v3 =	vand.u32 $0x7, v3  }
0x274: {  	v3 =	vor.u32 v3, v4  }
0x275: {  	v4 =	vperm.xlane v3, v0;
	_ =	sdelay $0x1  }
0x276: {  	v4 =	vadd.s32 v1, v4;
	_ =	sdelay $0x1  }
0x277: {  	v3 =	vperm.xlane v3, v2;
	_ =	sdelay $0x1  }
0x278: {  	v3 =	vadd.s32 v1, v3  }
0x279: {  	[hbm4b:s4+s2] =	stream.indirect_vreg.scatter [tilespmem:s14], [sflag:$0x2], $0x80, v4, vm0, $0xb8;
	[tilespmem:$0x18800] =	vst v63  }
0x27a: {  	_ = 	snop  }
0x27b: {  	[hbm4b:s5+s2] =	stream.indirect_vreg.scatter [tilespmem:s15], [sflag:$0x2], $0x80, v4, vm1, $0xb8;
	[tilespmem:$0x18800] =	vst v63  }
0x27c: {  	_ = 	snop  }
0x27d: {  	[hbm4b:s4+s2] =	stream.indirect_vreg.scatter [tilespmem:s16], [sflag:$0x2], $0x80, v3, vm0, $0xb8;
	[tilespmem:$0x18800] =	vst v63  }
0x27e: {  	s7 =	simm.s32 $0x6400  }
0x27f: {  	[hbm4b:s5+s2] =	stream.indirect_vreg.scatter [tilespmem:s7], [sflag:$0x2], $0x80, v3, vm1, $0xb8;
	[tilespmem:$0x18800] =	vst v63  }
0x280: {  	v3 =	vld [tilespmem:$0x240];
	_ =	sdelay $0x4  }
0x281: {  	v28 =	vshrl.u32 v3, $0x3  }
0x282: {  	v4 =	vmul.u32 $0x18, v28  }
0x283: {  	v3 =	vand.u32 $0x7, v3  }
0x284: {  	v3 =	vor.u32 v3, v4  }
0x285: {  	v4 =	vperm.xlane v3, v0;
	_ =	sdelay $0x1  }
0x286: {  	v4 =	vadd.s32 v1, v4;
	_ =	sdelay $0x1  }
0x287: {  	v3 =	vperm.xlane v3, v2;
	_ =	sdelay $0x1  }
0x288: {  	v3 =	vadd.s32 v1, v3  }
0x289: {  	[hbm4b:s4+s2] =	stream.indirect_vreg.scatter [tilespmem:s17], [sflag:$0x2], $0x80, v4, vm0, $0xb8;
	[tilespmem:$0x18800] =	vst v63  }
0x28a: {  	_ = 	snop  }
0x28b: {  	[hbm4b:s5+s2] =	stream.indirect_vreg.scatter [tilespmem:s19], [sflag:$0x2], $0x80, v4, vm1, $0xb8;
	[tilespmem:$0x18800] =	vst v63  }
0x28c: {  	_ = 	snop  }
0x28d: {  	[hbm4b:s4+s2] =	stream.indirect_vreg.scatter [tilespmem:s20], [sflag:$0x2], $0x80, v3, vm0, $0xb8;
	[tilespmem:$0x18800] =	vst v63  }
0x28e: {  	s13 =	simm.s32 $0x7C00  }
0x28f: {  	[hbm4b:s5+s2] =	stream.indirect_vreg.scatter [tilespmem:s13], [sflag:$0x2], $0x80, v3, vm1, $0xb8;
	[tilespmem:$0x18800] =	vst v63  }
0x290: {  	v3 =	vld [tilespmem:$0x250];
	_ =	sdelay $0x4  }
0x291: {  	v29 =	vshrl.u32 v3, $0x3  }
0x292: {  	v4 =	vmul.u32 $0x18, v29  }
0x293: {  	v3 =	vand.u32 $0x7, v3  }
0x294: {  	v3 =	vor.u32 v3, v4  }
0x295: {  	v4 =	vperm.xlane v3, v0;
	_ =	sdelay $0x1  }
0x296: {  	v4 =	vadd.s32 v1, v4;
	_ =	sdelay $0x1  }
0x297: {  	v3 =	vperm.xlane v3, v2;
	_ =	sdelay $0x1  }
0x298: {  	v3 =	vadd.s32 v1, v3  }
0x299: {  	[hbm4b:s4+s2] =	stream.indirect_vreg.scatter [tilespmem:s21], [sflag:$0x2], $0x80, v4, vm0, $0xb8;
	[tilespmem:$0x18800] =	vst v63  }
0x29a: {  	_ = 	snop  }
0x29b: {  	[hbm4b:s5+s2] =	stream.indirect_vreg.scatter [tilespmem:s22], [sflag:$0x2], $0x80, v4, vm1, $0xb8;
	[tilespmem:$0x18800] =	vst v63  }
0x29c: {  	_ = 	snop  }
0x29d: {  	[hbm4b:s4+s2] =	stream.indirect_vreg.scatter [tilespmem:s23], [sflag:$0x2], $0x80, v3, vm0, $0xb8;
	[tilespmem:$0x18800] =	vst v63  }
0x29e: {  	s8 =	simm.s32 $0x9400  }
0x29f: {  	[hbm4b:s5+s2] =	stream.indirect_vreg.scatter [tilespmem:s8], [sflag:$0x2], $0x80, v3, vm1, $0xb8;
	[tilespmem:$0x18800] =	vst v63  }
0x2a0: {  	v3 =	vld [tilespmem:$0x260];
	_ =	sdelay $0x4  }
0x2a1: {  	v30 =	vshrl.u32 v3, $0x3  }
0x2a2: {  	v4 =	vmul.u32 $0x18, v30  }
0x2a3: {  	v3 =	vand.u32 $0x7, v3  }
0x2a4: {  	v3 =	vor.u32 v3, v4  }
0x2a5: {  	v4 =	vperm.xlane v3, v0;
	_ =	sdelay $0x1  }
0x2a6: {  	v4 =	vadd.s32 v1, v4;
	_ =	sdelay $0x1  }
0x2a7: {  	v3 =	vperm.xlane v3, v2;
	_ =	sdelay $0x1  }
0x2a8: {  	v3 =	vadd.s32 v1, v3  }
0x2a9: {  	[hbm4b:s4+s2] =	stream.indirect_vreg.scatter [tilespmem:s24], [sflag:$0x2], $0x80, v4, vm0, $0xb8;
	[tilespmem:$0x18800] =	vst v63  }
0x2aa: {  	_ = 	snop  }
0x2ab: {  	[hbm4b:s5+s2] =	stream.indirect_vreg.scatter [tilespmem:s25], [sflag:$0x2], $0x80, v4, vm1, $0xb8;
	[tilespmem:$0x18800] =	vst v63  }
0x2ac: {  	_ = 	snop  }
0x2ad: {  	[hbm4b:s4+s2] =	stream.indirect_vreg.scatter [tilespmem:s26], [sflag:$0x2], $0x80, v3, vm0, $0xb8;
	[tilespmem:$0x18800] =	vst v63  }
0x2ae: {  	s9 =	simm.s32 $0xAC00  }
0x2af: {  	[hbm4b:s5+s2] =	stream.indirect_vreg.scatter [tilespmem:s9], [sflag:$0x2], $0x80, v3, vm1, $0xb8;
	[tilespmem:$0x18800] =	vst v63  }
0x2b0: {  	v3 =	vld [tilespmem:$0x270];
	_ =	sdelay $0x4  }
0x2b1: {  	v31 =	vshrl.u32 v3, $0x3  }
0x2b2: {  	v4 =	vmul.u32 $0x18, v31  }
0x2b3: {  	v3 =	vand.u32 $0x7, v3  }
0x2b4: {  	v3 =	vor.u32 v3, v4  }
0x2b5: {  	v4 =	vperm.xlane v3, v0;
	_ =	sdelay $0x1  }
0x2b6: {  	v4 =	vadd.s32 v1, v4;
	_ =	sdelay $0x1  }
0x2b7: {  	v3 =	vperm.xlane v3, v2;
	_ =	sdelay $0x1  }
0x2b8: {  	v3 =	vadd.s32 v1, v3  }
0x2b9: {  	[hbm4b:s4+s2] =	stream.indirect_vreg.scatter [tilespmem:s30], [sflag:$0x2], $0x80, v4, vm0, $0xb8;
	[tilespmem:$0x18800] =	vst v63  }
0x2ba: {  	_ = 	snop  }
0x2bb: {  	[hbm4b:s5+s2] =	stream.indirect_vreg.scatter [tilespmem:s31], [sflag:$0x2], $0x80, v4, vm1, $0xb8;
	[tilespmem:$0x18800] =	vst v63  }
0x2bc: {  	s28 =	simm.s32 $0xBC00  }
0x2bd: {  	[hbm4b:s4+s2] =	stream.indirect_vreg.scatter [tilespmem:s28], [sflag:$0x2], $0x80, v3, vm0, $0xb8;
	[tilespmem:$0x18800] =	vst v63  }
0x2be: {  	s11 =	simm.s32 $0xC400  }
0x2bf: {  	[hbm4b:s5+s2] =	stream.indirect_vreg.scatter [tilespmem:s11], [sflag:$0x2], $0x80, v3, vm1, $0xb8;
	[tilespmem:$0x18800] =	vst v63  }
0x2c0: {  	_ =	swait.ge [sflag:s18], $0xC000  }
0x2c1: {  	[sflag:s18] =	ssyncset.done $0x0  }
0x2c2: {  	s0 =	simm.s32 $0x800;
	s30 =	rddreg [dreg:$0xa];
	[sflag:s18] =	ssyncadd.s32 $0xFFFF4000  }
0x2c3: {  	[tilespmem:s0], [sflag:$0x1] =	stream.linear.gather [hbm4b:s30+s2], $0xC000, $0x38;
	[tilespmem:$0x18800] =	vst v63  }
0x2c4: {  	_ =	swait.ge [sflag:s10], $0xC000  }
0x2c5: {  	[sflag:s10] =	ssyncset.done $0x0  }
0x2c6: {  	[sflag:s10] =	ssyncadd.s32 $0xFFFF4000  }
0x2c7: {  	v3 =	vld [tilespmem:$0x280];
	_ =	sdelay $0x4  }
0x2c8: {  	v32 =	vshrl.u32 v3, $0x3  }
0x2c9: {  	v4 =	vmul.u32 $0x18, v32  }
0x2ca: {  	v3 =	vand.u32 $0x7, v3  }
0x2cb: {  	v3 =	vor.u32 v3, v4  }
0x2cc: {  	v4 =	vperm.xlane v3, v0;
	_ =	sdelay $0x1  }
0x2cd: {  	v4 =	vadd.s32 v1, v4;
	_ =	sdelay $0x1  }
0x2ce: {  	v3 =	vperm.xlane v3, v2;
	_ =	sdelay $0x1  }
0x2cf: {  	s1 =	simm.s32 $0xC800;
	v3 =	vadd.s32 v1, v3  }
0x2d0: {  	[hbm4b:s4+s2] =	stream.indirect_vreg.scatter [tilespmem:s1], [sflag:$0x2], $0x80, v4, vm0, $0xb8;
	[tilespmem:$0x18800] =	vst v63  }
0x2d1: {  	s28 =	simm.s32 $0xD000  }
0x2d2: {  	[hbm4b:s5+s2] =	stream.indirect_vreg.scatter [tilespmem:s28], [sflag:$0x2], $0x80, v4, vm1, $0xb8;
	[tilespmem:$0x18800] =	vst v63  }
0x2d3: {  	_ = 	snop  }
0x2d4: {  	[hbm4b:s4+s2] =	stream.indirect_vreg.scatter [tilespmem:s29], [sflag:$0x2], $0x80, v3, vm0, $0xb8;
	[tilespmem:$0x18800] =	vst v63  }
0x2d5: {  	s28 =	simm.s32 $0xDC00  }
0x2d6: {  	[hbm4b:s5+s2] =	stream.indirect_vreg.scatter [tilespmem:s28], [sflag:$0x2], $0x80, v3, vm1, $0xb8;
	[tilespmem:$0x18800] =	vst v63  }
0x2d7: {  	v3 =	vld [tilespmem:$0x290];
	_ =	sdelay $0x4  }
0x2d8: {  	v33 =	vshrl.u32 v3, $0x3  }
0x2d9: {  	v4 =	vmul.u32 $0x18, v33  }
0x2da: {  	v3 =	vand.u32 $0x7, v3  }
0x2db: {  	v3 =	vor.u32 v3, v4  }
0x2dc: {  	v4 =	vperm.xlane v3, v0;
	_ =	sdelay $0x1  }
0x2dd: {  	v4 =	vadd.s32 v1, v4;
	_ =	sdelay $0x1  }
0x2de: {  	v3 =	vperm.xlane v3, v2;
	_ =	sdelay $0x1  }
0x2df: {  	s28 =	simm.s32 $0xE000;
	v3 =	vadd.s32 v1, v3  }
0x2e0: {  	[hbm4b:s4+s2] =	stream.indirect_vreg.scatter [tilespmem:s28], [sflag:$0x2], $0x80, v4, vm0, $0xb8;
	[tilespmem:$0x18800] =	vst v63  }
0x2e1: {  	s28 =	simm.s32 $0xE800  }
0x2e2: {  	[hbm4b:s5+s2] =	stream.indirect_vreg.scatter [tilespmem:s28], [sflag:$0x2], $0x80, v4, vm1, $0xb8;
	[tilespmem:$0x18800] =	vst v63  }
0x2e3: {  	s28 =	simm.s32 $0xEC00  }
0x2e4: {  	[hbm4b:s4+s2] =	stream.indirect_vreg.scatter [tilespmem:s28], [sflag:$0x2], $0x80, v3, vm0, $0xb8;
	[tilespmem:$0x18800] =	vst v63  }
0x2e5: {  	s28 =	simm.s32 $0xF400  }
0x2e6: {  	[hbm4b:s5+s2] =	stream.indirect_vreg.scatter [tilespmem:s28], [sflag:$0x2], $0x80, v3, vm1, $0xb8;
	[tilespmem:$0x18800] =	vst v63  }
0x2e7: {  	v3 =	vld [tilespmem:$0x2A0];
	_ =	sdelay $0x4  }
0x2e8: {  	v34 =	vshrl.u32 v3, $0x3  }
0x2e9: {  	v4 =	vmul.u32 $0x18, v34  }
0x2ea: {  	v3 =	vand.u32 $0x7, v3  }
0x2eb: {  	v3 =	vor.u32 v3, v4  }
0x2ec: {  	v4 =	vperm.xlane v3, v0;
	_ =	sdelay $0x1  }
0x2ed: {  	v4 =	vadd.s32 v1, v4;
	_ =	sdelay $0x1  }
0x2ee: {  	v3 =	vperm.xlane v3, v2;
	_ =	sdelay $0x1  }
0x2ef: {  	s28 =	simm.s32 $0xF800;
	v3 =	vadd.s32 v1, v3  }
0x2f0: {  	[hbm4b:s4+s2] =	stream.indirect_vreg.scatter [tilespmem:s28], [sflag:$0x2], $0x80, v4, vm0, $0xb8;
	[tilespmem:$0x18800] =	vst v63  }
0x2f1: {  	s28 =	simm.s32 $0x10000  }
0x2f2: {  	[hbm4b:s5+s2] =	stream.indirect_vreg.scatter [tilespmem:s28], [sflag:$0x2], $0x80, v4, vm1, $0xb8;
	[tilespmem:$0x18800] =	vst v63  }
0x2f3: {  	s28 =	simm.s32 $0x10400  }
0x2f4: {  	[hbm4b:s4+s2] =	stream.indirect_vreg.scatter [tilespmem:s28], [sflag:$0x2], $0x80, v3, vm0, $0xb8;
	[tilespmem:$0x18800] =	vst v63  }
0x2f5: {  	s28 =	simm.s32 $0x10C00  }
0x2f6: {  	[hbm4b:s5+s2] =	stream.indirect_vreg.scatter [tilespmem:s28], [sflag:$0x2], $0x80, v3, vm1, $0xb8;
	[tilespmem:$0x18800] =	vst v63  }
0x2f7: {  	v3 =	vld [tilespmem:$0x2B0];
	_ =	sdelay $0x4  }
0x2f8: {  	v35 =	vshrl.u32 v3, $0x3  }
0x2f9: {  	v4 =	vmul.u32 $0x18, v35  }
0x2fa: {  	v3 =	vand.u32 $0x7, v3  }
0x2fb: {  	v3 =	vor.u32 v3, v4  }
0x2fc: {  	v4 =	vperm.xlane v3, v0;
	_ =	sdelay $0x1  }
0x2fd: {  	v4 =	vadd.s32 v1, v4;
	_ =	sdelay $0x1  }
0x2fe: {  	v3 =	vperm.xlane v3, v2;
	_ =	sdelay $0x1  }
0x2ff: {  	s28 =	simm.s32 $0x11000;
	v3 =	vadd.s32 v1, v3  }
0x300: {  	[hbm4b:s4+s2] =	stream.indirect_vreg.scatter [tilespmem:s28], [sflag:$0x2], $0x80, v4, vm0, $0xb8;
	[tilespmem:$0x18800] =	vst v63  }
0x301: {  	s28 =	simm.s32 $0x11800  }
0x302: {  	[hbm4b:s5+s2] =	stream.indirect_vreg.scatter [tilespmem:s28], [sflag:$0x2], $0x80, v4, vm1, $0xb8;
	[tilespmem:$0x18800] =	vst v63  }
0x303: {  	s28 =	simm.s32 $0x11C00  }
0x304: {  	[hbm4b:s4+s2] =	stream.indirect_vreg.scatter [tilespmem:s28], [sflag:$0x2], $0x80, v3, vm0, $0xb8;
	[tilespmem:$0x18800] =	vst v63  }
0x305: {  	s28 =	simm.s32 $0x12400  }
0x306: {  	[hbm4b:s5+s2] =	stream.indirect_vreg.scatter [tilespmem:s28], [sflag:$0x2], $0x80, v3, vm1, $0xb8;
	[tilespmem:$0x18800] =	vst v63  }
0x307: {  	v3 =	vld [tilespmem:$0x2C0];
	_ =	sdelay $0x4  }
0x308: {  	v36 =	vshrl.u32 v3, $0x3  }
0x309: {  	v4 =	vmul.u32 $0x18, v36  }
0x30a: {  	v3 =	vand.u32 $0x7, v3  }
0x30b: {  	v3 =	vor.u32 v3, v4  }
0x30c: {  	v4 =	vperm.xlane v3, v0;
	_ =	sdelay $0x1  }
0x30d: {  	v4 =	vadd.s32 v1, v4;
	_ =	sdelay $0x1  }
0x30e: {  	v3 =	vperm.xlane v3, v2;
	_ =	sdelay $0x1  }
0x30f: {  	s28 =	simm.s32 $0x12800;
	v3 =	vadd.s32 v1, v3  }
0x310: {  	[hbm4b:s4+s2] =	stream.indirect_vreg.scatter [tilespmem:s28], [sflag:$0x2], $0x80, v4, vm0, $0xb8;
	[tilespmem:$0x18800] =	vst v63  }
0x311: {  	s28 =	simm.s32 $0x13000  }
0x312: {  	[hbm4b:s5+s2] =	stream.indirect_vreg.scatter [tilespmem:s28], [sflag:$0x2], $0x80, v4, vm1, $0xb8;
	[tilespmem:$0x18800] =	vst v63  }
0x313: {  	s28 =	simm.s32 $0x13400  }
0x314: {  	[hbm4b:s4+s2] =	stream.indirect_vreg.scatter [tilespmem:s28], [sflag:$0x2], $0x80, v3, vm0, $0xb8;
	[tilespmem:$0x18800] =	vst v63  }
0x315: {  	s28 =	simm.s32 $0x13C00  }
0x316: {  	[hbm4b:s5+s2] =	stream.indirect_vreg.scatter [tilespmem:s28], [sflag:$0x2], $0x80, v3, vm1, $0xb8;
	[tilespmem:$0x18800] =	vst v63  }
0x317: {  	v3 =	vld [tilespmem:$0x2D0];
	_ =	sdelay $0x4  }
0x318: {  	v37 =	vshrl.u32 v3, $0x3  }
0x319: {  	v4 =	vmul.u32 $0x18, v37  }
0x31a: {  	v3 =	vand.u32 $0x7, v3  }
0x31b: {  	v3 =	vor.u32 v3, v4  }
0x31c: {  	v4 =	vperm.xlane v3, v0;
	_ =	sdelay $0x1  }
0x31d: {  	v4 =	vadd.s32 v1, v4;
	_ =	sdelay $0x1  }
0x31e: {  	v3 =	vperm.xlane v3, v2;
	_ =	sdelay $0x1  }
0x31f: {  	s28 =	simm.s32 $0x14000;
	v3 =	vadd.s32 v1, v3  }
0x320: {  	[hbm4b:s4+s2] =	stream.indirect_vreg.scatter [tilespmem:s28], [sflag:$0x2], $0x80, v4, vm0, $0xb8;
	[tilespmem:$0x18800] =	vst v63  }
0x321: {  	s28 =	simm.s32 $0x14800  }
0x322: {  	[hbm4b:s5+s2] =	stream.indirect_vreg.scatter [tilespmem:s28], [sflag:$0x2], $0x80, v4, vm1, $0xb8;
	[tilespmem:$0x18800] =	vst v63  }
0x323: {  	s28 =	simm.s32 $0x14C00  }
0x324: {  	[hbm4b:s4+s2] =	stream.indirect_vreg.scatter [tilespmem:s28], [sflag:$0x2], $0x80, v3, vm0, $0xb8;
	[tilespmem:$0x18800] =	vst v63  }
0x325: {  	s28 =	simm.s32 $0x15400  }
0x326: {  	[hbm4b:s5+s2] =	stream.indirect_vreg.scatter [tilespmem:s28], [sflag:$0x2], $0x80, v3, vm1, $0xb8;
	[tilespmem:$0x18800] =	vst v63  }
0x327: {  	v3 =	vld [tilespmem:$0x2E0];
	_ =	sdelay $0x4  }
0x328: {  	v38 =	vshrl.u32 v3, $0x3  }
0x329: {  	v4 =	vmul.u32 $0x18, v38  }
0x32a: {  	v3 =	vand.u32 $0x7, v3  }
0x32b: {  	v3 =	vor.u32 v3, v4  }
0x32c: {  	v4 =	vperm.xlane v3, v0;
	_ =	sdelay $0x1  }
0x32d: {  	v4 =	vadd.s32 v1, v4;
	_ =	sdelay $0x1  }
0x32e: {  	v3 =	vperm.xlane v3, v2;
	_ =	sdelay $0x1  }
0x32f: {  	s28 =	simm.s32 $0x15800;
	v3 =	vadd.s32 v1, v3  }
0x330: {  	[hbm4b:s4+s2] =	stream.indirect_vreg.scatter [tilespmem:s28], [sflag:$0x2], $0x80, v4, vm0, $0xb8;
	[tilespmem:$0x18800] =	vst v63  }
0x331: {  	s28 =	simm.s32 $0x16000  }
0x332: {  	[hbm4b:s5+s2] =	stream.indirect_vreg.scatter [tilespmem:s28], [sflag:$0x2], $0x80, v4, vm1, $0xb8;
	[tilespmem:$0x18800] =	vst v63  }
0x333: {  	s28 =	simm.s32 $0x16400  }
0x334: {  	[hbm4b:s4+s2] =	stream.indirect_vreg.scatter [tilespmem:s28], [sflag:$0x2], $0x80, v3, vm0, $0xb8;
	[tilespmem:$0x18800] =	vst v63  }
0x335: {  	s28 =	simm.s32 $0x16C00  }
0x336: {  	[hbm4b:s5+s2] =	stream.indirect_vreg.scatter [tilespmem:s28], [sflag:$0x2], $0x80, v3, vm1, $0xb8;
	[tilespmem:$0x18800] =	vst v63  }
0x337: {  	v3 =	vld [tilespmem:$0x2F0];
	_ =	sdelay $0x4  }
0x338: {  	v39 =	vshrl.u32 v3, $0x3  }
0x339: {  	v4 =	vmul.u32 $0x18, v39  }
0x33a: {  	v3 =	vand.u32 $0x7, v3  }
0x33b: {  	v3 =	vor.u32 v3, v4  }
0x33c: {  	v4 =	vperm.xlane v3, v0;
	_ =	sdelay $0x1  }
0x33d: {  	v4 =	vadd.s32 v1, v4;
	_ =	sdelay $0x1  }
0x33e: {  	v3 =	vperm.xlane v3, v2;
	_ =	sdelay $0x1  }
0x33f: {  	s28 =	simm.s32 $0x17000;
	v3 =	vadd.s32 v1, v3  }
0x340: {  	[hbm4b:s4+s2] =	stream.indirect_vreg.scatter [tilespmem:s28], [sflag:$0x2], $0x80, v4, vm0, $0xb8;
	[tilespmem:$0x18800] =	vst v63  }
0x341: {  	s28 =	simm.s32 $0x17800  }
0x342: {  	[hbm4b:s5+s2] =	stream.indirect_vreg.scatter [tilespmem:s28], [sflag:$0x2], $0x80, v4, vm1, $0xb8;
	[tilespmem:$0x18800] =	vst v63  }
0x343: {  	s28 =	simm.s32 $0x17C00  }
0x344: {  	[hbm4b:s4+s2] =	stream.indirect_vreg.scatter [tilespmem:s28], [sflag:$0x2], $0x80, v3, vm0, $0xb8;
	[tilespmem:$0x18800] =	vst v63  }
0x345: {  	s28 =	simm.s32 $0x18400  }
0x346: {  	[hbm4b:s5+s2] =	stream.indirect_vreg.scatter [tilespmem:s28], [sflag:$0x2], $0x80, v3, vm1, $0xb8;
	[tilespmem:$0x18800] =	vst v63  }
0x347: {  	_ =	swait.ge [sflag:s18], $0xC000  }
0x348: {  	[sflag:s18] =	ssyncset.done $0x0  }
0x349: {  	s30 =	simm.s32 $0xC800;
	s28 =	rddreg [dreg:$0xb];
	[sflag:s18] =	ssyncadd.s32 $0xFFFF4000  }
0x34a: {  	[tilespmem:s30], [sflag:$0x1] =	stream.linear.gather [hbm4b:s28+s2], $0xC000, $0x38;
	[tilespmem:$0x18800] =	vst v63  }
0x34b: {  	_ =	swait.ge [sflag:s10], $0xC000  }
0x34c: {  	[sflag:s10] =	ssyncset.done $0x0  }
0x34d: {  	[sflag:s10] =	ssyncadd.s32 $0xFFFF4000  }
0x34e: {  	v3 =	vld [tilespmem:$0x300];
	_ =	sdelay $0x4  }
0x34f: {  	v40 =	vshrl.u32 v3, $0x3  }
0x350: {  	v4 =	vmul.u32 $0x18, v40  }
0x351: {  	v3 =	vand.u32 $0x7, v3  }
0x352: {  	v3 =	vor.u32 v3, v4  }
0x353: {  	v4 =	vperm.xlane v3, v0;
	_ =	sdelay $0x1  }
0x354: {  	v4 =	vadd.s32 v1, v4;
	_ =	sdelay $0x1  }
0x355: {  	v3 =	vperm.xlane v3, v2;
	_ =	sdelay $0x1  }
0x356: {  	s0 =	simm.s32 $0x800;
	v3 =	vadd.s32 v1, v3  }
0x357: {  	[hbm4b:s4+s2] =	stream.indirect_vreg.scatter [tilespmem:s0], [sflag:$0x2], $0x80, v4, vm0, $0xb8;
	[tilespmem:$0x18800] =	vst v63  }
0x358: {  	s28 =	simm.s32 $0x1000  }
0x359: {  	[hbm4b:s5+s2] =	stream.indirect_vreg.scatter [tilespmem:s28], [sflag:$0x2], $0x80, v4, vm1, $0xb8;
	[tilespmem:$0x18800] =	vst v63  }
0x35a: {  	s28 =	simm.s32 $0x1400  }
0x35b: {  	[hbm4b:s4+s2] =	stream.indirect_vreg.scatter [tilespmem:s28], [sflag:$0x2], $0x80, v3, vm0, $0xb8;
	[tilespmem:$0x18800] =	vst v63  }
0x35c: {  	_ = 	snop  }
0x35d: {  	[hbm4b:s5+s2] =	stream.indirect_vreg.scatter [tilespmem:s12], [sflag:$0x2], $0x80, v3, vm1, $0xb8;
	[tilespmem:$0x18800] =	vst v63  }
0x35e: {  	v3 =	vld [tilespmem:$0x310];
	_ =	sdelay $0x4  }
0x35f: {  	v41 =	vshrl.u32 v3, $0x3  }
0x360: {  	v4 =	vmul.u32 $0x18, v41  }
0x361: {  	v3 =	vand.u32 $0x7, v3  }
0x362: {  	v3 =	vor.u32 v3, v4  }
0x363: {  	v4 =	vperm.xlane v3, v0;
	_ =	sdelay $0x1  }
0x364: {  	v4 =	vadd.s32 v1, v4;
	_ =	sdelay $0x1  }
0x365: {  	v3 =	vperm.xlane v3, v2;
	_ =	sdelay $0x1  }
0x366: {  	s28 =	simm.s32 $0x2000;
	v3 =	vadd.s32 v1, v3  }
0x367: {  	[hbm4b:s4+s2] =	stream.indirect_vreg.scatter [tilespmem:s28], [sflag:$0x2], $0x80, v4, vm0, $0xb8;
	[tilespmem:$0x18800] =	vst v63  }
0x368: {  	s28 =	simm.s32 $0x2800  }
0x369: {  	[hbm4b:s5+s2] =	stream.indirect_vreg.scatter [tilespmem:s28], [sflag:$0x2], $0x80, v4, vm1, $0xb8;
	[tilespmem:$0x18800] =	vst v63  }
0x36a: {  	s28 =	simm.s32 $0x2C00  }
0x36b: {  	[hbm4b:s4+s2] =	stream.indirect_vreg.scatter [tilespmem:s28], [sflag:$0x2], $0x80, v3, vm0, $0xb8;
	[tilespmem:$0x18800] =	vst v63  }
0x36c: {  	_ = 	snop  }
0x36d: {  	[hbm4b:s5+s2] =	stream.indirect_vreg.scatter [tilespmem:s3], [sflag:$0x2], $0x80, v3, vm1, $0xb8;
	[tilespmem:$0x18800] =	vst v63  }
0x36e: {  	v3 =	vld [tilespmem:$0x320];
	_ =	sdelay $0x4  }
0x36f: {  	v42 =	vshrl.u32 v3, $0x3  }
0x370: {  	v4 =	vmul.u32 $0x18, v42  }
0x371: {  	v3 =	vand.u32 $0x7, v3  }
0x372: {  	v3 =	vor.u32 v3, v4  }
0x373: {  	v4 =	vperm.xlane v3, v0;
	_ =	sdelay $0x1  }
0x374: {  	v4 =	vadd.s32 v1, v4;
	_ =	sdelay $0x1  }
0x375: {  	v3 =	vperm.xlane v3, v2;
	_ =	sdelay $0x1  }
0x376: {  	s28 =	simm.s32 $0x3800;
	v3 =	vadd.s32 v1, v3  }
0x377: {  	[hbm4b:s4+s2] =	stream.indirect_vreg.scatter [tilespmem:s28], [sflag:$0x2], $0x80, v4, vm0, $0xb8;
	[tilespmem:$0x18800] =	vst v63  }
0x378: {  	s28 =	simm.s32 $0x4000  }
0x379: {  	[hbm4b:s5+s2] =	stream.indirect_vreg.scatter [tilespmem:s28], [sflag:$0x2], $0x80, v4, vm1, $0xb8;
	[tilespmem:$0x18800] =	vst v63  }
0x37a: {  	s28 =	simm.s32 $0x4400  }
0x37b: {  	[hbm4b:s4+s2] =	stream.indirect_vreg.scatter [tilespmem:s28], [sflag:$0x2], $0x80, v3, vm0, $0xb8;
	[tilespmem:$0x18800] =	vst v63  }
0x37c: {  	_ = 	snop  }
0x37d: {  	[hbm4b:s5+s2] =	stream.indirect_vreg.scatter [tilespmem:s6], [sflag:$0x2], $0x80, v3, vm1, $0xb8;
	[tilespmem:$0x18800] =	vst v63  }
0x37e: {  	v3 =	vld [tilespmem:$0x330];
	_ =	sdelay $0x4  }
0x37f: {  	v43 =	vshrl.u32 v3, $0x3  }
0x380: {  	v4 =	vmul.u32 $0x18, v43  }
0x381: {  	v3 =	vand.u32 $0x7, v3  }
0x382: {  	v3 =	vor.u32 v3, v4  }
0x383: {  	v4 =	vperm.xlane v3, v0;
	_ =	sdelay $0x1  }
0x384: {  	v4 =	vadd.s32 v1, v4;
	_ =	sdelay $0x1  }
0x385: {  	v3 =	vperm.xlane v3, v2;
	_ =	sdelay $0x1  }
0x386: {  	s28 =	simm.s32 $0x5000;
	v3 =	vadd.s32 v1, v3  }
0x387: {  	[hbm4b:s4+s2] =	stream.indirect_vreg.scatter [tilespmem:s28], [sflag:$0x2], $0x80, v4, vm0, $0xb8;
	[tilespmem:$0x18800] =	vst v63  }
0x388: {  	s15 =	simm.s32 $0x5800  }
0x389: {  	[hbm4b:s5+s2] =	stream.indirect_vreg.scatter [tilespmem:s15], [sflag:$0x2], $0x80, v4, vm1, $0xb8;
	[tilespmem:$0x18800] =	vst v63  }
0x38a: {  	s14 =	simm.s32 $0x5C00  }
0x38b: {  	[hbm4b:s4+s2] =	stream.indirect_vreg.scatter [tilespmem:s14], [sflag:$0x2], $0x80, v3, vm0, $0xb8;
	[tilespmem:$0x18800] =	vst v63  }
0x38c: {  	_ = 	snop  }
0x38d: {  	[hbm4b:s5+s2] =	stream.indirect_vreg.scatter [tilespmem:s7], [sflag:$0x2], $0x80, v3, vm1, $0xb8;
	[tilespmem:$0x18800] =	vst v63  }
0x38e: {  	v3 =	vld [tilespmem:$0x340];
	_ =	sdelay $0x4  }
0x38f: {  	v44 =	vshrl.u32 v3, $0x3  }
0x390: {  	v4 =	vmul.u32 $0x18, v44  }
0x391: {  	v3 =	vand.u32 $0x7, v3  }
0x392: {  	v3 =	vor.u32 v3, v4  }
0x393: {  	v4 =	vperm.xlane v3, v0;
	_ =	sdelay $0x1  }
0x394: {  	v4 =	vadd.s32 v1, v4;
	_ =	sdelay $0x1  }
0x395: {  	v3 =	vperm.xlane v3, v2;
	_ =	sdelay $0x1  }
0x396: {  	s17 =	simm.s32 $0x6800;
	v3 =	vadd.s32 v1, v3  }
0x397: {  	[hbm4b:s4+s2] =	stream.indirect_vreg.scatter [tilespmem:s17], [sflag:$0x2], $0x80, v4, vm0, $0xb8;
	[tilespmem:$0x18800] =	vst v63  }
0x398: {  	s19 =	simm.s32 $0x7000  }
0x399: {  	[hbm4b:s5+s2] =	stream.indirect_vreg.scatter [tilespmem:s19], [sflag:$0x2], $0x80, v4, vm1, $0xb8;
	[tilespmem:$0x18800] =	vst v63  }
0x39a: {  	s20 =	simm.s32 $0x7400  }
0x39b: {  	[hbm4b:s4+s2] =	stream.indirect_vreg.scatter [tilespmem:s20], [sflag:$0x2], $0x80, v3, vm0, $0xb8;
	[tilespmem:$0x18800] =	vst v63  }
0x39c: {  	_ = 	snop  }
0x39d: {  	[hbm4b:s5+s2] =	stream.indirect_vreg.scatter [tilespmem:s13], [sflag:$0x2], $0x80, v3, vm1, $0xb8;
	[tilespmem:$0x18800] =	vst v63  }
0x39e: {  	v3 =	vld [tilespmem:$0x350];
	_ =	sdelay $0x4  }
0x39f: {  	v45 =	vshrl.u32 v3, $0x3  }
0x3a0: {  	v4 =	vmul.u32 $0x18, v45  }
0x3a1: {  	v3 =	vand.u32 $0x7, v3  }
0x3a2: {  	v3 =	vor.u32 v3, v4  }
0x3a3: {  	v4 =	vperm.xlane v3, v0;
	_ =	sdelay $0x1  }
0x3a4: {  	v4 =	vadd.s32 v1, v4;
	_ =	sdelay $0x1  }
0x3a5: {  	v3 =	vperm.xlane v3, v2;
	_ =	sdelay $0x1  }
0x3a6: {  	s21 =	simm.s32 $0x8000;
	v3 =	vadd.s32 v1, v3  }
0x3a7: {  	[hbm4b:s4+s2] =	stream.indirect_vreg.scatter [tilespmem:s21], [sflag:$0x2], $0x80, v4, vm0, $0xb8;
	[tilespmem:$0x18800] =	vst v63  }
0x3a8: {  	s22 =	simm.s32 $0x8800  }
0x3a9: {  	[hbm4b:s5+s2] =	stream.indirect_vreg.scatter [tilespmem:s22], [sflag:$0x2], $0x80, v4, vm1, $0xb8;
	[tilespmem:$0x18800] =	vst v63  }
0x3aa: {  	s23 =	simm.s32 $0x8C00  }
0x3ab: {  	[hbm4b:s4+s2] =	stream.indirect_vreg.scatter [tilespmem:s23], [sflag:$0x2], $0x80, v3, vm0, $0xb8;
	[tilespmem:$0x18800] =	vst v63  }
0x3ac: {  	_ = 	snop  }
0x3ad: {  	[hbm4b:s5+s2] =	stream.indirect_vreg.scatter [tilespmem:s8], [sflag:$0x2], $0x80, v3, vm1, $0xb8;
	[tilespmem:$0x18800] =	vst v63  }
0x3ae: {  	v3 =	vld [tilespmem:$0x360];
	_ =	sdelay $0x4  }
0x3af: {  	v46 =	vshrl.u32 v3, $0x3  }
0x3b0: {  	v4 =	vmul.u32 $0x18, v46  }
0x3b1: {  	v3 =	vand.u32 $0x7, v3  }
0x3b2: {  	v3 =	vor.u32 v3, v4  }
0x3b3: {  	v4 =	vperm.xlane v3, v0;
	_ =	sdelay $0x1  }
0x3b4: {  	v4 =	vadd.s32 v1, v4;
	_ =	sdelay $0x1  }
0x3b5: {  	v3 =	vperm.xlane v3, v2;
	_ =	sdelay $0x1  }
0x3b6: {  	s24 =	simm.s32 $0x9800;
	v3 =	vadd.s32 v1, v3  }
0x3b7: {  	[hbm4b:s4+s2] =	stream.indirect_vreg.scatter [tilespmem:s24], [sflag:$0x2], $0x80, v4, vm0, $0xb8;
	[tilespmem:$0x18800] =	vst v63  }
0x3b8: {  	s25 =	simm.s32 $0xA000  }
0x3b9: {  	[hbm4b:s5+s2] =	stream.indirect_vreg.scatter [tilespmem:s25], [sflag:$0x2], $0x80, v4, vm1, $0xb8;
	[tilespmem:$0x18800] =	vst v63  }
0x3ba: {  	s26 =	simm.s32 $0xA400  }
0x3bb: {  	[hbm4b:s4+s2] =	stream.indirect_vreg.scatter [tilespmem:s26], [sflag:$0x2], $0x80, v3, vm0, $0xb8;
	[tilespmem:$0x18800] =	vst v63  }
0x3bc: {  	_ = 	snop  }
0x3bd: {  	[hbm4b:s5+s2] =	stream.indirect_vreg.scatter [tilespmem:s9], [sflag:$0x2], $0x80, v3, vm1, $0xb8;
	[tilespmem:$0x18800] =	vst v63  }
0x3be: {  	v3 =	vld [tilespmem:$0x370];
	_ =	sdelay $0x4  }
0x3bf: {  	v47 =	vshrl.u32 v3, $0x3  }
0x3c0: {  	v4 =	vmul.u32 $0x18, v47  }
0x3c1: {  	v3 =	vand.u32 $0x7, v3  }
0x3c2: {  	v3 =	vor.u32 v3, v4  }
0x3c3: {  	v4 =	vperm.xlane v3, v0;
	_ =	sdelay $0x1  }
0x3c4: {  	v4 =	vadd.s32 v1, v4;
	_ =	sdelay $0x1  }
0x3c5: {  	v3 =	vperm.xlane v3, v2;
	_ =	sdelay $0x1  }
0x3c6: {  	s16 =	simm.s32 $0xB000;
	v3 =	vadd.s32 v1, v3  }
0x3c7: {  	[hbm4b:s4+s2] =	stream.indirect_vreg.scatter [tilespmem:s16], [sflag:$0x2], $0x80, v4, vm0, $0xb8;
	[tilespmem:$0x18800] =	vst v63  }
0x3c8: {  	s31 =	simm.s32 $0xB800  }
0x3c9: {  	[hbm4b:s5+s2] =	stream.indirect_vreg.scatter [tilespmem:s31], [sflag:$0x2], $0x80, v4, vm1, $0xb8;
	[tilespmem:$0x18800] =	vst v63  }
0x3ca: {  	s28 =	simm.s32 $0xBC00  }
0x3cb: {  	[hbm4b:s4+s2] =	stream.indirect_vreg.scatter [tilespmem:s28], [sflag:$0x2], $0x80, v3, vm0, $0xb8;
	[tilespmem:$0x18800] =	vst v63  }
0x3cc: {  	_ = 	snop  }
0x3cd: {  	[hbm4b:s5+s2] =	stream.indirect_vreg.scatter [tilespmem:s11], [sflag:$0x2], $0x80, v3, vm1, $0xb8;
	[tilespmem:$0x18800] =	vst v63  }
0x3ce: {  	_ =	swait.ge [sflag:s18], $0xC000  }
0x3cf: {  	[sflag:s18] =	ssyncset.done $0x0  }
0x3d0: {  	s28 =	rddreg [dreg:$0xc];
	[sflag:s18] =	ssyncadd.s32 $0xFFFF4000  }
0x3d1: {  	[tilespmem:s0], [sflag:$0x1] =	stream.linear.gather [hbm4b:s28+s2], $0xC000, $0x38;
	[tilespmem:$0x18800] =	vst v63  }
0x3d2: {  	_ =	swait.ge [sflag:s10], $0xC000  }
0x3d3: {  	[sflag:s10] =	ssyncset.done $0x0  }
0x3d4: {  	[sflag:s10] =	ssyncadd.s32 $0xFFFF4000  }
0x3d5: {  	v3 =	vld [tilespmem:$0x380];
	_ =	sdelay $0x4  }
0x3d6: {  	v48 =	vshrl.u32 v3, $0x3  }
0x3d7: {  	v4 =	vmul.u32 $0x18, v48  }
0x3d8: {  	v3 =	vand.u32 $0x7, v3  }
0x3d9: {  	v3 =	vor.u32 v3, v4  }
0x3da: {  	v4 =	vperm.xlane v3, v0;
	_ =	sdelay $0x1  }
0x3db: {  	v4 =	vadd.s32 v1, v4;
	_ =	sdelay $0x1  }
0x3dc: {  	v3 =	vperm.xlane v3, v2;
	_ =	sdelay $0x1  }
0x3dd: {  	v3 =	vadd.s32 v1, v3  }
0x3de: {  	[hbm4b:s4+s2] =	stream.indirect_vreg.scatter [tilespmem:s30], [sflag:$0x2], $0x80, v4, vm0, $0xb8;
	[tilespmem:$0x18800] =	vst v63  }
0x3df: {  	s1 =	simm.s32 $0xD000  }
0x3e0: {  	[hbm4b:s5+s2] =	stream.indirect_vreg.scatter [tilespmem:s1], [sflag:$0x2], $0x80, v4, vm1, $0xb8;
	[tilespmem:$0x18800] =	vst v63  }
0x3e1: {  	s29 =	simm.s32 $0xD400  }
0x3e2: {  	[hbm4b:s4+s2] =	stream.indirect_vreg.scatter [tilespmem:s29], [sflag:$0x2], $0x80, v3, vm0, $0xb8;
	[tilespmem:$0x18800] =	vst v63  }
0x3e3: {  	s28 =	simm.s32 $0xDC00  }
0x3e4: {  	[hbm4b:s5+s2] =	stream.indirect_vreg.scatter [tilespmem:s28], [sflag:$0x2], $0x80, v3, vm1, $0xb8;
	[tilespmem:$0x18800] =	vst v63  }
0x3e5: {  	v3 =	vld [tilespmem:$0x390];
	_ =	sdelay $0x4  }
0x3e6: {  	v49 =	vshrl.u32 v3, $0x3  }
0x3e7: {  	v4 =	vmul.u32 $0x18, v49  }
0x3e8: {  	v3 =	vand.u32 $0x7, v3  }
0x3e9: {  	v3 =	vor.u32 v3, v4  }
0x3ea: {  	v4 =	vperm.xlane v3, v0;
	_ =	sdelay $0x1  }
0x3eb: {  	v4 =	vadd.s32 v1, v4;
	_ =	sdelay $0x1  }
0x3ec: {  	v3 =	vperm.xlane v3, v2;
	_ =	sdelay $0x1  }
0x3ed: {  	s28 =	simm.s32 $0xE000;
	v3 =	vadd.s32 v1, v3  }
0x3ee: {  	[hbm4b:s4+s2] =	stream.indirect_vreg.scatter [tilespmem:s28], [sflag:$0x2], $0x80, v4, vm0, $0xb8;
	[tilespmem:$0x18800] =	vst v63  }
0x3ef: {  	s28 =	simm.s32 $0xE800  }
0x3f0: {  	[hbm4b:s5+s2] =	stream.indirect_vreg.scatter [tilespmem:s28], [sflag:$0x2], $0x80, v4, vm1, $0xb8;
	[tilespmem:$0x18800] =	vst v63  }
0x3f1: {  	s28 =	simm.s32 $0xEC00  }
0x3f2: {  	[hbm4b:s4+s2] =	stream.indirect_vreg.scatter [tilespmem:s28], [sflag:$0x2], $0x80, v3, vm0, $0xb8;
	[tilespmem:$0x18800] =	vst v63  }
0x3f3: {  	s28 =	simm.s32 $0xF400  }
0x3f4: {  	[hbm4b:s5+s2] =	stream.indirect_vreg.scatter [tilespmem:s28], [sflag:$0x2], $0x80, v3, vm1, $0xb8;
	[tilespmem:$0x18800] =	vst v63  }
0x3f5: {  	v3 =	vld [tilespmem:$0x3A0];
	_ =	sdelay $0x4  }
0x3f6: {  	v50 =	vshrl.u32 v3, $0x3  }
0x3f7: {  	v4 =	vmul.u32 $0x18, v50  }
0x3f8: {  	v3 =	vand.u32 $0x7, v3  }
0x3f9: {  	v3 =	vor.u32 v3, v4  }
0x3fa: {  	v4 =	vperm.xlane v3, v0;
	_ =	sdelay $0x1  }
0x3fb: {  	v4 =	vadd.s32 v1, v4;
	_ =	sdelay $0x1  }
0x3fc: {  	v3 =	vperm.xlane v3, v2;
	_ =	sdelay $0x1  }
0x3fd: {  	s28 =	simm.s32 $0xF800;
	v3 =	vadd.s32 v1, v3  }
0x3fe: {  	[hbm4b:s4+s2] =	stream.indirect_vreg.scatter [tilespmem:s28], [sflag:$0x2], $0x80, v4, vm0, $0xb8;
	[tilespmem:$0x18800] =	vst v63  }
0x3ff: {  	s28 =	simm.s32 $0x10000  }
0x400: {  	[hbm4b:s5+s2] =	stream.indirect_vreg.scatter [tilespmem:s28], [sflag:$0x2], $0x80, v4, vm1, $0xb8;
	[tilespmem:$0x18800] =	vst v63  }
0x401: {  	s28 =	simm.s32 $0x10400  }
0x402: {  	[hbm4b:s4+s2] =	stream.indirect_vreg.scatter [tilespmem:s28], [sflag:$0x2], $0x80, v3, vm0, $0xb8;
	[tilespmem:$0x18800] =	vst v63  }
0x403: {  	s28 =	simm.s32 $0x10C00  }
0x404: {  	[hbm4b:s5+s2] =	stream.indirect_vreg.scatter [tilespmem:s28], [sflag:$0x2], $0x80, v3, vm1, $0xb8;
	[tilespmem:$0x18800] =	vst v63  }
0x405: {  	v3 =	vld [tilespmem:$0x3B0];
	_ =	sdelay $0x4  }
0x406: {  	v51 =	vshrl.u32 v3, $0x3  }
0x407: {  	v4 =	vmul.u32 $0x18, v51  }
0x408: {  	v3 =	vand.u32 $0x7, v3  }
0x409: {  	v3 =	vor.u32 v3, v4  }
0x40a: {  	v4 =	vperm.xlane v3, v0;
	_ =	sdelay $0x1  }
0x40b: {  	v4 =	vadd.s32 v1, v4;
	_ =	sdelay $0x1  }
0x40c: {  	v3 =	vperm.xlane v3, v2;
	_ =	sdelay $0x1  }
0x40d: {  	s28 =	simm.s32 $0x11000;
	v3 =	vadd.s32 v1, v3  }
0x40e: {  	[hbm4b:s4+s2] =	stream.indirect_vreg.scatter [tilespmem:s28], [sflag:$0x2], $0x80, v4, vm0, $0xb8;
	[tilespmem:$0x18800] =	vst v63  }
0x40f: {  	s28 =	simm.s32 $0x11800  }
0x410: {  	[hbm4b:s5+s2] =	stream.indirect_vreg.scatter [tilespmem:s28], [sflag:$0x2], $0x80, v4, vm1, $0xb8;
	[tilespmem:$0x18800] =	vst v63  }
0x411: {  	s28 =	simm.s32 $0x11C00  }
0x412: {  	[hbm4b:s4+s2] =	stream.indirect_vreg.scatter [tilespmem:s28], [sflag:$0x2], $0x80, v3, vm0, $0xb8;
	[tilespmem:$0x18800] =	vst v63  }
0x413: {  	s28 =	simm.s32 $0x12400  }
0x414: {  	[hbm4b:s5+s2] =	stream.indirect_vreg.scatter [tilespmem:s28], [sflag:$0x2], $0x80, v3, vm1, $0xb8;
	[tilespmem:$0x18800] =	vst v63  }
0x415: {  	v3 =	vld [tilespmem:$0x3C0];
	_ =	sdelay $0x4  }
0x416: {  	v52 =	vshrl.u32 v3, $0x3  }
0x417: {  	v4 =	vmul.u32 $0x18, v52  }
0x418: {  	v3 =	vand.u32 $0x7, v3  }
0x419: {  	v3 =	vor.u32 v3, v4  }
0x41a: {  	v4 =	vperm.xlane v3, v0;
	_ =	sdelay $0x1  }
0x41b: {  	v4 =	vadd.s32 v1, v4;
	_ =	sdelay $0x1  }
0x41c: {  	v3 =	vperm.xlane v3, v2;
	_ =	sdelay $0x1  }
0x41d: {  	s28 =	simm.s32 $0x12800;
	v3 =	vadd.s32 v1, v3  }
0x41e: {  	[hbm4b:s4+s2] =	stream.indirect_vreg.scatter [tilespmem:s28], [sflag:$0x2], $0x80, v4, vm0, $0xb8;
	[tilespmem:$0x18800] =	vst v63  }
0x41f: {  	s28 =	simm.s32 $0x13000  }
0x420: {  	[hbm4b:s5+s2] =	stream.indirect_vreg.scatter [tilespmem:s28], [sflag:$0x2], $0x80, v4, vm1, $0xb8;
	[tilespmem:$0x18800] =	vst v63  }
0x421: {  	s28 =	simm.s32 $0x13400  }
0x422: {  	[hbm4b:s4+s2] =	stream.indirect_vreg.scatter [tilespmem:s28], [sflag:$0x2], $0x80, v3, vm0, $0xb8;
	[tilespmem:$0x18800] =	vst v63  }
0x423: {  	s28 =	simm.s32 $0x13C00  }
0x424: {  	[hbm4b:s5+s2] =	stream.indirect_vreg.scatter [tilespmem:s28], [sflag:$0x2], $0x80, v3, vm1, $0xb8;
	[tilespmem:$0x18800] =	vst v63  }
0x425: {  	v3 =	vld [tilespmem:$0x3D0];
	_ =	sdelay $0x4  }
0x426: {  	v53 =	vshrl.u32 v3, $0x3  }
0x427: {  	v4 =	vmul.u32 $0x18, v53  }
0x428: {  	v3 =	vand.u32 $0x7, v3  }
0x429: {  	v3 =	vor.u32 v3, v4  }
0x42a: {  	v4 =	vperm.xlane v3, v0;
	_ =	sdelay $0x1  }
0x42b: {  	v4 =	vadd.s32 v1, v4;
	_ =	sdelay $0x1  }
0x42c: {  	v3 =	vperm.xlane v3, v2;
	_ =	sdelay $0x1  }
0x42d: {  	s28 =	simm.s32 $0x14000;
	v3 =	vadd.s32 v1, v3  }
0x42e: {  	[hbm4b:s4+s2] =	stream.indirect_vreg.scatter [tilespmem:s28], [sflag:$0x2], $0x80, v4, vm0, $0xb8;
	[tilespmem:$0x18800] =	vst v63  }
0x42f: {  	s28 =	simm.s32 $0x14800  }
0x430: {  	[hbm4b:s5+s2] =	stream.indirect_vreg.scatter [tilespmem:s28], [sflag:$0x2], $0x80, v4, vm1, $0xb8;
	[tilespmem:$0x18800] =	vst v63  }
0x431: {  	s28 =	simm.s32 $0x14C00  }
0x432: {  	[hbm4b:s4+s2] =	stream.indirect_vreg.scatter [tilespmem:s28], [sflag:$0x2], $0x80, v3, vm0, $0xb8;
	[tilespmem:$0x18800] =	vst v63  }
0x433: {  	s28 =	simm.s32 $0x15400  }
0x434: {  	[hbm4b:s5+s2] =	stream.indirect_vreg.scatter [tilespmem:s28], [sflag:$0x2], $0x80, v3, vm1, $0xb8;
	[tilespmem:$0x18800] =	vst v63  }
0x435: {  	v3 =	vld [tilespmem:$0x3E0];
	_ =	sdelay $0x4  }
0x436: {  	v54 =	vshrl.u32 v3, $0x3  }
0x437: {  	v4 =	vmul.u32 $0x18, v54  }
0x438: {  	v3 =	vand.u32 $0x7, v3  }
0x439: {  	v3 =	vor.u32 v3, v4  }
0x43a: {  	v4 =	vperm.xlane v3, v0;
	_ =	sdelay $0x1  }
0x43b: {  	v4 =	vadd.s32 v1, v4;
	_ =	sdelay $0x1  }
0x43c: {  	v3 =	vperm.xlane v3, v2;
	_ =	sdelay $0x1  }
0x43d: {  	s28 =	simm.s32 $0x15800;
	v3 =	vadd.s32 v1, v3  }
0x43e: {  	[hbm4b:s4+s2] =	stream.indirect_vreg.scatter [tilespmem:s28], [sflag:$0x2], $0x80, v4, vm0, $0xb8;
	[tilespmem:$0x18800] =	vst v63  }
0x43f: {  	s28 =	simm.s32 $0x16000  }
0x440: {  	[hbm4b:s5+s2] =	stream.indirect_vreg.scatter [tilespmem:s28], [sflag:$0x2], $0x80, v4, vm1, $0xb8;
	[tilespmem:$0x18800] =	vst v63  }
0x441: {  	s28 =	simm.s32 $0x16400  }
0x442: {  	[hbm4b:s4+s2] =	stream.indirect_vreg.scatter [tilespmem:s28], [sflag:$0x2], $0x80, v3, vm0, $0xb8;
	[tilespmem:$0x18800] =	vst v63  }
0x443: {  	s28 =	simm.s32 $0x16C00  }
0x444: {  	[hbm4b:s5+s2] =	stream.indirect_vreg.scatter [tilespmem:s28], [sflag:$0x2], $0x80, v3, vm1, $0xb8;
	[tilespmem:$0x18800] =	vst v63  }
0x445: {  	v3 =	vld [tilespmem:$0x3F0];
	_ =	sdelay $0x4  }
0x446: {  	v55 =	vshrl.u32 v3, $0x3  }
0x447: {  	v4 =	vmul.u32 $0x18, v55  }
0x448: {  	v3 =	vand.u32 $0x7, v3  }
0x449: {  	v3 =	vor.u32 v3, v4  }
0x44a: {  	v4 =	vperm.xlane v3, v0;
	_ =	sdelay $0x1  }
0x44b: {  	v4 =	vadd.s32 v1, v4;
	_ =	sdelay $0x1  }
0x44c: {  	v3 =	vperm.xlane v3, v2;
	_ =	sdelay $0x1  }
0x44d: {  	s28 =	simm.s32 $0x17000;
	v3 =	vadd.s32 v1, v3  }
0x44e: {  	[hbm4b:s4+s2] =	stream.indirect_vreg.scatter [tilespmem:s28], [sflag:$0x2], $0x80, v4, vm0, $0xb8;
	[tilespmem:$0x18800] =	vst v63  }
0x44f: {  	s28 =	simm.s32 $0x17800  }
0x450: {  	[hbm4b:s5+s2] =	stream.indirect_vreg.scatter [tilespmem:s28], [sflag:$0x2], $0x80, v4, vm1, $0xb8;
	[tilespmem:$0x18800] =	vst v63  }
0x451: {  	s28 =	simm.s32 $0x17C00  }
0x452: {  	[hbm4b:s4+s2] =	stream.indirect_vreg.scatter [tilespmem:s28], [sflag:$0x2], $0x80, v3, vm0, $0xb8;
	[tilespmem:$0x18800] =	vst v63  }
0x453: {  	s28 =	simm.s32 $0x18400  }
0x454: {  	[hbm4b:s5+s2] =	stream.indirect_vreg.scatter [tilespmem:s28], [sflag:$0x2], $0x80, v3, vm1, $0xb8;
	[tilespmem:$0x18800] =	vst v63  }
0x455: {  	_ =	swait.ge [sflag:s18], $0xC000  }
0x456: {  	[sflag:s18] =	ssyncset.done $0x0  }
0x457: {  	s28 =	rddreg [dreg:$0xd];
	[sflag:s18] =	ssyncadd.s32 $0xFFFF4000  }
0x458: {  	[tilespmem:s30], [sflag:$0x1] =	stream.linear.gather [hbm4b:s28+s2], $0xC000, $0x38;
	[tilespmem:$0x18800] =	vst v63  }
0x459: {  	_ =	swait.ge [sflag:s10], $0xC000  }
0x45a: {  	[sflag:s10] =	ssyncset.done $0x0  }
0x45b: {  	[sflag:s10] =	ssyncadd.s32 $0xFFFF4000  }
0x45c: {  	v3 =	vld [tilespmem:$0x400];
	_ =	sdelay $0x4  }
0x45d: {  	v56 =	vshrl.u32 v3, $0x3  }
0x45e: {  	v4 =	vmul.u32 $0x18, v56  }
0x45f: {  	v3 =	vand.u32 $0x7, v3  }
0x460: {  	v3 =	vor.u32 v3, v4  }
0x461: {  	v4 =	vperm.xlane v3, v0;
	_ =	sdelay $0x1  }
0x462: {  	v4 =	vadd.s32 v1, v4;
	_ =	sdelay $0x1  }
0x463: {  	v3 =	vperm.xlane v3, v2;
	_ =	sdelay $0x1  }
0x464: {  	v3 =	vadd.s32 v1, v3  }
0x465: {  	[hbm4b:s4+s2] =	stream.indirect_vreg.scatter [tilespmem:s0], [sflag:$0x2], $0x80, v4, vm0, $0xb8;
	[tilespmem:$0x18800] =	vst v63  }
0x466: {  	s28 =	simm.s32 $0x1000  }
0x467: {  	[hbm4b:s5+s2] =	stream.indirect_vreg.scatter [tilespmem:s28], [sflag:$0x2], $0x80, v4, vm1, $0xb8;
	[tilespmem:$0x18800] =	vst v63  }
0x468: {  	s28 =	simm.s32 $0x1400  }
0x469: {  	[hbm4b:s4+s2] =	stream.indirect_vreg.scatter [tilespmem:s28], [sflag:$0x2], $0x80, v3, vm0, $0xb8;
	[tilespmem:$0x18800] =	vst v63  }
0x46a: {  	s12 =	simm.s32 $0x1C00  }
0x46b: {  	[hbm4b:s5+s2] =	stream.indirect_vreg.scatter [tilespmem:s12], [sflag:$0x2], $0x80, v3, vm1, $0xb8;
	[tilespmem:$0x18800] =	vst v63  }
0x46c: {  	v3 =	vld [tilespmem:$0x410];
	_ =	sdelay $0x4  }
0x46d: {  	v57 =	vshrl.u32 v3, $0x3  }
0x46e: {  	v4 =	vmul.u32 $0x18, v57  }
0x46f: {  	v3 =	vand.u32 $0x7, v3  }
0x470: {  	v3 =	vor.u32 v3, v4  }
0x471: {  	v4 =	vperm.xlane v3, v0;
	_ =	sdelay $0x1  }
0x472: {  	v4 =	vadd.s32 v1, v4;
	_ =	sdelay $0x1  }
0x473: {  	v3 =	vperm.xlane v3, v2;
	_ =	sdelay $0x1  }
0x474: {  	s28 =	simm.s32 $0x2000;
	v3 =	vadd.s32 v1, v3  }
0x475: {  	[hbm4b:s4+s2] =	stream.indirect_vreg.scatter [tilespmem:s28], [sflag:$0x2], $0x80, v4, vm0, $0xb8;
	[tilespmem:$0x18800] =	vst v63  }
0x476: {  	s28 =	simm.s32 $0x2800  }
0x477: {  	[hbm4b:s5+s2] =	stream.indirect_vreg.scatter [tilespmem:s28], [sflag:$0x2], $0x80, v4, vm1, $0xb8;
	[tilespmem:$0x18800] =	vst v63  }
0x478: {  	s28 =	simm.s32 $0x2C00  }
0x479: {  	[hbm4b:s4+s2] =	stream.indirect_vreg.scatter [tilespmem:s28], [sflag:$0x2], $0x80, v3, vm0, $0xb8;
	[tilespmem:$0x18800] =	vst v63  }
0x47a: {  	s3 =	simm.s32 $0x3400  }
0x47b: {  	[hbm4b:s5+s2] =	stream.indirect_vreg.scatter [tilespmem:s3], [sflag:$0x2], $0x80, v3, vm1, $0xb8;
	[tilespmem:$0x18800] =	vst v63  }
0x47c: {  	v3 =	vld [tilespmem:$0x420];
	_ =	sdelay $0x4  }
0x47d: {  	v58 =	vshrl.u32 v3, $0x3  }
0x47e: {  	v4 =	vmul.u32 $0x18, v58  }
0x47f: {  	v3 =	vand.u32 $0x7, v3  }
0x480: {  	v3 =	vor.u32 v3, v4  }
0x481: {  	v4 =	vperm.xlane v3, v0;
	_ =	sdelay $0x1  }
0x482: {  	v4 =	vadd.s32 v1, v4;
	_ =	sdelay $0x1  }
0x483: {  	v3 =	vperm.xlane v3, v2;
	_ =	sdelay $0x1  }
0x484: {  	s28 =	simm.s32 $0x3800;
	v3 =	vadd.s32 v1, v3  }
0x485: {  	[hbm4b:s4+s2] =	stream.indirect_vreg.scatter [tilespmem:s28], [sflag:$0x2], $0x80, v4, vm0, $0xb8;
	[tilespmem:$0x18800] =	vst v63  }
0x486: {  	s28 =	simm.s32 $0x4000  }
0x487: {  	[hbm4b:s5+s2] =	stream.indirect_vreg.scatter [tilespmem:s28], [sflag:$0x2], $0x80, v4, vm1, $0xb8;
	[tilespmem:$0x18800] =	vst v63  }
0x488: {  	s28 =	simm.s32 $0x4400  }
0x489: {  	[hbm4b:s4+s2] =	stream.indirect_vreg.scatter [tilespmem:s28], [sflag:$0x2], $0x80, v3, vm0, $0xb8;
	[tilespmem:$0x18800] =	vst v63  }
0x48a: {  	s6 =	simm.s32 $0x4C00  }
0x48b: {  	[hbm4b:s5+s2] =	stream.indirect_vreg.scatter [tilespmem:s6], [sflag:$0x2], $0x80, v3, vm1, $0xb8;
	[tilespmem:$0x18800] =	vst v63  }
0x48c: {  	v3 =	vld [tilespmem:$0x430];
	_ =	sdelay $0x4  }
0x48d: {  	v59 =	vshrl.u32 v3, $0x3  }
0x48e: {  	v4 =	vmul.u32 $0x18, v59  }
0x48f: {  	v3 =	vand.u32 $0x7, v3  }
0x490: {  	v3 =	vor.u32 v3, v4  }
0x491: {  	v4 =	vperm.xlane v3, v0;
	_ =	sdelay $0x1  }
0x492: {  	v4 =	vadd.s32 v1, v4;
	_ =	sdelay $0x1  }
0x493: {  	v3 =	vperm.xlane v3, v2;
	_ =	sdelay $0x1  }
0x494: {  	s28 =	simm.s32 $0x5000;
	v3 =	vadd.s32 v1, v3  }
0x495: {  	[hbm4b:s4+s2] =	stream.indirect_vreg.scatter [tilespmem:s28], [sflag:$0x2], $0x80, v4, vm0, $0xb8;
	[tilespmem:$0x18800] =	vst v63  }
0x496: {  	s15 =	simm.s32 $0x5800  }
0x497: {  	[hbm4b:s5+s2] =	stream.indirect_vreg.scatter [tilespmem:s15], [sflag:$0x2], $0x80, v4, vm1, $0xb8;
	[tilespmem:$0x18800] =	vst v63  }
0x498: {  	s14 =	simm.s32 $0x5C00  }
0x499: {  	[hbm4b:s4+s2] =	stream.indirect_vreg.scatter [tilespmem:s14], [sflag:$0x2], $0x80, v3, vm0, $0xb8;
	[tilespmem:$0x18800] =	vst v63  }
0x49a: {  	s7 =	simm.s32 $0x6400  }
0x49b: {  	[hbm4b:s5+s2] =	stream.indirect_vreg.scatter [tilespmem:s7], [sflag:$0x2], $0x80, v3, vm1, $0xb8;
	[tilespmem:$0x18800] =	vst v63  }
0x49c: {  	v3 =	vld [tilespmem:$0x440];
	_ =	sdelay $0x4  }
0x49d: {  	v60 =	vshrl.u32 v3, $0x3  }
0x49e: {  	v4 =	vmul.u32 $0x18, v60  }
0x49f: {  	v3 =	vand.u32 $0x7, v3  }
0x4a0: {  	v3 =	vor.u32 v3, v4  }
0x4a1: {  	v4 =	vperm.xlane v3, v0;
	_ =	sdelay $0x1  }
0x4a2: {  	v4 =	vadd.s32 v1, v4;
	_ =	sdelay $0x1  }
0x4a3: {  	v3 =	vperm.xlane v3, v2;
	_ =	sdelay $0x1  }
0x4a4: {  	s17 =	simm.s32 $0x6800;
	v3 =	vadd.s32 v1, v3  }
0x4a5: {  	[hbm4b:s4+s2] =	stream.indirect_vreg.scatter [tilespmem:s17], [sflag:$0x2], $0x80, v4, vm0, $0xb8;
	[tilespmem:$0x18800] =	vst v63  }
0x4a6: {  	s19 =	simm.s32 $0x7000  }
0x4a7: {  	[hbm4b:s5+s2] =	stream.indirect_vreg.scatter [tilespmem:s19], [sflag:$0x2], $0x80, v4, vm1, $0xb8;
	[tilespmem:$0x18800] =	vst v63  }
0x4a8: {  	s20 =	simm.s32 $0x7400  }
0x4a9: {  	[hbm4b:s4+s2] =	stream.indirect_vreg.scatter [tilespmem:s20], [sflag:$0x2], $0x80, v3, vm0, $0xb8;
	[tilespmem:$0x18800] =	vst v63  }
0x4aa: {  	s13 =	simm.s32 $0x7C00  }
0x4ab: {  	[hbm4b:s5+s2] =	stream.indirect_vreg.scatter [tilespmem:s13], [sflag:$0x2], $0x80, v3, vm1, $0xb8;
	[tilespmem:$0x18800] =	vst v63  }
0x4ac: {  	v3 =	vld [tilespmem:$0x450];
	_ =	sdelay $0x4  }
0x4ad: {  	v61 =	vshrl.u32 v3, $0x3  }
0x4ae: {  	v4 =	vmul.u32 $0x18, v61  }
0x4af: {  	v3 =	vand.u32 $0x7, v3  }
0x4b0: {  	v3 =	vor.u32 v3, v4  }
0x4b1: {  	v4 =	vperm.xlane v3, v0;
	_ =	sdelay $0x1  }
0x4b2: {  	v4 =	vadd.s32 v1, v4;
	_ =	sdelay $0x1  }
0x4b3: {  	v3 =	vperm.xlane v3, v2;
	_ =	sdelay $0x1  }
0x4b4: {  	s21 =	simm.s32 $0x8000;
	v3 =	vadd.s32 v1, v3  }
0x4b5: {  	[hbm4b:s4+s2] =	stream.indirect_vreg.scatter [tilespmem:s21], [sflag:$0x2], $0x80, v4, vm0, $0xb8;
	[tilespmem:$0x18800] =	vst v63  }
0x4b6: {  	s22 =	simm.s32 $0x8800  }
0x4b7: {  	[hbm4b:s5+s2] =	stream.indirect_vreg.scatter [tilespmem:s22], [sflag:$0x2], $0x80, v4, vm1, $0xb8;
	[tilespmem:$0x18800] =	vst v63  }
0x4b8: {  	s23 =	simm.s32 $0x8C00  }
0x4b9: {  	[hbm4b:s4+s2] =	stream.indirect_vreg.scatter [tilespmem:s23], [sflag:$0x2], $0x80, v3, vm0, $0xb8;
	[tilespmem:$0x18800] =	vst v63  }
0x4ba: {  	s8 =	simm.s32 $0x9400  }
0x4bb: {  	[hbm4b:s5+s2] =	stream.indirect_vreg.scatter [tilespmem:s8], [sflag:$0x2], $0x80, v3, vm1, $0xb8;
	[tilespmem:$0x18800] =	vst v63  }
0x4bc: {  	v3 =	vld [tilespmem:$0x460];
	_ =	sdelay $0x4  }
0x4bd: {  	v62 =	vshrl.u32 v3, $0x3  }
0x4be: {  	v4 =	vmul.u32 $0x18, v62  }
0x4bf: {  	v3 =	vand.u32 $0x7, v3  }
0x4c0: {  	v3 =	vor.u32 v3, v4  }
0x4c1: {  	v4 =	vperm.xlane v3, v0;
	_ =	sdelay $0x1  }
0x4c2: {  	v4 =	vadd.s32 v1, v4;
	_ =	sdelay $0x1  }
0x4c3: {  	v3 =	vperm.xlane v3, v2;
	_ =	sdelay $0x1  }
0x4c4: {  	s24 =	simm.s32 $0x9800;
	v3 =	vadd.s32 v1, v3  }
0x4c5: {  	[hbm4b:s4+s2] =	stream.indirect_vreg.scatter [tilespmem:s24], [sflag:$0x2], $0x80, v4, vm0, $0xb8;
	[tilespmem:$0x18800] =	vst v63  }
0x4c6: {  	s25 =	simm.s32 $0xA000  }
0x4c7: {  	[hbm4b:s5+s2] =	stream.indirect_vreg.scatter [tilespmem:s25], [sflag:$0x2], $0x80, v4, vm1, $0xb8;
	[tilespmem:$0x18800] =	vst v63  }
0x4c8: {  	s26 =	simm.s32 $0xA400  }
0x4c9: {  	[hbm4b:s4+s2] =	stream.indirect_vreg.scatter [tilespmem:s26], [sflag:$0x2], $0x80, v3, vm0, $0xb8;
	[tilespmem:$0x18800] =	vst v63  }
0x4ca: {  	s9 =	simm.s32 $0xAC00  }
0x4cb: {  	[hbm4b:s5+s2] =	stream.indirect_vreg.scatter [tilespmem:s9], [sflag:$0x2], $0x80, v3, vm1, $0xb8;
	[tilespmem:$0x18800] =	vst v63  }
0x4cc: {  	v3 =	vld [tilespmem:$0x470];
	_ =	sdelay $0x4  }
0x4cd: {  	v63 =	vshrl.u32 v3, $0x3  }
0x4ce: {  	v4 =	vmul.u32 $0x18, v63  }
0x4cf: {  	v3 =	vand.u32 $0x7, v3  }
0x4d0: {  	v3 =	vor.u32 v3, v4  }
0x4d1: {  	v4 =	vperm.xlane v3, v0;
	_ =	sdelay $0x1  }
0x4d2: {  	v4 =	vadd.s32 v1, v4;
	_ =	sdelay $0x1  }
0x4d3: {  	v3 =	vperm.xlane v3, v2;
	_ =	sdelay $0x1  }
0x4d4: {  	s16 =	simm.s32 $0xB000;
	v3 =	vadd.s32 v1, v3  }
0x4d5: {  	[hbm4b:s4+s2] =	stream.indirect_vreg.scatter [tilespmem:s16], [sflag:$0x2], $0x80, v4, vm0, $0xb8;
	[tilespmem:$0x18800] =	vst v63  }
0x4d6: {  	s31 =	simm.s32 $0xB800  }
0x4d7: {  	[hbm4b:s5+s2] =	stream.indirect_vreg.scatter [tilespmem:s31], [sflag:$0x2], $0x80, v4, vm1, $0xb8;
	[tilespmem:$0x18800] =	vst v63  }
0x4d8: {  	s28 =	simm.s32 $0xBC00  }
0x4d9: {  	[hbm4b:s4+s2] =	stream.indirect_vreg.scatter [tilespmem:s28], [sflag:$0x2], $0x80, v3, vm0, $0xb8;
	[tilespmem:$0x18800] =	vst v63  }
0x4da: {  	s11 =	simm.s32 $0xC400  }
0x4db: {  	[hbm4b:s5+s2] =	stream.indirect_vreg.scatter [tilespmem:s11], [sflag:$0x2], $0x80, v3, vm1, $0xb8;
	[tilespmem:$0x18800] =	vst v63  }
0x4dc: {  	_ =	swait.ge [sflag:s18], $0xC000  }
0x4dd: {  	[sflag:s18] =	ssyncset.done $0x0  }
0x4de: {  	s28 =	rddreg [dreg:$0xe];
	[sflag:s18] =	ssyncadd.s32 $0xFFFF4000  }
0x4df: {  	[tilespmem:s0], [sflag:$0x1] =	stream.linear.gather [hbm4b:s28+s2], $0xC000, $0x38;
	[tilespmem:$0x18800] =	vst v63  }
0x4e0: {  	_ =	swait.ge [sflag:s10], $0xC000  }
0x4e1: {  	[sflag:s10] =	ssyncset.done $0x0  }
0x4e2: {  	[sflag:s10] =	ssyncadd.s32 $0xFFFF4000  }
0x4e3: {  	v3 =	vld [tilespmem:$0x480];
	_ =	sdelay $0x4  }
0x4e4: {  	v8 =	vshrl.u32 v3, $0x3  }
0x4e5: {  	v4 =	vmul.u32 $0x18, v8  }
0x4e6: {  	v3 =	vand.u32 $0x7, v3  }
0x4e7: {  	v3 =	vor.u32 v3, v4  }
0x4e8: {  	v4 =	vperm.xlane v3, v0;
	_ =	sdelay $0x1  }
0x4e9: {  	v4 =	vadd.s32 v1, v4;
	_ =	sdelay $0x1  }
0x4ea: {  	v3 =	vperm.xlane v3, v2;
	_ =	sdelay $0x1  }
0x4eb: {  	v3 =	vadd.s32 v1, v3  }
0x4ec: {  	[hbm4b:s4+s2] =	stream.indirect_vreg.scatter [tilespmem:s30], [sflag:$0x2], $0x80, v4, vm0, $0xb8;
	[tilespmem:$0x18800] =	vst v63  }
0x4ed: {  	s1 =	simm.s32 $0xD000  }
0x4ee: {  	[hbm4b:s5+s2] =	stream.indirect_vreg.scatter [tilespmem:s1], [sflag:$0x2], $0x80, v4, vm1, $0xb8;
	[tilespmem:$0x18800] =	vst v63  }
0x4ef: {  	s29 =	simm.s32 $0xD400  }
0x4f0: {  	[hbm4b:s4+s2] =	stream.indirect_vreg.scatter [tilespmem:s29], [sflag:$0x2], $0x80, v3, vm0, $0xb8;
	[tilespmem:$0x18800] =	vst v63  }
0x4f1: {  	s28 =	simm.s32 $0xDC00  }
0x4f2: {  	[hbm4b:s5+s2] =	stream.indirect_vreg.scatter [tilespmem:s28], [sflag:$0x2], $0x80, v3, vm1, $0xb8;
	[tilespmem:$0x18800] =	vst v63  }
0x4f3: {  	v3 =	vld [tilespmem:$0x490];
	_ =	sdelay $0x4  }
0x4f4: {  	v9 =	vshrl.u32 v3, $0x3  }
0x4f5: {  	v4 =	vmul.u32 $0x18, v9  }
0x4f6: {  	v3 =	vand.u32 $0x7, v3  }
0x4f7: {  	v3 =	vor.u32 v3, v4  }
0x4f8: {  	v4 =	vperm.xlane v3, v0;
	_ =	sdelay $0x1  }
0x4f9: {  	v4 =	vadd.s32 v1, v4;
	_ =	sdelay $0x1  }
0x4fa: {  	v3 =	vperm.xlane v3, v2;
	_ =	sdelay $0x1  }
0x4fb: {  	s28 =	simm.s32 $0xE000;
	v3 =	vadd.s32 v1, v3  }
0x4fc: {  	[hbm4b:s4+s2] =	stream.indirect_vreg.scatter [tilespmem:s28], [sflag:$0x2], $0x80, v4, vm0, $0xb8;
	[tilespmem:$0x18800] =	vst v63  }
0x4fd: {  	s28 =	simm.s32 $0xE800  }
0x4fe: {  	[hbm4b:s5+s2] =	stream.indirect_vreg.scatter [tilespmem:s28], [sflag:$0x2], $0x80, v4, vm1, $0xb8;
	[tilespmem:$0x18800] =	vst v63  }
0x4ff: {  	s28 =	simm.s32 $0xEC00  }
0x500: {  	[hbm4b:s4+s2] =	stream.indirect_vreg.scatter [tilespmem:s28], [sflag:$0x2], $0x80, v3, vm0, $0xb8;
	[tilespmem:$0x18800] =	vst v63  }
0x501: {  	s28 =	simm.s32 $0xF400  }
0x502: {  	[hbm4b:s5+s2] =	stream.indirect_vreg.scatter [tilespmem:s28], [sflag:$0x2], $0x80, v3, vm1, $0xb8;
	[tilespmem:$0x18800] =	vst v63  }
0x503: {  	v3 =	vld [tilespmem:$0x4A0];
	_ =	sdelay $0x4  }
0x504: {  	v10 =	vshrl.u32 v3, $0x3  }
0x505: {  	v4 =	vmul.u32 $0x18, v10  }
0x506: {  	v3 =	vand.u32 $0x7, v3  }
0x507: {  	v3 =	vor.u32 v3, v4  }
0x508: {  	v4 =	vperm.xlane v3, v0;
	_ =	sdelay $0x1  }
0x509: {  	v4 =	vadd.s32 v1, v4;
	_ =	sdelay $0x1  }
0x50a: {  	v3 =	vperm.xlane v3, v2;
	_ =	sdelay $0x1  }
0x50b: {  	s28 =	simm.s32 $0xF800;
	v3 =	vadd.s32 v1, v3  }
0x50c: {  	[hbm4b:s4+s2] =	stream.indirect_vreg.scatter [tilespmem:s28], [sflag:$0x2], $0x80, v4, vm0, $0xb8;
	[tilespmem:$0x18800] =	vst v63  }
0x50d: {  	s28 =	simm.s32 $0x10000  }
0x50e: {  	[hbm4b:s5+s2] =	stream.indirect_vreg.scatter [tilespmem:s28], [sflag:$0x2], $0x80, v4, vm1, $0xb8;
	[tilespmem:$0x18800] =	vst v63  }
0x50f: {  	s28 =	simm.s32 $0x10400  }
0x510: {  	[hbm4b:s4+s2] =	stream.indirect_vreg.scatter [tilespmem:s28], [sflag:$0x2], $0x80, v3, vm0, $0xb8;
	[tilespmem:$0x18800] =	vst v63  }
0x511: {  	s28 =	simm.s32 $0x10C00  }
0x512: {  	[hbm4b:s5+s2] =	stream.indirect_vreg.scatter [tilespmem:s28], [sflag:$0x2], $0x80, v3, vm1, $0xb8;
	[tilespmem:$0x18800] =	vst v63  }
0x513: {  	v3 =	vld [tilespmem:$0x4B0];
	_ =	sdelay $0x4  }
0x514: {  	v11 =	vshrl.u32 v3, $0x3  }
0x515: {  	v4 =	vmul.u32 $0x18, v11  }
0x516: {  	v3 =	vand.u32 $0x7, v3  }
0x517: {  	v3 =	vor.u32 v3, v4  }
0x518: {  	v4 =	vperm.xlane v3, v0;
	_ =	sdelay $0x1  }
0x519: {  	v4 =	vadd.s32 v1, v4;
	_ =	sdelay $0x1  }
0x51a: {  	v3 =	vperm.xlane v3, v2;
	_ =	sdelay $0x1  }
0x51b: {  	s28 =	simm.s32 $0x11000;
	v3 =	vadd.s32 v1, v3  }
0x51c: {  	[hbm4b:s4+s2] =	stream.indirect_vreg.scatter [tilespmem:s28], [sflag:$0x2], $0x80, v4, vm0, $0xb8;
	[tilespmem:$0x18800] =	vst v63  }
0x51d: {  	s28 =	simm.s32 $0x11800  }
0x51e: {  	[hbm4b:s5+s2] =	stream.indirect_vreg.scatter [tilespmem:s28], [sflag:$0x2], $0x80, v4, vm1, $0xb8;
	[tilespmem:$0x18800] =	vst v63  }
0x51f: {  	s28 =	simm.s32 $0x11C00  }
0x520: {  	[hbm4b:s4+s2] =	stream.indirect_vreg.scatter [tilespmem:s28], [sflag:$0x2], $0x80, v3, vm0, $0xb8;
	[tilespmem:$0x18800] =	vst v63  }
0x521: {  	s28 =	simm.s32 $0x12400  }
0x522: {  	[hbm4b:s5+s2] =	stream.indirect_vreg.scatter [tilespmem:s28], [sflag:$0x2], $0x80, v3, vm1, $0xb8;
	[tilespmem:$0x18800] =	vst v63  }
0x523: {  	v3 =	vld [tilespmem:$0x4C0];
	_ =	sdelay $0x4  }
0x524: {  	v12 =	vshrl.u32 v3, $0x3  }
0x525: {  	v4 =	vmul.u32 $0x18, v12  }
0x526: {  	v3 =	vand.u32 $0x7, v3  }
0x527: {  	v3 =	vor.u32 v3, v4  }
0x528: {  	v4 =	vperm.xlane v3, v0;
	_ =	sdelay $0x1  }
0x529: {  	v4 =	vadd.s32 v1, v4;
	_ =	sdelay $0x1  }
0x52a: {  	v3 =	vperm.xlane v3, v2;
	_ =	sdelay $0x1  }
0x52b: {  	s28 =	simm.s32 $0x12800;
	v3 =	vadd.s32 v1, v3  }
0x52c: {  	[hbm4b:s4+s2] =	stream.indirect_vreg.scatter [tilespmem:s28], [sflag:$0x2], $0x80, v4, vm0, $0xb8;
	[tilespmem:$0x18800] =	vst v63  }
0x52d: {  	s28 =	simm.s32 $0x13000  }
0x52e: {  	[hbm4b:s5+s2] =	stream.indirect_vreg.scatter [tilespmem:s28], [sflag:$0x2], $0x80, v4, vm1, $0xb8;
	[tilespmem:$0x18800] =	vst v63  }
0x52f: {  	s28 =	simm.s32 $0x13400  }
0x530: {  	[hbm4b:s4+s2] =	stream.indirect_vreg.scatter [tilespmem:s28], [sflag:$0x2], $0x80, v3, vm0, $0xb8;
	[tilespmem:$0x18800] =	vst v63  }
0x531: {  	s28 =	simm.s32 $0x13C00  }
0x532: {  	[hbm4b:s5+s2] =	stream.indirect_vreg.scatter [tilespmem:s28], [sflag:$0x2], $0x80, v3, vm1, $0xb8;
	[tilespmem:$0x18800] =	vst v63  }
0x533: {  	v3 =	vld [tilespmem:$0x4D0];
	_ =	sdelay $0x4  }
0x534: {  	v13 =	vshrl.u32 v3, $0x3  }
0x535: {  	v4 =	vmul.u32 $0x18, v13  }
0x536: {  	v3 =	vand.u32 $0x7, v3  }
0x537: {  	v3 =	vor.u32 v3, v4  }
0x538: {  	v4 =	vperm.xlane v3, v0;
	_ =	sdelay $0x1  }
0x539: {  	v4 =	vadd.s32 v1, v4;
	_ =	sdelay $0x1  }
0x53a: {  	v3 =	vperm.xlane v3, v2;
	_ =	sdelay $0x1  }
0x53b: {  	s28 =	simm.s32 $0x14000;
	v3 =	vadd.s32 v1, v3  }
0x53c: {  	[hbm4b:s4+s2] =	stream.indirect_vreg.scatter [tilespmem:s28], [sflag:$0x2], $0x80, v4, vm0, $0xb8;
	[tilespmem:$0x18800] =	vst v63  }
0x53d: {  	s28 =	simm.s32 $0x14800  }
0x53e: {  	[hbm4b:s5+s2] =	stream.indirect_vreg.scatter [tilespmem:s28], [sflag:$0x2], $0x80, v4, vm1, $0xb8;
	[tilespmem:$0x18800] =	vst v63  }
0x53f: {  	s28 =	simm.s32 $0x14C00  }
0x540: {  	[hbm4b:s4+s2] =	stream.indirect_vreg.scatter [tilespmem:s28], [sflag:$0x2], $0x80, v3, vm0, $0xb8;
	[tilespmem:$0x18800] =	vst v63  }
0x541: {  	s28 =	simm.s32 $0x15400  }
0x542: {  	[hbm4b:s5+s2] =	stream.indirect_vreg.scatter [tilespmem:s28], [sflag:$0x2], $0x80, v3, vm1, $0xb8;
	[tilespmem:$0x18800] =	vst v63  }
0x543: {  	v3 =	vld [tilespmem:$0x4E0];
	_ =	sdelay $0x4  }
0x544: {  	v14 =	vshrl.u32 v3, $0x3  }
0x545: {  	v4 =	vmul.u32 $0x18, v14  }
0x546: {  	v3 =	vand.u32 $0x7, v3  }
0x547: {  	v3 =	vor.u32 v3, v4  }
0x548: {  	v4 =	vperm.xlane v3, v0;
	_ =	sdelay $0x1  }
0x549: {  	v4 =	vadd.s32 v1, v4;
	_ =	sdelay $0x1  }
0x54a: {  	v3 =	vperm.xlane v3, v2;
	_ =	sdelay $0x1  }
0x54b: {  	s28 =	simm.s32 $0x15800;
	v3 =	vadd.s32 v1, v3  }
0x54c: {  	[hbm4b:s4+s2] =	stream.indirect_vreg.scatter [tilespmem:s28], [sflag:$0x2], $0x80, v4, vm0, $0xb8;
	[tilespmem:$0x18800] =	vst v63  }
0x54d: {  	s28 =	simm.s32 $0x16000  }
0x54e: {  	[hbm4b:s5+s2] =	stream.indirect_vreg.scatter [tilespmem:s28], [sflag:$0x2], $0x80, v4, vm1, $0xb8;
	[tilespmem:$0x18800] =	vst v63  }
0x54f: {  	s28 =	simm.s32 $0x16400  }
0x550: {  	[hbm4b:s4+s2] =	stream.indirect_vreg.scatter [tilespmem:s28], [sflag:$0x2], $0x80, v3, vm0, $0xb8;
	[tilespmem:$0x18800] =	vst v63  }
0x551: {  	s28 =	simm.s32 $0x16C00  }
0x552: {  	[hbm4b:s5+s2] =	stream.indirect_vreg.scatter [tilespmem:s28], [sflag:$0x2], $0x80, v3, vm1, $0xb8;
	[tilespmem:$0x18800] =	vst v63  }
0x553: {  	v3 =	vld [tilespmem:$0x4F0];
	_ =	sdelay $0x4  }
0x554: {  	v15 =	vshrl.u32 v3, $0x3  }
0x555: {  	v4 =	vmul.u32 $0x18, v15  }
0x556: {  	v3 =	vand.u32 $0x7, v3  }
0x557: {  	v3 =	vor.u32 v3, v4  }
0x558: {  	v4 =	vperm.xlane v3, v0;
	_ =	sdelay $0x1  }
0x559: {  	v4 =	vadd.s32 v1, v4;
	_ =	sdelay $0x1  }
0x55a: {  	v3 =	vperm.xlane v3, v2;
	_ =	sdelay $0x1  }
0x55b: {  	s28 =	simm.s32 $0x17000;
	v3 =	vadd.s32 v1, v3  }
0x55c: {  	[hbm4b:s4+s2] =	stream.indirect_vreg.scatter [tilespmem:s28], [sflag:$0x2], $0x80, v4, vm0, $0xb8;
	[tilespmem:$0x18800] =	vst v63  }
0x55d: {  	s28 =	simm.s32 $0x17800  }
0x55e: {  	[hbm4b:s5+s2] =	stream.indirect_vreg.scatter [tilespmem:s28], [sflag:$0x2], $0x80, v4, vm1, $0xb8;
	[tilespmem:$0x18800] =	vst v63  }
0x55f: {  	s28 =	simm.s32 $0x17C00  }
0x560: {  	[hbm4b:s4+s2] =	stream.indirect_vreg.scatter [tilespmem:s28], [sflag:$0x2], $0x80, v3, vm0, $0xb8;
	[tilespmem:$0x18800] =	vst v63  }
0x561: {  	s28 =	simm.s32 $0x18400  }
0x562: {  	[hbm4b:s5+s2] =	stream.indirect_vreg.scatter [tilespmem:s28], [sflag:$0x2], $0x80, v3, vm1, $0xb8;
	[tilespmem:$0x18800] =	vst v63  }
0x563: {  	_ =	swait.ge [sflag:s18], $0xC000  }
0x564: {  	[sflag:s18] =	ssyncset.done $0x0  }
0x565: {  	s28 =	rddreg [dreg:$0xf];
	[sflag:s18] =	ssyncadd.s32 $0xFFFF4000  }
0x566: {  	[tilespmem:s30], [sflag:$0x1] =	stream.linear.gather [hbm4b:s28+s2], $0xC000, $0x38;
	[tilespmem:$0x18800] =	vst v63  }
0x567: {  	_ =	swait.ge [sflag:s10], $0xC000  }
0x568: {  	[sflag:s10] =	ssyncset.done $0x0  }
0x569: {  	[sflag:s10] =	ssyncadd.s32 $0xFFFF4000  }
0x56a: {  	v3 =	vld [tilespmem:$0x500];
	_ =	sdelay $0x4  }
0x56b: {  	v16 =	vshrl.u32 v3, $0x3  }
0x56c: {  	v4 =	vmul.u32 $0x18, v16  }
0x56d: {  	v3 =	vand.u32 $0x7, v3  }
0x56e: {  	v3 =	vor.u32 v3, v4  }
0x56f: {  	v4 =	vperm.xlane v3, v0;
	_ =	sdelay $0x1  }
0x570: {  	v4 =	vadd.s32 v1, v4;
	_ =	sdelay $0x1  }
0x571: {  	v3 =	vperm.xlane v3, v2;
	_ =	sdelay $0x1  }
0x572: {  	v3 =	vadd.s32 v1, v3  }
0x573: {  	[hbm4b:s4+s2] =	stream.indirect_vreg.scatter [tilespmem:s0], [sflag:$0x2], $0x80, v4, vm0, $0xb8;
	[tilespmem:$0x18800] =	vst v63  }
0x574: {  	s28 =	simm.s32 $0x1000  }
0x575: {  	[hbm4b:s5+s2] =	stream.indirect_vreg.scatter [tilespmem:s28], [sflag:$0x2], $0x80, v4, vm1, $0xb8;
	[tilespmem:$0x18800] =	vst v63  }
0x576: {  	s28 =	simm.s32 $0x1400  }
0x577: {  	[hbm4b:s4+s2] =	stream.indirect_vreg.scatter [tilespmem:s28], [sflag:$0x2], $0x80, v3, vm0, $0xb8;
	[tilespmem:$0x18800] =	vst v63  }
0x578: {  	s12 =	simm.s32 $0x1C00  }
0x579: {  	[hbm4b:s5+s2] =	stream.indirect_vreg.scatter [tilespmem:s12], [sflag:$0x2], $0x80, v3, vm1, $0xb8;
	[tilespmem:$0x18800] =	vst v63  }
0x57a: {  	v3 =	vld [tilespmem:$0x510];
	_ =	sdelay $0x4  }
0x57b: {  	v17 =	vshrl.u32 v3, $0x3  }
0x57c: {  	v4 =	vmul.u32 $0x18, v17  }
0x57d: {  	v3 =	vand.u32 $0x7, v3  }
0x57e: {  	v3 =	vor.u32 v3, v4  }
0x57f: {  	v4 =	vperm.xlane v3, v0;
	_ =	sdelay $0x1  }
0x580: {  	v4 =	vadd.s32 v1, v4;
	_ =	sdelay $0x1  }
0x581: {  	v3 =	vperm.xlane v3, v2;
	_ =	sdelay $0x1  }
0x582: {  	s28 =	simm.s32 $0x2000;
	v3 =	vadd.s32 v1, v3  }
0x583: {  	[hbm4b:s4+s2] =	stream.indirect_vreg.scatter [tilespmem:s28], [sflag:$0x2], $0x80, v4, vm0, $0xb8;
	[tilespmem:$0x18800] =	vst v63  }
0x584: {  	s28 =	simm.s32 $0x2800  }
0x585: {  	[hbm4b:s5+s2] =	stream.indirect_vreg.scatter [tilespmem:s28], [sflag:$0x2], $0x80, v4, vm1, $0xb8;
	[tilespmem:$0x18800] =	vst v63  }
0x586: {  	s28 =	simm.s32 $0x2C00  }
0x587: {  	[hbm4b:s4+s2] =	stream.indirect_vreg.scatter [tilespmem:s28], [sflag:$0x2], $0x80, v3, vm0, $0xb8;
	[tilespmem:$0x18800] =	vst v63  }
0x588: {  	s3 =	simm.s32 $0x3400  }
0x589: {  	[hbm4b:s5+s2] =	stream.indirect_vreg.scatter [tilespmem:s3], [sflag:$0x2], $0x80, v3, vm1, $0xb8;
	[tilespmem:$0x18800] =	vst v63  }
0x58a: {  	v3 =	vld [tilespmem:$0x520];
	_ =	sdelay $0x4  }
0x58b: {  	v18 =	vshrl.u32 v3, $0x3  }
0x58c: {  	v4 =	vmul.u32 $0x18, v18  }
0x58d: {  	v3 =	vand.u32 $0x7, v3  }
0x58e: {  	v3 =	vor.u32 v3, v4  }
0x58f: {  	v4 =	vperm.xlane v3, v0;
	_ =	sdelay $0x1  }
0x590: {  	v4 =	vadd.s32 v1, v4;
	_ =	sdelay $0x1  }
0x591: {  	v3 =	vperm.xlane v3, v2;
	_ =	sdelay $0x1  }
0x592: {  	s28 =	simm.s32 $0x3800;
	v3 =	vadd.s32 v1, v3  }
0x593: {  	[hbm4b:s4+s2] =	stream.indirect_vreg.scatter [tilespmem:s28], [sflag:$0x2], $0x80, v4, vm0, $0xb8;
	[tilespmem:$0x18800] =	vst v63  }
0x594: {  	s28 =	simm.s32 $0x4000  }
0x595: {  	[hbm4b:s5+s2] =	stream.indirect_vreg.scatter [tilespmem:s28], [sflag:$0x2], $0x80, v4, vm1, $0xb8;
	[tilespmem:$0x18800] =	vst v63  }
0x596: {  	s28 =	simm.s32 $0x4400  }
0x597: {  	[hbm4b:s4+s2] =	stream.indirect_vreg.scatter [tilespmem:s28], [sflag:$0x2], $0x80, v3, vm0, $0xb8;
	[tilespmem:$0x18800] =	vst v63  }
0x598: {  	s6 =	simm.s32 $0x4C00  }
0x599: {  	[hbm4b:s5+s2] =	stream.indirect_vreg.scatter [tilespmem:s6], [sflag:$0x2], $0x80, v3, vm1, $0xb8;
	[tilespmem:$0x18800] =	vst v63  }
0x59a: {  	v3 =	vld [tilespmem:$0x530];
	_ =	sdelay $0x4  }
0x59b: {  	v19 =	vshrl.u32 v3, $0x3  }
0x59c: {  	v4 =	vmul.u32 $0x18, v19  }
0x59d: {  	v3 =	vand.u32 $0x7, v3  }
0x59e: {  	v3 =	vor.u32 v3, v4  }
0x59f: {  	v4 =	vperm.xlane v3, v0;
	_ =	sdelay $0x1  }
0x5a0: {  	v4 =	vadd.s32 v1, v4;
	_ =	sdelay $0x1  }
0x5a1: {  	v3 =	vperm.xlane v3, v2;
	_ =	sdelay $0x1  }
0x5a2: {  	s28 =	simm.s32 $0x5000;
	v3 =	vadd.s32 v1, v3  }
0x5a3: {  	[hbm4b:s4+s2] =	stream.indirect_vreg.scatter [tilespmem:s28], [sflag:$0x2], $0x80, v4, vm0, $0xb8;
	[tilespmem:$0x18800] =	vst v63  }
0x5a4: {  	s15 =	simm.s32 $0x5800  }
0x5a5: {  	[hbm4b:s5+s2] =	stream.indirect_vreg.scatter [tilespmem:s15], [sflag:$0x2], $0x80, v4, vm1, $0xb8;
	[tilespmem:$0x18800] =	vst v63  }
0x5a6: {  	s14 =	simm.s32 $0x5C00  }
0x5a7: {  	[hbm4b:s4+s2] =	stream.indirect_vreg.scatter [tilespmem:s14], [sflag:$0x2], $0x80, v3, vm0, $0xb8;
	[tilespmem:$0x18800] =	vst v63  }
0x5a8: {  	s7 =	simm.s32 $0x6400  }
0x5a9: {  	[hbm4b:s5+s2] =	stream.indirect_vreg.scatter [tilespmem:s7], [sflag:$0x2], $0x80, v3, vm1, $0xb8;
	[tilespmem:$0x18800] =	vst v63  }
0x5aa: {  	v3 =	vld [tilespmem:$0x540];
	_ =	sdelay $0x4  }
0x5ab: {  	v20 =	vshrl.u32 v3, $0x3  }
0x5ac: {  	v4 =	vmul.u32 $0x18, v20  }
0x5ad: {  	v3 =	vand.u32 $0x7, v3  }
0x5ae: {  	v3 =	vor.u32 v3, v4  }
0x5af: {  	v4 =	vperm.xlane v3, v0;
	_ =	sdelay $0x1  }
0x5b0: {  	v4 =	vadd.s32 v1, v4;
	_ =	sdelay $0x1  }
0x5b1: {  	v3 =	vperm.xlane v3, v2;
	_ =	sdelay $0x1  }
0x5b2: {  	s17 =	simm.s32 $0x6800;
	v3 =	vadd.s32 v1, v3  }
0x5b3: {  	[hbm4b:s4+s2] =	stream.indirect_vreg.scatter [tilespmem:s17], [sflag:$0x2], $0x80, v4, vm0, $0xb8;
	[tilespmem:$0x18800] =	vst v63  }
0x5b4: {  	s19 =	simm.s32 $0x7000  }
0x5b5: {  	[hbm4b:s5+s2] =	stream.indirect_vreg.scatter [tilespmem:s19], [sflag:$0x2], $0x80, v4, vm1, $0xb8;
	[tilespmem:$0x18800] =	vst v63  }
0x5b6: {  	s20 =	simm.s32 $0x7400  }
0x5b7: {  	[hbm4b:s4+s2] =	stream.indirect_vreg.scatter [tilespmem:s20], [sflag:$0x2], $0x80, v3, vm0, $0xb8;
	[tilespmem:$0x18800] =	vst v63  }
0x5b8: {  	s13 =	simm.s32 $0x7C00  }
0x5b9: {  	[hbm4b:s5+s2] =	stream.indirect_vreg.scatter [tilespmem:s13], [sflag:$0x2], $0x80, v3, vm1, $0xb8;
	[tilespmem:$0x18800] =	vst v63  }
0x5ba: {  	v3 =	vld [tilespmem:$0x550];
	_ =	sdelay $0x4  }
0x5bb: {  	v21 =	vshrl.u32 v3, $0x3  }
0x5bc: {  	v4 =	vmul.u32 $0x18, v21  }
0x5bd: {  	v3 =	vand.u32 $0x7, v3  }
0x5be: {  	v3 =	vor.u32 v3, v4  }
0x5bf: {  	v4 =	vperm.xlane v3, v0;
	_ =	sdelay $0x1  }
0x5c0: {  	v4 =	vadd.s32 v1, v4;
	_ =	sdelay $0x1  }
0x5c1: {  	v3 =	vperm.xlane v3, v2;
	_ =	sdelay $0x1  }
0x5c2: {  	s21 =	simm.s32 $0x8000;
	v3 =	vadd.s32 v1, v3  }
0x5c3: {  	[hbm4b:s4+s2] =	stream.indirect_vreg.scatter [tilespmem:s21], [sflag:$0x2], $0x80, v4, vm0, $0xb8;
	[tilespmem:$0x18800] =	vst v63  }
0x5c4: {  	s22 =	simm.s32 $0x8800  }
0x5c5: {  	[hbm4b:s5+s2] =	stream.indirect_vreg.scatter [tilespmem:s22], [sflag:$0x2], $0x80, v4, vm1, $0xb8;
	[tilespmem:$0x18800] =	vst v63  }
0x5c6: {  	s23 =	simm.s32 $0x8C00  }
0x5c7: {  	[hbm4b:s4+s2] =	stream.indirect_vreg.scatter [tilespmem:s23], [sflag:$0x2], $0x80, v3, vm0, $0xb8;
	[tilespmem:$0x18800] =	vst v63  }
0x5c8: {  	s8 =	simm.s32 $0x9400  }
0x5c9: {  	[hbm4b:s5+s2] =	stream.indirect_vreg.scatter [tilespmem:s8], [sflag:$0x2], $0x80, v3, vm1, $0xb8;
	[tilespmem:$0x18800] =	vst v63  }
0x5ca: {  	v3 =	vld [tilespmem:$0x560];
	_ =	sdelay $0x4  }
0x5cb: {  	v22 =	vshrl.u32 v3, $0x3  }
0x5cc: {  	v4 =	vmul.u32 $0x18, v22  }
0x5cd: {  	v3 =	vand.u32 $0x7, v3  }
0x5ce: {  	v3 =	vor.u32 v3, v4  }
0x5cf: {  	v4 =	vperm.xlane v3, v0;
	_ =	sdelay $0x1  }
0x5d0: {  	v4 =	vadd.s32 v1, v4;
	_ =	sdelay $0x1  }
0x5d1: {  	v3 =	vperm.xlane v3, v2;
	_ =	sdelay $0x1  }
0x5d2: {  	s24 =	simm.s32 $0x9800;
	v3 =	vadd.s32 v1, v3  }
0x5d3: {  	[hbm4b:s4+s2] =	stream.indirect_vreg.scatter [tilespmem:s24], [sflag:$0x2], $0x80, v4, vm0, $0xb8;
	[tilespmem:$0x18800] =	vst v63  }
0x5d4: {  	s25 =	simm.s32 $0xA000  }
0x5d5: {  	[hbm4b:s5+s2] =	stream.indirect_vreg.scatter [tilespmem:s25], [sflag:$0x2], $0x80, v4, vm1, $0xb8;
	[tilespmem:$0x18800] =	vst v63  }
0x5d6: {  	s26 =	simm.s32 $0xA400  }
0x5d7: {  	[hbm4b:s4+s2] =	stream.indirect_vreg.scatter [tilespmem:s26], [sflag:$0x2], $0x80, v3, vm0, $0xb8;
	[tilespmem:$0x18800] =	vst v63  }
0x5d8: {  	s9 =	simm.s32 $0xAC00  }
0x5d9: {  	[hbm4b:s5+s2] =	stream.indirect_vreg.scatter [tilespmem:s9], [sflag:$0x2], $0x80, v3, vm1, $0xb8;
	[tilespmem:$0x18800] =	vst v63  }
0x5da: {  	v3 =	vld [tilespmem:$0x570];
	_ =	sdelay $0x4  }
0x5db: {  	v23 =	vshrl.u32 v3, $0x3  }
0x5dc: {  	v4 =	vmul.u32 $0x18, v23  }
0x5dd: {  	v3 =	vand.u32 $0x7, v3  }
0x5de: {  	v3 =	vor.u32 v3, v4  }
0x5df: {  	v4 =	vperm.xlane v3, v0;
	_ =	sdelay $0x1  }
0x5e0: {  	v4 =	vadd.s32 v1, v4;
	_ =	sdelay $0x1  }
0x5e1: {  	v3 =	vperm.xlane v3, v2;
	_ =	sdelay $0x1  }
0x5e2: {  	s16 =	simm.s32 $0xB000;
	v3 =	vadd.s32 v1, v3  }
0x5e3: {  	[hbm4b:s4+s2] =	stream.indirect_vreg.scatter [tilespmem:s16], [sflag:$0x2], $0x80, v4, vm0, $0xb8;
	[tilespmem:$0x18800] =	vst v63  }
0x5e4: {  	s31 =	simm.s32 $0xB800  }
0x5e5: {  	[hbm4b:s5+s2] =	stream.indirect_vreg.scatter [tilespmem:s31], [sflag:$0x2], $0x80, v4, vm1, $0xb8;
	[tilespmem:$0x18800] =	vst v63  }
0x5e6: {  	s28 =	simm.s32 $0xBC00  }
0x5e7: {  	[hbm4b:s4+s2] =	stream.indirect_vreg.scatter [tilespmem:s28], [sflag:$0x2], $0x80, v3, vm0, $0xb8;
	[tilespmem:$0x18800] =	vst v63  }
0x5e8: {  	s11 =	simm.s32 $0xC400  }
0x5e9: {  	[hbm4b:s5+s2] =	stream.indirect_vreg.scatter [tilespmem:s11], [sflag:$0x2], $0x80, v3, vm1, $0xb8;
	[tilespmem:$0x18800] =	vst v63  }
0x5ea: {  	_ =	swait.ge [sflag:s18], $0xC000  }
0x5eb: {  	[sflag:s18] =	ssyncset.done $0x0  }
0x5ec: {  	s31 =	rddreg [dreg:$0x10];
	[sflag:s18] =	ssyncadd.s32 $0xFFFF4000  }
0x5ed: {  	[tilespmem:s0], [sflag:$0x1] =	stream.linear.gather [hbm4b:s31+s2], $0xC000, $0x38;
	[tilespmem:$0x18800] =	vst v63  }
0x5ee: {  	_ =	swait.ge [sflag:s10], $0xC000  }
0x5ef: {  	[sflag:s10] =	ssyncset.done $0x0  }
0x5f0: {  	[sflag:s10] =	ssyncadd.s32 $0xFFFF4000  }
0x5f1: {  	v3 =	vld [tilespmem:$0x580];
	_ =	sdelay $0x4  }
0x5f2: {  	v24 =	vshrl.u32 v3, $0x3  }
0x5f3: {  	v4 =	vmul.u32 $0x18, v24  }
0x5f4: {  	v3 =	vand.u32 $0x7, v3  }
0x5f5: {  	v3 =	vor.u32 v3, v4  }
0x5f6: {  	v4 =	vperm.xlane v3, v0;
	_ =	sdelay $0x1  }
0x5f7: {  	v4 =	vadd.s32 v1, v4;
	_ =	sdelay $0x1  }
0x5f8: {  	v3 =	vperm.xlane v3, v2;
	_ =	sdelay $0x1  }
0x5f9: {  	v3 =	vadd.s32 v1, v3  }
0x5fa: {  	[hbm4b:s4+s2] =	stream.indirect_vreg.scatter [tilespmem:s30], [sflag:$0x2], $0x80, v4, vm0, $0xb8;
	[tilespmem:$0x18800] =	vst v63  }
0x5fb: {  	s1 =	simm.s32 $0xD000  }
0x5fc: {  	[hbm4b:s5+s2] =	stream.indirect_vreg.scatter [tilespmem:s1], [sflag:$0x2], $0x80, v4, vm1, $0xb8;
	[tilespmem:$0x18800] =	vst v63  }
0x5fd: {  	s29 =	simm.s32 $0xD400  }
0x5fe: {  	[hbm4b:s4+s2] =	stream.indirect_vreg.scatter [tilespmem:s29], [sflag:$0x2], $0x80, v3, vm0, $0xb8;
	[tilespmem:$0x18800] =	vst v63  }
0x5ff: {  	s3 =	simm.s32 $0xDC00  }
0x600: {  	[hbm4b:s5+s2] =	stream.indirect_vreg.scatter [tilespmem:s3], [sflag:$0x2], $0x80, v3, vm1, $0xb8;
	[tilespmem:$0x18800] =	vst v63  }
0x601: {  	v3 =	vld [tilespmem:$0x590];
	_ =	sdelay $0x4  }
0x602: {  	v25 =	vshrl.u32 v3, $0x3  }
0x603: {  	v4 =	vmul.u32 $0x18, v25  }
0x604: {  	v3 =	vand.u32 $0x7, v3  }
0x605: {  	v3 =	vor.u32 v3, v4  }
0x606: {  	v4 =	vperm.xlane v3, v0;
	_ =	sdelay $0x1  }
0x607: {  	v4 =	vadd.s32 v1, v4;
	_ =	sdelay $0x1  }
0x608: {  	v3 =	vperm.xlane v3, v2;
	_ =	sdelay $0x1  }
0x609: {  	s8 =	simm.s32 $0xE000;
	v3 =	vadd.s32 v1, v3  }
0x60a: {  	[hbm4b:s4+s2] =	stream.indirect_vreg.scatter [tilespmem:s8], [sflag:$0x2], $0x80, v4, vm0, $0xb8;
	[tilespmem:$0x18800] =	vst v63  }
0x60b: {  	s16 =	simm.s32 $0xE800  }
0x60c: {  	[hbm4b:s5+s2] =	stream.indirect_vreg.scatter [tilespmem:s16], [sflag:$0x2], $0x80, v4, vm1, $0xb8;
	[tilespmem:$0x18800] =	vst v63  }
0x60d: {  	s17 =	simm.s32 $0xEC00  }
0x60e: {  	[hbm4b:s4+s2] =	stream.indirect_vreg.scatter [tilespmem:s17], [sflag:$0x2], $0x80, v3, vm0, $0xb8;
	[tilespmem:$0x18800] =	vst v63  }
0x60f: {  	s19 =	simm.s32 $0xF400  }
0x610: {  	[hbm4b:s5+s2] =	stream.indirect_vreg.scatter [tilespmem:s19], [sflag:$0x2], $0x80, v3, vm1, $0xb8;
	[tilespmem:$0x18800] =	vst v63  }
0x611: {  	v3 =	vld [tilespmem:$0x5A0];
	_ =	sdelay $0x4  }
0x612: {  	v26 =	vshrl.u32 v3, $0x3  }
0x613: {  	v4 =	vmul.u32 $0x18, v26  }
0x614: {  	v3 =	vand.u32 $0x7, v3  }
0x615: {  	v3 =	vor.u32 v3, v4  }
0x616: {  	v4 =	vperm.xlane v3, v0;
	_ =	sdelay $0x1  }
0x617: {  	v4 =	vadd.s32 v1, v4;
	_ =	sdelay $0x1  }
0x618: {  	v3 =	vperm.xlane v3, v2;
	_ =	sdelay $0x1  }
0x619: {  	s20 =	simm.s32 $0xF800;
	v3 =	vadd.s32 v1, v3  }
0x61a: {  	[hbm4b:s4+s2] =	stream.indirect_vreg.scatter [tilespmem:s20], [sflag:$0x2], $0x80, v4, vm0, $0xb8;
	[tilespmem:$0x18800] =	vst v63  }
0x61b: {  	s21 =	simm.s32 $0x10000  }
0x61c: {  	[hbm4b:s5+s2] =	stream.indirect_vreg.scatter [tilespmem:s21], [sflag:$0x2], $0x80, v4, vm1, $0xb8;
	[tilespmem:$0x18800] =	vst v63  }
0x61d: {  	s22 =	simm.s32 $0x10400  }
0x61e: {  	[hbm4b:s4+s2] =	stream.indirect_vreg.scatter [tilespmem:s22], [sflag:$0x2], $0x80, v3, vm0, $0xb8;
	[tilespmem:$0x18800] =	vst v63  }
0x61f: {  	s23 =	simm.s32 $0x10C00  }
0x620: {  	[hbm4b:s5+s2] =	stream.indirect_vreg.scatter [tilespmem:s23], [sflag:$0x2], $0x80, v3, vm1, $0xb8;
	[tilespmem:$0x18800] =	vst v63  }
0x621: {  	v3 =	vld [tilespmem:$0x5B0];
	_ =	sdelay $0x4  }
0x622: {  	v27 =	vshrl.u32 v3, $0x3  }
0x623: {  	v4 =	vmul.u32 $0x18, v27  }
0x624: {  	v3 =	vand.u32 $0x7, v3  }
0x625: {  	v3 =	vor.u32 v3, v4  }
0x626: {  	v4 =	vperm.xlane v3, v0;
	_ =	sdelay $0x1  }
0x627: {  	v4 =	vadd.s32 v1, v4;
	_ =	sdelay $0x1  }
0x628: {  	v3 =	vperm.xlane v3, v2;
	_ =	sdelay $0x1  }
0x629: {  	s24 =	simm.s32 $0x11000;
	v3 =	vadd.s32 v1, v3  }
0x62a: {  	[hbm4b:s4+s2] =	stream.indirect_vreg.scatter [tilespmem:s24], [sflag:$0x2], $0x80, v4, vm0, $0xb8;
	[tilespmem:$0x18800] =	vst v63  }
0x62b: {  	s25 =	simm.s32 $0x11800  }
0x62c: {  	[hbm4b:s5+s2] =	stream.indirect_vreg.scatter [tilespmem:s25], [sflag:$0x2], $0x80, v4, vm1, $0xb8;
	[tilespmem:$0x18800] =	vst v63  }
0x62d: {  	s26 =	simm.s32 $0x11C00  }
0x62e: {  	[hbm4b:s4+s2] =	stream.indirect_vreg.scatter [tilespmem:s26], [sflag:$0x2], $0x80, v3, vm0, $0xb8;
	[tilespmem:$0x18800] =	vst v63  }
0x62f: {  	s28 =	simm.s32 $0x12400  }
0x630: {  	[hbm4b:s5+s2] =	stream.indirect_vreg.scatter [tilespmem:s28], [sflag:$0x2], $0x80, v3, vm1, $0xb8;
	[tilespmem:$0x18800] =	vst v63  }
0x631: {  	v3 =	vld [tilespmem:$0x5C0];
	_ =	sdelay $0x4  }
0x632: {  	v28 =	vshrl.u32 v3, $0x3  }
0x633: {  	v4 =	vmul.u32 $0x18, v28  }
0x634: {  	v3 =	vand.u32 $0x7, v3  }
0x635: {  	v3 =	vor.u32 v3, v4  }
0x636: {  	v4 =	vperm.xlane v3, v0;
	_ =	sdelay $0x1  }
0x637: {  	v4 =	vadd.s32 v1, v4;
	_ =	sdelay $0x1  }
0x638: {  	v3 =	vperm.xlane v3, v2;
	_ =	sdelay $0x1  }
0x639: {  	s29 =	simm.s32 $0x12800;
	v3 =	vadd.s32 v1, v3  }
0x63a: {  	[hbm4b:s4+s2] =	stream.indirect_vreg.scatter [tilespmem:s29], [sflag:$0x2], $0x80, v4, vm0, $0xb8;
	[tilespmem:$0x18800] =	vst v63  }
0x63b: {  	s31 =	simm.s32 $0x13000  }
0x63c: {  	[hbm4b:s5+s2] =	stream.indirect_vreg.scatter [tilespmem:s31], [sflag:$0x2], $0x80, v4, vm1, $0xb8;
	[tilespmem:$0x18800] =	vst v63  }
0x63d: {  	s3 =	simm.s32 $0x13400  }
0x63e: {  	[hbm4b:s4+s2] =	stream.indirect_vreg.scatter [tilespmem:s3], [sflag:$0x2], $0x80, v3, vm0, $0xb8;
	[tilespmem:$0x18800] =	vst v63  }
0x63f: {  	s8 =	simm.s32 $0x13C00  }
0x640: {  	[hbm4b:s5+s2] =	stream.indirect_vreg.scatter [tilespmem:s8], [sflag:$0x2], $0x80, v3, vm1, $0xb8;
	[tilespmem:$0x18800] =	vst v63  }
0x641: {  	v3 =	vld [tilespmem:$0x5D0];
	_ =	sdelay $0x4  }
0x642: {  	v29 =	vshrl.u32 v3, $0x3  }
0x643: {  	v4 =	vmul.u32 $0x18, v29  }
0x644: {  	v3 =	vand.u32 $0x7, v3  }
0x645: {  	v3 =	vor.u32 v3, v4  }
0x646: {  	v4 =	vperm.xlane v3, v0;
	_ =	sdelay $0x1  }
0x647: {  	v4 =	vadd.s32 v1, v4;
	_ =	sdelay $0x1  }
0x648: {  	v3 =	vperm.xlane v3, v2;
	_ =	sdelay $0x1  }
0x649: {  	s16 =	simm.s32 $0x14000;
	v3 =	vadd.s32 v1, v3  }
0x64a: {  	[hbm4b:s4+s2] =	stream.indirect_vreg.scatter [tilespmem:s16], [sflag:$0x2], $0x80, v4, vm0, $0xb8;
	[tilespmem:$0x18800] =	vst v63  }
0x64b: {  	s22 =	simm.s32 $0x14800  }
0x64c: {  	[hbm4b:s5+s2] =	stream.indirect_vreg.scatter [tilespmem:s22], [sflag:$0x2], $0x80, v4, vm1, $0xb8;
	[tilespmem:$0x18800] =	vst v63  }
0x64d: {  	s23 =	simm.s32 $0x14C00  }
0x64e: {  	[hbm4b:s4+s2] =	stream.indirect_vreg.scatter [tilespmem:s23], [sflag:$0x2], $0x80, v3, vm0, $0xb8;
	[tilespmem:$0x18800] =	vst v63  }
0x64f: {  	s24 =	simm.s32 $0x15400  }
0x650: {  	[hbm4b:s5+s2] =	stream.indirect_vreg.scatter [tilespmem:s24], [sflag:$0x2], $0x80, v3, vm1, $0xb8;
	[tilespmem:$0x18800] =	vst v63  }
0x651: {  	v3 =	vld [tilespmem:$0x5E0];
	_ =	sdelay $0x4  }
0x652: {  	v30 =	vshrl.u32 v3, $0x3  }
0x653: {  	v4 =	vmul.u32 $0x18, v30  }
0x654: {  	v3 =	vand.u32 $0x7, v3  }
0x655: {  	v3 =	vor.u32 v3, v4  }
0x656: {  	v4 =	vperm.xlane v3, v0;
	_ =	sdelay $0x1  }
0x657: {  	v4 =	vadd.s32 v1, v4;
	_ =	sdelay $0x1  }
0x658: {  	v3 =	vperm.xlane v3, v2;
	_ =	sdelay $0x1  }
0x659: {  	s25 =	simm.s32 $0x15800;
	v3 =	vadd.s32 v1, v3  }
0x65a: {  	[hbm4b:s4+s2] =	stream.indirect_vreg.scatter [tilespmem:s25], [sflag:$0x2], $0x80, v4, vm0, $0xb8;
	[tilespmem:$0x18800] =	vst v63  }
0x65b: {  	s26 =	simm.s32 $0x16000  }
0x65c: {  	[hbm4b:s5+s2] =	stream.indirect_vreg.scatter [tilespmem:s26], [sflag:$0x2], $0x80, v4, vm1, $0xb8;
	[tilespmem:$0x18800] =	vst v63  }
0x65d: {  	s28 =	simm.s32 $0x16400  }
0x65e: {  	[hbm4b:s4+s2] =	stream.indirect_vreg.scatter [tilespmem:s28], [sflag:$0x2], $0x80, v3, vm0, $0xb8;
	[tilespmem:$0x18800] =	vst v63  }
0x65f: {  	s29 =	simm.s32 $0x16C00  }
0x660: {  	[hbm4b:s5+s2] =	stream.indirect_vreg.scatter [tilespmem:s29], [sflag:$0x2], $0x80, v3, vm1, $0xb8;
	[tilespmem:$0x18800] =	vst v63  }
0x661: {  	v3 =	vld [tilespmem:$0x5F0];
	_ =	sdelay $0x4  }
0x662: {  	v31 =	vshrl.u32 v3, $0x3  }
0x663: {  	v4 =	vmul.u32 $0x18, v31  }
0x664: {  	v3 =	vand.u32 $0x7, v3  }
0x665: {  	v3 =	vor.u32 v3, v4  }
0x666: {  	v4 =	vperm.xlane v3, v0;
	_ =	sdelay $0x1  }
0x667: {  	v4 =	vadd.s32 v1, v4;
	_ =	sdelay $0x1  }
0x668: {  	v3 =	vperm.xlane v3, v2;
	_ =	sdelay $0x1  }
0x669: {  	s31 =	simm.s32 $0x17000;
	v3 =	vadd.s32 v1, v3  }
0x66a: {  	[hbm4b:s4+s2] =	stream.indirect_vreg.scatter [tilespmem:s31], [sflag:$0x2], $0x80, v4, vm0, $0xb8;
	[tilespmem:$0x18800] =	vst v63  }
0x66b: {  	s3 =	simm.s32 $0x17800  }
0x66c: {  	[hbm4b:s5+s2] =	stream.indirect_vreg.scatter [tilespmem:s3], [sflag:$0x2], $0x80, v4, vm1, $0xb8;
	[tilespmem:$0x18800] =	vst v63  }
0x66d: {  	s8 =	simm.s32 $0x17C00  }
0x66e: {  	[hbm4b:s4+s2] =	stream.indirect_vreg.scatter [tilespmem:s8], [sflag:$0x2], $0x80, v3, vm0, $0xb8;
	[tilespmem:$0x18800] =	vst v63  }
0x66f: {  	s16 =	simm.s32 $0x18400  }
0x670: {  	[hbm4b:s5+s2] =	stream.indirect_vreg.scatter [tilespmem:s16], [sflag:$0x2], $0x80, v3, vm1, $0xb8;
	[tilespmem:$0x18800] =	vst v63  }
0x671: {  	_ =	swait.ge [sflag:s18], $0xC000  }
0x672: {  	[sflag:s18] =	ssyncset.done $0x0  }
0x673: {  	s22 =	rddreg [dreg:$0x11];
	[sflag:s18] =	ssyncadd.s32 $0xFFFF4000  }
0x674: {  	[tilespmem:s30], [sflag:$0x1] =	stream.linear.gather [hbm4b:s22+s2], $0xC000, $0x38;
	[tilespmem:$0x18800] =	vst v63  }
0x675: {  	_ =	swait.ge [sflag:s10], $0xC000  }
0x676: {  	[sflag:s10] =	ssyncset.done $0x0  }
0x677: {  	[sflag:s10] =	ssyncadd.s32 $0xFFFF4000  }
0x678: {  	v3 =	vld [tilespmem:$0x600];
	_ =	sdelay $0x4  }
0x679: {  	v32 =	vshrl.u32 v3, $0x3  }
0x67a: {  	v4 =	vmul.u32 $0x18, v32  }
0x67b: {  	v3 =	vand.u32 $0x7, v3  }
0x67c: {  	v3 =	vor.u32 v3, v4  }
0x67d: {  	v4 =	vperm.xlane v3, v0;
	_ =	sdelay $0x1  }
0x67e: {  	v4 =	vadd.s32 v1, v4;
	_ =	sdelay $0x1  }
0x67f: {  	v3 =	vperm.xlane v3, v2;
	_ =	sdelay $0x1  }
0x680: {  	v3 =	vadd.s32 v1, v3  }
0x681: {  	[hbm4b:s4+s2] =	stream.indirect_vreg.scatter [tilespmem:s0], [sflag:$0x2], $0x80, v4, vm0, $0xb8;
	[tilespmem:$0x18800] =	vst v63  }
0x682: {  	s23 =	simm.s32 $0x1000  }
0x683: {  	[hbm4b:s5+s2] =	stream.indirect_vreg.scatter [tilespmem:s23], [sflag:$0x2], $0x80, v4, vm1, $0xb8;
	[tilespmem:$0x18800] =	vst v63  }
0x684: {  	s25 =	simm.s32 $0x1400  }
0x685: {  	[hbm4b:s4+s2] =	stream.indirect_vreg.scatter [tilespmem:s25], [sflag:$0x2], $0x80, v3, vm0, $0xb8;
	[tilespmem:$0x18800] =	vst v63  }
0x686: {  	s12 =	simm.s32 $0x1C00  }
0x687: {  	[hbm4b:s5+s2] =	stream.indirect_vreg.scatter [tilespmem:s12], [sflag:$0x2], $0x80, v3, vm1, $0xb8;
	[tilespmem:$0x18800] =	vst v63  }
0x688: {  	v3 =	vld [tilespmem:$0x610];
	_ =	sdelay $0x4  }
0x689: {  	v33 =	vshrl.u32 v3, $0x3  }
0x68a: {  	v4 =	vmul.u32 $0x18, v33  }
0x68b: {  	v3 =	vand.u32 $0x7, v3  }
0x68c: {  	v3 =	vor.u32 v3, v4  }
0x68d: {  	v4 =	vperm.xlane v3, v0;
	_ =	sdelay $0x1  }
0x68e: {  	v4 =	vadd.s32 v1, v4;
	_ =	sdelay $0x1  }
0x68f: {  	v3 =	vperm.xlane v3, v2;
	_ =	sdelay $0x1  }
0x690: {  	s26 =	simm.s32 $0x2000;
	v3 =	vadd.s32 v1, v3  }
0x691: {  	[hbm4b:s4+s2] =	stream.indirect_vreg.scatter [tilespmem:s26], [sflag:$0x2], $0x80, v4, vm0, $0xb8;
	[tilespmem:$0x18800] =	vst v63  }
0x692: {  	s28 =	simm.s32 $0x2800  }
0x693: {  	[hbm4b:s5+s2] =	stream.indirect_vreg.scatter [tilespmem:s28], [sflag:$0x2], $0x80, v4, vm1, $0xb8;
	[tilespmem:$0x18800] =	vst v63  }
0x694: {  	s31 =	simm.s32 $0x2C00  }
0x695: {  	[hbm4b:s4+s2] =	stream.indirect_vreg.scatter [tilespmem:s31], [sflag:$0x2], $0x80, v3, vm0, $0xb8;
	[tilespmem:$0x18800] =	vst v63  }
0x696: {  	s1 =	simm.s32 $0x3400  }
0x697: {  	[hbm4b:s5+s2] =	stream.indirect_vreg.scatter [tilespmem:s1], [sflag:$0x2], $0x80, v3, vm1, $0xb8;
	[tilespmem:$0x18800] =	vst v63  }
0x698: {  	v3 =	vld [tilespmem:$0x620];
	_ =	sdelay $0x4  }
0x699: {  	v34 =	vshrl.u32 v3, $0x3  }
0x69a: {  	v4 =	vmul.u32 $0x18, v34  }
0x69b: {  	v3 =	vand.u32 $0x7, v3  }
0x69c: {  	v3 =	vor.u32 v3, v4  }
0x69d: {  	v4 =	vperm.xlane v3, v0;
	_ =	sdelay $0x1  }
0x69e: {  	v4 =	vadd.s32 v1, v4;
	_ =	sdelay $0x1  }
0x69f: {  	v3 =	vperm.xlane v3, v2;
	_ =	sdelay $0x1  }
0x6a0: {  	s3 =	simm.s32 $0x3800;
	v3 =	vadd.s32 v1, v3  }
0x6a1: {  	[hbm4b:s4+s2] =	stream.indirect_vreg.scatter [tilespmem:s3], [sflag:$0x2], $0x80, v4, vm0, $0xb8;
	[tilespmem:$0x18800] =	vst v63  }
0x6a2: {  	s12 =	simm.s32 $0x4000  }
0x6a3: {  	[hbm4b:s5+s2] =	stream.indirect_vreg.scatter [tilespmem:s12], [sflag:$0x2], $0x80, v4, vm1, $0xb8;
	[tilespmem:$0x18800] =	vst v63  }
0x6a4: {  	s16 =	simm.s32 $0x4400  }
0x6a5: {  	[hbm4b:s4+s2] =	stream.indirect_vreg.scatter [tilespmem:s16], [sflag:$0x2], $0x80, v3, vm0, $0xb8;
	[tilespmem:$0x18800] =	vst v63  }
0x6a6: {  	s6 =	simm.s32 $0x4C00  }
0x6a7: {  	[hbm4b:s5+s2] =	stream.indirect_vreg.scatter [tilespmem:s6], [sflag:$0x2], $0x80, v3, vm1, $0xb8;
	[tilespmem:$0x18800] =	vst v63  }
0x6a8: {  	v3 =	vld [tilespmem:$0x630];
	_ =	sdelay $0x4  }
0x6a9: {  	v35 =	vshrl.u32 v3, $0x3  }
0x6aa: {  	v4 =	vmul.u32 $0x18, v35  }
0x6ab: {  	v3 =	vand.u32 $0x7, v3  }
0x6ac: {  	v3 =	vor.u32 v3, v4  }
0x6ad: {  	v4 =	vperm.xlane v3, v0;
	_ =	sdelay $0x1  }
0x6ae: {  	v4 =	vadd.s32 v1, v4;
	_ =	sdelay $0x1  }
0x6af: {  	v3 =	vperm.xlane v3, v2;
	_ =	sdelay $0x1  }
0x6b0: {  	s22 =	simm.s32 $0x5000;
	v3 =	vadd.s32 v1, v3  }
0x6b1: {  	[hbm4b:s4+s2] =	stream.indirect_vreg.scatter [tilespmem:s22], [sflag:$0x2], $0x80, v4, vm0, $0xb8;
	[tilespmem:$0x18800] =	vst v63  }
0x6b2: {  	s23 =	simm.s32 $0x5800  }
0x6b3: {  	[hbm4b:s5+s2] =	stream.indirect_vreg.scatter [tilespmem:s23], [sflag:$0x2], $0x80, v4, vm1, $0xb8;
	[tilespmem:$0x18800] =	vst v63  }
0x6b4: {  	s25 =	simm.s32 $0x5C00  }
0x6b5: {  	[hbm4b:s4+s2] =	stream.indirect_vreg.scatter [tilespmem:s25], [sflag:$0x2], $0x80, v3, vm0, $0xb8;
	[tilespmem:$0x18800] =	vst v63  }
0x6b6: {  	s7 =	simm.s32 $0x6400  }
0x6b7: {  	[hbm4b:s5+s2] =	stream.indirect_vreg.scatter [tilespmem:s7], [sflag:$0x2], $0x80, v3, vm1, $0xb8;
	[tilespmem:$0x18800] =	vst v63  }
0x6b8: {  	v3 =	vld [tilespmem:$0x640];
	_ =	sdelay $0x4  }
0x6b9: {  	v36 =	vshrl.u32 v3, $0x3  }
0x6ba: {  	v4 =	vmul.u32 $0x18, v36  }
0x6bb: {  	v3 =	vand.u32 $0x7, v3  }
0x6bc: {  	v3 =	vor.u32 v3, v4  }
0x6bd: {  	v4 =	vperm.xlane v3, v0;
	_ =	sdelay $0x1  }
0x6be: {  	v4 =	vadd.s32 v1, v4;
	_ =	sdelay $0x1  }
0x6bf: {  	v3 =	vperm.xlane v3, v2;
	_ =	sdelay $0x1  }
0x6c0: {  	s26 =	simm.s32 $0x6800;
	v3 =	vadd.s32 v1, v3  }
0x6c1: {  	[hbm4b:s4+s2] =	stream.indirect_vreg.scatter [tilespmem:s26], [sflag:$0x2], $0x80, v4, vm0, $0xb8;
	[tilespmem:$0x18800] =	vst v63  }
0x6c2: {  	s28 =	simm.s32 $0x7000  }
0x6c3: {  	[hbm4b:s5+s2] =	stream.indirect_vreg.scatter [tilespmem:s28], [sflag:$0x2], $0x80, v4, vm1, $0xb8;
	[tilespmem:$0x18800] =	vst v63  }
0x6c4: {  	s31 =	simm.s32 $0x7400  }
0x6c5: {  	[hbm4b:s4+s2] =	stream.indirect_vreg.scatter [tilespmem:s31], [sflag:$0x2], $0x80, v3, vm0, $0xb8;
	[tilespmem:$0x18800] =	vst v63  }
0x6c6: {  	s13 =	simm.s32 $0x7C00  }
0x6c7: {  	[hbm4b:s5+s2] =	stream.indirect_vreg.scatter [tilespmem:s13], [sflag:$0x2], $0x80, v3, vm1, $0xb8;
	[tilespmem:$0x18800] =	vst v63  }
0x6c8: {  	v3 =	vld [tilespmem:$0x650];
	_ =	sdelay $0x4  }
0x6c9: {  	v37 =	vshrl.u32 v3, $0x3  }
0x6ca: {  	v4 =	vmul.u32 $0x18, v37  }
0x6cb: {  	v3 =	vand.u32 $0x7, v3  }
0x6cc: {  	v3 =	vor.u32 v3, v4  }
0x6cd: {  	v4 =	vperm.xlane v3, v0;
	_ =	sdelay $0x1  }
0x6ce: {  	v4 =	vadd.s32 v1, v4;
	_ =	sdelay $0x1  }
0x6cf: {  	v3 =	vperm.xlane v3, v2;
	_ =	sdelay $0x1  }
0x6d0: {  	s1 =	simm.s32 $0x8000;
	v3 =	vadd.s32 v1, v3  }
0x6d1: {  	[hbm4b:s4+s2] =	stream.indirect_vreg.scatter [tilespmem:s1], [sflag:$0x2], $0x80, v4, vm0, $0xb8;
	[tilespmem:$0x18800] =	vst v63  }
0x6d2: {  	s3 =	simm.s32 $0x8800  }
0x6d3: {  	[hbm4b:s5+s2] =	stream.indirect_vreg.scatter [tilespmem:s3], [sflag:$0x2], $0x80, v4, vm1, $0xb8;
	[tilespmem:$0x18800] =	vst v63  }
0x6d4: {  	s6 =	simm.s32 $0x8C00  }
0x6d5: {  	[hbm4b:s4+s2] =	stream.indirect_vreg.scatter [tilespmem:s6], [sflag:$0x2], $0x80, v3, vm0, $0xb8;
	[tilespmem:$0x18800] =	vst v63  }
0x6d6: {  	s15 =	simm.s32 $0x9400  }
0x6d7: {  	[hbm4b:s5+s2] =	stream.indirect_vreg.scatter [tilespmem:s15], [sflag:$0x2], $0x80, v3, vm1, $0xb8;
	[tilespmem:$0x18800] =	vst v63  }
0x6d8: {  	v3 =	vld [tilespmem:$0x660];
	_ =	sdelay $0x4  }
0x6d9: {  	v38 =	vshrl.u32 v3, $0x3  }
0x6da: {  	v4 =	vmul.u32 $0x18, v38  }
0x6db: {  	v3 =	vand.u32 $0x7, v3  }
0x6dc: {  	v3 =	vor.u32 v3, v4  }
0x6dd: {  	v4 =	vperm.xlane v3, v0;
	_ =	sdelay $0x1  }
0x6de: {  	v4 =	vadd.s32 v1, v4;
	_ =	sdelay $0x1  }
0x6df: {  	v3 =	vperm.xlane v3, v2;
	_ =	sdelay $0x1  }
0x6e0: {  	s7 =	simm.s32 $0x9800;
	v3 =	vadd.s32 v1, v3  }
0x6e1: {  	[hbm4b:s4+s2] =	stream.indirect_vreg.scatter [tilespmem:s7], [sflag:$0x2], $0x80, v4, vm0, $0xb8;
	[tilespmem:$0x18800] =	vst v63  }
0x6e2: {  	s8 =	simm.s32 $0xA000  }
0x6e3: {  	[hbm4b:s5+s2] =	stream.indirect_vreg.scatter [tilespmem:s8], [sflag:$0x2], $0x80, v4, vm1, $0xb8;
	[tilespmem:$0x18800] =	vst v63  }
0x6e4: {  	s12 =	simm.s32 $0xA400  }
0x6e5: {  	[hbm4b:s4+s2] =	stream.indirect_vreg.scatter [tilespmem:s12], [sflag:$0x2], $0x80, v3, vm0, $0xb8;
	[tilespmem:$0x18800] =	vst v63  }
0x6e6: {  	s9 =	simm.s32 $0xAC00  }
0x6e7: {  	[hbm4b:s5+s2] =	stream.indirect_vreg.scatter [tilespmem:s9], [sflag:$0x2], $0x80, v3, vm1, $0xb8;
	[tilespmem:$0x18800] =	vst v63  }
0x6e8: {  	v3 =	vld [tilespmem:$0x670];
	_ =	sdelay $0x4  }
0x6e9: {  	v39 =	vshrl.u32 v3, $0x3  }
0x6ea: {  	v4 =	vmul.u32 $0x18, v39  }
0x6eb: {  	v3 =	vand.u32 $0x7, v3  }
0x6ec: {  	v3 =	vor.u32 v3, v4  }
0x6ed: {  	v4 =	vperm.xlane v3, v0;
	_ =	sdelay $0x1  }
0x6ee: {  	v4 =	vadd.s32 v1, v4;
	_ =	sdelay $0x1  }
0x6ef: {  	v3 =	vperm.xlane v3, v2;
	_ =	sdelay $0x1  }
0x6f0: {  	s13 =	simm.s32 $0xB000;
	v3 =	vadd.s32 v1, v3  }
0x6f1: {  	[hbm4b:s4+s2] =	stream.indirect_vreg.scatter [tilespmem:s13], [sflag:$0x2], $0x80, v4, vm0, $0xb8;
	[tilespmem:$0x18800] =	vst v63  }
0x6f2: {  	s15 =	simm.s32 $0xB800  }
0x6f3: {  	[hbm4b:s5+s2] =	stream.indirect_vreg.scatter [tilespmem:s15], [sflag:$0x2], $0x80, v4, vm1, $0xb8;
	[tilespmem:$0x18800] =	vst v63  }
0x6f4: {  	s16 =	simm.s32 $0xBC00  }
0x6f5: {  	[hbm4b:s4+s2] =	stream.indirect_vreg.scatter [tilespmem:s16], [sflag:$0x2], $0x80, v3, vm0, $0xb8;
	[tilespmem:$0x18800] =	vst v63  }
0x6f6: {  	s11 =	simm.s32 $0xC400  }
0x6f7: {  	[hbm4b:s5+s2] =	stream.indirect_vreg.scatter [tilespmem:s11], [sflag:$0x2], $0x80, v3, vm1, $0xb8;
	[tilespmem:$0x18800] =	vst v63  }
0x6f8: {  	_ =	swait.ge [sflag:s18], $0xC000  }
0x6f9: {  	[sflag:s18] =	ssyncset.done $0x0  }
0x6fa: {  	s22 =	rddreg [dreg:$0x12];
	[sflag:s18] =	ssyncadd.s32 $0xFFFF4000  }
0x6fb: {  	[tilespmem:s0], [sflag:$0x1] =	stream.linear.gather [hbm4b:s22+s2], $0xC000, $0x38;
	[tilespmem:$0x18800] =	vst v63  }
0x6fc: {  	_ =	swait.ge [sflag:s10], $0xC000  }
0x6fd: {  	[sflag:s10] =	ssyncset.done $0x0  }
0x6fe: {  	[sflag:s10] =	ssyncadd.s32 $0xFFFF4000  }
0x6ff: {  	v3 =	vld [tilespmem:$0x680];
	_ =	sdelay $0x4  }
0x700: {  	v40 =	vshrl.u32 v3, $0x3  }
0x701: {  	v4 =	vmul.u32 $0x18, v40  }
0x702: {  	v3 =	vand.u32 $0x7, v3  }
0x703: {  	v3 =	vor.u32 v3, v4  }
0x704: {  	v4 =	vperm.xlane v3, v0;
	_ =	sdelay $0x1  }
0x705: {  	v4 =	vadd.s32 v1, v4;
	_ =	sdelay $0x1  }
0x706: {  	v3 =	vperm.xlane v3, v2;
	_ =	sdelay $0x1  }
0x707: {  	v3 =	vadd.s32 v1, v3  }
0x708: {  	[hbm4b:s4+s2] =	stream.indirect_vreg.scatter [tilespmem:s30], [sflag:$0x2], $0x80, v4, vm0, $0xb8;
	[tilespmem:$0x18800] =	vst v63  }
0x709: {  	s11 =	simm.s32 $0xD000  }
0x70a: {  	[hbm4b:s5+s2] =	stream.indirect_vreg.scatter [tilespmem:s11], [sflag:$0x2], $0x80, v4, vm1, $0xb8;
	[tilespmem:$0x18800] =	vst v63  }
0x70b: {  	s16 =	simm.s32 $0xD400  }
0x70c: {  	[hbm4b:s4+s2] =	stream.indirect_vreg.scatter [tilespmem:s16], [sflag:$0x2], $0x80, v3, vm0, $0xb8;
	[tilespmem:$0x18800] =	vst v63  }
0x70d: {  	s14 =	simm.s32 $0xDC00  }
0x70e: {  	[hbm4b:s5+s2] =	stream.indirect_vreg.scatter [tilespmem:s14], [sflag:$0x2], $0x80, v3, vm1, $0xb8;
	[tilespmem:$0x18800] =	vst v63  }
0x70f: {  	v3 =	vld [tilespmem:$0x690];
	_ =	sdelay $0x4  }
0x710: {  	v41 =	vshrl.u32 v3, $0x3  }
0x711: {  	v4 =	vmul.u32 $0x18, v41  }
0x712: {  	v3 =	vand.u32 $0x7, v3  }
0x713: {  	v3 =	vor.u32 v3, v4  }
0x714: {  	v4 =	vperm.xlane v3, v0;
	_ =	sdelay $0x1  }
0x715: {  	v4 =	vadd.s32 v1, v4;
	_ =	sdelay $0x1  }
0x716: {  	v3 =	vperm.xlane v3, v2;
	_ =	sdelay $0x1  }
0x717: {  	s3 =	simm.s32 $0xE000;
	v3 =	vadd.s32 v1, v3  }
0x718: {  	[hbm4b:s4+s2] =	stream.indirect_vreg.scatter [tilespmem:s3], [sflag:$0x2], $0x80, v4, vm0, $0xb8;
	[tilespmem:$0x18800] =	vst v63  }
0x719: {  	s6 =	simm.s32 $0xE800  }
0x71a: {  	[hbm4b:s5+s2] =	stream.indirect_vreg.scatter [tilespmem:s6], [sflag:$0x2], $0x80, v4, vm1, $0xb8;
	[tilespmem:$0x18800] =	vst v63  }
0x71b: {  	s7 =	simm.s32 $0xEC00  }
0x71c: {  	[hbm4b:s4+s2] =	stream.indirect_vreg.scatter [tilespmem:s7], [sflag:$0x2], $0x80, v3, vm0, $0xb8;
	[tilespmem:$0x18800] =	vst v63  }
0x71d: {  	s17 =	simm.s32 $0xF400  }
0x71e: {  	[hbm4b:s5+s2] =	stream.indirect_vreg.scatter [tilespmem:s17], [sflag:$0x2], $0x80, v3, vm1, $0xb8;
	[tilespmem:$0x18800] =	vst v63  }
0x71f: {  	v3 =	vld [tilespmem:$0x6A0];
	_ =	sdelay $0x4  }
0x720: {  	v42 =	vshrl.u32 v3, $0x3  }
0x721: {  	v4 =	vmul.u32 $0x18, v42  }
0x722: {  	v3 =	vand.u32 $0x7, v3  }
0x723: {  	v3 =	vor.u32 v3, v4  }
0x724: {  	v4 =	vperm.xlane v3, v0;
	_ =	sdelay $0x1  }
0x725: {  	v4 =	vadd.s32 v1, v4;
	_ =	sdelay $0x1  }
0x726: {  	v3 =	vperm.xlane v3, v2;
	_ =	sdelay $0x1  }
0x727: {  	s8 =	simm.s32 $0xF800;
	v3 =	vadd.s32 v1, v3  }
0x728: {  	[hbm4b:s4+s2] =	stream.indirect_vreg.scatter [tilespmem:s8], [sflag:$0x2], $0x80, v4, vm0, $0xb8;
	[tilespmem:$0x18800] =	vst v63  }
0x729: {  	s9 =	simm.s32 $0x10000  }
0x72a: {  	[hbm4b:s5+s2] =	stream.indirect_vreg.scatter [tilespmem:s9], [sflag:$0x2], $0x80, v4, vm1, $0xb8;
	[tilespmem:$0x18800] =	vst v63  }
0x72b: {  	s12 =	simm.s32 $0x10400  }
0x72c: {  	[hbm4b:s4+s2] =	stream.indirect_vreg.scatter [tilespmem:s12], [sflag:$0x2], $0x80, v3, vm0, $0xb8;
	[tilespmem:$0x18800] =	vst v63  }
0x72d: {  	s19 =	simm.s32 $0x10C00  }
0x72e: {  	[hbm4b:s5+s2] =	stream.indirect_vreg.scatter [tilespmem:s19], [sflag:$0x2], $0x80, v3, vm1, $0xb8;
	[tilespmem:$0x18800] =	vst v63  }
0x72f: {  	v3 =	vld [tilespmem:$0x6B0];
	_ =	sdelay $0x4  }
0x730: {  	v43 =	vshrl.u32 v3, $0x3  }
0x731: {  	v4 =	vmul.u32 $0x18, v43  }
0x732: {  	v3 =	vand.u32 $0x7, v3  }
0x733: {  	v3 =	vor.u32 v3, v4  }
0x734: {  	v4 =	vperm.xlane v3, v0;
	_ =	sdelay $0x1  }
0x735: {  	v4 =	vadd.s32 v1, v4;
	_ =	sdelay $0x1  }
0x736: {  	v3 =	vperm.xlane v3, v2;
	_ =	sdelay $0x1  }
0x737: {  	s13 =	simm.s32 $0x11000;
	v3 =	vadd.s32 v1, v3  }
0x738: {  	[hbm4b:s4+s2] =	stream.indirect_vreg.scatter [tilespmem:s13], [sflag:$0x2], $0x80, v4, vm0, $0xb8;
	[tilespmem:$0x18800] =	vst v63  }
0x739: {  	s14 =	simm.s32 $0x11800  }
0x73a: {  	[hbm4b:s5+s2] =	stream.indirect_vreg.scatter [tilespmem:s14], [sflag:$0x2], $0x80, v4, vm1, $0xb8;
	[tilespmem:$0x18800] =	vst v63  }
0x73b: {  	s15 =	simm.s32 $0x11C00  }
0x73c: {  	[hbm4b:s4+s2] =	stream.indirect_vreg.scatter [tilespmem:s15], [sflag:$0x2], $0x80, v3, vm0, $0xb8;
	[tilespmem:$0x18800] =	vst v63  }
0x73d: {  	s20 =	simm.s32 $0x12400  }
0x73e: {  	[hbm4b:s5+s2] =	stream.indirect_vreg.scatter [tilespmem:s20], [sflag:$0x2], $0x80, v3, vm1, $0xb8;
	[tilespmem:$0x18800] =	vst v63  }
0x73f: {  	v3 =	vld [tilespmem:$0x6C0];
	_ =	sdelay $0x4  }
0x740: {  	v44 =	vshrl.u32 v3, $0x3  }
0x741: {  	v4 =	vmul.u32 $0x18, v44  }
0x742: {  	v3 =	vand.u32 $0x7, v3  }
0x743: {  	v3 =	vor.u32 v3, v4  }
0x744: {  	v4 =	vperm.xlane v3, v0;
	_ =	sdelay $0x1  }
0x745: {  	v4 =	vadd.s32 v1, v4;
	_ =	sdelay $0x1  }
0x746: {  	v3 =	vperm.xlane v3, v2;
	_ =	sdelay $0x1  }
0x747: {  	s23 =	simm.s32 $0x12800;
	v3 =	vadd.s32 v1, v3  }
0x748: {  	[hbm4b:s4+s2] =	stream.indirect_vreg.scatter [tilespmem:s23], [sflag:$0x2], $0x80, v4, vm0, $0xb8;
	[tilespmem:$0x18800] =	vst v63  }
0x749: {  	s25 =	simm.s32 $0x13000  }
0x74a: {  	[hbm4b:s5+s2] =	stream.indirect_vreg.scatter [tilespmem:s25], [sflag:$0x2], $0x80, v4, vm1, $0xb8;
	[tilespmem:$0x18800] =	vst v63  }
0x74b: {  	s26 =	simm.s32 $0x13400  }
0x74c: {  	[hbm4b:s4+s2] =	stream.indirect_vreg.scatter [tilespmem:s26], [sflag:$0x2], $0x80, v3, vm0, $0xb8;
	[tilespmem:$0x18800] =	vst v63  }
0x74d: {  	s21 =	simm.s32 $0x13C00  }
0x74e: {  	[hbm4b:s5+s2] =	stream.indirect_vreg.scatter [tilespmem:s21], [sflag:$0x2], $0x80, v3, vm1, $0xb8;
	[tilespmem:$0x18800] =	vst v63  }
0x74f: {  	v3 =	vld [tilespmem:$0x6D0];
	_ =	sdelay $0x4  }
0x750: {  	v45 =	vshrl.u32 v3, $0x3  }
0x751: {  	v4 =	vmul.u32 $0x18, v45  }
0x752: {  	v3 =	vand.u32 $0x7, v3  }
0x753: {  	v3 =	vor.u32 v3, v4  }
0x754: {  	v4 =	vperm.xlane v3, v0;
	_ =	sdelay $0x1  }
0x755: {  	v4 =	vadd.s32 v1, v4;
	_ =	sdelay $0x1  }
0x756: {  	v3 =	vperm.xlane v3, v2;
	_ =	sdelay $0x1  }
0x757: {  	s28 =	simm.s32 $0x14000;
	v3 =	vadd.s32 v1, v3  }
0x758: {  	[hbm4b:s4+s2] =	stream.indirect_vreg.scatter [tilespmem:s28], [sflag:$0x2], $0x80, v4, vm0, $0xb8;
	[tilespmem:$0x18800] =	vst v63  }
0x759: {  	s31 =	simm.s32 $0x14800  }
0x75a: {  	[hbm4b:s5+s2] =	stream.indirect_vreg.scatter [tilespmem:s31], [sflag:$0x2], $0x80, v4, vm1, $0xb8;
	[tilespmem:$0x18800] =	vst v63  }
0x75b: {  	s1 =	simm.s32 $0x14C00  }
0x75c: {  	[hbm4b:s4+s2] =	stream.indirect_vreg.scatter [tilespmem:s1], [sflag:$0x2], $0x80, v3, vm0, $0xb8;
	[tilespmem:$0x18800] =	vst v63  }
0x75d: {  	s24 =	simm.s32 $0x15400  }
0x75e: {  	[hbm4b:s5+s2] =	stream.indirect_vreg.scatter [tilespmem:s24], [sflag:$0x2], $0x80, v3, vm1, $0xb8;
	[tilespmem:$0x18800] =	vst v63  }
0x75f: {  	v3 =	vld [tilespmem:$0x6E0];
	_ =	sdelay $0x4  }
0x760: {  	v46 =	vshrl.u32 v3, $0x3  }
0x761: {  	v4 =	vmul.u32 $0x18, v46  }
0x762: {  	v3 =	vand.u32 $0x7, v3  }
0x763: {  	v3 =	vor.u32 v3, v4  }
0x764: {  	v4 =	vperm.xlane v3, v0;
	_ =	sdelay $0x1  }
0x765: {  	v4 =	vadd.s32 v1, v4;
	_ =	sdelay $0x1  }
0x766: {  	v3 =	vperm.xlane v3, v2;
	_ =	sdelay $0x1  }
0x767: {  	s25 =	simm.s32 $0x15800;
	v3 =	vadd.s32 v1, v3  }
0x768: {  	[hbm4b:s4+s2] =	stream.indirect_vreg.scatter [tilespmem:s25], [sflag:$0x2], $0x80, v4, vm0, $0xb8;
	[tilespmem:$0x18800] =	vst v63  }
0x769: {  	s26 =	simm.s32 $0x16000  }
0x76a: {  	[hbm4b:s5+s2] =	stream.indirect_vreg.scatter [tilespmem:s26], [sflag:$0x2], $0x80, v4, vm1, $0xb8;
	[tilespmem:$0x18800] =	vst v63  }
0x76b: {  	s28 =	simm.s32 $0x16400  }
0x76c: {  	[hbm4b:s4+s2] =	stream.indirect_vreg.scatter [tilespmem:s28], [sflag:$0x2], $0x80, v3, vm0, $0xb8;
	[tilespmem:$0x18800] =	vst v63  }
0x76d: {  	s29 =	simm.s32 $0x16C00  }
0x76e: {  	[hbm4b:s5+s2] =	stream.indirect_vreg.scatter [tilespmem:s29], [sflag:$0x2], $0x80, v3, vm1, $0xb8;
	[tilespmem:$0x18800] =	vst v63  }
0x76f: {  	v3 =	vld [tilespmem:$0x6F0];
	_ =	sdelay $0x4  }
0x770: {  	v47 =	vshrl.u32 v3, $0x3  }
0x771: {  	v4 =	vmul.u32 $0x18, v47  }
0x772: {  	v3 =	vand.u32 $0x7, v3  }
0x773: {  	v3 =	vor.u32 v3, v4  }
0x774: {  	v4 =	vperm.xlane v3, v0;
	_ =	sdelay $0x1  }
0x775: {  	v4 =	vadd.s32 v1, v4;
	_ =	sdelay $0x1  }
0x776: {  	v3 =	vperm.xlane v3, v2;
	_ =	sdelay $0x1  }
0x777: {  	s29 =	simm.s32 $0x17000;
	v3 =	vadd.s32 v1, v3  }
0x778: {  	[hbm4b:s4+s2] =	stream.indirect_vreg.scatter [tilespmem:s29], [sflag:$0x2], $0x80, v4, vm0, $0xb8;
	[tilespmem:$0x18800] =	vst v63  }
0x779: {  	s31 =	simm.s32 $0x17800  }
0x77a: {  	[hbm4b:s5+s2] =	stream.indirect_vreg.scatter [tilespmem:s31], [sflag:$0x2], $0x80, v4, vm1, $0xb8;
	[tilespmem:$0x18800] =	vst v63  }
0x77b: {  	s1 =	simm.s32 $0x17C00  }
0x77c: {  	[hbm4b:s4+s2] =	stream.indirect_vreg.scatter [tilespmem:s1], [sflag:$0x2], $0x80, v3, vm0, $0xb8;
	[tilespmem:$0x18800] =	vst v63  }
0x77d: {  	s1 =	simm.s32 $0x18400  }
0x77e: {  	[hbm4b:s5+s2] =	stream.indirect_vreg.scatter [tilespmem:s1], [sflag:$0x2], $0x80, v3, vm1, $0xb8;
	[tilespmem:$0x18800] =	vst v63  }
0x77f: {  	_ =	swait.ge [sflag:s18], $0xC000  }
0x780: {  	[sflag:s18] =	ssyncset.done $0x0  }
0x781: {  	s28 =	rddreg [dreg:$0x13];
	[sflag:s18] =	ssyncadd.s32 $0xFFFF4000  }
0x782: {  	[tilespmem:s30], [sflag:$0x1] =	stream.linear.gather [hbm4b:s28+s2], $0xC000, $0x38;
	[tilespmem:$0x18800] =	vst v63  }
0x783: {  	_ =	swait.ge [sflag:s10], $0xC000  }
0x784: {  	[sflag:s10] =	ssyncset.done $0x0  }
0x785: {  	[sflag:s10] =	ssyncadd.s32 $0xFFFF4000  }
0x786: {  	v3 =	vld [tilespmem:$0x700];
	_ =	sdelay $0x4  }
0x787: {  	v48 =	vshrl.u32 v3, $0x3  }
0x788: {  	v4 =	vmul.u32 $0x18, v48  }
0x789: {  	v3 =	vand.u32 $0x7, v3  }
0x78a: {  	v3 =	vor.u32 v3, v4  }
0x78b: {  	v4 =	vperm.xlane v3, v0;
	_ =	sdelay $0x1  }
0x78c: {  	v4 =	vadd.s32 v1, v4;
	_ =	sdelay $0x1  }
0x78d: {  	v3 =	vperm.xlane v3, v2;
	_ =	sdelay $0x1  }
0x78e: {  	v3 =	vadd.s32 v1, v3  }
0x78f: {  	[hbm4b:s4+s2] =	stream.indirect_vreg.scatter [tilespmem:s0], [sflag:$0x2], $0x80, v4, vm0, $0xb8;
	[tilespmem:$0x18800] =	vst v63  }
0x790: {  	s28 =	simm.s32 $0x1000  }
0x791: {  	[hbm4b:s5+s2] =	stream.indirect_vreg.scatter [tilespmem:s28], [sflag:$0x2], $0x80, v4, vm1, $0xb8;
	[tilespmem:$0x18800] =	vst v63  }
0x792: {  	s28 =	simm.s32 $0x1400  }
0x793: {  	[hbm4b:s4+s2] =	stream.indirect_vreg.scatter [tilespmem:s28], [sflag:$0x2], $0x80, v3, vm0, $0xb8;
	[tilespmem:$0x18800] =	vst v63  }
0x794: {  	s28 =	simm.s32 $0x1C00  }
0x795: {  	[hbm4b:s5+s2] =	stream.indirect_vreg.scatter [tilespmem:s28], [sflag:$0x2], $0x80, v3, vm1, $0xb8;
	[tilespmem:$0x18800] =	vst v63  }
0x796: {  	v3 =	vld [tilespmem:$0x710];
	_ =	sdelay $0x4  }
0x797: {  	v49 =	vshrl.u32 v3, $0x3  }
0x798: {  	v4 =	vmul.u32 $0x18, v49  }
0x799: {  	v3 =	vand.u32 $0x7, v3  }
0x79a: {  	v3 =	vor.u32 v3, v4  }
0x79b: {  	v4 =	vperm.xlane v3, v0;
	_ =	sdelay $0x1  }
0x79c: {  	v4 =	vadd.s32 v1, v4;
	_ =	sdelay $0x1  }
0x79d: {  	v3 =	vperm.xlane v3, v2;
	_ =	sdelay $0x1  }
0x79e: {  	s28 =	simm.s32 $0x2000;
	v3 =	vadd.s32 v1, v3  }
0x79f: {  	[hbm4b:s4+s2] =	stream.indirect_vreg.scatter [tilespmem:s28], [sflag:$0x2], $0x80, v4, vm0, $0xb8;
	[tilespmem:$0x18800] =	vst v63  }
0x7a0: {  	s28 =	simm.s32 $0x2800  }
0x7a1: {  	[hbm4b:s5+s2] =	stream.indirect_vreg.scatter [tilespmem:s28], [sflag:$0x2], $0x80, v4, vm1, $0xb8;
	[tilespmem:$0x18800] =	vst v63  }
0x7a2: {  	s28 =	simm.s32 $0x2C00  }
0x7a3: {  	[hbm4b:s4+s2] =	stream.indirect_vreg.scatter [tilespmem:s28], [sflag:$0x2], $0x80, v3, vm0, $0xb8;
	[tilespmem:$0x18800] =	vst v63  }
0x7a4: {  	s28 =	simm.s32 $0x3400  }
0x7a5: {  	[hbm4b:s5+s2] =	stream.indirect_vreg.scatter [tilespmem:s28], [sflag:$0x2], $0x80, v3, vm1, $0xb8;
	[tilespmem:$0x18800] =	vst v63  }
0x7a6: {  	v3 =	vld [tilespmem:$0x720];
	_ =	sdelay $0x4  }
0x7a7: {  	v50 =	vshrl.u32 v3, $0x3  }
0x7a8: {  	v4 =	vmul.u32 $0x18, v50  }
0x7a9: {  	v3 =	vand.u32 $0x7, v3  }
0x7aa: {  	v3 =	vor.u32 v3, v4  }
0x7ab: {  	v4 =	vperm.xlane v3, v0;
	_ =	sdelay $0x1  }
0x7ac: {  	v4 =	vadd.s32 v1, v4;
	_ =	sdelay $0x1  }
0x7ad: {  	v3 =	vperm.xlane v3, v2;
	_ =	sdelay $0x1  }
0x7ae: {  	s28 =	simm.s32 $0x3800;
	v3 =	vadd.s32 v1, v3  }
0x7af: {  	[hbm4b:s4+s2] =	stream.indirect_vreg.scatter [tilespmem:s28], [sflag:$0x2], $0x80, v4, vm0, $0xb8;
	[tilespmem:$0x18800] =	vst v63  }
0x7b0: {  	s28 =	simm.s32 $0x4000  }
0x7b1: {  	[hbm4b:s5+s2] =	stream.indirect_vreg.scatter [tilespmem:s28], [sflag:$0x2], $0x80, v4, vm1, $0xb8;
	[tilespmem:$0x18800] =	vst v63  }
0x7b2: {  	s28 =	simm.s32 $0x4400  }
0x7b3: {  	[hbm4b:s4+s2] =	stream.indirect_vreg.scatter [tilespmem:s28], [sflag:$0x2], $0x80, v3, vm0, $0xb8;
	[tilespmem:$0x18800] =	vst v63  }
0x7b4: {  	s28 =	simm.s32 $0x4C00  }
0x7b5: {  	[hbm4b:s5+s2] =	stream.indirect_vreg.scatter [tilespmem:s28], [sflag:$0x2], $0x80, v3, vm1, $0xb8;
	[tilespmem:$0x18800] =	vst v63  }
0x7b6: {  	v3 =	vld [tilespmem:$0x730];
	_ =	sdelay $0x4  }
0x7b7: {  	v51 =	vshrl.u32 v3, $0x3  }
0x7b8: {  	v4 =	vmul.u32 $0x18, v51  }
0x7b9: {  	v3 =	vand.u32 $0x7, v3  }
0x7ba: {  	v3 =	vor.u32 v3, v4  }
0x7bb: {  	v4 =	vperm.xlane v3, v0;
	_ =	sdelay $0x1  }
0x7bc: {  	v4 =	vadd.s32 v1, v4;
	_ =	sdelay $0x1  }
0x7bd: {  	v3 =	vperm.xlane v3, v2;
	_ =	sdelay $0x1  }
0x7be: {  	s28 =	simm.s32 $0x5000;
	v3 =	vadd.s32 v1, v3  }
0x7bf: {  	[hbm4b:s4+s2] =	stream.indirect_vreg.scatter [tilespmem:s28], [sflag:$0x2], $0x80, v4, vm0, $0xb8;
	[tilespmem:$0x18800] =	vst v63  }
0x7c0: {  	s28 =	simm.s32 $0x5800  }
0x7c1: {  	[hbm4b:s5+s2] =	stream.indirect_vreg.scatter [tilespmem:s28], [sflag:$0x2], $0x80, v4, vm1, $0xb8;
	[tilespmem:$0x18800] =	vst v63  }
0x7c2: {  	s28 =	simm.s32 $0x5C00  }
0x7c3: {  	[hbm4b:s4+s2] =	stream.indirect_vreg.scatter [tilespmem:s28], [sflag:$0x2], $0x80, v3, vm0, $0xb8;
	[tilespmem:$0x18800] =	vst v63  }
0x7c4: {  	s28 =	simm.s32 $0x6400  }
0x7c5: {  	[hbm4b:s5+s2] =	stream.indirect_vreg.scatter [tilespmem:s28], [sflag:$0x2], $0x80, v3, vm1, $0xb8;
	[tilespmem:$0x18800] =	vst v63  }
0x7c6: {  	v3 =	vld [tilespmem:$0x740];
	_ =	sdelay $0x4  }
0x7c7: {  	v52 =	vshrl.u32 v3, $0x3  }
0x7c8: {  	v4 =	vmul.u32 $0x18, v52  }
0x7c9: {  	v3 =	vand.u32 $0x7, v3  }
0x7ca: {  	v3 =	vor.u32 v3, v4  }
0x7cb: {  	v4 =	vperm.xlane v3, v0;
	_ =	sdelay $0x1  }
0x7cc: {  	v4 =	vadd.s32 v1, v4;
	_ =	sdelay $0x1  }
0x7cd: {  	v3 =	vperm.xlane v3, v2;
	_ =	sdelay $0x1  }
0x7ce: {  	s28 =	simm.s32 $0x6800;
	v3 =	vadd.s32 v1, v3  }
0x7cf: {  	[hbm4b:s4+s2] =	stream.indirect_vreg.scatter [tilespmem:s28], [sflag:$0x2], $0x80, v4, vm0, $0xb8;
	[tilespmem:$0x18800] =	vst v63  }
0x7d0: {  	s28 =	simm.s32 $0x7000  }
0x7d1: {  	[hbm4b:s5+s2] =	stream.indirect_vreg.scatter [tilespmem:s28], [sflag:$0x2], $0x80, v4, vm1, $0xb8;
	[tilespmem:$0x18800] =	vst v63  }
0x7d2: {  	s28 =	simm.s32 $0x7400  }
0x7d3: {  	[hbm4b:s4+s2] =	stream.indirect_vreg.scatter [tilespmem:s28], [sflag:$0x2], $0x80, v3, vm0, $0xb8;
	[tilespmem:$0x18800] =	vst v63  }
0x7d4: {  	s28 =	simm.s32 $0x7C00  }
0x7d5: {  	[hbm4b:s5+s2] =	stream.indirect_vreg.scatter [tilespmem:s28], [sflag:$0x2], $0x80, v3, vm1, $0xb8;
	[tilespmem:$0x18800] =	vst v63  }
0x7d6: {  	v3 =	vld [tilespmem:$0x750];
	_ =	sdelay $0x4  }
0x7d7: {  	v53 =	vshrl.u32 v3, $0x3  }
0x7d8: {  	v4 =	vmul.u32 $0x18, v53  }
0x7d9: {  	v3 =	vand.u32 $0x7, v3  }
0x7da: {  	v3 =	vor.u32 v3, v4  }
0x7db: {  	v4 =	vperm.xlane v3, v0;
	_ =	sdelay $0x1  }
0x7dc: {  	v4 =	vadd.s32 v1, v4;
	_ =	sdelay $0x1  }
0x7dd: {  	v3 =	vperm.xlane v3, v2;
	_ =	sdelay $0x1  }
0x7de: {  	s28 =	simm.s32 $0x8000;
	v3 =	vadd.s32 v1, v3  }
0x7df: {  	[hbm4b:s4+s2] =	stream.indirect_vreg.scatter [tilespmem:s28], [sflag:$0x2], $0x80, v4, vm0, $0xb8;
	[tilespmem:$0x18800] =	vst v63  }
0x7e0: {  	s28 =	simm.s32 $0x8800  }
0x7e1: {  	[hbm4b:s5+s2] =	stream.indirect_vreg.scatter [tilespmem:s28], [sflag:$0x2], $0x80, v4, vm1, $0xb8;
	[tilespmem:$0x18800] =	vst v63  }
0x7e2: {  	s28 =	simm.s32 $0x8C00  }
0x7e3: {  	[hbm4b:s4+s2] =	stream.indirect_vreg.scatter [tilespmem:s28], [sflag:$0x2], $0x80, v3, vm0, $0xb8;
	[tilespmem:$0x18800] =	vst v63  }
0x7e4: {  	s28 =	simm.s32 $0x9400  }
0x7e5: {  	[hbm4b:s5+s2] =	stream.indirect_vreg.scatter [tilespmem:s28], [sflag:$0x2], $0x80, v3, vm1, $0xb8;
	[tilespmem:$0x18800] =	vst v63  }
0x7e6: {  	v3 =	vld [tilespmem:$0x760];
	_ =	sdelay $0x4  }
0x7e7: {  	v54 =	vshrl.u32 v3, $0x3  }
0x7e8: {  	v4 =	vmul.u32 $0x18, v54  }
0x7e9: {  	v3 =	vand.u32 $0x7, v3  }
0x7ea: {  	v3 =	vor.u32 v3, v4  }
0x7eb: {  	v4 =	vperm.xlane v3, v0;
	_ =	sdelay $0x1  }
0x7ec: {  	v4 =	vadd.s32 v1, v4;
	_ =	sdelay $0x1  }
0x7ed: {  	v3 =	vperm.xlane v3, v2;
	_ =	sdelay $0x1  }
0x7ee: {  	s28 =	simm.s32 $0x9800;
	v3 =	vadd.s32 v1, v3  }
0x7ef: {  	[hbm4b:s4+s2] =	stream.indirect_vreg.scatter [tilespmem:s28], [sflag:$0x2], $0x80, v4, vm0, $0xb8;
	[tilespmem:$0x18800] =	vst v63  }
0x7f0: {  	s28 =	simm.s32 $0xA000  }
0x7f1: {  	[hbm4b:s5+s2] =	stream.indirect_vreg.scatter [tilespmem:s28], [sflag:$0x2], $0x80, v4, vm1, $0xb8;
	[tilespmem:$0x18800] =	vst v63  }
0x7f2: {  	s28 =	simm.s32 $0xA400  }
0x7f3: {  	[hbm4b:s4+s2] =	stream.indirect_vreg.scatter [tilespmem:s28], [sflag:$0x2], $0x80, v3, vm0, $0xb8;
	[tilespmem:$0x18800] =	vst v63  }
0x7f4: {  	s28 =	simm.s32 $0xAC00  }
0x7f5: {  	[hbm4b:s5+s2] =	stream.indirect_vreg.scatter [tilespmem:s28], [sflag:$0x2], $0x80, v3, vm1, $0xb8;
	[tilespmem:$0x18800] =	vst v63  }
0x7f6: {  	v3 =	vld [tilespmem:$0x770];
	_ =	sdelay $0x4  }
0x7f7: {  	v55 =	vshrl.u32 v3, $0x3  }
0x7f8: {  	v4 =	vmul.u32 $0x18, v55  }
0x7f9: {  	v3 =	vand.u32 $0x7, v3  }
0x7fa: {  	v3 =	vor.u32 v3, v4  }
0x7fb: {  	v4 =	vperm.xlane v3, v0;
	_ =	sdelay $0x1  }
0x7fc: {  	v4 =	vadd.s32 v1, v4;
	_ =	sdelay $0x1  }
0x7fd: {  	v3 =	vperm.xlane v3, v2;
	_ =	sdelay $0x1  }
0x7fe: {  	s28 =	simm.s32 $0xB000;
	v3 =	vadd.s32 v1, v3  }
0x7ff: {  	[hbm4b:s4+s2] =	stream.indirect_vreg.scatter [tilespmem:s28], [sflag:$0x2], $0x80, v4, vm0, $0xb8;
	[tilespmem:$0x18800] =	vst v63  }
0x800: {  	s28 =	simm.s32 $0xB800  }
0x801: {  	[hbm4b:s5+s2] =	stream.indirect_vreg.scatter [tilespmem:s28], [sflag:$0x2], $0x80, v4, vm1, $0xb8;
	[tilespmem:$0x18800] =	vst v63  }
0x802: {  	s28 =	simm.s32 $0xBC00  }
0x803: {  	[hbm4b:s4+s2] =	stream.indirect_vreg.scatter [tilespmem:s28], [sflag:$0x2], $0x80, v3, vm0, $0xb8;
	[tilespmem:$0x18800] =	vst v63  }
0x804: {  	s28 =	simm.s32 $0xC400  }
0x805: {  	[hbm4b:s5+s2] =	stream.indirect_vreg.scatter [tilespmem:s28], [sflag:$0x2], $0x80, v3, vm1, $0xb8;
	[tilespmem:$0x18800] =	vst v63  }
0x806: {  	s0 =	rddreg [dreg:$0x15];
	_ =	swait.ge [sflag:s10], $0xC000  }
0x807: {  	[sflag:s10] =	ssyncset.done $0x0  }
0x808: {  	[sflag:s10] =	ssyncadd.s32 $0xFFFF4000  }
0x809: {  	v3 =	vld [tilespmem:$0x780];
	_ =	sdelay $0x4  }
0x80a: {  	v56 =	vshrl.u32 v3, $0x3  }
0x80b: {  	v4 =	vmul.u32 $0x18, v56  }
0x80c: {  	v3 =	vand.u32 $0x7, v3  }
0x80d: {  	v3 =	vor.u32 v3, v4  }
0x80e: {  	v4 =	vperm.xlane v3, v0;
	_ =	sdelay $0x1  }
0x80f: {  	v4 =	vadd.s32 v1, v4;
	_ =	sdelay $0x1  }
0x810: {  	v3 =	vperm.xlane v3, v2;
	_ =	sdelay $0x1  }
0x811: {  	v3 =	vadd.s32 v1, v3  }
0x812: {  	[hbm4b:s4+s2] =	stream.indirect_vreg.scatter [tilespmem:s30], [sflag:$0x2], $0x80, v4, vm0, $0xb8;
	[tilespmem:$0x18800] =	vst v63  }
0x813: {  	_ = 	snop  }
0x814: {  	[hbm4b:s5+s2] =	stream.indirect_vreg.scatter [tilespmem:s11], [sflag:$0x2], $0x80, v4, vm1, $0xb8;
	[tilespmem:$0x18800] =	vst v63  }
0x815: {  	_ = 	snop  }
0x816: {  	[hbm4b:s4+s2] =	stream.indirect_vreg.scatter [tilespmem:s16], [sflag:$0x2], $0x80, v3, vm0, $0xb8;
	[tilespmem:$0x18800] =	vst v63  }
0x817: {  	s30 =	simm.s32 $0xDC00  }
0x818: {  	[hbm4b:s5+s2] =	stream.indirect_vreg.scatter [tilespmem:s30], [sflag:$0x2], $0x80, v3, vm1, $0xb8;
	[tilespmem:$0x18800] =	vst v63  }
0x819: {  	v3 =	vld [tilespmem:$0x790];
	_ =	sdelay $0x4  }
0x81a: {  	v57 =	vshrl.u32 v3, $0x3  }
0x81b: {  	v4 =	vmul.u32 $0x18, v57  }
0x81c: {  	v3 =	vand.u32 $0x7, v3  }
0x81d: {  	v3 =	vor.u32 v3, v4  }
0x81e: {  	v4 =	vperm.xlane v3, v0;
	_ =	sdelay $0x1  }
0x81f: {  	v4 =	vadd.s32 v1, v4;
	_ =	sdelay $0x1  }
0x820: {  	v3 =	vperm.xlane v3, v2;
	_ =	sdelay $0x1  }
0x821: {  	v3 =	vadd.s32 v1, v3  }
0x822: {  	[hbm4b:s4+s2] =	stream.indirect_vreg.scatter [tilespmem:s3], [sflag:$0x2], $0x80, v4, vm0, $0xb8;
	[tilespmem:$0x18800] =	vst v63  }
0x823: {  	_ = 	snop  }
0x824: {  	[hbm4b:s5+s2] =	stream.indirect_vreg.scatter [tilespmem:s6], [sflag:$0x2], $0x80, v4, vm1, $0xb8;
	[tilespmem:$0x18800] =	vst v63  }
0x825: {  	_ = 	snop  }
0x826: {  	[hbm4b:s4+s2] =	stream.indirect_vreg.scatter [tilespmem:s7], [sflag:$0x2], $0x80, v3, vm0, $0xb8;
	[tilespmem:$0x18800] =	vst v63  }
0x827: {  	s11 =	simm.s32 $0xF400  }
0x828: {  	[hbm4b:s5+s2] =	stream.indirect_vreg.scatter [tilespmem:s11], [sflag:$0x2], $0x80, v3, vm1, $0xb8;
	[tilespmem:$0x18800] =	vst v63  }
0x829: {  	v3 =	vld [tilespmem:$0x7A0];
	_ =	sdelay $0x4  }
0x82a: {  	v58 =	vshrl.u32 v3, $0x3  }
0x82b: {  	v4 =	vmul.u32 $0x18, v58  }
0x82c: {  	v3 =	vand.u32 $0x7, v3  }
0x82d: {  	v3 =	vor.u32 v3, v4  }
0x82e: {  	v4 =	vperm.xlane v3, v0;
	_ =	sdelay $0x1  }
0x82f: {  	v4 =	vadd.s32 v1, v4;
	_ =	sdelay $0x1  }
0x830: {  	v3 =	vperm.xlane v3, v2;
	_ =	sdelay $0x1  }
0x831: {  	v3 =	vadd.s32 v1, v3  }
0x832: {  	[hbm4b:s4+s2] =	stream.indirect_vreg.scatter [tilespmem:s8], [sflag:$0x2], $0x80, v4, vm0, $0xb8;
	[tilespmem:$0x18800] =	vst v63  }
0x833: {  	_ = 	snop  }
0x834: {  	[hbm4b:s5+s2] =	stream.indirect_vreg.scatter [tilespmem:s9], [sflag:$0x2], $0x80, v4, vm1, $0xb8;
	[tilespmem:$0x18800] =	vst v63  }
0x835: {  	_ = 	snop  }
0x836: {  	[hbm4b:s4+s2] =	stream.indirect_vreg.scatter [tilespmem:s12], [sflag:$0x2], $0x80, v3, vm0, $0xb8;
	[tilespmem:$0x18800] =	vst v63  }
0x837: {  	s12 =	simm.s32 $0x10C00  }
0x838: {  	[hbm4b:s5+s2] =	stream.indirect_vreg.scatter [tilespmem:s12], [sflag:$0x2], $0x80, v3, vm1, $0xb8;
	[tilespmem:$0x18800] =	vst v63  }
0x839: {  	v3 =	vld [tilespmem:$0x7B0];
	_ =	sdelay $0x4  }
0x83a: {  	v59 =	vshrl.u32 v3, $0x3  }
0x83b: {  	v4 =	vmul.u32 $0x18, v59  }
0x83c: {  	v3 =	vand.u32 $0x7, v3  }
0x83d: {  	v3 =	vor.u32 v3, v4  }
0x83e: {  	v4 =	vperm.xlane v3, v0;
	_ =	sdelay $0x1  }
0x83f: {  	v4 =	vadd.s32 v1, v4;
	_ =	sdelay $0x1  }
0x840: {  	v3 =	vperm.xlane v3, v2;
	_ =	sdelay $0x1  }
0x841: {  	v3 =	vadd.s32 v1, v3  }
0x842: {  	[hbm4b:s4+s2] =	stream.indirect_vreg.scatter [tilespmem:s13], [sflag:$0x2], $0x80, v4, vm0, $0xb8;
	[tilespmem:$0x18800] =	vst v63  }
0x843: {  	_ = 	snop  }
0x844: {  	[hbm4b:s5+s2] =	stream.indirect_vreg.scatter [tilespmem:s14], [sflag:$0x2], $0x80, v4, vm1, $0xb8;
	[tilespmem:$0x18800] =	vst v63  }
0x845: {  	_ = 	snop  }
0x846: {  	[hbm4b:s4+s2] =	stream.indirect_vreg.scatter [tilespmem:s15], [sflag:$0x2], $0x80, v3, vm0, $0xb8;
	[tilespmem:$0x18800] =	vst v63  }
0x847: {  	s16 =	simm.s32 $0x12400  }
0x848: {  	[hbm4b:s5+s2] =	stream.indirect_vreg.scatter [tilespmem:s16], [sflag:$0x2], $0x80, v3, vm1, $0xb8;
	[tilespmem:$0x18800] =	vst v63  }
0x849: {  	v3 =	vld [tilespmem:$0x7C0];
	_ =	sdelay $0x4  }
0x84a: {  	v60 =	vshrl.u32 v3, $0x3  }
0x84b: {  	v4 =	vmul.u32 $0x18, v60  }
0x84c: {  	v3 =	vand.u32 $0x7, v3  }
0x84d: {  	v3 =	vor.u32 v3, v4  }
0x84e: {  	v4 =	vperm.xlane v3, v0;
	_ =	sdelay $0x1  }
0x84f: {  	v4 =	vadd.s32 v1, v4;
	_ =	sdelay $0x1  }
0x850: {  	v3 =	vperm.xlane v3, v2;
	_ =	sdelay $0x1  }
0x851: {  	s17 =	simm.s32 $0x12800;
	v3 =	vadd.s32 v1, v3  }
0x852: {  	[hbm4b:s4+s2] =	stream.indirect_vreg.scatter [tilespmem:s17], [sflag:$0x2], $0x80, v4, vm0, $0xb8;
	[tilespmem:$0x18800] =	vst v63  }
0x853: {  	s19 =	simm.s32 $0x13000  }
0x854: {  	[hbm4b:s5+s2] =	stream.indirect_vreg.scatter [tilespmem:s19], [sflag:$0x2], $0x80, v4, vm1, $0xb8;
	[tilespmem:$0x18800] =	vst v63  }
0x855: {  	s20 =	simm.s32 $0x13400  }
0x856: {  	[hbm4b:s4+s2] =	stream.indirect_vreg.scatter [tilespmem:s20], [sflag:$0x2], $0x80, v3, vm0, $0xb8;
	[tilespmem:$0x18800] =	vst v63  }
0x857: {  	s20 =	simm.s32 $0x13C00  }
0x858: {  	[hbm4b:s5+s2] =	stream.indirect_vreg.scatter [tilespmem:s20], [sflag:$0x2], $0x80, v3, vm1, $0xb8;
	[tilespmem:$0x18800] =	vst v63  }
0x859: {  	v3 =	vld [tilespmem:$0x7D0];
	_ =	sdelay $0x4  }
0x85a: {  	v61 =	vshrl.u32 v3, $0x3  }
0x85b: {  	v4 =	vmul.u32 $0x18, v61  }
0x85c: {  	v3 =	vand.u32 $0x7, v3  }
0x85d: {  	v3 =	vor.u32 v3, v4  }
0x85e: {  	v4 =	vperm.xlane v3, v0;
	_ =	sdelay $0x1  }
0x85f: {  	v4 =	vadd.s32 v1, v4;
	_ =	sdelay $0x1  }
0x860: {  	v3 =	vperm.xlane v3, v2;
	_ =	sdelay $0x1  }
0x861: {  	s21 =	simm.s32 $0x14000;
	v3 =	vadd.s32 v1, v3  }
0x862: {  	[hbm4b:s4+s2] =	stream.indirect_vreg.scatter [tilespmem:s21], [sflag:$0x2], $0x80, v4, vm0, $0xb8;
	[tilespmem:$0x18800] =	vst v63  }
0x863: {  	s22 =	simm.s32 $0x14800  }
0x864: {  	[hbm4b:s5+s2] =	stream.indirect_vreg.scatter [tilespmem:s22], [sflag:$0x2], $0x80, v4, vm1, $0xb8;
	[tilespmem:$0x18800] =	vst v63  }
0x865: {  	s23 =	simm.s32 $0x14C00  }
0x866: {  	[hbm4b:s4+s2] =	stream.indirect_vreg.scatter [tilespmem:s23], [sflag:$0x2], $0x80, v3, vm0, $0xb8;
	[tilespmem:$0x18800] =	vst v63  }
0x867: {  	s23 =	simm.s32 $0x15400  }
0x868: {  	[hbm4b:s5+s2] =	stream.indirect_vreg.scatter [tilespmem:s23], [sflag:$0x2], $0x80, v3, vm1, $0xb8;
	[tilespmem:$0x18800] =	vst v63  }
0x869: {  	v3 =	vld [tilespmem:$0x7E0];
	_ =	sdelay $0x4  }
0x86a: {  	v62 =	vshrl.u32 v3, $0x3  }
0x86b: {  	v4 =	vmul.u32 $0x18, v62  }
0x86c: {  	v3 =	vand.u32 $0x7, v3  }
0x86d: {  	v3 =	vor.u32 v3, v4  }
0x86e: {  	v4 =	vperm.xlane v3, v0;
	_ =	sdelay $0x1  }
0x86f: {  	v4 =	vadd.s32 v1, v4;
	_ =	sdelay $0x1  }
0x870: {  	v3 =	vperm.xlane v3, v2;
	_ =	sdelay $0x1  }
0x871: {  	s24 =	simm.s32 $0x15800;
	v3 =	vadd.s32 v1, v3  }
0x872: {  	[hbm4b:s4+s2] =	stream.indirect_vreg.scatter [tilespmem:s24], [sflag:$0x2], $0x80, v4, vm0, $0xb8;
	[tilespmem:$0x18800] =	vst v63  }
0x873: {  	s25 =	simm.s32 $0x16000  }
0x874: {  	[hbm4b:s5+s2] =	stream.indirect_vreg.scatter [tilespmem:s25], [sflag:$0x2], $0x80, v4, vm1, $0xb8;
	[tilespmem:$0x18800] =	vst v63  }
0x875: {  	s26 =	simm.s32 $0x16400  }
0x876: {  	[hbm4b:s4+s2] =	stream.indirect_vreg.scatter [tilespmem:s26], [sflag:$0x2], $0x80, v3, vm0, $0xb8;
	[tilespmem:$0x18800] =	vst v63  }
0x877: {  	s28 =	simm.s32 $0x16C00  }
0x878: {  	[hbm4b:s5+s2] =	stream.indirect_vreg.scatter [tilespmem:s28], [sflag:$0x2], $0x80, v3, vm1, $0xb8;
	[tilespmem:$0x18800] =	vst v63  }
0x879: {  	v3 =	vld [tilespmem:$0x7F0];
	_ =	sdelay $0x4  }
0x87a: {  	v63 =	vshrl.u32 v3, $0x3  }
0x87b: {  	v4 =	vmul.u32 $0x18, v63  }
0x87c: {  	v3 =	vand.u32 $0x7, v3  }
0x87d: {  	v3 =	vor.u32 v3, v4  }
0x87e: {  	v4 =	vperm.xlane v3, v0;
	_ =	sdelay $0x1  }
0x87f: {  	v4 =	vadd.s32 v1, v4;
	_ =	sdelay $0x1  }
0x880: {  	v3 =	vperm.xlane v3, v2;
	_ =	sdelay $0x1  }
0x881: {  	s29 =	simm.s32 $0x17000;
	v3 =	vadd.s32 v1, v3  }
0x882: {  	[hbm4b:s4+s2] =	stream.indirect_vreg.scatter [tilespmem:s29], [sflag:$0x2], $0x80, v4, vm0, $0xb8;
	[tilespmem:$0x18800] =	vst v63  }
0x883: {  	s30 =	simm.s32 $0x17800  }
0x884: {  	[hbm4b:s5+s2] =	stream.indirect_vreg.scatter [tilespmem:s30], [sflag:$0x2], $0x80, v4, vm1, $0xb8;
	[tilespmem:$0x18800] =	vst v63  }
0x885: {  	s31 =	simm.s32 $0x17C00  }
0x886: {  	[hbm4b:s4+s2] =	stream.indirect_vreg.scatter [tilespmem:s31], [sflag:$0x2], $0x80, v3, vm0, $0xb8;
	[tilespmem:$0x18800] =	vst v63  }
0x887: {  	_ = 	snop  }
0x888: {  	[hbm4b:s5+s2] =	stream.indirect_vreg.scatter [tilespmem:s1], [sflag:$0x2], $0x80, v3, vm1, $0xb8;
	[tilespmem:$0x18800] =	vst v63  }
0x889: {  	p0 =	sne.s32 s0, $0x1;
	_ =	swait.ge [sflag:s18], $0xC000  }
.Ltmp0:
0x88a: {  	[sflag:s18] =	ssyncset.done $0x0;
	(pc) =	sbr.rel @p0 .LBB2_1-.Ltmp0, $4  }
0x88b: {  	[sflag:s18] =	ssyncadd.s32 $0xFFFF4000  }
0x88c: {  	_ =	swait.ge [sflag:s18], $0xC000  }
0x88d: {  	[sflag:s18] =	ssyncset.done $0x0  }
0x88e: {  	s0 =	sadd.s32 $0xFFFFFFFF, s0;
	[sflag:s18] =	ssyncadd.s32 $0xFFFF4000  }
0x88f: {  	_ =	sfence.sel $0x180000  }
0x890: {  	[bflag:$0x0] =	sbarrier.arrive $0xFFFF  }
0x891: {  	_ =	strace $0x90000047  }
0x892: {  	s0 =	stileid.u32;
	[bflag:$0x2] =	sbarrier.arrive $0xFFFF  }
0x893: {  	p0 =	sne.s32 s0, $0x0;
	s0 =	rddreg [dreg:$0x3]  }
0x894: {  	s0 =	sadd.s32 @!p0 $0x100000, s0  }
0x895: {  	[sflag:s0] =	ssyncadd.tile.s32 @!p0 $0x1;
	_ =	shalt  }
.Lfunc_end2:
_tile_overlayer_lowered:
.L_overlay_start_2:
0x896: {  	(tag) =	ssettag $0x2  }
0x897: {  	s0 =	rddreg [dreg:$0x0];
	s2 =	stileid.u32  }
0x898: {  	s1 =	rddreg [dreg:$0x1];
	p0 =	sne.s32 s2, $0x0  }
0x899: {  	s3 =	rddreg [dreg:$0x2];
	[bflag:$0x3] =	sbarrier.arrive $0xFFFF;
	s2 =	simm.s32 @!p0 $0x1C03  }
0x89a: {  	[timem:s3], [sflag:s2] =	dma.local @!p0 [hbm:s0], s1  }
0x89b: {  	s0 =	simm.s32 @!p0 $0x3  }
0x89c: {  	_ =	swait.ge @!p0 [sflag:s0], s1  }
0x89d: {  	s1 =	ssub.s32 @!p0 $0x0, s1;
	[sflag:s0] =	ssyncset.done @!p0 $0x0  }
0x89e: {  	[sflag:s0] =	ssyncadd.s32 @!p0 s1  }
0x89f: {  	[bflag:$0x3] =	sbarrier.arrive $0xFFFF  }
0x8a0: {  	_ =	shalt  }

// kernel: kernel.8.cloned.1.call-start
scs
__scs_entry_jumppad:
0x0: {  	(pc) =	sbr.rel $0x88, $3  }
0x1: {  	(tag) =	ssettag $0x0;
	lr =	simm.s32 $0x1  }
0x2: {  	[smem:$0x3F7F] =	sst lr;
	_ =	strace $0xD0000000  }
0x3: {  	_ = 	snop  }
0x4: {  	_ = 	snop  }
0x5: {  	_ = 	snop  }
0x6: {  	_ = 	snop  }
0x7: {  	_ = 	snop  }
__scs_overlays_trampoline_lowered:
0x8: {  	[smem:$0x3F8E] =	sst s0  }
0x9: {  	[smem:$0x3F8F] =	sst s1  }
0xa: {  	[smem:$0x3F90] =	sst s2  }
0xb: {  	[smem:$0x3F91] =	sst s3  }
0xc: {  	[smem:$0x3F92] =	sst s4  }
0xd: {  	[smem:$0x3F93] =	sst s5  }
0xe: {  	[smem:$0x3F94] =	sst s6  }
0xf: {  	[smem:$0x3F95] =	sst s7  }
0x10: {  	[smem:$0x3F96] =	sst s8  }
0x11: {  	[smem:$0x3F97] =	sst s9;
	s0 =	simm.s32 @!p0 $0x0  }
0x12: {  	s1 =	sld [smem:$0x3F7D];
	s0 =	simm.s32 @p0 $0x1  }
0x13: {  	[smem:$0x3F98] =	sst s0;
	s0 =	simm.s32 @!p1 $0x0  }
0x14: {  	s2 =	sld [smem:$0x3F7C];
	s0 =	simm.s32 @p1 $0x1  }
0x15: {  	[smem:$0x3F99] =	sst s0;
	s0 =	simm.s32 @!p2 $0x0  }
0x16: {  	s3 =	sld [smem:$0x3FDB];
	s0 =	simm.s32 @p2 $0x1  }
0x17: {  	s4 =	simm.s32 $0x1BF5;
	[smem:$0x3F9B] =	sst s0  }
0x18: {  	s0 =	sld [smem:$0x3F7E];
	_ =	swait.ge [sflag:s4], $0x0  }
0x19: {  	s7 =	sld [smem:$0x3F7F]  }
0x1a: {  	s8 =	sadd.s32 $0xFFFFE003, lr  }
0x1b: {  	s9 =	sadd.s32 $0xFFFFFEF7, lr;
	s5 =	simm.s32 $0xFFFFFFFF;
	p2 =	slt.u32 s8, $0xFFFFF086  }
0x1c: {  	p1 =	slt.u32 s9, $0xF7A;
	s5 =	simm.s32 @!p2 $0x0  }
0x1d: {  	s5 =	simm.s32 @p1 $0x1;
	p0 =	seq.s32 s7, s2  }
0x1e: {  	s7 =	smul.u32 @!p0 $0xF7A, s2;
	p2 =	seq.s32 @!p0 s5, $0x0  }
0x1f: {  	s9 =	smul.u32 $0xF7A, s1;
	s8 =	simm.s32 @!p0 $0x1BF5;
	p2 =	por !p2, p0  }
0x20: {  	[sflag:s8] =	ssyncset.s32 @!p0 $0xFFFFF086;
	s6 =	sadd.s32 @!p0 s3, s7;
	s7 =	simm.s32 @!p0 $0x108  }
0x21: {  	s3 =	sadd.s32 s3, s9;
	s6 =	sadd.s32 @!p0 $0x88, s6;
	s7 =	simm.s32 @p2 $0x1082  }
0x22: {  	[simem:s7], [sflag:s8] =	dma.local @!p0 [hbm:s6], $0xF7A  }
0x23: {  	s9 =	sor.u32 $0xD0000000, s2;
	s6 =	simm.s32 $0x108;
	_ =	swait.ge @!p0 [sflag:s8], $0x0  }
0x24: {  	s3 =	sadd.s32 $0x88, s3;
	s6 =	simm.s32 @!p1 $0x1082;
	[sflag:s4] =	ssyncset.s32 $0xFFFFF086  }
0x25: {  	[simem:s6], [sflag:s4] =	dma.local [hbm:s3], $0xF7A  }
0x26: {  	[smem:$0x3F7F] =	sst s1;
	(tag) =	ssettag s2;
	_ =	strace s9  }
0x27: {  	s1 =	sld [smem:$0x3F8F]  }
0x28: {  	s2 =	sld [smem:$0x3F90]  }
0x29: {  	s4 =	sld [smem:$0x3F92]  }
0x2a: {  	p0 =	seq.s32 s5, $0x0;
	s5 =	sld [smem:$0x3F93]  }
0x2b: {  	s6 =	sld [smem:$0x3F94]  }
0x2c: {  	s7 =	sld [smem:$0x3F95]  }
0x2d: {  	s3 =	simm.s32 $0x108;
	s8 =	sld [smem:$0x3F96]  }
0x2e: {  	s3 =	simm.s32 @!p0 $0x1082;
	s9 =	sld [smem:$0x3F97]  }
0x2f: {  	lr =	sadd.s32 s0, s3;
	s0 =	sld [smem:$0x3F8E]  }
0x30: {  	s3 =	sld [smem:$0x3F91]  }
0x31: {  	[smem:$0x3F9A] =	sst s10  }
0x32: {  	s10 =	sld [smem:$0x3F98];
	_ =	sdelay $0x3  }
0x33: {  	p0 =	seq.s32 s10, $0x1;
	s10 =	sld [smem:$0x3F9A];
	_ =	sdelay $0x3  }
0x34: {  	[smem:$0x3F9A] =	sst s10  }
0x35: {  	s10 =	sld [smem:$0x3F99];
	_ =	sdelay $0x3  }
0x36: {  	p1 =	seq.s32 s10, $0x1;
	s10 =	sld [smem:$0x3F9A];
	_ =	sdelay $0x3  }
0x37: {  	[smem:$0x3F9A] =	sst s10  }
0x38: {  	s10 =	sld [smem:$0x3F9B]  }
0x39: {  	_ = 	snop;
	(pc) =	sbr.ind lr, $3  }
0x3a: {  	_ = 	snop  }
0x3b: {  	_ = 	snop  }
0x3c: {  	p2 =	seq.s32 s10, $0x1;
	s10 =	sld [smem:$0x3F9A]  }
0x3d: {  	_ =	shalt  }
0x3e: {  	_ =	shalt  }
0x3f: {  	_ =	shalt  }
0x40: {  	_ =	shalt  }
0x41: {  	_ =	shalt  }
0x42: {  	_ =	shalt  }
0x43: {  	_ =	shalt  }
0x44: {  	_ =	shalt  }
0x45: {  	_ =	shalt  }
0x46: {  	_ =	shalt  }
0x47: {  	_ =	shalt  }
0x48: {  	_ =	shalt  }
0x49: {  	_ =	shalt  }
0x4a: {  	_ =	shalt  }
0x4b: {  	_ =	shalt  }
0x4c: {  	_ =	shalt  }
0x4d: {  	_ =	shalt  }
0x4e: {  	_ =	shalt  }
0x4f: {  	_ =	shalt  }
0x50: {  	_ =	shalt  }
0x51: {  	_ =	shalt  }
0x52: {  	_ =	shalt  }
0x53: {  	_ =	shalt  }
0x54: {  	_ =	shalt  }
0x55: {  	_ =	shalt  }
0x56: {  	_ =	shalt  }
0x57: {  	_ =	shalt  }
0x58: {  	_ =	shalt  }
0x59: {  	_ =	shalt  }
0x5a: {  	_ =	shalt  }
0x5b: {  	_ =	shalt  }
0x5c: {  	_ =	shalt  }
0x5d: {  	_ =	shalt  }
0x5e: {  	_ =	shalt  }
0x5f: {  	_ =	shalt  }
0x60: {  	_ =	shalt  }
0x61: {  	_ =	shalt  }
0x62: {  	_ =	shalt  }
0x63: {  	_ =	shalt  }
0x64: {  	_ =	shalt  }
0x65: {  	_ =	shalt  }
0x66: {  	_ =	shalt  }
0x67: {  	_ =	shalt  }
0x68: {  	_ =	shalt  }
0x69: {  	_ =	shalt  }
0x6a: {  	_ =	shalt  }
0x6b: {  	_ =	shalt  }
0x6c: {  	_ =	shalt  }
0x6d: {  	_ =	shalt  }
0x6e: {  	_ =	shalt  }
0x6f: {  	_ =	shalt  }
0x70: {  	_ =	shalt  }
0x71: {  	_ =	shalt  }
0x72: {  	_ =	shalt  }
0x73: {  	_ =	shalt  }
0x74: {  	_ =	shalt  }
0x75: {  	_ =	shalt  }
0x76: {  	_ =	shalt  }
0x77: {  	_ =	shalt  }
0x78: {  	_ =	shalt  }
0x79: {  	_ =	shalt  }
0x7a: {  	_ =	shalt  }
0x7b: {  	_ =	shalt  }
0x7c: {  	_ =	shalt  }
0x7d: {  	_ =	shalt  }
0x7e: {  	_ =	shalt  }
0x7f: {  	_ =	shalt  }
0x80: {  	_ =	shalt  }
0x81: {  	_ =	shalt  }
0x82: {  	_ =	shalt  }
0x83: {  	_ =	shalt  }
0x84: {  	_ =	shalt  }
0x85: {  	_ =	shalt  }
0x86: {  	_ =	shalt  }
0x87: {  	_ =	shalt  }
.Lfunc_end0:
.L_simem_size_0:
called_computation.1_lowered:
.L_overlay_start_0:
0x88: {  	s2 =	sld [smem:$0x3FD9]  }
0x89: {  	s3 =	sld [smem:$0x3FFE];
	_ =	sdelay $0x1  }
0x8a: {  	s1 =	srdreg.scid  }
0x8b: {  	s0 =	sand.u32 $0x1, s1  }
0x8c: {  	s14 =	sshll.u32 s0, $0xA;
	s2 =	sadd.s32 s3, s2  }
0x8d: {  	s2 =	sadd.s32 s2, s14  }
0x8e: {  	[smem:$0x3FA6] =	sst s2  }
0x8f: {  	_ = 	snop  }
0x90: {  	s2 =	sld [smem:$0x3FD0];
	_ =	sdelay $0x2  }
0x91: {  	s15 =	simm.s32 $0xA;
	s4 =	simm.s32 $0x10  }
0x92: {  	[smem:s4], [sflag:s15] =	dma.local [hbm:s2], $0x1  }
0x93: {  	_ =	swait.eq [sflag:s15], $0x1  }
0x94: {  	[sflag:s15] =	ssyncset.done $0x0  }
0x95: {  	[sflag:s15] =	ssyncadd.s32 $0xFFFFFFFF  }
0x96: {  	s16 =	sld [smem:$0x11];
	(tm) =	ssettm $0x1  }
0x97: {  	s17 =	sld [smem:$0x3FFB];
	_ =	sdelay $0x3  }
0x98: {  	_ =	strace s17  }
0x99: {  	s3 =	sld [smem:$0x3FFC];
	_ =	sdelay $0x3  }
0x9a: {  	_ =	strace s3  }
0x9b: {  	s3 =	sld [smem:$0x3FFD];
	_ =	sdelay $0x3  }
0x9c: {  	_ =	strace s3  }
0x9d: {  	_ =	strace $0x8FFFFFFF  }
0x9e: {  	s18 =	sld [smem:$0x3FDB];
	_ =	sdelay $0x1  }
0x9f: {  	s19 =	simm.s32 $_scs_section_size  }
0xa0: {  	s5 =	simm.s32 $_size__tile_overlayer_lowered;
	s6 =	simm.s32 $_tile_overlayer_lowered  }
0xa1: {  	s22 =	simm.s32 $0x1BFF;
	s21 =	sshll.u32 s6, $0x1;
	s3 =	sadd.s32 s19, s18  }
0xa2: {  	s7 =	simm.s32 $0x0;
	s20 =	sshll.u32 s5, $0x1;
	s5 =	sadd.s32 s21, s3  }
0xa3: {  	[timem:s7], [sflag:s22] =	dma.local [hbm:s5], s20  }
0xa4: {  	_ =	swait.ge [sflag:s22], s20  }
0xa5: {  	s4 =	ssub.s32 $0x0, s20;
	[sflag:s22] =	ssyncset.done $0x0  }
0xa6: {  	[sflag:s22] =	ssyncadd.s32 s4;
	_ =	sdelay $0x1  }
0xa7: {  	s23 =	simm.s32 $0x1B8B  }
0xa8: {  	_ =	swait.ge [sflag:s23], $0x1  }
0xa9: {  	[sflag:s23] =	ssyncset.done $0x0  }
0xaa: {  	s25 =	simm.s32 $0x1B8E;
	s24 =	sld [smem:$0x3FFE];
	[sflag:s23] =	ssyncadd.s32 $0xFFFFFFFF  }
0xab: {  	s26 =	simm.s32 $execute0_lowered;
	[smem:$0x3FD2] =	sst s25  }
0xac: {  	s5 =	sshll.u32 s26, $0x1;
	_ =	strace $0x80000049;
	[dreg:$0x1] =	wrdreg $0xFFFFFFFF  }
0xad: {  	s28 =	simm.s32 $_size_execute0_lowered;
	s3 =	sadd.s32 s3, s5;
	[dreg:$0x0] =	wrdreg $0x0  }
0xae: {  	s5 =	sshll.u32 s28, $0x1;
	[dreg:$0x2] =	wrdreg s3  }
0xaf: {  	[dreg:$0x3] =	wrdreg s5  }
0xb0: {  	[dreg:$0x4] =	wrdreg $0xC0  }
0xb1: {  	_ =	task [dreg:s7], $0x5FFFF  }
0xb2: {  	[dreg:$0x1] =	wrdreg $0xFFFFFFFF  }
0xb3: {  	[dreg:$0x0] =	wrdreg $0x60  }
0xb4: {  	[dreg:$0x2] =	wrdreg s24  }
0xb5: {  	[dreg:$0x3] =	wrdreg s16  }
0xb6: {  	[dreg:$0x4] =	wrdreg $0x9  }
0xb7: {  	_ =	task.clear_ibuf [dreg:s7], $0x5FFFF;
	_ =	strace $0x90000049  }
0xb8: {  	s29 =	simm.s32 $0x9;
	_ =	strace $0x8000004B  }
0xb9: {  	_ =	swait.ge [sflag:s29], $0x1  }
0xba: {  	[sflag:s29] =	ssyncadd.s32 $0xFFFFFFFF  }
0xbb: {  	_ =	strace $0x9000004B  }
0xbc: {  	_ =	sfence  }
0xbd: {  	s30 =	sld [smem:$0x0];
	_ =	sdelay $0x2  }
0xbe: {  	s31 =	sshll.u32 s1, $0xD;
	s1 =	sshrl.u32 s1, $0x2  }
0xbf: {  	s3 =	sand.u32 $0x4000, s31;
	s1 =	sadd.s32 s1, s30  }
0xc0: {  	s0 =	sor.u32 s3, s0;
	s1 =	sshll.u32 s1, $0x11  }
0xc1: {  	s0 =	sor.u32 s1, s0  }
0xc2: {  	s0 =	sadd.s32 $0x8F2B, s0  }
0xc3: {  	[sflag:s0] =	ssyncadd.remote.s32 $0x1  }
0xc4: {  	_ =	sfence.sel $0xFFFF  }
0xc5: {  	[dreg:$0x0] =	wrdreg $0xFFFFFFFF;
	(pc) =	sbr.abs _section_cstart, $3  }
0xc6: {  	[dreg:$0x1] =	wrdreg $0xFFFFFFFF  }
0xc7: {  	_ =	task.clear_ibuf [dreg:s7], $0x2FFFF;
	_ =	strace $0x9FFFFFFF  }
0xc8: {  	(tm) =	ssettm $0x7FFFFFFF  }
0xc9: {  	_ =	shalt  }
tec
execute0_lowered:
.L_overlay_start_1:
0x0: {  	(tag) =	ssettag $0x1  }
0x1: {  	s2 =	stileid.u32;
	s4 =	rddreg [dreg:$0x0]  }
0x2: {  	s3 =	rddreg [dreg:$0x1];
	s14 =	sshll.u32 s2, $0x1;
	s2 =	simm.s32 $0x0  }
0x3: {  	s15 =	simm.s32 $0x800;
	[smem:$0x7FF] =	sst s2  }
0x4: {  	s16 =	simm.s32 $0x880;
	_ =	strace $0x8000004A;
	[dreg:$0x5] =	wrdreg s15  }
0x5: {  	s0 =	srdreg.scid;
	s17 =	simm.s32 $0x100;
	[dreg:$0x6] =	wrdreg s16  }
0x6: {  	s18 =	simm.s32 $0x900;
	s19 =	simm.s32 $0x180;
	[dreg:$0x7] =	wrdreg s17  }
0x7: {  	s20 =	simm.s32 $0x980;
	s1 =	sand.u32 $0x1, s0;
	[dreg:$0x8] =	wrdreg s18  }
0x8: {  	s21 =	simm.s32 $0x200;
	s0 =	sor.u32 s1, s14;
	[dreg:$0x9] =	wrdreg s19  }
0x9: {  	s5 =	sshll.u32 s0, $0x8;
	s0 =	sshll.u32 s0, $0x2;
	[dreg:$0xa] =	wrdreg s20  }
0xa: {  	[dreg:$0xb] =	wrdreg s21;
	s5 =	sadd.s32 s5, s4;
	s0 =	sadd.s32 s3, s0  }
0xb: {  	s5 =	sadd.s32 $0x361600, s5;
	[dreg:$0x4] =	wrdreg s0  }
0xc: {  	[dreg:$0x3] =	wrdreg s5  }
0xd: {  	s3 =	simm.s32 $0x2;
	s5 =	rddreg [dreg:$0x3]  }
0xe: {  	[tilespmem:s2], [sflag:$0x2] =	stream.linear.gather [hbm4b:s5+s2], $0x800, $0x38;
	[tilespmem:$0x1080] =	vst v63  }
0xf: {  	_ =	swait.ge [sflag:s3], $0x800  }
0x10: {  	s22 =	rddreg [dreg:$0x5]  }
0x11: {  	s4 =	sadd.s32 $0x1600, s4;
	s6 =	rddreg [dreg:$0x6];
	[sflag:s3] =	ssyncset.done $0x0  }
0x12: {  	s5 =	simm.s32 $0x80;
	s7 =	rddreg [dreg:$0x8];
	[sflag:s3] =	ssyncadd.s32 $0xFFFFF800  }
0x13: {  	[tilespmem:s22], [sflag:$0x1] =	stream.indirect.gather [hbm4b:s4+s5], $0x1, s2, s5, $0xb8;
	[tilespmem:$0x1080] =	vst v63  }
0x14: {  	s8 =	rddreg [dreg:$0x7]  }
0x15: {  	[tilespmem:s6], [sflag:$0x1] =	stream.indirect.gather [hbm4b:s4+s5], $0x1, s5, s5, $0xb8;
	[tilespmem:$0x1080] =	vst v63  }
0x16: {  	s23 =	rddreg [dreg:$0x9]  }
0x17: {  	[tilespmem:s7], [sflag:$0x1] =	stream.indirect.gather [hbm4b:s4+s5], $0x1, s8, s5, $0xb8;
	[tilespmem:$0x1080] =	vst v63  }
0x18: {  	s24 =	rddreg [dreg:$0xa]  }
0x19: {  	[tilespmem:s24], [sflag:$0x1] =	stream.indirect.gather [hbm4b:s4+s5], $0x1, s23, s5, $0xb8;
	[tilespmem:$0x1080] =	vst v63  }
0x1a: {  	s26 =	simm.s32 $0xA00;
	s25 =	rddreg [dreg:$0xb]  }
0x1b: {  	[tilespmem:s26], [sflag:$0x1] =	stream.indirect.gather [hbm4b:s4+s5], $0x1, s25, s5, $0xb8;
	[tilespmem:$0x1080] =	vst v63  }
0x1c: {  	s6 =	simm.s32 $0x280;
	s7 =	simm.s32 $0xA80  }
0x1d: {  	[tilespmem:s7], [sflag:$0x1] =	stream.indirect.gather [hbm4b:s4+s5], $0x1, s6, s5, $0xb8;
	[tilespmem:$0x1080] =	vst v63  }
0x1e: {  	s9 =	simm.s32 $0x300;
	s10 =	simm.s32 $0xB00  }
0x1f: {  	[tilespmem:s10], [sflag:$0x1] =	stream.indirect.gather [hbm4b:s4+s5], $0x1, s9, s5, $0xb8;
	[tilespmem:$0x1080] =	vst v63  }
0x20: {  	s11 =	simm.s32 $0x380;
	s12 =	simm.s32 $0xB80  }
0x21: {  	[tilespmem:s12], [sflag:$0x1] =	stream.indirect.gather [hbm4b:s4+s5], $0x1, s11, s5, $0xb8;
	[tilespmem:$0x1080] =	vst v63  }
0x22: {  	s13 =	simm.s32 $0x400;
	s14 =	simm.s32 $0xC00  }
0x23: {  	[tilespmem:s14], [sflag:$0x1] =	stream.indirect.gather [hbm4b:s4+s5], $0x1, s13, s5, $0xb8;
	[tilespmem:$0x1080] =	vst v63  }
0x24: {  	s15 =	simm.s32 $0x480;
	s16 =	simm.s32 $0xC80  }
0x25: {  	[tilespmem:s16], [sflag:$0x1] =	stream.indirect.gather [hbm4b:s4+s5], $0x1, s15, s5, $0xb8;
	[tilespmem:$0x1080] =	vst v63  }
0x26: {  	s17 =	simm.s32 $0x500;
	s18 =	simm.s32 $0xD00  }
0x27: {  	[tilespmem:s18], [sflag:$0x1] =	stream.indirect.gather [hbm4b:s4+s5], $0x1, s17, s5, $0xb8;
	[tilespmem:$0x1080] =	vst v63  }
0x28: {  	s19 =	simm.s32 $0x580;
	s20 =	simm.s32 $0xD80  }
0x29: {  	[tilespmem:s20], [sflag:$0x1] =	stream.indirect.gather [hbm4b:s4+s5], $0x1, s19, s5, $0xb8;
	[tilespmem:$0x1080] =	vst v63  }
0x2a: {  	s21 =	simm.s32 $0x600;
	s22 =	simm.s32 $0xE00  }
0x2b: {  	[tilespmem:s22], [sflag:$0x1] =	stream.indirect.gather [hbm4b:s4+s5], $0x1, s21, s5, $0xb8;
	[tilespmem:$0x1080] =	vst v63  }
0x2c: {  	s23 =	simm.s32 $0x680;
	s24 =	simm.s32 $0xE80  }
0x2d: {  	[tilespmem:s24], [sflag:$0x1] =	stream.indirect.gather [hbm4b:s4+s5], $0x1, s23, s5, $0xb8;
	[tilespmem:$0x1080] =	vst v63  }
0x2e: {  	s25 =	simm.s32 $0x700;
	s26 =	simm.s32 $0xF00  }
0x2f: {  	[tilespmem:s26], [sflag:$0x1] =	stream.indirect.gather [hbm4b:s4+s5], $0x1, s25, s5, $0xb8;
	[tilespmem:$0x1080] =	vst v63  }
0x30: {  	s28 =	simm.s32 $0x780;
	s29 =	simm.s32 $0xF80;
	s30 =	simm.s32 $0x1  }
0x31: {  	[tilespmem:s29], [sflag:$0x1] =	stream.indirect.gather [hbm4b:s4+s5], $0x1, s28, s5, $0xb8;
	[tilespmem:$0x1080] =	vst v63  }
0x32: {  	_ =	swait.ge [sflag:s30], $0x80  }
0x33: {  	[sflag:s30] =	ssyncset.done $0x0  }
0x34: {  	[sflag:s30] =	ssyncadd.s32 $0xFFFFFF80  }
0x35: {  	_ =	swait.ge [sflag:s30], $0x80  }
0x36: {  	[sflag:s30] =	ssyncset.done $0x0  }
0x37: {  	[sflag:s30] =	ssyncadd.s32 $0xFFFFFF80  }
0x38: {  	_ =	swait.ge [sflag:s30], $0x80  }
0x39: {  	[sflag:s30] =	ssyncset.done $0x0  }
0x3a: {  	[sflag:s30] =	ssyncadd.s32 $0xFFFFFF80  }
0x3b: {  	_ =	swait.ge [sflag:s30], $0x80  }
0x3c: {  	[sflag:s30] =	ssyncset.done $0x0  }
0x3d: {  	[sflag:s30] =	ssyncadd.s32 $0xFFFFFF80  }
0x3e: {  	_ =	swait.ge [sflag:s30], $0x80  }
0x3f: {  	[sflag:s30] =	ssyncset.done $0x0  }
0x40: {  	[sflag:s30] =	ssyncadd.s32 $0xFFFFFF80  }
0x41: {  	_ =	swait.ge [sflag:s30], $0x80  }
0x42: {  	[sflag:s30] =	ssyncset.done $0x0  }
0x43: {  	[sflag:s30] =	ssyncadd.s32 $0xFFFFFF80  }
0x44: {  	_ =	swait.ge [sflag:s30], $0x80  }
0x45: {  	[sflag:s30] =	ssyncset.done $0x0  }
0x46: {  	[sflag:s30] =	ssyncadd.s32 $0xFFFFFF80  }
0x47: {  	_ =	swait.ge [sflag:s30], $0x80  }
0x48: {  	[sflag:s30] =	ssyncset.done $0x0  }
0x49: {  	[sflag:s30] =	ssyncadd.s32 $0xFFFFFF80  }
0x4a: {  	_ =	swait.ge [sflag:s30], $0x80  }
0x4b: {  	[sflag:s30] =	ssyncset.done $0x0  }
0x4c: {  	[sflag:s30] =	ssyncadd.s32 $0xFFFFFF80  }
0x4d: {  	_ =	swait.ge [sflag:s30], $0x80  }
0x4e: {  	[sflag:s30] =	ssyncset.done $0x0  }
0x4f: {  	[sflag:s30] =	ssyncadd.s32 $0xFFFFFF80  }
0x50: {  	_ =	swait.ge [sflag:s30], $0x80  }
0x51: {  	[sflag:s30] =	ssyncset.done $0x0  }
0x52: {  	[sflag:s30] =	ssyncadd.s32 $0xFFFFFF80  }
0x53: {  	_ =	swait.ge [sflag:s30], $0x80  }
0x54: {  	[sflag:s30] =	ssyncset.done $0x0  }
0x55: {  	[sflag:s30] =	ssyncadd.s32 $0xFFFFFF80  }
0x56: {  	_ =	swait.ge [sflag:s30], $0x80  }
0x57: {  	[sflag:s30] =	ssyncset.done $0x0  }
0x58: {  	[sflag:s30] =	ssyncadd.s32 $0xFFFFFF80  }
0x59: {  	_ =	swait.ge [sflag:s30], $0x80  }
0x5a: {  	[sflag:s30] =	ssyncset.done $0x0  }
0x5b: {  	[sflag:s30] =	ssyncadd.s32 $0xFFFFFF80  }
0x5c: {  	_ =	swait.ge [sflag:s30], $0x80  }
0x5d: {  	[sflag:s30] =	ssyncset.done $0x0  }
0x5e: {  	[sflag:s30] =	ssyncadd.s32 $0xFFFFFF80  }
0x5f: {  	_ =	swait.ge [sflag:s30], $0x80  }
0x60: {  	[sflag:s30] =	ssyncset.done $0x0  }
0x61: {  	[sflag:s30] =	ssyncadd.s32 $0xFFFFFF80  }
0x62: {  	v0 =	vld [tilespmem:$0x800]  }
0x63: {  	v1 =	vld [tilespmem:$0x810]  }
0x64: {  	v2 =	vld [tilespmem:$0xC00]  }
0x65: {  	v3 =	vld [tilespmem:$0xC10]  }
0x66: {  	v4 =	vld [tilespmem:$0x820]  }
0x67: {  	v5 =	vld [tilespmem:$0xC20];
	v0 =	vadd.f32 $0.0e+00, v0  }
0x68: {  	v6 =	vld [tilespmem:$0x830]  }
0x69: {  	v7 =	vld [tilespmem:$0x840];
	v2 =	vadd.f32 $0.0e+00, v2;
	v0 =	vadd.f32 v1, v0  }
0x6a: {  	v1 =	vld [tilespmem:$0xC30]  }
0x6b: {  	v40 =	vld [tilespmem:$0x850];
	v2 =	vadd.f32 v3, v2;
	v0 =	vadd.f32 v4, v0  }
0x6c: {  	v3 =	vld [tilespmem:$0xC40]  }
0x6d: {  	v41 =	vld [tilespmem:$0xC50];
	v2 =	vadd.f32 v5, v2;
	v0 =	vadd.f32 v6, v0  }
0x6e: {  	v42 =	vld [tilespmem:$0x860]  }
0x6f: {  	v43 =	vld [tilespmem:$0x870];
	v1 =	vadd.f32 v1, v2;
	v0 =	vadd.f32 v7, v0  }
0x70: {  	v2 =	vld [tilespmem:$0xC60]  }
0x71: {  	v44 =	vld [tilespmem:$0x880];
	v1 =	vadd.f32 v3, v1;
	v0 =	vadd.f32 v40, v0  }
0x72: {  	v3 =	vld [tilespmem:$0xC70]  }
0x73: {  	v45 =	vld [tilespmem:$0xC80];
	v1 =	vadd.f32 v41, v1;
	v0 =	vadd.f32 v42, v0  }
0x74: {  	v46 =	vld [tilespmem:$0x890]  }
0x75: {  	v47 =	vld [tilespmem:$0x8A0];
	v1 =	vadd.f32 v2, v1;
	v0 =	vadd.f32 v43, v0  }
0x76: {  	v2 =	vld [tilespmem:$0xC90]  }
0x77: {  	v48 =	vld [tilespmem:$0x8B0];
	v1 =	vadd.f32 v3, v1;
	v0 =	vadd.f32 v44, v0  }
0x78: {  	v3 =	vld [tilespmem:$0xCA0]  }
0x79: {  	v49 =	vld [tilespmem:$0xCB0];
	v1 =	vadd.f32 v45, v1;
	v0 =	vadd.f32 v46, v0  }
0x7a: {  	v50 =	vld [tilespmem:$0x8C0]  }
0x7b: {  	v51 =	vld [tilespmem:$0x8D0];
	v1 =	vadd.f32 v2, v1;
	v0 =	vadd.f32 v47, v0  }
0x7c: {  	v2 =	vld [tilespmem:$0xCC0]  }
0x7d: {  	v52 =	vld [tilespmem:$0x8E0];
	v1 =	vadd.f32 v3, v1;
	v0 =	vadd.f32 v48, v0  }
0x7e: {  	v3 =	vld [tilespmem:$0xCD0]  }
0x7f: {  	v53 =	vld [tilespmem:$0xCE0];
	v1 =	vadd.f32 v49, v1;
	v0 =	vadd.f32 v50, v0  }
0x80: {  	v54 =	vld [tilespmem:$0x8F0]  }
0x81: {  	v55 =	vld [tilespmem:$0x900];
	v1 =	vadd.f32 v2, v1;
	v0 =	vadd.f32 v51, v0  }
0x82: {  	v2 =	vld [tilespmem:$0xCF0]  }
0x83: {  	v56 =	vld [tilespmem:$0x910];
	v1 =	vadd.f32 v3, v1;
	v0 =	vadd.f32 v52, v0  }
0x84: {  	v3 =	vld [tilespmem:$0xD00]  }
0x85: {  	v57 =	vld [tilespmem:$0xD10];
	v1 =	vadd.f32 v53, v1;
	v0 =	vadd.f32 v54, v0  }
0x86: {  	v58 =	vld [tilespmem:$0x920]  }
0x87: {  	v59 =	vld [tilespmem:$0x930];
	v1 =	vadd.f32 v2, v1;
	v0 =	vadd.f32 v55, v0  }
0x88: {  	v2 =	vld [tilespmem:$0xD20]  }
0x89: {  	v60 =	vld [tilespmem:$0x940];
	v1 =	vadd.f32 v3, v1;
	v0 =	vadd.f32 v56, v0  }
0x8a: {  	v3 =	vld [tilespmem:$0xD30]  }
0x8b: {  	v61 =	vld [tilespmem:$0xD40];
	v1 =	vadd.f32 v57, v1;
	v0 =	vadd.f32 v58, v0  }
0x8c: {  	v62 =	vld [tilespmem:$0x950]  }
0x8d: {  	v63 =	vld [tilespmem:$0x960];
	v1 =	vadd.f32 v2, v1;
	v0 =	vadd.f32 v59, v0  }
0x8e: {  	v2 =	vld [tilespmem:$0xD50]  }
0x8f: {  	v9 =	vld [tilespmem:$0x970];
	v1 =	vadd.f32 v3, v1;
	v0 =	vadd.f32 v60, v0  }
0x90: {  	v3 =	vld [tilespmem:$0xD60]  }
0x91: {  	v10 =	vld [tilespmem:$0xD70];
	v1 =	vadd.f32 v61, v1;
	v0 =	vadd.f32 v62, v0  }
0x92: {  	v11 =	vld [tilespmem:$0x980]  }
0x93: {  	v12 =	vld [tilespmem:$0x990];
	v1 =	vadd.f32 v2, v1;
	v0 =	vadd.f32 v63, v0  }
0x94: {  	v2 =	vld [tilespmem:$0xD80]  }
0x95: {  	v13 =	vld [tilespmem:$0x9A0];
	v1 =	vadd.f32 v3, v1;
	v0 =	vadd.f32 v9, v0  }
0x96: {  	v3 =	vld [tilespmem:$0xD90]  }
0x97: {  	v14 =	vld [tilespmem:$0xDA0];
	v1 =	vadd.f32 v10, v1;
	v0 =	vadd.f32 v11, v0  }
0x98: {  	v15 =	vld [tilespmem:$0x9B0]  }
0x99: {  	v16 =	vld [tilespmem:$0x9C0];
	v1 =	vadd.f32 v2, v1;
	v0 =	vadd.f32 v12, v0  }
0x9a: {  	v2 =	vld [tilespmem:$0xDB0]  }
0x9b: {  	v17 =	vld [tilespmem:$0x9D0];
	v1 =	vadd.f32 v3, v1;
	v0 =	vadd.f32 v13, v0  }
0x9c: {  	v3 =	vld [tilespmem:$0xDC0]  }
0x9d: {  	v18 =	vld [tilespmem:$0xDD0];
	v1 =	vadd.f32 v14, v1;
	v0 =	vadd.f32 v15, v0  }
0x9e: {  	v19 =	vld [tilespmem:$0x9E0]  }
0x9f: {  	v20 =	vld [tilespmem:$0x9F0];
	v1 =	vadd.f32 v2, v1;
	v0 =	vadd.f32 v16, v0  }
0xa0: {  	v2 =	vld [tilespmem:$0xDE0]  }
0xa1: {  	v21 =	vld [tilespmem:$0xA00];
	v1 =	vadd.f32 v3, v1;
	v0 =	vadd.f32 v17, v0  }
0xa2: {  	v3 =	vld [tilespmem:$0xDF0]  }
0xa3: {  	v22 =	vld [tilespmem:$0xE00];
	v1 =	vadd.f32 v18, v1;
	v0 =	vadd.f32 v19, v0  }
0xa4: {  	v23 =	vld [tilespmem:$0xA10]  }
0xa5: {  	v24 =	vld [tilespmem:$0xA20];
	v1 =	vadd.f32 v2, v1;
	v0 =	vadd.f32 v20, v0  }
0xa6: {  	v2 =	vld [tilespmem:$0xE10]  }
0xa7: {  	v25 =	vld [tilespmem:$0xA30];
	v1 =	vadd.f32 v3, v1;
	v0 =	vadd.f32 v21, v0  }
0xa8: {  	v3 =	vld [tilespmem:$0xE20]  }
0xa9: {  	v26 =	vld [tilespmem:$0xE30];
	v1 =	vadd.f32 v22, v1;
	v0 =	vadd.f32 v23, v0  }
0xaa: {  	v27 =	vld [tilespmem:$0xA40]  }
0xab: {  	v28 =	vld [tilespmem:$0xA50];
	v1 =	vadd.f32 v2, v1;
	v0 =	vadd.f32 v24, v0  }
0xac: {  	v2 =	vld [tilespmem:$0xE40]  }
0xad: {  	v29 =	vld [tilespmem:$0xA60];
	v1 =	vadd.f32 v3, v1;
	v0 =	vadd.f32 v25, v0  }
0xae: {  	v3 =	vld [tilespmem:$0xE50]  }
0xaf: {  	v30 =	vld [tilespmem:$0xE60];
	v1 =	vadd.f32 v26, v1;
	v0 =	vadd.f32 v27, v0  }
0xb0: {  	v31 =	vld [tilespmem:$0xA70]  }
0xb1: {  	v32 =	vld [tilespmem:$0xA80];
	v1 =	vadd.f32 v2, v1;
	v0 =	vadd.f32 v28, v0  }
0xb2: {  	v2 =	vld [tilespmem:$0xE70]  }
0xb3: {  	v33 =	vld [tilespmem:$0xA90];
	v1 =	vadd.f32 v3, v1;
	v0 =	vadd.f32 v29, v0  }
0xb4: {  	v3 =	vld [tilespmem:$0xE80]  }
0xb5: {  	v34 =	vld [tilespmem:$0xE90];
	v1 =	vadd.f32 v30, v1;
	v0 =	vadd.f32 v31, v0  }
0xb6: {  	v35 =	vld [tilespmem:$0xAA0]  }
0xb7: {  	v36 =	vld [tilespmem:$0xAB0];
	v1 =	vadd.f32 v2, v1;
	v0 =	vadd.f32 v32, v0  }
0xb8: {  	v2 =	vld [tilespmem:$0xEA0]  }
0xb9: {  	v37 =	vld [tilespmem:$0xAC0];
	v1 =	vadd.f32 v3, v1;
	v0 =	vadd.f32 v33, v0  }
0xba: {  	v3 =	vld [tilespmem:$0xEB0]  }
0xbb: {  	v38 =	vld [tilespmem:$0xEC0];
	v1 =	vadd.f32 v34, v1;
	v0 =	vadd.f32 v35, v0  }
0xbc: {  	v39 =	vld [tilespmem:$0xAD0]  }
0xbd: {  	v40 =	vld [tilespmem:$0xAE0];
	v1 =	vadd.f32 v2, v1;
	v0 =	vadd.f32 v36, v0  }
0xbe: {  	v2 =	vld [tilespmem:$0xED0]  }
0xbf: {  	v41 =	vld [tilespmem:$0xAF0];
	v1 =	vadd.f32 v3, v1;
	v0 =	vadd.f32 v37, v0  }
0xc0: {  	v3 =	vld [tilespmem:$0xEE0]  }
0xc1: {  	v42 =	vld [tilespmem:$0xEF0];
	v1 =	vadd.f32 v38, v1;
	v0 =	vadd.f32 v39, v0  }
0xc2: {  	v43 =	vld [tilespmem:$0xB00]  }
0xc3: {  	v44 =	vld [tilespmem:$0xB10];
	v1 =	vadd.f32 v2, v1;
	v0 =	vadd.f32 v40, v0  }
0xc4: {  	v2 =	vld [tilespmem:$0xF00]  }
0xc5: {  	v45 =	vld [tilespmem:$0xB20];
	v1 =	vadd.f32 v3, v1;
	v0 =	vadd.f32 v41, v0  }
0xc6: {  	v3 =	vld [tilespmem:$0xF10]  }
0xc7: {  	v46 =	vld [tilespmem:$0xF20];
	v1 =	vadd.f32 v42, v1;
	v0 =	vadd.f32 v43, v0  }
0xc8: {  	v47 =	vld [tilespmem:$0xB30]  }
0xc9: {  	v48 =	vld [tilespmem:$0xB40];
	v1 =	vadd.f32 v2, v1;
	v0 =	vadd.f32 v44, v0  }
0xca: {  	v2 =	vld [tilespmem:$0xF30]  }
0xcb: {  	v49 =	vld [tilespmem:$0xB50];
	v1 =	vadd.f32 v3, v1;
	v0 =	vadd.f32 v45, v0  }
0xcc: {  	v3 =	vld [tilespmem:$0xF40]  }
0xcd: {  	v50 =	vld [tilespmem:$0xF50];
	v1 =	vadd.f32 v46, v1;
	v0 =	vadd.f32 v47, v0  }
0xce: {  	v51 =	vld [tilespmem:$0xB60]  }
0xcf: {  	v52 =	vld [tilespmem:$0xB70];
	v1 =	vadd.f32 v2, v1;
	v0 =	vadd.f32 v48, v0  }
0xd0: {  	v2 =	vld [tilespmem:$0xF60]  }
0xd1: {  	v53 =	vld [tilespmem:$0xB80];
	v1 =	vadd.f32 v3, v1;
	v0 =	vadd.f32 v49, v0  }
0xd2: {  	v3 =	vld [tilespmem:$0xF70]  }
0xd3: {  	v54 =	vld [tilespmem:$0xF80];
	v1 =	vadd.f32 v50, v1;
	v0 =	vadd.f32 v51, v0  }
0xd4: {  	v55 =	vld [tilespmem:$0xB90]  }
0xd5: {  	v56 =	vld [tilespmem:$0xBA0];
	v1 =	vadd.f32 v2, v1;
	v0 =	vadd.f32 v52, v0  }
0xd6: {  	v2 =	vld [tilespmem:$0xF90]  }
0xd7: {  	v57 =	vld [tilespmem:$0xBB0];
	v1 =	vadd.f32 v3, v1;
	v0 =	vadd.f32 v53, v0  }
0xd8: {  	v3 =	vld [tilespmem:$0xFA0]  }
0xd9: {  	v58 =	vld [tilespmem:$0xFB0];
	v1 =	vadd.f32 v54, v1;
	v0 =	vadd.f32 v55, v0  }
0xda: {  	v59 =	vld [tilespmem:$0xBC0]  }
0xdb: {  	v60 =	vld [tilespmem:$0xBD0];
	v1 =	vadd.f32 v2, v1;
	v0 =	vadd.f32 v56, v0  }
0xdc: {  	v2 =	vld [tilespmem:$0xFC0]  }
0xdd: {  	v61 =	vld [tilespmem:$0xBE0];
	v1 =	vadd.f32 v3, v1;
	v0 =	vadd.f32 v57, v0  }
0xde: {  	s8 =	ssub.s32 $0x2, s1;
	v3 =	vld [tilespmem:$0xFD0]  }
0xdf: {  	s1 =	sshrl.u32 s8, $0x1;
	v62 =	vld [tilespmem:$0xFE0];
	v1 =	vadd.f32 v58, v1;
	v0 =	vadd.f32 v59, v0  }
0xe0: {  	s0 =	ssub.s32 s8, s1;
	v63 =	vld [tilespmem:$0xBF0]  }
0xe1: {  	s0 =	smax.u32 s0, $0x1;
	v1 =	vadd.f32 v2, v1;
	v0 =	vadd.f32 v60, v0  }
0xe2: {  	p0 =	sne.s32 s0, $0x1;
	v2 =	vld [tilespmem:$0xFF0]  }
.Ltmp0:
0xe3: {  	v1 =	vadd.f32 v3, v1;
	v0 =	vadd.f32 v61, v0;
	(pc) =	sbr.rel @!p0 .LBB2_2-.Ltmp0, $3  }
0xe4: {  	_ = 	snop  }
0xe5: {  	v1 =	vadd.f32 v62, v1;
	v3 =	vadd.f32 v63, v0;
	_ =	sdelay $0x1  }
0xe6: {  	s1 =	simm.s32 $0x1000;
	s31 =	sadd.s32 $0xFFFFFFFF, s0;
	s0 =	rddreg [dreg:$0x4];
	v0 =	vadd.f32 v2, v1;
	[tilespmem:$0x1000] =	vst v3  }
.LBB2_1:
0xe7: {  	_ = 	snop  }
0xe8: {  	[tilespmem:$0x1010] =	vst v0  }
0xe9: {  	[hbm4b:s0+s2] =	stream.linear.scatter [tilespmem:s1], [sflag:$0x2], $0x20, $0x38;
	[tilespmem:$0x1080] =	vst v63  }
0xea: {  	_ =	swait.ge [sflag:s3], $0x20  }
0xeb: {  	[sflag:s3] =	ssyncset.done $0x0  }
0xec: {  	s7 =	rddreg [dreg:$0x3];
	[sflag:s3] =	ssyncadd.s32 $0xFFFFFFE0  }
0xed: {  	[tilespmem:s2], [sflag:$0x2] =	stream.linear.gather [hbm4b:s7+s2], $0x800, $0x38;
	[tilespmem:$0x1080] =	vst v63  }
0xee: {  	_ =	swait.ge [sflag:s3], $0x800  }
0xef: {  	s0 =	rddreg [dreg:$0x5]  }
0xf0: {  	[sflag:s3] =	ssyncset.done $0x0;
	s6 =	rddreg [dreg:$0x6]  }
0xf1: {  	s7 =	rddreg [dreg:$0x8];
	[sflag:s3] =	ssyncadd.s32 $0xFFFFF800  }
0xf2: {  	[tilespmem:s0], [sflag:$0x1] =	stream.indirect.gather [hbm4b:s4+s5], $0x1, s2, s5, $0xb8;
	[tilespmem:$0x1080] =	vst v63  }
0xf3: {  	s8 =	rddreg [dreg:$0x7]  }
0xf4: {  	[tilespmem:s6], [sflag:$0x1] =	stream.indirect.gather [hbm4b:s4+s5], $0x1, s5, s5, $0xb8;
	[tilespmem:$0x1080] =	vst v63  }
0xf5: {  	s0 =	rddreg [dreg:$0x9]  }
0xf6: {  	[tilespmem:s7], [sflag:$0x1] =	stream.indirect.gather [hbm4b:s4+s5], $0x1, s8, s5, $0xb8;
	[tilespmem:$0x1080] =	vst v63  }
0xf7: {  	s6 =	rddreg [dreg:$0xa]  }
0xf8: {  	[tilespmem:s6], [sflag:$0x1] =	stream.indirect.gather [hbm4b:s4+s5], $0x1, s0, s5, $0xb8;
	[tilespmem:$0x1080] =	vst v63  }
0xf9: {  	s8 =	rddreg [dreg:$0xb];
	s6 =	simm.s32 $0xA00  }
0xfa: {  	[tilespmem:s6], [sflag:$0x1] =	stream.indirect.gather [hbm4b:s4+s5], $0x1, s8, s5, $0xb8;
	[tilespmem:$0x1080] =	vst v63  }
0xfb: {  	s7 =	simm.s32 $0x280;
	s8 =	simm.s32 $0xA80  }
0xfc: {  	[tilespmem:s8], [sflag:$0x1] =	stream.indirect.gather [hbm4b:s4+s5], $0x1, s7, s5, $0xb8;
	[tilespmem:$0x1080] =	vst v63  }
0xfd: {  	_ = 	snop  }
0xfe: {  	[tilespmem:s10], [sflag:$0x1] =	stream.indirect.gather [hbm4b:s4+s5], $0x1, s9, s5, $0xb8;
	[tilespmem:$0x1080] =	vst v63  }
0xff: {  	_ = 	snop  }
0x100: {  	[tilespmem:s12], [sflag:$0x1] =	stream.indirect.gather [hbm4b:s4+s5], $0x1, s11, s5, $0xb8;
	[tilespmem:$0x1080] =	vst v63  }
0x101: {  	_ = 	snop  }
0x102: {  	[tilespmem:s14], [sflag:$0x1] =	stream.indirect.gather [hbm4b:s4+s5], $0x1, s13, s5, $0xb8;
	[tilespmem:$0x1080] =	vst v63  }
0x103: {  	_ = 	snop  }
0x104: {  	[tilespmem:s16], [sflag:$0x1] =	stream.indirect.gather [hbm4b:s4+s5], $0x1, s15, s5, $0xb8;
	[tilespmem:$0x1080] =	vst v63  }
0x105: {  	_ = 	snop  }
0x106: {  	[tilespmem:s18], [sflag:$0x1] =	stream.indirect.gather [hbm4b:s4+s5], $0x1, s17, s5, $0xb8;
	[tilespmem:$0x1080] =	vst v63  }
0x107: {  	_ = 	snop  }
0x108: {  	[tilespmem:s20], [sflag:$0x1] =	stream.indirect.gather [hbm4b:s4+s5], $0x1, s19, s5, $0xb8;
	[tilespmem:$0x1080] =	vst v63  }
0x109: {  	_ = 	snop  }
0x10a: {  	[tilespmem:s22], [sflag:$0x1] =	stream.indirect.gather [hbm4b:s4+s5], $0x1, s21, s5, $0xb8;
	[tilespmem:$0x1080] =	vst v63  }
0x10b: {  	_ = 	snop  }
0x10c: {  	[tilespmem:s24], [sflag:$0x1] =	stream.indirect.gather [hbm4b:s4+s5], $0x1, s23, s5, $0xb8;
	[tilespmem:$0x1080] =	vst v63  }
0x10d: {  	_ = 	snop  }
0x10e: {  	[tilespmem:s26], [sflag:$0x1] =	stream.indirect.gather [hbm4b:s4+s5], $0x1, s25, s5, $0xb8;
	[tilespmem:$0x1080] =	vst v63  }
0x10f: {  	_ = 	snop  }
0x110: {  	[tilespmem:s29], [sflag:$0x1] =	stream.indirect.gather [hbm4b:s4+s5], $0x1, s28, s5, $0xb8;
	[tilespmem:$0x1080] =	vst v63  }
0x111: {  	_ =	swait.ge [sflag:s30], $0x80  }
0x112: {  	[sflag:s30] =	ssyncset.done $0x0  }
0x113: {  	[sflag:s30] =	ssyncadd.s32 $0xFFFFFF80  }
0x114: {  	_ =	swait.ge [sflag:s30], $0x80  }
0x115: {  	[sflag:s30] =	ssyncset.done $0x0  }
0x116: {  	[sflag:s30] =	ssyncadd.s32 $0xFFFFFF80  }
0x117: {  	_ =	swait.ge [sflag:s30], $0x80  }
0x118: {  	[sflag:s30] =	ssyncset.done $0x0  }
0x119: {  	[sflag:s30] =	ssyncadd.s32 $0xFFFFFF80  }
0x11a: {  	_ =	swait.ge [sflag:s30], $0x80  }
0x11b: {  	[sflag:s30] =	ssyncset.done $0x0  }
0x11c: {  	[sflag:s30] =	ssyncadd.s32 $0xFFFFFF80  }
0x11d: {  	_ =	swait.ge [sflag:s30], $0x80  }
0x11e: {  	[sflag:s30] =	ssyncset.done $0x0  }
0x11f: {  	[sflag:s30] =	ssyncadd.s32 $0xFFFFFF80  }
0x120: {  	_ =	swait.ge [sflag:s30], $0x80  }
0x121: {  	[sflag:s30] =	ssyncset.done $0x0  }
0x122: {  	[sflag:s30] =	ssyncadd.s32 $0xFFFFFF80  }
0x123: {  	_ =	swait.ge [sflag:s30], $0x80  }
0x124: {  	[sflag:s30] =	ssyncset.done $0x0  }
0x125: {  	[sflag:s30] =	ssyncadd.s32 $0xFFFFFF80  }
0x126: {  	_ =	swait.ge [sflag:s30], $0x80  }
0x127: {  	[sflag:s30] =	ssyncset.done $0x0  }
0x128: {  	[sflag:s30] =	ssyncadd.s32 $0xFFFFFF80  }
0x129: {  	_ =	swait.ge [sflag:s30], $0x80  }
0x12a: {  	[sflag:s30] =	ssyncset.done $0x0  }
0x12b: {  	[sflag:s30] =	ssyncadd.s32 $0xFFFFFF80  }
0x12c: {  	_ =	swait.ge [sflag:s30], $0x80  }
0x12d: {  	[sflag:s30] =	ssyncset.done $0x0  }
0x12e: {  	[sflag:s30] =	ssyncadd.s32 $0xFFFFFF80  }
0x12f: {  	_ =	swait.ge [sflag:s30], $0x80  }
0x130: {  	[sflag:s30] =	ssyncset.done $0x0  }
0x131: {  	[sflag:s30] =	ssyncadd.s32 $0xFFFFFF80  }
0x132: {  	_ =	swait.ge [sflag:s30], $0x80  }
0x133: {  	[sflag:s30] =	ssyncset.done $0x0  }
0x134: {  	[sflag:s30] =	ssyncadd.s32 $0xFFFFFF80  }
0x135: {  	_ =	swait.ge [sflag:s30], $0x80  }
0x136: {  	[sflag:s30] =	ssyncset.done $0x0  }
0x137: {  	[sflag:s30] =	ssyncadd.s32 $0xFFFFFF80  }
0x138: {  	_ =	swait.ge [sflag:s30], $0x80  }
0x139: {  	[sflag:s30] =	ssyncset.done $0x0  }
0x13a: {  	[sflag:s30] =	ssyncadd.s32 $0xFFFFFF80  }
0x13b: {  	_ =	swait.ge [sflag:s30], $0x80  }
0x13c: {  	[sflag:s30] =	ssyncset.done $0x0  }
0x13d: {  	[sflag:s30] =	ssyncadd.s32 $0xFFFFFF80  }
0x13e: {  	_ =	swait.ge [sflag:s30], $0x80  }
0x13f: {  	[sflag:s30] =	ssyncset.done $0x0  }
0x140: {  	[sflag:s30] =	ssyncadd.s32 $0xFFFFFF80  }
0x141: {  	v1 =	vld [tilespmem:$0x800]  }
0x142: {  	v0 =	vld [tilespmem:$0x810]  }
0x143: {  	v2 =	vld [tilespmem:$0xC00]  }
0x144: {  	v3 =	vld [tilespmem:$0xC10]  }
0x145: {  	v4 =	vld [tilespmem:$0x820]  }
0x146: {  	v5 =	vld [tilespmem:$0xC20];
	v1 =	vadd.f32 $0.0e+00, v1  }
0x147: {  	v6 =	vld [tilespmem:$0x830]  }
0x148: {  	v7 =	vld [tilespmem:$0x840];
	v2 =	vadd.f32 $0.0e+00, v2;
	v0 =	vadd.f32 v0, v1  }
0x149: {  	v1 =	vld [tilespmem:$0xC30]  }
0x14a: {  	v40 =	vld [tilespmem:$0x850];
	v2 =	vadd.f32 v3, v2;
	v0 =	vadd.f32 v4, v0  }
0x14b: {  	v3 =	vld [tilespmem:$0xC40]  }
0x14c: {  	v41 =	vld [tilespmem:$0xC50];
	v2 =	vadd.f32 v5, v2;
	v0 =	vadd.f32 v6, v0  }
0x14d: {  	v42 =	vld [tilespmem:$0x860]  }
0x14e: {  	v43 =	vld [tilespmem:$0x870];
	v1 =	vadd.f32 v1, v2;
	v0 =	vadd.f32 v7, v0  }
0x14f: {  	v2 =	vld [tilespmem:$0xC60]  }
0x150: {  	v44 =	vld [tilespmem:$0x880];
	v1 =	vadd.f32 v3, v1;
	v0 =	vadd.f32 v40, v0  }
0x151: {  	v3 =	vld [tilespmem:$0xC70]  }
0x152: {  	v45 =	vld [tilespmem:$0xC80];
	v1 =	vadd.f32 v41, v1;
	v0 =	vadd.f32 v42, v0  }
0x153: {  	v46 =	vld [tilespmem:$0x890]  }
0x154: {  	v47 =	vld [tilespmem:$0x8A0];
	v1 =	vadd.f32 v2, v1;
	v0 =	vadd.f32 v43, v0  }
0x155: {  	v2 =	vld [tilespmem:$0xC90]  }
0x156: {  	v48 =	vld [tilespmem:$0x8B0];
	v1 =	vadd.f32 v3, v1;
	v0 =	vadd.f32 v44, v0  }
0x157: {  	v3 =	vld [tilespmem:$0xCA0]  }
0x158: {  	v49 =	vld [tilespmem:$0xCB0];
	v1 =	vadd.f32 v45, v1;
	v0 =	vadd.f32 v46, v0  }
0x159: {  	v50 =	vld [tilespmem:$0x8C0]  }
0x15a: {  	v51 =	vld [tilespmem:$0x8D0];
	v1 =	vadd.f32 v2, v1;
	v0 =	vadd.f32 v47, v0  }
0x15b: {  	v2 =	vld [tilespmem:$0xCC0]  }
0x15c: {  	v52 =	vld [tilespmem:$0x8E0];
	v1 =	vadd.f32 v3, v1;
	v0 =	vadd.f32 v48, v0  }
0x15d: {  	v3 =	vld [tilespmem:$0xCD0]  }
0x15e: {  	v53 =	vld [tilespmem:$0xCE0];
	v1 =	vadd.f32 v49, v1;
	v0 =	vadd.f32 v50, v0  }
0x15f: {  	v54 =	vld [tilespmem:$0x8F0]  }
0x160: {  	v55 =	vld [tilespmem:$0x900];
	v1 =	vadd.f32 v2, v1;
	v0 =	vadd.f32 v51, v0  }
0x161: {  	v2 =	vld [tilespmem:$0xCF0]  }
0x162: {  	v56 =	vld [tilespmem:$0x910];
	v1 =	vadd.f32 v3, v1;
	v0 =	vadd.f32 v52, v0  }
0x163: {  	v3 =	vld [tilespmem:$0xD00]  }
0x164: {  	v57 =	vld [tilespmem:$0xD10];
	v1 =	vadd.f32 v53, v1;
	v0 =	vadd.f32 v54, v0  }
0x165: {  	v58 =	vld [tilespmem:$0x920]  }
0x166: {  	v59 =	vld [tilespmem:$0x930];
	v1 =	vadd.f32 v2, v1;
	v0 =	vadd.f32 v55, v0  }
0x167: {  	v2 =	vld [tilespmem:$0xD20]  }
0x168: {  	v60 =	vld [tilespmem:$0x940];
	v1 =	vadd.f32 v3, v1;
	v0 =	vadd.f32 v56, v0  }
0x169: {  	v3 =	vld [tilespmem:$0xD30]  }
0x16a: {  	v61 =	vld [tilespmem:$0xD40];
	v1 =	vadd.f32 v57, v1;
	v0 =	vadd.f32 v58, v0  }
0x16b: {  	v62 =	vld [tilespmem:$0x950]  }
0x16c: {  	v63 =	vld [tilespmem:$0x960];
	v1 =	vadd.f32 v2, v1;
	v0 =	vadd.f32 v59, v0  }
0x16d: {  	v2 =	vld [tilespmem:$0xD50]  }
0x16e: {  	v9 =	vld [tilespmem:$0x970];
	v1 =	vadd.f32 v3, v1;
	v0 =	vadd.f32 v60, v0  }
0x16f: {  	v3 =	vld [tilespmem:$0xD60]  }
0x170: {  	v10 =	vld [tilespmem:$0xD70];
	v1 =	vadd.f32 v61, v1;
	v0 =	vadd.f32 v62, v0  }
0x171: {  	v11 =	vld [tilespmem:$0x980]  }
0x172: {  	v12 =	vld [tilespmem:$0x990];
	v1 =	vadd.f32 v2, v1;
	v0 =	vadd.f32 v63, v0  }
0x173: {  	v2 =	vld [tilespmem:$0xD80]  }
0x174: {  	v13 =	vld [tilespmem:$0x9A0];
	v1 =	vadd.f32 v3, v1;
	v0 =	vadd.f32 v9, v0  }
0x175: {  	v3 =	vld [tilespmem:$0xD90]  }
0x176: {  	v14 =	vld [tilespmem:$0xDA0];
	v1 =	vadd.f32 v10, v1;
	v0 =	vadd.f32 v11, v0  }
0x177: {  	v15 =	vld [tilespmem:$0x9B0]  }
0x178: {  	v16 =	vld [tilespmem:$0x9C0];
	v1 =	vadd.f32 v2, v1;
	v0 =	vadd.f32 v12, v0  }
0x179: {  	v2 =	vld [tilespmem:$0xDB0]  }
0x17a: {  	v17 =	vld [tilespmem:$0x9D0];
	v1 =	vadd.f32 v3, v1;
	v0 =	vadd.f32 v13, v0  }
0x17b: {  	v3 =	vld [tilespmem:$0xDC0]  }
0x17c: {  	v18 =	vld [tilespmem:$0xDD0];
	v1 =	vadd.f32 v14, v1;
	v0 =	vadd.f32 v15, v0  }
0x17d: {  	v19 =	vld [tilespmem:$0x9E0]  }
0x17e: {  	v20 =	vld [tilespmem:$0x9F0];
	v1 =	vadd.f32 v2, v1;
	v0 =	vadd.f32 v16, v0  }
0x17f: {  	v2 =	vld [tilespmem:$0xDE0]  }
0x180: {  	v21 =	vld [tilespmem:$0xA00];
	v1 =	vadd.f32 v3, v1;
	v0 =	vadd.f32 v17, v0  }
0x181: {  	v3 =	vld [tilespmem:$0xDF0]  }
0x182: {  	v22 =	vld [tilespmem:$0xE00];
	v1 =	vadd.f32 v18, v1;
	v0 =	vadd.f32 v19, v0  }
0x183: {  	v23 =	vld [tilespmem:$0xA10]  }
0x184: {  	v24 =	vld [tilespmem:$0xA20];
	v1 =	vadd.f32 v2, v1;
	v0 =	vadd.f32 v20, v0  }
0x185: {  	v2 =	vld [tilespmem:$0xE10]  }
0x186: {  	v25 =	vld [tilespmem:$0xA30];
	v1 =	vadd.f32 v3, v1;
	v0 =	vadd.f32 v21, v0  }
0x187: {  	v3 =	vld [tilespmem:$0xE20]  }
0x188: {  	v26 =	vld [tilespmem:$0xE30];
	v1 =	vadd.f32 v22, v1;
	v0 =	vadd.f32 v23, v0  }
0x189: {  	v27 =	vld [tilespmem:$0xA40]  }
0x18a: {  	v28 =	vld [tilespmem:$0xA50];
	v1 =	vadd.f32 v2, v1;
	v0 =	vadd.f32 v24, v0  }
0x18b: {  	v2 =	vld [tilespmem:$0xE40]  }
0x18c: {  	v29 =	vld [tilespmem:$0xA60];
	v1 =	vadd.f32 v3, v1;
	v0 =	vadd.f32 v25, v0  }
0x18d: {  	v3 =	vld [tilespmem:$0xE50]  }
0x18e: {  	v30 =	vld [tilespmem:$0xE60];
	v1 =	vadd.f32 v26, v1;
	v0 =	vadd.f32 v27, v0  }
0x18f: {  	v31 =	vld [tilespmem:$0xA70]  }
0x190: {  	v32 =	vld [tilespmem:$0xA80];
	v1 =	vadd.f32 v2, v1;
	v0 =	vadd.f32 v28, v0  }
0x191: {  	v2 =	vld [tilespmem:$0xE70]  }
0x192: {  	v33 =	vld [tilespmem:$0xA90];
	v1 =	vadd.f32 v3, v1;
	v0 =	vadd.f32 v29, v0  }
0x193: {  	v3 =	vld [tilespmem:$0xE80]  }
0x194: {  	v34 =	vld [tilespmem:$0xE90];
	v1 =	vadd.f32 v30, v1;
	v0 =	vadd.f32 v31, v0  }
0x195: {  	v35 =	vld [tilespmem:$0xAA0]  }
0x196: {  	v36 =	vld [tilespmem:$0xAB0];
	v1 =	vadd.f32 v2, v1;
	v0 =	vadd.f32 v32, v0  }
0x197: {  	v2 =	vld [tilespmem:$0xEA0]  }
0x198: {  	v37 =	vld [tilespmem:$0xAC0];
	v1 =	vadd.f32 v3, v1;
	v0 =	vadd.f32 v33, v0  }
0x199: {  	v3 =	vld [tilespmem:$0xEB0]  }
0x19a: {  	v38 =	vld [tilespmem:$0xEC0];
	v1 =	vadd.f32 v34, v1;
	v0 =	vadd.f32 v35, v0  }
0x19b: {  	v39 =	vld [tilespmem:$0xAD0]  }
0x19c: {  	v40 =	vld [tilespmem:$0xAE0];
	v1 =	vadd.f32 v2, v1;
	v0 =	vadd.f32 v36, v0  }
0x19d: {  	v2 =	vld [tilespmem:$0xED0]  }
0x19e: {  	v41 =	vld [tilespmem:$0xAF0];
	v1 =	vadd.f32 v3, v1;
	v0 =	vadd.f32 v37, v0  }
0x19f: {  	v3 =	vld [tilespmem:$0xEE0]  }
0x1a0: {  	v42 =	vld [tilespmem:$0xEF0];
	v1 =	vadd.f32 v38, v1;
	v0 =	vadd.f32 v39, v0  }
0x1a1: {  	v43 =	vld [tilespmem:$0xB00]  }
0x1a2: {  	v44 =	vld [tilespmem:$0xB10];
	v1 =	vadd.f32 v2, v1;
	v0 =	vadd.f32 v40, v0  }
0x1a3: {  	v2 =	vld [tilespmem:$0xF00]  }
0x1a4: {  	v45 =	vld [tilespmem:$0xB20];
	v1 =	vadd.f32 v3, v1;
	v0 =	vadd.f32 v41, v0  }
0x1a5: {  	v3 =	vld [tilespmem:$0xF10]  }
0x1a6: {  	v46 =	vld [tilespmem:$0xF20];
	v1 =	vadd.f32 v42, v1;
	v0 =	vadd.f32 v43, v0  }
0x1a7: {  	v47 =	vld [tilespmem:$0xB30]  }
0x1a8: {  	v48 =	vld [tilespmem:$0xB40];
	v1 =	vadd.f32 v2, v1;
	v0 =	vadd.f32 v44, v0  }
0x1a9: {  	v2 =	vld [tilespmem:$0xF30]  }
0x1aa: {  	v49 =	vld [tilespmem:$0xB50];
	v1 =	vadd.f32 v3, v1;
	v0 =	vadd.f32 v45, v0  }
0x1ab: {  	v3 =	vld [tilespmem:$0xF40]  }
0x1ac: {  	v50 =	vld [tilespmem:$0xF50];
	v1 =	vadd.f32 v46, v1;
	v0 =	vadd.f32 v47, v0  }
0x1ad: {  	v51 =	vld [tilespmem:$0xB60]  }
0x1ae: {  	v52 =	vld [tilespmem:$0xB70];
	v1 =	vadd.f32 v2, v1;
	v0 =	vadd.f32 v48, v0  }
0x1af: {  	v2 =	vld [tilespmem:$0xF60]  }
0x1b0: {  	v53 =	vld [tilespmem:$0xB80];
	v1 =	vadd.f32 v3, v1;
	v0 =	vadd.f32 v49, v0  }
0x1b1: {  	v3 =	vld [tilespmem:$0xF70]  }
0x1b2: {  	v54 =	vld [tilespmem:$0xF80];
	v1 =	vadd.f32 v50, v1;
	v0 =	vadd.f32 v51, v0  }
0x1b3: {  	v55 =	vld [tilespmem:$0xB90]  }
0x1b4: {  	v56 =	vld [tilespmem:$0xBA0];
	v1 =	vadd.f32 v2, v1;
	v0 =	vadd.f32 v52, v0  }
0x1b5: {  	v2 =	vld [tilespmem:$0xF90]  }
0x1b6: {  	v57 =	vld [tilespmem:$0xBB0];
	v1 =	vadd.f32 v3, v1;
	v0 =	vadd.f32 v53, v0  }
0x1b7: {  	v3 =	vld [tilespmem:$0xFA0]  }
0x1b8: {  	v58 =	vld [tilespmem:$0xFB0];
	v1 =	vadd.f32 v54, v1;
	v0 =	vadd.f32 v55, v0  }
0x1b9: {  	v59 =	vld [tilespmem:$0xBC0]  }
0x1ba: {  	v60 =	vld [tilespmem:$0xBD0];
	v1 =	vadd.f32 v2, v1;
	v0 =	vadd.f32 v56, v0  }
0x1bb: {  	v2 =	vld [tilespmem:$0xFC0]  }
0x1bc: {  	v61 =	vld [tilespmem:$0xBE0];
	v1 =	vadd.f32 v3, v1;
	v0 =	vadd.f32 v57, v0  }
0x1bd: {  	v3 =	vld [tilespmem:$0xFD0]  }
0x1be: {  	v62 =	vld [tilespmem:$0xFE0];
	v1 =	vadd.f32 v58, v1;
	v0 =	vadd.f32 v59, v0  }
0x1bf: {  	v63 =	vld [tilespmem:$0xBF0]  }
0x1c0: {  	v1 =	vadd.f32 v2, v1;
	v0 =	vadd.f32 v60, v0  }
0x1c1: {  	p0 =	sne.s32 s31, $0x1;
	v2 =	vld [tilespmem:$0xFF0]  }
.Ltmp1:
0x1c2: {  	v1 =	vadd.f32 v3, v1;
	v0 =	vadd.f32 v61, v0;
	(pc) =	sbr.rel @p0 .LBB2_1-.Ltmp1, $3  }
0x1c3: {  	_ = 	snop  }
0x1c4: {  	v1 =	vadd.f32 v62, v1;
	v3 =	vadd.f32 v63, v0;
	_ =	sdelay $0x1  }
0x1c5: {  	s31 =	sadd.s32 $0xFFFFFFFF, s31;
	s0 =	rddreg [dreg:$0x4];
	v0 =	vadd.f32 v2, v1;
	[tilespmem:$0x1000] =	vst v3  }
.LBB2_2:
0x1c6: {  	_ = 	snop  }
0x1c7: {  	[tilespmem:$0x1010] =	vst v0  }
0x1c8: {  	[hbm4b:s0+s2] =	stream.linear.scatter [tilespmem:s1], [sflag:$0x2], $0x20, $0x38;
	[tilespmem:$0x1080] =	vst v63  }
0x1c9: {  	_ =	swait.ge [sflag:s3], $0x20  }
0x1ca: {  	[sflag:s3] =	ssyncset.done $0x0  }
0x1cb: {  	[sflag:s3] =	ssyncadd.s32 $0xFFFFFFE0  }
0x1cc: {  	_ =	sfence.sel $0x180000  }
0x1cd: {  	[bflag:$0x0] =	sbarrier.arrive $0xFFFF  }
0x1ce: {  	_ =	strace $0x9000004A  }
0x1cf: {  	s31 =	stileid.u32;
	[bflag:$0x2] =	sbarrier.arrive $0xFFFF  }
0x1d0: {  	p0 =	sne.s32 s31, $0x0;
	s0 =	rddreg [dreg:$0x2]  }
0x1d1: {  	s0 =	sadd.s32 @!p0 $0x100000, s0  }
0x1d2: {  	[sflag:s0] =	ssyncadd.tile.s32 @!p0 $0x1;
	_ =	shalt  }
.Lfunc_end2:
_tile_overlayer_lowered:
.L_overlay_start_2:
0x1d3: {  	(tag) =	ssettag $0x2  }
0x1d4: {  	s0 =	rddreg [dreg:$0x0];
	s2 =	stileid.u32  }
0x1d5: {  	s1 =	rddreg [dreg:$0x1];
	p0 =	sne.s32 s2, $0x0  }
0x1d6: {  	s3 =	rddreg [dreg:$0x2];
	[bflag:$0x3] =	sbarrier.arrive $0xFFFF;
	s2 =	simm.s32 @!p0 $0x1C02  }
0x1d7: {  	[timem:s3], [sflag:s2] =	dma.local @!p0 [hbm:s0], s1  }
0x1d8: {  	s0 =	simm.s32 @!p0 $0x2  }
0x1d9: {  	_ =	swait.ge @!p0 [sflag:s0], s1  }
0x1da: {  	s1 =	ssub.s32 @!p0 $0x0, s1;
	[sflag:s0] =	ssyncset.done @!p0 $0x0  }
0x1db: {  	[sflag:s0] =	ssyncadd.s32 @!p0 s1  }
0x1dc: {  	[bflag:$0x3] =	sbarrier.arrive $0xFFFF  }
0x1dd: {  	_ =	shalt  }

</sc_bundles>
